<compile_context>
chip_gen: v7x
topology: tpu7x:2x2x1
jax: 0.10.2.dev20260603
libtpu: 0.0.44.dev20260713+nightly
codegen_flags: <defaults>
</compile_context>

<pallas_src>
import functools

import jax
import jax.numpy as jnp
from jax import lax
from jax.experimental import pallas as pl
from jax.experimental.pallas import tpu as pltpu
from jax.experimental.pallas import tpu_sc as plsc

N_EMB = 1024
EMB_DIM = 32
N_TOK = 65536

TILE = 2048
GRID = N_TOK // TILE

NC = 2
NS = 16
LANES = 16
NW = NC * NS
SC_CHUNK = 512
TOK_PER_W = N_TOK // NW


def _vq_tile(x_ref, w_ref, enc_ref, quant_ref, idx_ref):
    x = x_ref[...]
    xn = x / jnp.maximum(
        jnp.sqrt(jnp.sum(x * x, axis=1, keepdims=True)), 1e-12)
    w = w_ref[...]
    wn = w / jnp.maximum(
        jnp.sqrt(jnp.sum(w * w, axis=1, keepdims=True)), 1e-12)

    dT = jnp.dot(wn, xn.T, preferred_element_type=jnp.float32)

    idx = jnp.argmax(dT, axis=0).astype(jnp.int32)

    col = jax.lax.broadcasted_iota(jnp.int32, (TILE, N_EMB), 1)
    onehot = (col == idx[:, None]).astype(jnp.float32)
    enc_ref[...] = onehot
    quant_ref[...] = jnp.dot(onehot, w, preferred_element_type=jnp.float32)
    idx_ref[...] = idx


def _newton_rsqrt(s):
    i = plsc.bitcast(s, jnp.int32)
    i = jnp.full((LANES,), 0x5F3759DF, jnp.int32) - jnp.right_shift(
        i, jnp.full((LANES,), 1, jnp.int32))
    y = plsc.bitcast(i, jnp.float32)
    for _ in range(4):
        y = y * (1.5 - 0.5 * s * y * y)
    return y


def _sc_loss_body(x_hbm, lab_hbm, w_hbm, out_hbm, lab_v, x_v, w_v, wn2_v,
                  stage_v, sem):
    wid = lax.axis_index("s") * NC + lax.axis_index("c")
    base = wid * TOK_PER_W
    pltpu.sync_copy(w_hbm, w_v)
    lane_iota = lax.iota(jnp.int32, LANES)

    def norm_body(g, _):
        code = g * LANES + lane_iota
        off = code * EMB_DIM
        n0 = jnp.zeros((LANES,), jnp.float32)
        n1 = jnp.zeros((LANES,), jnp.float32)
        for k in range(0, EMB_DIM, 2):
            wk0 = plsc.load_gather(w_v, [off + k])
            wk1 = plsc.load_gather(w_v, [off + k + 1])
            n0 = n0 + wk0 * wk0
            n1 = n1 + wk1 * wk1
        plsc.store_scatter(wn2_v, [code], n0 + n1)
        return _

    lax.fori_loop(0, N_EMB // LANES, norm_body, 0)

    total = jnp.zeros((LANES,), jnp.float32)

    for c in range(TOK_PER_W // SC_CHUNK):
        cbase = base + c * SC_CHUNK
        pltpu.sync_copy(lab_hbm.at[pl.ds(cbase, SC_CHUNK)], lab_v)
        pltpu.sync_copy(
            x_hbm.at[pl.ds(cbase * EMB_DIM, SC_CHUNK * EMB_DIM)], x_v)

        def body(j, tot):
            tok = j * LANES + lane_iota
            lv = plsc.load_gather(lab_v, [tok])
            xoff = tok * EMB_DIM
            woff = lv * EMB_DIM
            d0 = jnp.zeros((LANES,), jnp.float32)
            d1 = jnp.zeros((LANES,), jnp.float32)
            d2 = jnp.zeros((LANES,), jnp.float32)
            d3 = jnp.zeros((LANES,), jnp.float32)
            n0 = jnp.zeros((LANES,), jnp.float32)
            n1 = jnp.zeros((LANES,), jnp.float32)
            n2 = jnp.zeros((LANES,), jnp.float32)
            n3 = jnp.zeros((LANES,), jnp.float32)
            for k in range(0, EMB_DIM, 4):
                xk0 = plsc.load_gather(x_v, [xoff + k])
                xk1 = plsc.load_gather(x_v, [xoff + k + 1])
                xk2 = plsc.load_gather(x_v, [xoff + k + 2])
                xk3 = plsc.load_gather(x_v, [xoff + k + 3])
                wk0 = plsc.load_gather(w_v, [woff + k])
                wk1 = plsc.load_gather(w_v, [woff + k + 1])
                wk2 = plsc.load_gather(w_v, [woff + k + 2])
                wk3 = plsc.load_gather(w_v, [woff + k + 3])
                d0 = d0 + xk0 * wk0
                d1 = d1 + xk1 * wk1
                d2 = d2 + xk2 * wk2
                d3 = d3 + xk3 * wk3
                n0 = n0 + xk0 * xk0
                n1 = n1 + xk1 * xk1
                n2 = n2 + xk2 * xk2
                n3 = n3 + xk3 * xk3
            dot = (d0 + d1) + (d2 + d3)
            nx2 = (n0 + n1) + (n2 + n3)
            nw2 = plsc.load_gather(wn2_v, [lv])
            s = jnp.maximum(nx2, 1e-24) * jnp.maximum(nw2, 1e-24)
            return tot + dot * _newton_rsqrt(s)

        total = lax.fori_loop(0, SC_CHUNK // LANES, body, total)

    stage_v[...] = total
    pltpu.sync_copy(stage_v, out_hbm.at[pl.ds(wid * LANES, LANES)])


def _sc_loss_partials(flat1d, lab, w1d):
    mesh = plsc.VectorSubcoreMesh(core_axis_name="c", subcore_axis_name="s")
    k = functools.partial(
        pl.kernel,
        out_type=jax.ShapeDtypeStruct((NW * LANES,), jnp.float32),
        mesh=mesh,
        compiler_params=pltpu.CompilerParams(needs_layout_passes=False),
        scratch_types=[
            pltpu.VMEM((SC_CHUNK,), jnp.int32),
            pltpu.VMEM((SC_CHUNK * EMB_DIM,), jnp.float32),
            pltpu.VMEM((N_EMB * EMB_DIM,), jnp.float32),
            pltpu.VMEM((N_EMB,), jnp.float32),
            pltpu.VMEM((LANES,), jnp.float32),
            pltpu.SemaphoreType.DMA,
        ],
    )(_sc_loss_body)
    return k(flat1d, lab, w1d)


def kernel(inputs, labels, W):
    input_shape = inputs.shape
    flat = inputs.reshape(-1, EMB_DIM)
    lab = labels.astype(jnp.int32)

    enc, quant, idx = pl.pallas_call(
        _vq_tile,
        grid=(GRID,),
        in_specs=[
            pl.BlockSpec((TILE, EMB_DIM), lambda i: (i, 0)),
            pl.BlockSpec((N_EMB, EMB_DIM), lambda i: (0, 0)),
        ],
        out_specs=[
            pl.BlockSpec((TILE, N_EMB), lambda i: (i, 0)),
            pl.BlockSpec((TILE, EMB_DIM), lambda i: (i, 0)),
            pl.BlockSpec((TILE,), lambda i: (i,)),
        ],
        out_shape=[
            jax.ShapeDtypeStruct((N_TOK, N_EMB), jnp.float32),
            jax.ShapeDtypeStruct((N_TOK, EMB_DIM), jnp.float32),
            jax.ShapeDtypeStruct((N_TOK,), jnp.int32),
        ],
    )(flat, W)

    partials = _sc_loss_partials(flat.reshape(-1), lab, W.reshape(-1))

    loss = (1.0 - jnp.sum(partials) / N_TOK).astype(jnp.float32)
    quantized = quant.reshape(input_shape)
    perplexity = jnp.array(1, dtype=jnp.int32)
    encoding_indices = idx[:, None]
    return (loss, quantized, perplexity, enc, encoding_indices)

# --- scband reference (transcript-rebuilt; emitter-appended) ---
"""Pipeline reference for scband-attribute-quantizer-76493367542271 (READ-ONLY COPY).

The authoritative reference and input builder live on the scoring server;
editing this copy changes nothing except your own understanding.
"""

import jax, jax.numpy as jnp
import numpy as np

N_EMB = 1024
EMB_DIM = 32
N_TOK = 65536

def l2norm(t):
    n = jnp.linalg.norm(t, ord=2, axis=1, keepdims=True)
    return t / jnp.maximum(n, 1e-12)

def setup_inputs(seed: int = 0) -> dict:
    key = jax.random.key(seed)
    k1, k2, k3 = jax.random.split(key, 3)
    inputs = jax.random.normal(k1, (N_TOK, EMB_DIM), dtype=jnp.float32)
    labels = jax.random.randint(k2, (N_TOK,), 0, N_EMB, dtype=jnp.int32)
    # orthogonal init of embedding table (nn.init.orthogonal_): QR of gaussian
    g = jax.random.normal(k3, (N_EMB, EMB_DIM), dtype=jnp.float32)
    W, _ = jnp.linalg.qr(g)
    return {"inputs": inputs, "labels": labels, "W": W}

def reference(inputs, labels, W):
    input_shape = inputs.shape
    flat_input = inputs.reshape(-1, EMB_DIM)
    # cosine distances
    distances = l2norm(flat_input) @ l2norm(W).T
    encoding_indices = jnp.argmax(distances, axis=1)[:, None]
    # scatter one-hot encodings
    n = flat_input.shape[0]
    encodings = jnp.zeros((n, N_EMB), dtype=flat_input.dtype).at[jnp.arange(n), encoding_indices[:, 0]].set(1.0)
    quantized = (encodings @ W).reshape(input_shape)
    # commitment-style loss against provided labels
    gathered = jnp.take_along_axis(distances, labels[:, None].astype(jnp.int32), axis=1)[:, 0]
    closs = (jnp.ones((distances.shape[0],), dtype=flat_input.dtype) - gathered).mean()
    loss = closs
    # straight-through estimator
    quantized = inputs + jax.lax.stop_gradient(quantized - inputs)
    perplexity = jnp.array(1, dtype=jnp.int32)
    return (loss, quantized, perplexity, encodings, encoding_indices)

if __name__ == "__main__":
    import jax
    _d = setup_inputs()
    print(jax.jit(kernel)(*tuple(_d.values())))

</pallas_src>

<mosaic_0001>
#map = affine_map<(d0, d1) -> (0)>
module attributes {stable_mosaic.version = 14 : i64} {
  func.func @_sc_loss_body(%arg0: i32, %arg1: i32, %arg2: memref<2097152xf32, #tpu.memory_space<hbm>>, %arg3: memref<65536xi32, #tpu.memory_space<hbm>>, %arg4: memref<32768xf32, #tpu.memory_space<hbm>>, %arg5: memref<512xf32, #tpu.memory_space<hbm>>, %arg6: memref<512xi32, #tpu.memory_space<vmem>>, %arg7: memref<16384xf32, #tpu.memory_space<vmem>>, %arg8: memref<32768xf32, #tpu.memory_space<vmem>>, %arg9: memref<1024xf32, #tpu.memory_space<vmem>>, %arg10: memref<16xf32, #tpu.memory_space<vmem>>, %arg11: memref<!tpu.dma_semaphore, #tpu.memory_space<semaphore_mem>>) attributes {dimension_semantics = [#tpu.dimension_semantics<core_parallel>, #tpu.dimension_semantics<subcore_parallel>], iteration_bounds = array<i64: 2, 16>, scalar_prefetch = 0 : i64, scratch_operands = 6 : i64, tpu.core_type = #tpu.core_type<sc_vector_subcore>, window_params = [{transform_indices = #map}, {transform_indices = #map}, {transform_indices = #map}, {transform_indices = #map}]} {
    %mul3A = arith.constant 2 : i32
    %mul3A_0 = arith.muli %arg1, %mul3A : i32
    %add3A = arith.addi %mul3A_0, %arg0 : i32
    %mul3A_1 = arith.constant 2048 : i32
    %mul3A_2 = arith.muli %add3A, %mul3A_1 : i32
    "tpu.region"() ({
      %run_scoped3A = tpu.sem_alloc : memref<!tpu.dma_semaphore, #tpu.memory_space<semaphore_mem>>
      tpu.enqueue_dma source(%arg4 : memref<32768xf32, #tpu.memory_space<hbm>>) target(%arg8 : memref<32768xf32, #tpu.memory_space<vmem>>) target_semaphore(%run_scoped3A : memref<!tpu.dma_semaphore, #tpu.memory_space<semaphore_mem>>)
      tpu.wait_dma2 semaphore(%run_scoped3A : memref<!tpu.dma_semaphore, #tpu.memory_space<semaphore_mem>>) src(%arg4 : memref<32768xf32, #tpu.memory_space<hbm>>) dst(%arg8 : memref<32768xf32, #tpu.memory_space<vmem>>)
      tpu.yield
    }) : () -> ()
    %iota3A = tpu.iota {dimensions = array<i32: 0>} : vector<16xi32>
    %scan3A = arith.constant 0 : i32
    %scan3A_3 = arith.constant 0 : i32
    %scan3A_4 = arith.constant 64 : i32
    %scan3A_5 = arith.addi %scan3A_3, %scan3A_4 : i32
    %scan3A_6 = arith.constant 1 : i32
    scf.for %scan3A_52 = %scan3A_3 to %scan3A_5 step %scan3A_6  : i32 {
      %mul3A_53 = arith.constant 16 : i32
      %mul3A_54 = arith.muli %scan3A_52, %mul3A_53 : i32
      %add3A_55 = vector.broadcast %mul3A_54 : i32 to vector<16xi32>
      %add3A_56 = arith.addi %add3A_55, %iota3A : vector<16xi32>
      %mul3A_57 = arith.constant 32 : i32
      %mul3A_58 = vector.broadcast %mul3A_57 : i32 to vector<16xi32>
      %mul3A_59 = arith.muli %add3A_56, %mul3A_58 : vector<16xi32>
      %broadcast_in_dim3A_60 = arith.constant 0.000000e+00 : f32
      %broadcast_in_dim3A_61 = vector.broadcast %broadcast_in_dim3A_60 : f32 to vector<16xf32>
      %broadcast_in_dim3A_62 = arith.constant 0.000000e+00 : f32
      %broadcast_in_dim3A_63 = vector.broadcast %broadcast_in_dim3A_62 : f32 to vector<16xf32>
      %add3A_64 = arith.constant 0 : i32
      %add3A_65 = vector.broadcast %add3A_64 : i32 to vector<16xi32>
      %add3A_66 = arith.addi %mul3A_59, %add3A_65 : vector<16xi32>
      %gather3A = tpu.vector_load_idx %arg8[%add3A_66] : memref<32768xf32, #tpu.memory_space<vmem>>[vector<16xi32>], vector<16xf32>,
      %add3A_67 = arith.constant 0 : i32
      %add3A_68 = vector.broadcast %add3A_67 : i32 to vector<16xi32>
      %add3A_69 = arith.addi %mul3A_59, %add3A_68 : vector<16xi32>
      %add3A_70 = arith.constant 1 : i32
      %add3A_71 = vector.broadcast %add3A_70 : i32 to vector<16xi32>
      %add3A_72 = arith.addi %add3A_69, %add3A_71 : vector<16xi32>
      %gather3A_73 = tpu.vector_load_idx %arg8[%add3A_72] : memref<32768xf32, #tpu.memory_space<vmem>>[vector<16xi32>], vector<16xf32>,
      %mul3A_74 = arith.mulf %gather3A, %gather3A : vector<16xf32>
      %add3A_75 = arith.addf %broadcast_in_dim3A_61, %mul3A_74 : vector<16xf32>
      %mul3A_76 = arith.mulf %gather3A_73, %gather3A_73 : vector<16xf32>
      %add3A_77 = arith.addf %broadcast_in_dim3A_63, %mul3A_76 : vector<16xf32>
      %add3A_78 = arith.constant 2 : i32
      %add3A_79 = vector.broadcast %add3A_78 : i32 to vector<16xi32>
      %add3A_80 = arith.addi %mul3A_59, %add3A_79 : vector<16xi32>
      %gather3A_81 = tpu.vector_load_idx %arg8[%add3A_80] : memref<32768xf32, #tpu.memory_space<vmem>>[vector<16xi32>], vector<16xf32>,
      %add3A_82 = arith.constant 2 : i32
      %add3A_83 = vector.broadcast %add3A_82 : i32 to vector<16xi32>
      %add3A_84 = arith.addi %mul3A_59, %add3A_83 : vector<16xi32>
      %add3A_85 = arith.constant 1 : i32
      %add3A_86 = vector.broadcast %add3A_85 : i32 to vector<16xi32>
      %add3A_87 = arith.addi %add3A_84, %add3A_86 : vector<16xi32>
      %gather3A_88 = tpu.vector_load_idx %arg8[%add3A_87] : memref<32768xf32, #tpu.memory_space<vmem>>[vector<16xi32>], vector<16xf32>,
      %mul3A_89 = arith.mulf %gather3A_81, %gather3A_81 : vector<16xf32>
      %add3A_90 = arith.addf %add3A_75, %mul3A_89 : vector<16xf32>
      %mul3A_91 = arith.mulf %gather3A_88, %gather3A_88 : vector<16xf32>
      %add3A_92 = arith.addf %add3A_77, %mul3A_91 : vector<16xf32>
      %add3A_93 = arith.constant 4 : i32
      %add3A_94 = vector.broadcast %add3A_93 : i32 to vector<16xi32>
      %add3A_95 = arith.addi %mul3A_59, %add3A_94 : vector<16xi32>
      %gather3A_96 = tpu.vector_load_idx %arg8[%add3A_95] : memref<32768xf32, #tpu.memory_space<vmem>>[vector<16xi32>], vector<16xf32>,
      %add3A_97 = arith.constant 4 : i32
      %add3A_98 = vector.broadcast %add3A_97 : i32 to vector<16xi32>
      %add3A_99 = arith.addi %mul3A_59, %add3A_98 : vector<16xi32>
      %add3A_100 = arith.constant 1 : i32
      %add3A_101 = vector.broadcast %add3A_100 : i32 to vector<16xi32>
      %add3A_102 = arith.addi %add3A_99, %add3A_101 : vector<16xi32>
      %gather3A_103 = tpu.vector_load_idx %arg8[%add3A_102] : memref<32768xf32, #tpu.memory_space<vmem>>[vector<16xi32>], vector<16xf32>,
      %mul3A_104 = arith.mulf %gather3A_96, %gather3A_96 : vector<16xf32>
      %add3A_105 = arith.addf %add3A_90, %mul3A_104 : vector<16xf32>
      %mul3A_106 = arith.mulf %gather3A_103, %gather3A_103 : vector<16xf32>
      %add3A_107 = arith.addf %add3A_92, %mul3A_106 : vector<16xf32>
      %add3A_108 = arith.constant 6 : i32
      %add3A_109 = vector.broadcast %add3A_108 : i32 to vector<16xi32>
      %add3A_110 = arith.addi %mul3A_59, %add3A_109 : vector<16xi32>
      %gather3A_111 = tpu.vector_load_idx %arg8[%add3A_110] : memref<32768xf32, #tpu.memory_space<vmem>>[vector<16xi32>], vector<16xf32>,
      %add3A_112 = arith.constant 6 : i32
      %add3A_113 = vector.broadcast %add3A_112 : i32 to vector<16xi32>
      %add3A_114 = arith.addi %mul3A_59, %add3A_113 : vector<16xi32>
      %add3A_115 = arith.constant 1 : i32
      %add3A_116 = vector.broadcast %add3A_115 : i32 to vector<16xi32>
      %add3A_117 = arith.addi %add3A_114, %add3A_116 : vector<16xi32>
      %gather3A_118 = tpu.vector_load_idx %arg8[%add3A_117] : memref<32768xf32, #tpu.memory_space<vmem>>[vector<16xi32>], vector<16xf32>,
      %mul3A_119 = arith.mulf %gather3A_111, %gather3A_111 : vector<16xf32>
      %add3A_120 = arith.addf %add3A_105, %mul3A_119 : vector<16xf32>
      %mul3A_121 = arith.mulf %gather3A_118, %gather3A_118 : vector<16xf32>
      %add3A_122 = arith.addf %add3A_107, %mul3A_121 : vector<16xf32>
      %add3A_123 = arith.constant 8 : i32
      %add3A_124 = vector.broadcast %add3A_123 : i32 to vector<16xi32>
      %add3A_125 = arith.addi %mul3A_59, %add3A_124 : vector<16xi32>
      %gather3A_126 = tpu.vector_load_idx %arg8[%add3A_125] : memref<32768xf32, #tpu.memory_space<vmem>>[vector<16xi32>], vector<16xf32>,
      %add3A_127 = arith.constant 8 : i32
      %add3A_128 = vector.broadcast %add3A_127 : i32 to vector<16xi32>
      %add3A_129 = arith.addi %mul3A_59, %add3A_128 : vector<16xi32>
      %add3A_130 = arith.constant 1 : i32
      %add3A_131 = vector.broadcast %add3A_130 : i32 to vector<16xi32>
      %add3A_132 = arith.addi %add3A_129, %add3A_131 : vector<16xi32>
      %gather3A_133 = tpu.vector_load_idx %arg8[%add3A_132] : memref<32768xf32, #tpu.memory_space<vmem>>[vector<16xi32>], vector<16xf32>,
      %mul3A_134 = arith.mulf %gather3A_126, %gather3A_126 : vector<16xf32>
      %add3A_135 = arith.addf %add3A_120, %mul3A_134 : vector<16xf32>
      %mul3A_136 = arith.mulf %gather3A_133, %gather3A_133 : vector<16xf32>
      %add3A_137 = arith.addf %add3A_122, %mul3A_136 : vector<16xf32>
      %add3A_138 = arith.constant 10 : i32
      %add3A_139 = vector.broadcast %add3A_138 : i32 to vector<16xi32>
      %add3A_140 = arith.addi %mul3A_59, %add3A_139 : vector<16xi32>
      %gather3A_141 = tpu.vector_load_idx %arg8[%add3A_140] : memref<32768xf32, #tpu.memory_space<vmem>>[vector<16xi32>], vector<16xf32>,
      %add3A_142 = arith.constant 10 : i32
      %add3A_143 = vector.broadcast %add3A_142 : i32 to vector<16xi32>
      %add3A_144 = arith.addi %mul3A_59, %add3A_143 : vector<16xi32>
      %add3A_145 = arith.constant 1 : i32
      %add3A_146 = vector.broadcast %add3A_145 : i32 to vector<16xi32>
      %add3A_147 = arith.addi %add3A_144, %add3A_146 : vector<16xi32>
      %gather3A_148 = tpu.vector_load_idx %arg8[%add3A_147] : memref<32768xf32, #tpu.memory_space<vmem>>[vector<16xi32>], vector<16xf32>,
      %mul3A_149 = arith.mulf %gather3A_141, %gather3A_141 : vector<16xf32>
      %add3A_150 = arith.addf %add3A_135, %mul3A_149 : vector<16xf32>
      %mul3A_151 = arith.mulf %gather3A_148, %gather3A_148 : vector<16xf32>
      %add3A_152 = arith.addf %add3A_137, %mul3A_151 : vector<16xf32>
      %add3A_153 = arith.constant 12 : i32
      %add3A_154 = vector.broadcast %add3A_153 : i32 to vector<16xi32>
      %add3A_155 = arith.addi %mul3A_59, %add3A_154 : vector<16xi32>
      %gather3A_156 = tpu.vector_load_idx %arg8[%add3A_155] : memref<32768xf32, #tpu.memory_space<vmem>>[vector<16xi32>], vector<16xf32>,
      %add3A_157 = arith.constant 12 : i32
      %add3A_158 = vector.broadcast %add3A_157 : i32 to vector<16xi32>
      %add3A_159 = arith.addi %mul3A_59, %add3A_158 : vector<16xi32>
      %add3A_160 = arith.constant 1 : i32
      %add3A_161 = vector.broadcast %add3A_160 : i32 to vector<16xi32>
      %add3A_162 = arith.addi %add3A_159, %add3A_161 : vector<16xi32>
      %gather3A_163 = tpu.vector_load_idx %arg8[%add3A_162] : memref<32768xf32, #tpu.memory_space<vmem>>[vector<16xi32>], vector<16xf32>,
      %mul3A_164 = arith.mulf %gather3A_156, %gather3A_156 : vector<16xf32>
      %add3A_165 = arith.addf %add3A_150, %mul3A_164 : vector<16xf32>
      %mul3A_166 = arith.mulf %gather3A_163, %gather3A_163 : vector<16xf32>
      %add3A_167 = arith.addf %add3A_152, %mul3A_166 : vector<16xf32>
      %add3A_168 = arith.constant 14 : i32
      %add3A_169 = vector.broadcast %add3A_168 : i32 to vector<16xi32>
      %add3A_170 = arith.addi %mul3A_59, %add3A_169 : vector<16xi32>
      %gather3A_171 = tpu.vector_load_idx %arg8[%add3A_170] : memref<32768xf32, #tpu.memory_space<vmem>>[vector<16xi32>], vector<16xf32>,
      %add3A_172 = arith.constant 14 : i32
      %add3A_173 = vector.broadcast %add3A_172 : i32 to vector<16xi32>
      %add3A_174 = arith.addi %mul3A_59, %add3A_173 : vector<16xi32>
      %add3A_175 = arith.constant 1 : i32
      %add3A_176 = vector.broadcast %add3A_175 : i32 to vector<16xi32>
      %add3A_177 = arith.addi %add3A_174, %add3A_176 : vector<16xi32>
      %gather3A_178 = tpu.vector_load_idx %arg8[%add3A_177] : memref<32768xf32, #tpu.memory_space<vmem>>[vector<16xi32>], vector<16xf32>,
      %mul3A_179 = arith.mulf %gather3A_171, %gather3A_171 : vector<16xf32>
      %add3A_180 = arith.addf %add3A_165, %mul3A_179 : vector<16xf32>
      %mul3A_181 = arith.mulf %gather3A_178, %gather3A_178 : vector<16xf32>
      %add3A_182 = arith.addf %add3A_167, %mul3A_181 : vector<16xf32>
      %add3A_183 = arith.constant 16 : i32
      %add3A_184 = vector.broadcast %add3A_183 : i32 to vector<16xi32>
      %add3A_185 = arith.addi %mul3A_59, %add3A_184 : vector<16xi32>
      %gather3A_186 = tpu.vector_load_idx %arg8[%add3A_185] : memref<32768xf32, #tpu.memory_space<vmem>>[vector<16xi32>], vector<16xf32>,
      %add3A_187 = arith.constant 16 : i32
      %add3A_188 = vector.broadcast %add3A_187 : i32 to vector<16xi32>
      %add3A_189 = arith.addi %mul3A_59, %add3A_188 : vector<16xi32>
      %add3A_190 = arith.constant 1 : i32
      %add3A_191 = vector.broadcast %add3A_190 : i32 to vector<16xi32>
      %add3A_192 = arith.addi %add3A_189, %add3A_191 : vector<16xi32>
      %gather3A_193 = tpu.vector_load_idx %arg8[%add3A_192] : memref<32768xf32, #tpu.memory_space<vmem>>[vector<16xi32>], vector<16xf32>,
      %mul3A_194 = arith.mulf %gather3A_186, %gather3A_186 : vector<16xf32>
      %add3A_195 = arith.addf %add3A_180, %mul3A_194 : vector<16xf32>
      %mul3A_196 = arith.mulf %gather3A_193, %gather3A_193 : vector<16xf32>
      %add3A_197 = arith.addf %add3A_182, %mul3A_196 : vector<16xf32>
      %add3A_198 = arith.constant 18 : i32
      %add3A_199 = vector.broadcast %add3A_198 : i32 to vector<16xi32>
      %add3A_200 = arith.addi %mul3A_59, %add3A_199 : vector<16xi32>
      %gather3A_201 = tpu.vector_load_idx %arg8[%add3A_200] : memref<32768xf32, #tpu.memory_space<vmem>>[vector<16xi32>], vector<16xf32>,
      %add3A_202 = arith.constant 18 : i32
      %add3A_203 = vector.broadcast %add3A_202 : i32 to vector<16xi32>
      %add3A_204 = arith.addi %mul3A_59, %add3A_203 : vector<16xi32>
      %add3A_205 = arith.constant 1 : i32
      %add3A_206 = vector.broadcast %add3A_205 : i32 to vector<16xi32>
      %add3A_207 = arith.addi %add3A_204, %add3A_206 : vector<16xi32>
      %gather3A_208 = tpu.vector_load_idx %arg8[%add3A_207] : memref<32768xf32, #tpu.memory_space<vmem>>[vector<16xi32>], vector<16xf32>,
      %mul3A_209 = arith.mulf %gather3A_201, %gather3A_201 : vector<16xf32>
      %add3A_210 = arith.addf %add3A_195, %mul3A_209 : vector<16xf32>
      %mul3A_211 = arith.mulf %gather3A_208, %gather3A_208 : vector<16xf32>
      %add3A_212 = arith.addf %add3A_197, %mul3A_211 : vector<16xf32>
      %add3A_213 = arith.constant 20 : i32
      %add3A_214 = vector.broadcast %add3A_213 : i32 to vector<16xi32>
      %add3A_215 = arith.addi %mul3A_59, %add3A_214 : vector<16xi32>
      %gather3A_216 = tpu.vector_load_idx %arg8[%add3A_215] : memref<32768xf32, #tpu.memory_space<vmem>>[vector<16xi32>], vector<16xf32>,
      %add3A_217 = arith.constant 20 : i32
      %add3A_218 = vector.broadcast %add3A_217 : i32 to vector<16xi32>
      %add3A_219 = arith.addi %mul3A_59, %add3A_218 : vector<16xi32>
      %add3A_220 = arith.constant 1 : i32
      %add3A_221 = vector.broadcast %add3A_220 : i32 to vector<16xi32>
      %add3A_222 = arith.addi %add3A_219, %add3A_221 : vector<16xi32>
      %gather3A_223 = tpu.vector_load_idx %arg8[%add3A_222] : memref<32768xf32, #tpu.memory_space<vmem>>[vector<16xi32>], vector<16xf32>,
      %mul3A_224 = arith.mulf %gather3A_216, %gather3A_216 : vector<16xf32>
      %add3A_225 = arith.addf %add3A_210, %mul3A_224 : vector<16xf32>
      %mul3A_226 = arith.mulf %gather3A_223, %gather3A_223 : vector<16xf32>
      %add3A_227 = arith.addf %add3A_212, %mul3A_226 : vector<16xf32>
      %add3A_228 = arith.constant 22 : i32
      %add3A_229 = vector.broadcast %add3A_228 : i32 to vector<16xi32>
      %add3A_230 = arith.addi %mul3A_59, %add3A_229 : vector<16xi32>
      %gather3A_231 = tpu.vector_load_idx %arg8[%add3A_230] : memref<32768xf32, #tpu.memory_space<vmem>>[vector<16xi32>], vector<16xf32>,
      %add3A_232 = arith.constant 22 : i32
      %add3A_233 = vector.broadcast %add3A_232 : i32 to vector<16xi32>
      %add3A_234 = arith.addi %mul3A_59, %add3A_233 : vector<16xi32>
      %add3A_235 = arith.constant 1 : i32
      %add3A_236 = vector.broadcast %add3A_235 : i32 to vector<16xi32>
      %add3A_237 = arith.addi %add3A_234, %add3A_236 : vector<16xi32>
      %gather3A_238 = tpu.vector_load_idx %arg8[%add3A_237] : memref<32768xf32, #tpu.memory_space<vmem>>[vector<16xi32>], vector<16xf32>,
      %mul3A_239 = arith.mulf %gather3A_231, %gather3A_231 : vector<16xf32>
      %add3A_240 = arith.addf %add3A_225, %mul3A_239 : vector<16xf32>
      %mul3A_241 = arith.mulf %gather3A_238, %gather3A_238 : vector<16xf32>
      %add3A_242 = arith.addf %add3A_227, %mul3A_241 : vector<16xf32>
      %add3A_243 = arith.constant 24 : i32
      %add3A_244 = vector.broadcast %add3A_243 : i32 to vector<16xi32>
      %add3A_245 = arith.addi %mul3A_59, %add3A_244 : vector<16xi32>
      %gather3A_246 = tpu.vector_load_idx %arg8[%add3A_245] : memref<32768xf32, #tpu.memory_space<vmem>>[vector<16xi32>], vector<16xf32>,
      %add3A_247 = arith.constant 24 : i32
      %add3A_248 = vector.broadcast %add3A_247 : i32 to vector<16xi32>
      %add3A_249 = arith.addi %mul3A_59, %add3A_248 : vector<16xi32>
      %add3A_250 = arith.constant 1 : i32
      %add3A_251 = vector.broadcast %add3A_250 : i32 to vector<16xi32>
      %add3A_252 = arith.addi %add3A_249, %add3A_251 : vector<16xi32>
      %gather3A_253 = tpu.vector_load_idx %arg8[%add3A_252] : memref<32768xf32, #tpu.memory_space<vmem>>[vector<16xi32>], vector<16xf32>,
      %mul3A_254 = arith.mulf %gather3A_246, %gather3A_246 : vector<16xf32>
      %add3A_255 = arith.addf %add3A_240, %mul3A_254 : vector<16xf32>
      %mul3A_256 = arith.mulf %gather3A_253, %gather3A_253 : vector<16xf32>
      %add3A_257 = arith.addf %add3A_242, %mul3A_256 : vector<16xf32>
      %add3A_258 = arith.constant 26 : i32
      %add3A_259 = vector.broadcast %add3A_258 : i32 to vector<16xi32>
      %add3A_260 = arith.addi %mul3A_59, %add3A_259 : vector<16xi32>
      %gather3A_261 = tpu.vector_load_idx %arg8[%add3A_260] : memref<32768xf32, #tpu.memory_space<vmem>>[vector<16xi32>], vector<16xf32>,
      %add3A_262 = arith.constant 26 : i32
      %add3A_263 = vector.broadcast %add3A_262 : i32 to vector<16xi32>
      %add3A_264 = arith.addi %mul3A_59, %add3A_263 : vector<16xi32>
      %add3A_265 = arith.constant 1 : i32
      %add3A_266 = vector.broadcast %add3A_265 : i32 to vector<16xi32>
      %add3A_267 = arith.addi %add3A_264, %add3A_266 : vector<16xi32>
      %gather3A_268 = tpu.vector_load_idx %arg8[%add3A_267] : memref<32768xf32, #tpu.memory_space<vmem>>[vector<16xi32>], vector<16xf32>,
      %mul3A_269 = arith.mulf %gather3A_261, %gather3A_261 : vector<16xf32>
      %add3A_270 = arith.addf %add3A_255, %mul3A_269 : vector<16xf32>
      %mul3A_271 = arith.mulf %gather3A_268, %gather3A_268 : vector<16xf32>
      %add3A_272 = arith.addf %add3A_257, %mul3A_271 : vector<16xf32>
      %add3A_273 = arith.constant 28 : i32
      %add3A_274 = vector.broadcast %add3A_273 : i32 to vector<16xi32>
      %add3A_275 = arith.addi %mul3A_59, %add3A_274 : vector<16xi32>
      %gather3A_276 = tpu.vector_load_idx %arg8[%add3A_275] : memref<32768xf32, #tpu.memory_space<vmem>>[vector<16xi32>], vector<16xf32>,
      %add3A_277 = arith.constant 28 : i32
      %add3A_278 = vector.broadcast %add3A_277 : i32 to vector<16xi32>
      %add3A_279 = arith.addi %mul3A_59, %add3A_278 : vector<16xi32>
      %add3A_280 = arith.constant 1 : i32
      %add3A_281 = vector.broadcast %add3A_280 : i32 to vector<16xi32>
      %add3A_282 = arith.addi %add3A_279, %add3A_281 : vector<16xi32>
      %gather3A_283 = tpu.vector_load_idx %arg8[%add3A_282] : memref<32768xf32, #tpu.memory_space<vmem>>[vector<16xi32>], vector<16xf32>,
      %mul3A_284 = arith.mulf %gather3A_276, %gather3A_276 : vector<16xf32>
      %add3A_285 = arith.addf %add3A_270, %mul3A_284 : vector<16xf32>
      %mul3A_286 = arith.mulf %gather3A_283, %gather3A_283 : vector<16xf32>
      %add3A_287 = arith.addf %add3A_272, %mul3A_286 : vector<16xf32>
      %add3A_288 = arith.constant 30 : i32
      %add3A_289 = vector.broadcast %add3A_288 : i32 to vector<16xi32>
      %add3A_290 = arith.addi %mul3A_59, %add3A_289 : vector<16xi32>
      %gather3A_291 = tpu.vector_load_idx %arg8[%add3A_290] : memref<32768xf32, #tpu.memory_space<vmem>>[vector<16xi32>], vector<16xf32>,
      %add3A_292 = arith.constant 30 : i32
      %add3A_293 = vector.broadcast %add3A_292 : i32 to vector<16xi32>
      %add3A_294 = arith.addi %mul3A_59, %add3A_293 : vector<16xi32>
      %add3A_295 = arith.constant 1 : i32
      %add3A_296 = vector.broadcast %add3A_295 : i32 to vector<16xi32>
      %add3A_297 = arith.addi %add3A_294, %add3A_296 : vector<16xi32>
      %gather3A_298 = tpu.vector_load_idx %arg8[%add3A_297] : memref<32768xf32, #tpu.memory_space<vmem>>[vector<16xi32>], vector<16xf32>,
      %mul3A_299 = arith.mulf %gather3A_291, %gather3A_291 : vector<16xf32>
      %add3A_300 = arith.addf %add3A_285, %mul3A_299 : vector<16xf32>
      %mul3A_301 = arith.mulf %gather3A_298, %gather3A_298 : vector<16xf32>
      %add3A_302 = arith.addf %add3A_287, %mul3A_301 : vector<16xf32>
      %add3A_303 = arith.addf %add3A_300, %add3A_302 : vector<16xf32>
      tpu.vector_store_idx %arg9[%add3A_56], %add3A_303 : memref<1024xf32, #tpu.memory_space<vmem>>[vector<16xi32>], vector<16xf32>,
    }
    %scan3A_7 = arith.constant 64 : i32
    %broadcast_in_dim3A = arith.constant 0.000000e+00 : f32
    %broadcast_in_dim3A_8 = vector.broadcast %broadcast_in_dim3A : f32 to vector<16xf32>
    %add3A_9 = arith.constant 0 : i32
    %add3A_10 = arith.addi %mul3A_2, %add3A_9 : i32
    "tpu.region"() ({
      %run_scoped3A = tpu.sem_alloc : memref<!tpu.dma_semaphore, #tpu.memory_space<semaphore_mem>>
      %dma_start3A = tpu.memref_slice %arg3[%add3A_10] : memref<65536xi32, #tpu.memory_space<hbm>> -> memref<512xi32, #tpu.memory_space<hbm>>
      %dma_start3A_52 = tpu.memref_slice %arg3[%add3A_10] : memref<65536xi32, #tpu.memory_space<hbm>> -> memref<512xi32, #tpu.memory_space<hbm>>
      tpu.enqueue_dma source(%dma_start3A_52 : memref<512xi32, #tpu.memory_space<hbm>>) target(%arg6 : memref<512xi32, #tpu.memory_space<vmem>>) target_semaphore(%run_scoped3A : memref<!tpu.dma_semaphore, #tpu.memory_space<semaphore_mem>>)
      %dma_wait3A = tpu.memref_slice %arg3[%add3A_10] : memref<65536xi32, #tpu.memory_space<hbm>> -> memref<512xi32, #tpu.memory_space<hbm>>
      %dma_wait3A_53 = tpu.memref_slice %arg3[%add3A_10] : memref<65536xi32, #tpu.memory_space<hbm>> -> memref<512xi32, #tpu.memory_space<hbm>>
      tpu.wait_dma2 semaphore(%run_scoped3A : memref<!tpu.dma_semaphore, #tpu.memory_space<semaphore_mem>>) src(%dma_wait3A_53 : memref<512xi32, #tpu.memory_space<hbm>>) dst(%arg6 : memref<512xi32, #tpu.memory_space<vmem>>)
      tpu.yield
    }) : () -> ()
    %mul3A_11 = arith.constant 32 : i32
    %mul3A_12 = arith.muli %add3A_10, %mul3A_11 : i32
    "tpu.region"() ({
      %run_scoped3A = tpu.sem_alloc : memref<!tpu.dma_semaphore, #tpu.memory_space<semaphore_mem>>
      %dma_start3A = tpu.memref_slice %arg2[%mul3A_12] : memref<2097152xf32, #tpu.memory_space<hbm>> -> memref<16384xf32, #tpu.memory_space<hbm>>
      %dma_start3A_52 = tpu.memref_slice %arg2[%mul3A_12] : memref<2097152xf32, #tpu.memory_space<hbm>> -> memref<16384xf32, #tpu.memory_space<hbm>>
      tpu.enqueue_dma source(%dma_start3A_52 : memref<16384xf32, #tpu.memory_space<hbm>>) target(%arg7 : memref<16384xf32, #tpu.memory_space<vmem>>) target_semaphore(%run_scoped3A : memref<!tpu.dma_semaphore, #tpu.memory_space<semaphore_mem>>)
      %dma_wait3A = tpu.memref_slice %arg2[%mul3A_12] : memref<2097152xf32, #tpu.memory_space<hbm>> -> memref<16384xf32, #tpu.memory_space<hbm>>
      %dma_wait3A_53 = tpu.memref_slice %arg2[%mul3A_12] : memref<2097152xf32, #tpu.memory_space<hbm>> -> memref<16384xf32, #tpu.memory_space<hbm>>
      tpu.wait_dma2 semaphore(%run_scoped3A : memref<!tpu.dma_semaphore, #tpu.memory_space<semaphore_mem>>) src(%dma_wait3A_53 : memref<16384xf32, #tpu.memory_space<hbm>>) dst(%arg7 : memref<16384xf32, #tpu.memory_space<vmem>>)
      tpu.yield
    }) : () -> ()
    %scan3A_13 = arith.constant 0 : i32
    %scan3A_14 = arith.constant 32 : i32
    %scan3A_15 = arith.addi %scan3A_13, %scan3A_14 : i32
    %scan3A_16 = arith.constant 1 : i32
    %scan3A_17 = scf.for %scan3A_52 = %scan3A_13 to %scan3A_15 step %scan3A_16 iter_args(%scan3A_53 = %broadcast_in_dim3A_8) -> (vector<16xf32>)  : i32 {
      %mul3A_54 = arith.constant 16 : i32
      %mul3A_55 = arith.muli %scan3A_52, %mul3A_54 : i32
      %add3A_56 = vector.broadcast %mul3A_55 : i32 to vector<16xi32>
      %add3A_57 = arith.addi %add3A_56, %iota3A : vector<16xi32>
      %gather3A = tpu.vector_load_idx %arg6[%add3A_57] : memref<512xi32, #tpu.memory_space<vmem>>[vector<16xi32>], vector<16xi32>,
      %mul3A_58 = arith.constant 32 : i32
      %mul3A_59 = vector.broadcast %mul3A_58 : i32 to vector<16xi32>
      %mul3A_60 = arith.muli %add3A_57, %mul3A_59 : vector<16xi32>
      %mul3A_61 = arith.constant 32 : i32
      %mul3A_62 = vector.broadcast %mul3A_61 : i32 to vector<16xi32>
      %mul3A_63 = arith.muli %gather3A, %mul3A_62 : vector<16xi32>
      %broadcast_in_dim3A_64 = arith.constant 0.000000e+00 : f32
      %broadcast_in_dim3A_65 = vector.broadcast %broadcast_in_dim3A_64 : f32 to vector<16xf32>
      %broadcast_in_dim3A_66 = arith.constant 0.000000e+00 : f32
      %broadcast_in_dim3A_67 = vector.broadcast %broadcast_in_dim3A_66 : f32 to vector<16xf32>
      %broadcast_in_dim3A_68 = arith.constant 0.000000e+00 : f32
      %broadcast_in_dim3A_69 = vector.broadcast %broadcast_in_dim3A_68 : f32 to vector<16xf32>
      %broadcast_in_dim3A_70 = arith.constant 0.000000e+00 : f32
      %broadcast_in_dim3A_71 = vector.broadcast %broadcast_in_dim3A_70 : f32 to vector<16xf32>
      %broadcast_in_dim3A_72 = arith.constant 0.000000e+00 : f32
      %broadcast_in_dim3A_73 = vector.broadcast %broadcast_in_dim3A_72 : f32 to vector<16xf32>
      %broadcast_in_dim3A_74 = arith.constant 0.000000e+00 : f32
      %broadcast_in_dim3A_75 = vector.broadcast %broadcast_in_dim3A_74 : f32 to vector<16xf32>
      %broadcast_in_dim3A_76 = arith.constant 0.000000e+00 : f32
      %broadcast_in_dim3A_77 = vector.broadcast %broadcast_in_dim3A_76 : f32 to vector<16xf32>
      %broadcast_in_dim3A_78 = arith.constant 0.000000e+00 : f32
      %broadcast_in_dim3A_79 = vector.broadcast %broadcast_in_dim3A_78 : f32 to vector<16xf32>
      %add3A_80 = arith.constant 0 : i32
      %add3A_81 = vector.broadcast %add3A_80 : i32 to vector<16xi32>
      %add3A_82 = arith.addi %mul3A_60, %add3A_81 : vector<16xi32>
      %gather3A_83 = tpu.vector_load_idx %arg7[%add3A_82] : memref<16384xf32, #tpu.memory_space<vmem>>[vector<16xi32>], vector<16xf32>,
      %add3A_84 = arith.constant 0 : i32
      %add3A_85 = vector.broadcast %add3A_84 : i32 to vector<16xi32>
      %add3A_86 = arith.addi %mul3A_60, %add3A_85 : vector<16xi32>
      %add3A_87 = arith.constant 1 : i32
      %add3A_88 = vector.broadcast %add3A_87 : i32 to vector<16xi32>
      %add3A_89 = arith.addi %add3A_86, %add3A_88 : vector<16xi32>
      %gather3A_90 = tpu.vector_load_idx %arg7[%add3A_89] : memref<16384xf32, #tpu.memory_space<vmem>>[vector<16xi32>], vector<16xf32>,
      %add3A_91 = arith.constant 0 : i32
      %add3A_92 = vector.broadcast %add3A_91 : i32 to vector<16xi32>
      %add3A_93 = arith.addi %mul3A_60, %add3A_92 : vector<16xi32>
      %add3A_94 = arith.constant 2 : i32
      %add3A_95 = vector.broadcast %add3A_94 : i32 to vector<16xi32>
      %add3A_96 = arith.addi %add3A_93, %add3A_95 : vector<16xi32>
      %gather3A_97 = tpu.vector_load_idx %arg7[%add3A_96] : memref<16384xf32, #tpu.memory_space<vmem>>[vector<16xi32>], vector<16xf32>,
      %add3A_98 = arith.constant 0 : i32
      %add3A_99 = vector.broadcast %add3A_98 : i32 to vector<16xi32>
      %add3A_100 = arith.addi %mul3A_60, %add3A_99 : vector<16xi32>
      %add3A_101 = arith.constant 3 : i32
      %add3A_102 = vector.broadcast %add3A_101 : i32 to vector<16xi32>
      %add3A_103 = arith.addi %add3A_100, %add3A_102 : vector<16xi32>
      %gather3A_104 = tpu.vector_load_idx %arg7[%add3A_103] : memref<16384xf32, #tpu.memory_space<vmem>>[vector<16xi32>], vector<16xf32>,
      %add3A_105 = arith.constant 0 : i32
      %add3A_106 = vector.broadcast %add3A_105 : i32 to vector<16xi32>
      %add3A_107 = arith.addi %mul3A_63, %add3A_106 : vector<16xi32>
      %gather3A_108 = tpu.vector_load_idx %arg8[%add3A_107] : memref<32768xf32, #tpu.memory_space<vmem>>[vector<16xi32>], vector<16xf32>,
      %add3A_109 = arith.constant 0 : i32
      %add3A_110 = vector.broadcast %add3A_109 : i32 to vector<16xi32>
      %add3A_111 = arith.addi %mul3A_63, %add3A_110 : vector<16xi32>
      %add3A_112 = arith.constant 1 : i32
      %add3A_113 = vector.broadcast %add3A_112 : i32 to vector<16xi32>
      %add3A_114 = arith.addi %add3A_111, %add3A_113 : vector<16xi32>
      %gather3A_115 = tpu.vector_load_idx %arg8[%add3A_114] : memref<32768xf32, #tpu.memory_space<vmem>>[vector<16xi32>], vector<16xf32>,
      %add3A_116 = arith.constant 0 : i32
      %add3A_117 = vector.broadcast %add3A_116 : i32 to vector<16xi32>
      %add3A_118 = arith.addi %mul3A_63, %add3A_117 : vector<16xi32>
      %add3A_119 = arith.constant 2 : i32
      %add3A_120 = vector.broadcast %add3A_119 : i32 to vector<16xi32>
      %add3A_121 = arith.addi %add3A_118, %add3A_120 : vector<16xi32>
      %gather3A_122 = tpu.vector_load_idx %arg8[%add3A_121] : memref<32768xf32, #tpu.memory_space<vmem>>[vector<16xi32>], vector<16xf32>,
      %add3A_123 = arith.constant 0 : i32
      %add3A_124 = vector.broadcast %add3A_123 : i32 to vector<16xi32>
      %add3A_125 = arith.addi %mul3A_63, %add3A_124 : vector<16xi32>
      %add3A_126 = arith.constant 3 : i32
      %add3A_127 = vector.broadcast %add3A_126 : i32 to vector<16xi32>
      %add3A_128 = arith.addi %add3A_125, %add3A_127 : vector<16xi32>
      %gather3A_129 = tpu.vector_load_idx %arg8[%add3A_128] : memref<32768xf32, #tpu.memory_space<vmem>>[vector<16xi32>], vector<16xf32>,
      %mul3A_130 = arith.mulf %gather3A_83, %gather3A_108 : vector<16xf32>
      %add3A_131 = arith.addf %broadcast_in_dim3A_65, %mul3A_130 : vector<16xf32>
      %mul3A_132 = arith.mulf %gather3A_90, %gather3A_115 : vector<16xf32>
      %add3A_133 = arith.addf %broadcast_in_dim3A_67, %mul3A_132 : vector<16xf32>
      %mul3A_134 = arith.mulf %gather3A_97, %gather3A_122 : vector<16xf32>
      %add3A_135 = arith.addf %broadcast_in_dim3A_69, %mul3A_134 : vector<16xf32>
      %mul3A_136 = arith.mulf %gather3A_104, %gather3A_129 : vector<16xf32>
      %add3A_137 = arith.addf %broadcast_in_dim3A_71, %mul3A_136 : vector<16xf32>
      %mul3A_138 = arith.mulf %gather3A_83, %gather3A_83 : vector<16xf32>
      %add3A_139 = arith.addf %broadcast_in_dim3A_73, %mul3A_138 : vector<16xf32>
      %mul3A_140 = arith.mulf %gather3A_90, %gather3A_90 : vector<16xf32>
      %add3A_141 = arith.addf %broadcast_in_dim3A_75, %mul3A_140 : vector<16xf32>
      %mul3A_142 = arith.mulf %gather3A_97, %gather3A_97 : vector<16xf32>
      %add3A_143 = arith.addf %broadcast_in_dim3A_77, %mul3A_142 : vector<16xf32>
      %mul3A_144 = arith.mulf %gather3A_104, %gather3A_104 : vector<16xf32>
      %add3A_145 = arith.addf %broadcast_in_dim3A_79, %mul3A_144 : vector<16xf32>
      %add3A_146 = arith.constant 4 : i32
      %add3A_147 = vector.broadcast %add3A_146 : i32 to vector<16xi32>
      %add3A_148 = arith.addi %mul3A_60, %add3A_147 : vector<16xi32>
      %gather3A_149 = tpu.vector_load_idx %arg7[%add3A_148] : memref<16384xf32, #tpu.memory_space<vmem>>[vector<16xi32>], vector<16xf32>,
      %add3A_150 = arith.constant 4 : i32
      %add3A_151 = vector.broadcast %add3A_150 : i32 to vector<16xi32>
      %add3A_152 = arith.addi %mul3A_60, %add3A_151 : vector<16xi32>
      %add3A_153 = arith.constant 1 : i32
      %add3A_154 = vector.broadcast %add3A_153 : i32 to vector<16xi32>
      %add3A_155 = arith.addi %add3A_152, %add3A_154 : vector<16xi32>
      %gather3A_156 = tpu.vector_load_idx %arg7[%add3A_155] : memref<16384xf32, #tpu.memory_space<vmem>>[vector<16xi32>], vector<16xf32>,
      %add3A_157 = arith.constant 4 : i32
      %add3A_158 = vector.broadcast %add3A_157 : i32 to vector<16xi32>
      %add3A_159 = arith.addi %mul3A_60, %add3A_158 : vector<16xi32>
      %add3A_160 = arith.constant 2 : i32
      %add3A_161 = vector.broadcast %add3A_160 : i32 to vector<16xi32>
      %add3A_162 = arith.addi %add3A_159, %add3A_161 : vector<16xi32>
      %gather3A_163 = tpu.vector_load_idx %arg7[%add3A_162] : memref<16384xf32, #tpu.memory_space<vmem>>[vector<16xi32>], vector<16xf32>,
      %add3A_164 = arith.constant 4 : i32
      %add3A_165 = vector.broadcast %add3A_164 : i32 to vector<16xi32>
      %add3A_166 = arith.addi %mul3A_60, %add3A_165 : vector<16xi32>
      %add3A_167 = arith.constant 3 : i32
      %add3A_168 = vector.broadcast %add3A_167 : i32 to vector<16xi32>
      %add3A_169 = arith.addi %add3A_166, %add3A_168 : vector<16xi32>
      %gather3A_170 = tpu.vector_load_idx %arg7[%add3A_169] : memref<16384xf32, #tpu.memory_space<vmem>>[vector<16xi32>], vector<16xf32>,
      %add3A_171 = arith.constant 4 : i32
      %add3A_172 = vector.broadcast %add3A_171 : i32 to vector<16xi32>
      %add3A_173 = arith.addi %mul3A_63, %add3A_172 : vector<16xi32>
      %gather3A_174 = tpu.vector_load_idx %arg8[%add3A_173] : memref<32768xf32, #tpu.memory_space<vmem>>[vector<16xi32>], vector<16xf32>,
      %add3A_175 = arith.constant 4 : i32
      %add3A_176 = vector.broadcast %add3A_175 : i32 to vector<16xi32>
      %add3A_177 = arith.addi %mul3A_63, %add3A_176 : vector<16xi32>
      %add3A_178 = arith.constant 1 : i32
      %add3A_179 = vector.broadcast %add3A_178 : i32 to vector<16xi32>
      %add3A_180 = arith.addi %add3A_177, %add3A_179 : vector<16xi32>
      %gather3A_181 = tpu.vector_load_idx %arg8[%add3A_180] : memref<32768xf32, #tpu.memory_space<vmem>>[vector<16xi32>], vector<16xf32>,
      %add3A_182 = arith.constant 4 : i32
      %add3A_183 = vector.broadcast %add3A_182 : i32 to vector<16xi32>
      %add3A_184 = arith.addi %mul3A_63, %add3A_183 : vector<16xi32>
      %add3A_185 = arith.constant 2 : i32
      %add3A_186 = vector.broadcast %add3A_185 : i32 to vector<16xi32>
      %add3A_187 = arith.addi %add3A_184, %add3A_186 : vector<16xi32>
      %gather3A_188 = tpu.vector_load_idx %arg8[%add3A_187] : memref<32768xf32, #tpu.memory_space<vmem>>[vector<16xi32>], vector<16xf32>,
      %add3A_189 = arith.constant 4 : i32
      %add3A_190 = vector.broadcast %add3A_189 : i32 to vector<16xi32>
      %add3A_191 = arith.addi %mul3A_63, %add3A_190 : vector<16xi32>
      %add3A_192 = arith.constant 3 : i32
      %add3A_193 = vector.broadcast %add3A_192 : i32 to vector<16xi32>
      %add3A_194 = arith.addi %add3A_191, %add3A_193 : vector<16xi32>
      %gather3A_195 = tpu.vector_load_idx %arg8[%add3A_194] : memref<32768xf32, #tpu.memory_space<vmem>>[vector<16xi32>], vector<16xf32>,
      %mul3A_196 = arith.mulf %gather3A_149, %gather3A_174 : vector<16xf32>
      %add3A_197 = arith.addf %add3A_131, %mul3A_196 : vector<16xf32>
      %mul3A_198 = arith.mulf %gather3A_156, %gather3A_181 : vector<16xf32>
      %add3A_199 = arith.addf %add3A_133, %mul3A_198 : vector<16xf32>
      %mul3A_200 = arith.mulf %gather3A_163, %gather3A_188 : vector<16xf32>
      %add3A_201 = arith.addf %add3A_135, %mul3A_200 : vector<16xf32>
      %mul3A_202 = arith.mulf %gather3A_170, %gather3A_195 : vector<16xf32>
      %add3A_203 = arith.addf %add3A_137, %mul3A_202 : vector<16xf32>
      %mul3A_204 = arith.mulf %gather3A_149, %gather3A_149 : vector<16xf32>
      %add3A_205 = arith.addf %add3A_139, %mul3A_204 : vector<16xf32>
      %mul3A_206 = arith.mulf %gather3A_156, %gather3A_156 : vector<16xf32>
      %add3A_207 = arith.addf %add3A_141, %mul3A_206 : vector<16xf32>
      %mul3A_208 = arith.mulf %gather3A_163, %gather3A_163 : vector<16xf32>
      %add3A_209 = arith.addf %add3A_143, %mul3A_208 : vector<16xf32>
      %mul3A_210 = arith.mulf %gather3A_170, %gather3A_170 : vector<16xf32>
      %add3A_211 = arith.addf %add3A_145, %mul3A_210 : vector<16xf32>
      %add3A_212 = arith.constant 8 : i32
      %add3A_213 = vector.broadcast %add3A_212 : i32 to vector<16xi32>
      %add3A_214 = arith.addi %mul3A_60, %add3A_213 : vector<16xi32>
      %gather3A_215 = tpu.vector_load_idx %arg7[%add3A_214] : memref<16384xf32, #tpu.memory_space<vmem>>[vector<16xi32>], vector<16xf32>,
      %add3A_216 = arith.constant 8 : i32
      %add3A_217 = vector.broadcast %add3A_216 : i32 to vector<16xi32>
      %add3A_218 = arith.addi %mul3A_60, %add3A_217 : vector<16xi32>
      %add3A_219 = arith.constant 1 : i32
      %add3A_220 = vector.broadcast %add3A_219 : i32 to vector<16xi32>
      %add3A_221 = arith.addi %add3A_218, %add3A_220 : vector<16xi32>
      %gather3A_222 = tpu.vector_load_idx %arg7[%add3A_221] : memref<16384xf32, #tpu.memory_space<vmem>>[vector<16xi32>], vector<16xf32>,
      %add3A_223 = arith.constant 8 : i32
      %add3A_224 = vector.broadcast %add3A_223 : i32 to vector<16xi32>
      %add3A_225 = arith.addi %mul3A_60, %add3A_224 : vector<16xi32>
      %add3A_226 = arith.constant 2 : i32
      %add3A_227 = vector.broadcast %add3A_226 : i32 to vector<16xi32>
      %add3A_228 = arith.addi %add3A_225, %add3A_227 : vector<16xi32>
      %gather3A_229 = tpu.vector_load_idx %arg7[%add3A_228] : memref<16384xf32, #tpu.memory_space<vmem>>[vector<16xi32>], vector<16xf32>,
      %add3A_230 = arith.constant 8 : i32
      %add3A_231 = vector.broadcast %add3A_230 : i32 to vector<16xi32>
      %add3A_232 = arith.addi %mul3A_60, %add3A_231 : vector<16xi32>
      %add3A_233 = arith.constant 3 : i32
      %add3A_234 = vector.broadcast %add3A_233 : i32 to vector<16xi32>
      %add3A_235 = arith.addi %add3A_232, %add3A_234 : vector<16xi32>
      %gather3A_236 = tpu.vector_load_idx %arg7[%add3A_235] : memref<16384xf32, #tpu.memory_space<vmem>>[vector<16xi32>], vector<16xf32>,
      %add3A_237 = arith.constant 8 : i32
      %add3A_238 = vector.broadcast %add3A_237 : i32 to vector<16xi32>
      %add3A_239 = arith.addi %mul3A_63, %add3A_238 : vector<16xi32>
      %gather3A_240 = tpu.vector_load_idx %arg8[%add3A_239] : memref<32768xf32, #tpu.memory_space<vmem>>[vector<16xi32>], vector<16xf32>,
      %add3A_241 = arith.constant 8 : i32
      %add3A_242 = vector.broadcast %add3A_241 : i32 to vector<16xi32>
      %add3A_243 = arith.addi %mul3A_63, %add3A_242 : vector<16xi32>
      %add3A_244 = arith.constant 1 : i32
      %add3A_245 = vector.broadcast %add3A_244 : i32 to vector<16xi32>
      %add3A_246 = arith.addi %add3A_243, %add3A_245 : vector<16xi32>
      %gather3A_247 = tpu.vector_load_idx %arg8[%add3A_246] : memref<32768xf32, #tpu.memory_space<vmem>>[vector<16xi32>], vector<16xf32>,
      %add3A_248 = arith.constant 8 : i32
      %add3A_249 = vector.broadcast %add3A_248 : i32 to vector<16xi32>
      %add3A_250 = arith.addi %mul3A_63, %add3A_249 : vector<16xi32>
      %add3A_251 = arith.constant 2 : i32
      %add3A_252 = vector.broadcast %add3A_251 : i32 to vector<16xi32>
      %add3A_253 = arith.addi %add3A_250, %add3A_252 : vector<16xi32>
      %gather3A_254 = tpu.vector_load_idx %arg8[%add3A_253] : memref<32768xf32, #tpu.memory_space<vmem>>[vector<16xi32>], vector<16xf32>,
      %add3A_255 = arith.constant 8 : i32
      %add3A_256 = vector.broadcast %add3A_255 : i32 to vector<16xi32>
      %add3A_257 = arith.addi %mul3A_63, %add3A_256 : vector<16xi32>
      %add3A_258 = arith.constant 3 : i32
      %add3A_259 = vector.broadcast %add3A_258 : i32 to vector<16xi32>
      %add3A_260 = arith.addi %add3A_257, %add3A_259 : vector<16xi32>
      %gather3A_261 = tpu.vector_load_idx %arg8[%add3A_260] : memref<32768xf32, #tpu.memory_space<vmem>>[vector<16xi32>], vector<16xf32>,
      %mul3A_262 = arith.mulf %gather3A_215, %gather3A_240 : vector<16xf32>
      %add3A_263 = arith.addf %add3A_197, %mul3A_262 : vector<16xf32>
      %mul3A_264 = arith.mulf %gather3A_222, %gather3A_247 : vector<16xf32>
      %add3A_265 = arith.addf %add3A_199, %mul3A_264 : vector<16xf32>
      %mul3A_266 = arith.mulf %gather3A_229, %gather3A_254 : vector<16xf32>
      %add3A_267 = arith.addf %add3A_201, %mul3A_266 : vector<16xf32>
      %mul3A_268 = arith.mulf %gather3A_236, %gather3A_261 : vector<16xf32>
      %add3A_269 = arith.addf %add3A_203, %mul3A_268 : vector<16xf32>
      %mul3A_270 = arith.mulf %gather3A_215, %gather3A_215 : vector<16xf32>
      %add3A_271 = arith.addf %add3A_205, %mul3A_270 : vector<16xf32>
      %mul3A_272 = arith.mulf %gather3A_222, %gather3A_222 : vector<16xf32>
      %add3A_273 = arith.addf %add3A_207, %mul3A_272 : vector<16xf32>
      %mul3A_274 = arith.mulf %gather3A_229, %gather3A_229 : vector<16xf32>
      %add3A_275 = arith.addf %add3A_209, %mul3A_274 : vector<16xf32>
      %mul3A_276 = arith.mulf %gather3A_236, %gather3A_236 : vector<16xf32>
      %add3A_277 = arith.addf %add3A_211, %mul3A_276 : vector<16xf32>
      %add3A_278 = arith.constant 12 : i32
      %add3A_279 = vector.broadcast %add3A_278 : i32 to vector<16xi32>
      %add3A_280 = arith.addi %mul3A_60, %add3A_279 : vector<16xi32>
      %gather3A_281 = tpu.vector_load_idx %arg7[%add3A_280] : memref<16384xf32, #tpu.memory_space<vmem>>[vector<16xi32>], vector<16xf32>,
      %add3A_282 = arith.constant 12 : i32
      %add3A_283 = vector.broadcast %add3A_282 : i32 to vector<16xi32>
      %add3A_284 = arith.addi %mul3A_60, %add3A_283 : vector<16xi32>
      %add3A_285 = arith.constant 1 : i32
      %add3A_286 = vector.broadcast %add3A_285 : i32 to vector<16xi32>
      %add3A_287 = arith.addi %add3A_284, %add3A_286 : vector<16xi32>
      %gather3A_288 = tpu.vector_load_idx %arg7[%add3A_287] : memref<16384xf32, #tpu.memory_space<vmem>>[vector<16xi32>], vector<16xf32>,
      %add3A_289 = arith.constant 12 : i32
      %add3A_290 = vector.broadcast %add3A_289 : i32 to vector<16xi32>
      %add3A_291 = arith.addi %mul3A_60, %add3A_290 : vector<16xi32>
      %add3A_292 = arith.constant 2 : i32
      %add3A_293 = vector.broadcast %add3A_292 : i32 to vector<16xi32>
      %add3A_294 = arith.addi %add3A_291, %add3A_293 : vector<16xi32>
      %gather3A_295 = tpu.vector_load_idx %arg7[%add3A_294] : memref<16384xf32, #tpu.memory_space<vmem>>[vector<16xi32>], vector<16xf32>,
      %add3A_296 = arith.constant 12 : i32
      %add3A_297 = vector.broadcast %add3A_296 : i32 to vector<16xi32>
      %add3A_298 = arith.addi %mul3A_60, %add3A_297 : vector<16xi32>
      %add3A_299 = arith.constant 3 : i32
      %add3A_300 = vector.broadcast %add3A_299 : i32 to vector<16xi32>
      %add3A_301 = arith.addi %add3A_298, %add3A_300 : vector<16xi32>
      %gather3A_302 = tpu.vector_load_idx %arg7[%add3A_301] : memref<16384xf32, #tpu.memory_space<vmem>>[vector<16xi32>], vector<16xf32>,
      %add3A_303 = arith.constant 12 : i32
      %add3A_304 = vector.broadcast %add3A_303 : i32 to vector<16xi32>
      %add3A_305 = arith.addi %mul3A_63, %add3A_304 : vector<16xi32>
      %gather3A_306 = tpu.vector_load_idx %arg8[%add3A_305] : memref<32768xf32, #tpu.memory_space<vmem>>[vector<16xi32>], vector<16xf32>,
      %add3A_307 = arith.constant 12 : i32
      %add3A_308 = vector.broadcast %add3A_307 : i32 to vector<16xi32>
      %add3A_309 = arith.addi %mul3A_63, %add3A_308 : vector<16xi32>
      %add3A_310 = arith.constant 1 : i32
      %add3A_311 = vector.broadcast %add3A_310 : i32 to vector<16xi32>
      %add3A_312 = arith.addi %add3A_309, %add3A_311 : vector<16xi32>
      %gather3A_313 = tpu.vector_load_idx %arg8[%add3A_312] : memref<32768xf32, #tpu.memory_space<vmem>>[vector<16xi32>], vector<16xf32>,
      %add3A_314 = arith.constant 12 : i32
      %add3A_315 = vector.broadcast %add3A_314 : i32 to vector<16xi32>
      %add3A_316 = arith.addi %mul3A_63, %add3A_315 : vector<16xi32>
      %add3A_317 = arith.constant 2 : i32
      %add3A_318 = vector.broadcast %add3A_317 : i32 to vector<16xi32>
      %add3A_319 = arith.addi %add3A_316, %add3A_318 : vector<16xi32>
      %gather3A_320 = tpu.vector_load_idx %arg8[%add3A_319] : memref<32768xf32, #tpu.memory_space<vmem>>[vector<16xi32>], vector<16xf32>,
      %add3A_321 = arith.constant 12 : i32
      %add3A_322 = vector.broadcast %add3A_321 : i32 to vector<16xi32>
      %add3A_323 = arith.addi %mul3A_63, %add3A_322 : vector<16xi32>
      %add3A_324 = arith.constant 3 : i32
      %add3A_325 = vector.broadcast %add3A_324 : i32 to vector<16xi32>
      %add3A_326 = arith.addi %add3A_323, %add3A_325 : vector<16xi32>
      %gather3A_327 = tpu.vector_load_idx %arg8[%add3A_326] : memref<32768xf32, #tpu.memory_space<vmem>>[vector<16xi32>], vector<16xf32>,
      %mul3A_328 = arith.mulf %gather3A_281, %gather3A_306 : vector<16xf32>
      %add3A_329 = arith.addf %add3A_263, %mul3A_328 : vector<16xf32>
      %mul3A_330 = arith.mulf %gather3A_288, %gather3A_313 : vector<16xf32>
      %add3A_331 = arith.addf %add3A_265, %mul3A_330 : vector<16xf32>
      %mul3A_332 = arith.mulf %gather3A_295, %gather3A_320 : vector<16xf32>
      %add3A_333 = arith.addf %add3A_267, %mul3A_332 : vector<16xf32>
      %mul3A_334 = arith.mulf %gather3A_302, %gather3A_327 : vector<16xf32>
      %add3A_335 = arith.addf %add3A_269, %mul3A_334 : vector<16xf32>
      %mul3A_336 = arith.mulf %gather3A_281, %gather3A_281 : vector<16xf32>
      %add3A_337 = arith.addf %add3A_271, %mul3A_336 : vector<16xf32>
      %mul3A_338 = arith.mulf %gather3A_288, %gather3A_288 : vector<16xf32>
      %add3A_339 = arith.addf %add3A_273, %mul3A_338 : vector<16xf32>
      %mul3A_340 = arith.mulf %gather3A_295, %gather3A_295 : vector<16xf32>
      %add3A_341 = arith.addf %add3A_275, %mul3A_340 : vector<16xf32>
      %mul3A_342 = arith.mulf %gather3A_302, %gather3A_302 : vector<16xf32>
      %add3A_343 = arith.addf %add3A_277, %mul3A_342 : vector<16xf32>
      %add3A_344 = arith.constant 16 : i32
      %add3A_345 = vector.broadcast %add3A_344 : i32 to vector<16xi32>
      %add3A_346 = arith.addi %mul3A_60, %add3A_345 : vector<16xi32>
      %gather3A_347 = tpu.vector_load_idx %arg7[%add3A_346] : memref<16384xf32, #tpu.memory_space<vmem>>[vector<16xi32>], vector<16xf32>,
      %add3A_348 = arith.constant 16 : i32
      %add3A_349 = vector.broadcast %add3A_348 : i32 to vector<16xi32>
      %add3A_350 = arith.addi %mul3A_60, %add3A_349 : vector<16xi32>
      %add3A_351 = arith.constant 1 : i32
      %add3A_352 = vector.broadcast %add3A_351 : i32 to vector<16xi32>
      %add3A_353 = arith.addi %add3A_350, %add3A_352 : vector<16xi32>
      %gather3A_354 = tpu.vector_load_idx %arg7[%add3A_353] : memref<16384xf32, #tpu.memory_space<vmem>>[vector<16xi32>], vector<16xf32>,
      %add3A_355 = arith.constant 16 : i32
      %add3A_356 = vector.broadcast %add3A_355 : i32 to vector<16xi32>
      %add3A_357 = arith.addi %mul3A_60, %add3A_356 : vector<16xi32>
      %add3A_358 = arith.constant 2 : i32
      %add3A_359 = vector.broadcast %add3A_358 : i32 to vector<16xi32>
      %add3A_360 = arith.addi %add3A_357, %add3A_359 : vector<16xi32>
      %gather3A_361 = tpu.vector_load_idx %arg7[%add3A_360] : memref<16384xf32, #tpu.memory_space<vmem>>[vector<16xi32>], vector<16xf32>,
      %add3A_362 = arith.constant 16 : i32
      %add3A_363 = vector.broadcast %add3A_362 : i32 to vector<16xi32>
      %add3A_364 = arith.addi %mul3A_60, %add3A_363 : vector<16xi32>
      %add3A_365 = arith.constant 3 : i32
      %add3A_366 = vector.broadcast %add3A_365 : i32 to vector<16xi32>
      %add3A_367 = arith.addi %add3A_364, %add3A_366 : vector<16xi32>
      %gather3A_368 = tpu.vector_load_idx %arg7[%add3A_367] : memref<16384xf32, #tpu.memory_space<vmem>>[vector<16xi32>], vector<16xf32>,
      %add3A_369 = arith.constant 16 : i32
      %add3A_370 = vector.broadcast %add3A_369 : i32 to vector<16xi32>
      %add3A_371 = arith.addi %mul3A_63, %add3A_370 : vector<16xi32>
      %gather3A_372 = tpu.vector_load_idx %arg8[%add3A_371] : memref<32768xf32, #tpu.memory_space<vmem>>[vector<16xi32>], vector<16xf32>,
      %add3A_373 = arith.constant 16 : i32
      %add3A_374 = vector.broadcast %add3A_373 : i32 to vector<16xi32>
      %add3A_375 = arith.addi %mul3A_63, %add3A_374 : vector<16xi32>
      %add3A_376 = arith.constant 1 : i32
      %add3A_377 = vector.broadcast %add3A_376 : i32 to vector<16xi32>
      %add3A_378 = arith.addi %add3A_375, %add3A_377 : vector<16xi32>
      %gather3A_379 = tpu.vector_load_idx %arg8[%add3A_378] : memref<32768xf32, #tpu.memory_space<vmem>>[vector<16xi32>], vector<16xf32>,
      %add3A_380 = arith.constant 16 : i32
      %add3A_381 = vector.broadcast %add3A_380 : i32 to vector<16xi32>
      %add3A_382 = arith.addi %mul3A_63, %add3A_381 : vector<16xi32>
      %add3A_383 = arith.constant 2 : i32
      %add3A_384 = vector.broadcast %add3A_383 : i32 to vector<16xi32>
      %add3A_385 = arith.addi %add3A_382, %add3A_384 : vector<16xi32>
      %gather3A_386 = tpu.vector_load_idx %arg8[%add3A_385] : memref<32768xf32, #tpu.memory_space<vmem>>[vector<16xi32>], vector<16xf32>,
      %add3A_387 = arith.constant 16 : i32
      %add3A_388 = vector.broadcast %add3A_387 : i32 to vector<16xi32>
      %add3A_389 = arith.addi %mul3A_63, %add3A_388 : vector<16xi32>
      %add3A_390 = arith.constant 3 : i32
      %add3A_391 = vector.broadcast %add3A_390 : i32 to vector<16xi32>
      %add3A_392 = arith.addi %add3A_389, %add3A_391 : vector<16xi32>
      %gather3A_393 = tpu.vector_load_idx %arg8[%add3A_392] : memref<32768xf32, #tpu.memory_space<vmem>>[vector<16xi32>], vector<16xf32>,
      %mul3A_394 = arith.mulf %gather3A_347, %gather3A_372 : vector<16xf32>
      %add3A_395 = arith.addf %add3A_329, %mul3A_394 : vector<16xf32>
      %mul3A_396 = arith.mulf %gather3A_354, %gather3A_379 : vector<16xf32>
      %add3A_397 = arith.addf %add3A_331, %mul3A_396 : vector<16xf32>
      %mul3A_398 = arith.mulf %gather3A_361, %gather3A_386 : vector<16xf32>
      %add3A_399 = arith.addf %add3A_333, %mul3A_398 : vector<16xf32>
      %mul3A_400 = arith.mulf %gather3A_368, %gather3A_393 : vector<16xf32>
      %add3A_401 = arith.addf %add3A_335, %mul3A_400 : vector<16xf32>
      %mul3A_402 = arith.mulf %gather3A_347, %gather3A_347 : vector<16xf32>
      %add3A_403 = arith.addf %add3A_337, %mul3A_402 : vector<16xf32>
      %mul3A_404 = arith.mulf %gather3A_354, %gather3A_354 : vector<16xf32>
      %add3A_405 = arith.addf %add3A_339, %mul3A_404 : vector<16xf32>
      %mul3A_406 = arith.mulf %gather3A_361, %gather3A_361 : vector<16xf32>
      %add3A_407 = arith.addf %add3A_341, %mul3A_406 : vector<16xf32>
      %mul3A_408 = arith.mulf %gather3A_368, %gather3A_368 : vector<16xf32>
      %add3A_409 = arith.addf %add3A_343, %mul3A_408 : vector<16xf32>
      %add3A_410 = arith.constant 20 : i32
      %add3A_411 = vector.broadcast %add3A_410 : i32 to vector<16xi32>
      %add3A_412 = arith.addi %mul3A_60, %add3A_411 : vector<16xi32>
      %gather3A_413 = tpu.vector_load_idx %arg7[%add3A_412] : memref<16384xf32, #tpu.memory_space<vmem>>[vector<16xi32>], vector<16xf32>,
      %add3A_414 = arith.constant 20 : i32
      %add3A_415 = vector.broadcast %add3A_414 : i32 to vector<16xi32>
      %add3A_416 = arith.addi %mul3A_60, %add3A_415 : vector<16xi32>
      %add3A_417 = arith.constant 1 : i32
      %add3A_418 = vector.broadcast %add3A_417 : i32 to vector<16xi32>
      %add3A_419 = arith.addi %add3A_416, %add3A_418 : vector<16xi32>
      %gather3A_420 = tpu.vector_load_idx %arg7[%add3A_419] : memref<16384xf32, #tpu.memory_space<vmem>>[vector<16xi32>], vector<16xf32>,
      %add3A_421 = arith.constant 20 : i32
      %add3A_422 = vector.broadcast %add3A_421 : i32 to vector<16xi32>
      %add3A_423 = arith.addi %mul3A_60, %add3A_422 : vector<16xi32>
      %add3A_424 = arith.constant 2 : i32
      %add3A_425 = vector.broadcast %add3A_424 : i32 to vector<16xi32>
      %add3A_426 = arith.addi %add3A_423, %add3A_425 : vector<16xi32>
      %gather3A_427 = tpu.vector_load_idx %arg7[%add3A_426] : memref<16384xf32, #tpu.memory_space<vmem>>[vector<16xi32>], vector<16xf32>,
      %add3A_428 = arith.constant 20 : i32
      %add3A_429 = vector.broadcast %add3A_428 : i32 to vector<16xi32>
      %add3A_430 = arith.addi %mul3A_60, %add3A_429 : vector<16xi32>
      %add3A_431 = arith.constant 3 : i32
      %add3A_432 = vector.broadcast %add3A_431 : i32 to vector<16xi32>
      %add3A_433 = arith.addi %add3A_430, %add3A_432 : vector<16xi32>
      %gather3A_434 = tpu.vector_load_idx %arg7[%add3A_433] : memref<16384xf32, #tpu.memory_space<vmem>>[vector<16xi32>], vector<16xf32>,
      %add3A_435 = arith.constant 20 : i32
      %add3A_436 = vector.broadcast %add3A_435 : i32 to vector<16xi32>
      %add3A_437 = arith.addi %mul3A_63, %add3A_436 : vector<16xi32>
      %gather3A_438 = tpu.vector_load_idx %arg8[%add3A_437] : memref<32768xf32, #tpu.memory_space<vmem>>[vector<16xi32>], vector<16xf32>,
      %add3A_439 = arith.constant 20 : i32
      %add3A_440 = vector.broadcast %add3A_439 : i32 to vector<16xi32>
      %add3A_441 = arith.addi %mul3A_63, %add3A_440 : vector<16xi32>
      %add3A_442 = arith.constant 1 : i32
      %add3A_443 = vector.broadcast %add3A_442 : i32 to vector<16xi32>
      %add3A_444 = arith.addi %add3A_441, %add3A_443 : vector<16xi32>
      %gather3A_445 = tpu.vector_load_idx %arg8[%add3A_444] : memref<32768xf32, #tpu.memory_space<vmem>>[vector<16xi32>], vector<16xf32>,
      %add3A_446 = arith.constant 20 : i32
      %add3A_447 = vector.broadcast %add3A_446 : i32 to vector<16xi32>
      %add3A_448 = arith.addi %mul3A_63, %add3A_447 : vector<16xi32>
      %add3A_449 = arith.constant 2 : i32
      %add3A_450 = vector.broadcast %add3A_449 : i32 to vector<16xi32>
      %add3A_451 = arith.addi %add3A_448, %add3A_450 : vector<16xi32>
      %gather3A_452 = tpu.vector_load_idx %arg8[%add3A_451] : memref<32768xf32, #tpu.memory_space<vmem>>[vector<16xi32>], vector<16xf32>,
      %add3A_453 = arith.constant 20 : i32
      %add3A_454 = vector.broadcast %add3A_453 : i32 to vector<16xi32>
      %add3A_455 = arith.addi %mul3A_63, %add3A_454 : vector<16xi32>
      %add3A_456 = arith.constant 3 : i32
      %add3A_457 = vector.broadcast %add3A_456 : i32 to vector<16xi32>
      %add3A_458 = arith.addi %add3A_455, %add3A_457 : vector<16xi32>
      %gather3A_459 = tpu.vector_load_idx %arg8[%add3A_458] : memref<32768xf32, #tpu.memory_space<vmem>>[vector<16xi32>], vector<16xf32>,
      %mul3A_460 = arith.mulf %gather3A_413, %gather3A_438 : vector<16xf32>
      %add3A_461 = arith.addf %add3A_395, %mul3A_460 : vector<16xf32>
      %mul3A_462 = arith.mulf %gather3A_420, %gather3A_445 : vector<16xf32>
      %add3A_463 = arith.addf %add3A_397, %mul3A_462 : vector<16xf32>
      %mul3A_464 = arith.mulf %gather3A_427, %gather3A_452 : vector<16xf32>
      %add3A_465 = arith.addf %add3A_399, %mul3A_464 : vector<16xf32>
      %mul3A_466 = arith.mulf %gather3A_434, %gather3A_459 : vector<16xf32>
      %add3A_467 = arith.addf %add3A_401, %mul3A_466 : vector<16xf32>
      %mul3A_468 = arith.mulf %gather3A_413, %gather3A_413 : vector<16xf32>
      %add3A_469 = arith.addf %add3A_403, %mul3A_468 : vector<16xf32>
      %mul3A_470 = arith.mulf %gather3A_420, %gather3A_420 : vector<16xf32>
      %add3A_471 = arith.addf %add3A_405, %mul3A_470 : vector<16xf32>
      %mul3A_472 = arith.mulf %gather3A_427, %gather3A_427 : vector<16xf32>
      %add3A_473 = arith.addf %add3A_407, %mul3A_472 : vector<16xf32>
      %mul3A_474 = arith.mulf %gather3A_434, %gather3A_434 : vector<16xf32>
      %add3A_475 = arith.addf %add3A_409, %mul3A_474 : vector<16xf32>
      %add3A_476 = arith.constant 24 : i32
      %add3A_477 = vector.broadcast %add3A_476 : i32 to vector<16xi32>
      %add3A_478 = arith.addi %mul3A_60, %add3A_477 : vector<16xi32>
      %gather3A_479 = tpu.vector_load_idx %arg7[%add3A_478] : memref<16384xf32, #tpu.memory_space<vmem>>[vector<16xi32>], vector<16xf32>,
      %add3A_480 = arith.constant 24 : i32
      %add3A_481 = vector.broadcast %add3A_480 : i32 to vector<16xi32>
      %add3A_482 = arith.addi %mul3A_60, %add3A_481 : vector<16xi32>
      %add3A_483 = arith.constant 1 : i32
      %add3A_484 = vector.broadcast %add3A_483 : i32 to vector<16xi32>
      %add3A_485 = arith.addi %add3A_482, %add3A_484 : vector<16xi32>
      %gather3A_486 = tpu.vector_load_idx %arg7[%add3A_485] : memref<16384xf32, #tpu.memory_space<vmem>>[vector<16xi32>], vector<16xf32>,
      %add3A_487 = arith.constant 24 : i32
      %add3A_488 = vector.broadcast %add3A_487 : i32 to vector<16xi32>
      %add3A_489 = arith.addi %mul3A_60, %add3A_488 : vector<16xi32>
      %add3A_490 = arith.constant 2 : i32
      %add3A_491 = vector.broadcast %add3A_490 : i32 to vector<16xi32>
      %add3A_492 = arith.addi %add3A_489, %add3A_491 : vector<16xi32>
      %gather3A_493 = tpu.vector_load_idx %arg7[%add3A_492] : memref<16384xf32, #tpu.memory_space<vmem>>[vector<16xi32>], vector<16xf32>,
      %add3A_494 = arith.constant 24 : i32
      %add3A_495 = vector.broadcast %add3A_494 : i32 to vector<16xi32>
      %add3A_496 = arith.addi %mul3A_60, %add3A_495 : vector<16xi32>
      %add3A_497 = arith.constant 3 : i32
      %add3A_498 = vector.broadcast %add3A_497 : i32 to vector<16xi32>
      %add3A_499 = arith.addi %add3A_496, %add3A_498 : vector<16xi32>
      %gather3A_500 = tpu.vector_load_idx %arg7[%add3A_499] : memref<16384xf32, #tpu.memory_space<vmem>>[vector<16xi32>], vector<16xf32>,
      %add3A_501 = arith.constant 24 : i32
      %add3A_502 = vector.broadcast %add3A_501 : i32 to vector<16xi32>
      %add3A_503 = arith.addi %mul3A_63, %add3A_502 : vector<16xi32>
      %gather3A_504 = tpu.vector_load_idx %arg8[%add3A_503] : memref<32768xf32, #tpu.memory_space<vmem>>[vector<16xi32>], vector<16xf32>,
      %add3A_505 = arith.constant 24 : i32
      %add3A_506 = vector.broadcast %add3A_505 : i32 to vector<16xi32>
      %add3A_507 = arith.addi %mul3A_63, %add3A_506 : vector<16xi32>
      %add3A_508 = arith.constant 1 : i32
      %add3A_509 = vector.broadcast %add3A_508 : i32 to vector<16xi32>
      %add3A_510 = arith.addi %add3A_507, %add3A_509 : vector<16xi32>
      %gather3A_511 = tpu.vector_load_idx %arg8[%add3A_510] : memref<32768xf32, #tpu.memory_space<vmem>>[vector<16xi32>], vector<16xf32>,
      %add3A_512 = arith.constant 24 : i32
      %add3A_513 = vector.broadcast %add3A_512 : i32 to vector<16xi32>
      %add3A_514 = arith.addi %mul3A_63, %add3A_513 : vector<16xi32>
      %add3A_515 = arith.constant 2 : i32
      %add3A_516 = vector.broadcast %add3A_515 : i32 to vector<16xi32>
      %add3A_517 = arith.addi %add3A_514, %add3A_516 : vector<16xi32>
      %gather3A_518 = tpu.vector_load_idx %arg8[%add3A_517] : memref<32768xf32, #tpu.memory_space<vmem>>[vector<16xi32>], vector<16xf32>,
      %add3A_519 = arith.constant 24 : i32
      %add3A_520 = vector.broadcast %add3A_519 : i32 to vector<16xi32>
      %add3A_521 = arith.addi %mul3A_63, %add3A_520 : vector<16xi32>
      %add3A_522 = arith.constant 3 : i32
      %add3A_523 = vector.broadcast %add3A_522 : i32 to vector<16xi32>
      %add3A_524 = arith.addi %add3A_521, %add3A_523 : vector<16xi32>
      %gather3A_525 = tpu.vector_load_idx %arg8[%add3A_524] : memref<32768xf32, #tpu.memory_space<vmem>>[vector<16xi32>], vector<16xf32>,
      %mul3A_526 = arith.mulf %gather3A_479, %gather3A_504 : vector<16xf32>
      %add3A_527 = arith.addf %add3A_461, %mul3A_526 : vector<16xf32>
      %mul3A_528 = arith.mulf %gather3A_486, %gather3A_511 : vector<16xf32>
      %add3A_529 = arith.addf %add3A_463, %mul3A_528 : vector<16xf32>
      %mul3A_530 = arith.mulf %gather3A_493, %gather3A_518 : vector<16xf32>
      %add3A_531 = arith.addf %add3A_465, %mul3A_530 : vector<16xf32>
      %mul3A_532 = arith.mulf %gather3A_500, %gather3A_525 : vector<16xf32>
      %add3A_533 = arith.addf %add3A_467, %mul3A_532 : vector<16xf32>
      %mul3A_534 = arith.mulf %gather3A_479, %gather3A_479 : vector<16xf32>
      %add3A_535 = arith.addf %add3A_469, %mul3A_534 : vector<16xf32>
      %mul3A_536 = arith.mulf %gather3A_486, %gather3A_486 : vector<16xf32>
      %add3A_537 = arith.addf %add3A_471, %mul3A_536 : vector<16xf32>
      %mul3A_538 = arith.mulf %gather3A_493, %gather3A_493 : vector<16xf32>
      %add3A_539 = arith.addf %add3A_473, %mul3A_538 : vector<16xf32>
      %mul3A_540 = arith.mulf %gather3A_500, %gather3A_500 : vector<16xf32>
      %add3A_541 = arith.addf %add3A_475, %mul3A_540 : vector<16xf32>
      %add3A_542 = arith.constant 28 : i32
      %add3A_543 = vector.broadcast %add3A_542 : i32 to vector<16xi32>
      %add3A_544 = arith.addi %mul3A_60, %add3A_543 : vector<16xi32>
      %gather3A_545 = tpu.vector_load_idx %arg7[%add3A_544] : memref<16384xf32, #tpu.memory_space<vmem>>[vector<16xi32>], vector<16xf32>,
      %add3A_546 = arith.constant 28 : i32
      %add3A_547 = vector.broadcast %add3A_546 : i32 to vector<16xi32>
      %add3A_548 = arith.addi %mul3A_60, %add3A_547 : vector<16xi32>
      %add3A_549 = arith.constant 1 : i32
      %add3A_550 = vector.broadcast %add3A_549 : i32 to vector<16xi32>
      %add3A_551 = arith.addi %add3A_548, %add3A_550 : vector<16xi32>
      %gather3A_552 = tpu.vector_load_idx %arg7[%add3A_551] : memref<16384xf32, #tpu.memory_space<vmem>>[vector<16xi32>], vector<16xf32>,
      %add3A_553 = arith.constant 28 : i32
      %add3A_554 = vector.broadcast %add3A_553 : i32 to vector<16xi32>
      %add3A_555 = arith.addi %mul3A_60, %add3A_554 : vector<16xi32>
      %add3A_556 = arith.constant 2 : i32
      %add3A_557 = vector.broadcast %add3A_556 : i32 to vector<16xi32>
      %add3A_558 = arith.addi %add3A_555, %add3A_557 : vector<16xi32>
      %gather3A_559 = tpu.vector_load_idx %arg7[%add3A_558] : memref<16384xf32, #tpu.memory_space<vmem>>[vector<16xi32>], vector<16xf32>,
      %add3A_560 = arith.constant 28 : i32
      %add3A_561 = vector.broadcast %add3A_560 : i32 to vector<16xi32>
      %add3A_562 = arith.addi %mul3A_60, %add3A_561 : vector<16xi32>
      %add3A_563 = arith.constant 3 : i32
      %add3A_564 = vector.broadcast %add3A_563 : i32 to vector<16xi32>
      %add3A_565 = arith.addi %add3A_562, %add3A_564 : vector<16xi32>
      %gather3A_566 = tpu.vector_load_idx %arg7[%add3A_565] : memref<16384xf32, #tpu.memory_space<vmem>>[vector<16xi32>], vector<16xf32>,
      %add3A_567 = arith.constant 28 : i32
      %add3A_568 = vector.broadcast %add3A_567 : i32 to vector<16xi32>
      %add3A_569 = arith.addi %mul3A_63, %add3A_568 : vector<16xi32>
      %gather3A_570 = tpu.vector_load_idx %arg8[%add3A_569] : memref<32768xf32, #tpu.memory_space<vmem>>[vector<16xi32>], vector<16xf32>,
      %add3A_571 = arith.constant 28 : i32
      %add3A_572 = vector.broadcast %add3A_571 : i32 to vector<16xi32>
      %add3A_573 = arith.addi %mul3A_63, %add3A_572 : vector<16xi32>
      %add3A_574 = arith.constant 1 : i32
      %add3A_575 = vector.broadcast %add3A_574 : i32 to vector<16xi32>
      %add3A_576 = arith.addi %add3A_573, %add3A_575 : vector<16xi32>
      %gather3A_577 = tpu.vector_load_idx %arg8[%add3A_576] : memref<32768xf32, #tpu.memory_space<vmem>>[vector<16xi32>], vector<16xf32>,
      %add3A_578 = arith.constant 28 : i32
      %add3A_579 = vector.broadcast %add3A_578 : i32 to vector<16xi32>
      %add3A_580 = arith.addi %mul3A_63, %add3A_579 : vector<16xi32>
      %add3A_581 = arith.constant 2 : i32
      %add3A_582 = vector.broadcast %add3A_581 : i32 to vector<16xi32>
      %add3A_583 = arith.addi %add3A_580, %add3A_582 : vector<16xi32>
      %gather3A_584 = tpu.vector_load_idx %arg8[%add3A_583] : memref<32768xf32, #tpu.memory_space<vmem>>[vector<16xi32>], vector<16xf32>,
      %add3A_585 = arith.constant 28 : i32
      %add3A_586 = vector.broadcast %add3A_585 : i32 to vector<16xi32>
      %add3A_587 = arith.addi %mul3A_63, %add3A_586 : vector<16xi32>
      %add3A_588 = arith.constant 3 : i32
      %add3A_589 = vector.broadcast %add3A_588 : i32 to vector<16xi32>
      %add3A_590 = arith.addi %add3A_587, %add3A_589 : vector<16xi32>
      %gather3A_591 = tpu.vector_load_idx %arg8[%add3A_590] : memref<32768xf32, #tpu.memory_space<vmem>>[vector<16xi32>], vector<16xf32>,
      %mul3A_592 = arith.mulf %gather3A_545, %gather3A_570 : vector<16xf32>
      %add3A_593 = arith.addf %add3A_527, %mul3A_592 : vector<16xf32>
      %mul3A_594 = arith.mulf %gather3A_552, %gather3A_577 : vector<16xf32>
      %add3A_595 = arith.addf %add3A_529, %mul3A_594 : vector<16xf32>
      %mul3A_596 = arith.mulf %gather3A_559, %gather3A_584 : vector<16xf32>
      %add3A_597 = arith.addf %add3A_531, %mul3A_596 : vector<16xf32>
      %mul3A_598 = arith.mulf %gather3A_566, %gather3A_591 : vector<16xf32>
      %add3A_599 = arith.addf %add3A_533, %mul3A_598 : vector<16xf32>
      %mul3A_600 = arith.mulf %gather3A_545, %gather3A_545 : vector<16xf32>
      %add3A_601 = arith.addf %add3A_535, %mul3A_600 : vector<16xf32>
      %mul3A_602 = arith.mulf %gather3A_552, %gather3A_552 : vector<16xf32>
      %add3A_603 = arith.addf %add3A_537, %mul3A_602 : vector<16xf32>
      %mul3A_604 = arith.mulf %gather3A_559, %gather3A_559 : vector<16xf32>
      %add3A_605 = arith.addf %add3A_539, %mul3A_604 : vector<16xf32>
      %mul3A_606 = arith.mulf %gather3A_566, %gather3A_566 : vector<16xf32>
      %add3A_607 = arith.addf %add3A_541, %mul3A_606 : vector<16xf32>
      %add3A_608 = arith.addf %add3A_593, %add3A_595 : vector<16xf32>
      %add3A_609 = arith.addf %add3A_597, %add3A_599 : vector<16xf32>
      %add3A_610 = arith.addf %add3A_608, %add3A_609 : vector<16xf32>
      %add3A_611 = arith.addf %add3A_601, %add3A_603 : vector<16xf32>
      %add3A_612 = arith.addf %add3A_605, %add3A_607 : vector<16xf32>
      %add3A_613 = arith.addf %add3A_611, %add3A_612 : vector<16xf32>
      %gather3A_614 = tpu.vector_load_idx %arg9[%gather3A] : memref<1024xf32, #tpu.memory_space<vmem>>[vector<16xi32>], vector<16xf32>,
      %max3A = arith.constant 1.000000e-24 : f32
      %max3A_615 = vector.broadcast %max3A : f32 to vector<16xf32>
      %max3A_616 = arith.maximumf %add3A_613, %max3A_615 : vector<16xf32>
      %max3A_617 = arith.constant 1.000000e-24 : f32
      %max3A_618 = vector.broadcast %max3A_617 : f32 to vector<16xf32>
      %max3A_619 = arith.maximumf %gather3A_614, %max3A_618 : vector<16xf32>
      %mul3A_620 = arith.mulf %max3A_616, %max3A_619 : vector<16xf32>
      %bitcast3A = vector.bitcast %mul3A_620 : vector<16xf32> to vector<16xi32>
      %broadcast_in_dim3A_621 = arith.constant 1597463007 : i32
      %broadcast_in_dim3A_622 = vector.broadcast %broadcast_in_dim3A_621 : i32 to vector<16xi32>
      %broadcast_in_dim3A_623 = arith.constant 1 : i32
      %broadcast_in_dim3A_624 = vector.broadcast %broadcast_in_dim3A_623 : i32 to vector<16xi32>
      %shift_right_arithmetic3A = arith.shrsi %bitcast3A, %broadcast_in_dim3A_624 : vector<16xi32>
      %sub3A = arith.subi %broadcast_in_dim3A_622, %shift_right_arithmetic3A : vector<16xi32>
      %bitcast3A_625 = vector.bitcast %sub3A : vector<16xi32> to vector<16xf32>
      %mul3A_626 = arith.constant 5.000000e-01 : f32
      %mul3A_627 = vector.broadcast %mul3A_626 : f32 to vector<16xf32>
      %mul3A_628 = arith.mulf %mul3A_627, %mul3A_620 : vector<16xf32>
      %mul3A_629 = arith.mulf %mul3A_628, %bitcast3A_625 : vector<16xf32>
      %mul3A_630 = arith.mulf %mul3A_629, %bitcast3A_625 : vector<16xf32>
      %sub3A_631 = arith.constant 1.500000e+00 : f32
      %sub3A_632 = vector.broadcast %sub3A_631 : f32 to vector<16xf32>
      %sub3A_633 = arith.subf %sub3A_632, %mul3A_630 : vector<16xf32>
      %mul3A_634 = arith.mulf %bitcast3A_625, %sub3A_633 : vector<16xf32>
      %mul3A_635 = arith.constant 5.000000e-01 : f32
      %mul3A_636 = vector.broadcast %mul3A_635 : f32 to vector<16xf32>
      %mul3A_637 = arith.mulf %mul3A_636, %mul3A_620 : vector<16xf32>
      %mul3A_638 = arith.mulf %mul3A_637, %mul3A_634 : vector<16xf32>
      %mul3A_639 = arith.mulf %mul3A_638, %mul3A_634 : vector<16xf32>
      %sub3A_640 = arith.constant 1.500000e+00 : f32
      %sub3A_641 = vector.broadcast %sub3A_640 : f32 to vector<16xf32>
      %sub3A_642 = arith.subf %sub3A_641, %mul3A_639 : vector<16xf32>
      %mul3A_643 = arith.mulf %mul3A_634, %sub3A_642 : vector<16xf32>
      %mul3A_644 = arith.constant 5.000000e-01 : f32
      %mul3A_645 = vector.broadcast %mul3A_644 : f32 to vector<16xf32>
      %mul3A_646 = arith.mulf %mul3A_645, %mul3A_620 : vector<16xf32>
      %mul3A_647 = arith.mulf %mul3A_646, %mul3A_643 : vector<16xf32>
      %mul3A_648 = arith.mulf %mul3A_647, %mul3A_643 : vector<16xf32>
      %sub3A_649 = arith.constant 1.500000e+00 : f32
      %sub3A_650 = vector.broadcast %sub3A_649 : f32 to vector<16xf32>
      %sub3A_651 = arith.subf %sub3A_650, %mul3A_648 : vector<16xf32>
      %mul3A_652 = arith.mulf %mul3A_643, %sub3A_651 : vector<16xf32>
      %mul3A_653 = arith.constant 5.000000e-01 : f32
      %mul3A_654 = vector.broadcast %mul3A_653 : f32 to vector<16xf32>
      %mul3A_655 = arith.mulf %mul3A_654, %mul3A_620 : vector<16xf32>
      %mul3A_656 = arith.mulf %mul3A_655, %mul3A_652 : vector<16xf32>
      %mul3A_657 = arith.mulf %mul3A_656, %mul3A_652 : vector<16xf32>
      %sub3A_658 = arith.constant 1.500000e+00 : f32
      %sub3A_659 = vector.broadcast %sub3A_658 : f32 to vector<16xf32>
      %sub3A_660 = arith.subf %sub3A_659, %mul3A_657 : vector<16xf32>
      %mul3A_661 = arith.mulf %mul3A_652, %sub3A_660 : vector<16xf32>
      %mul3A_662 = arith.mulf %add3A_610, %mul3A_661 : vector<16xf32>
      %add3A_663 = arith.addf %scan3A_53, %mul3A_662 : vector<16xf32>
      scf.yield %add3A_663 : vector<16xf32>
    }
    %scan3A_18 = arith.constant 32 : i32
    %add3A_19 = arith.constant 512 : i32
    %add3A_20 = arith.addi %mul3A_2, %add3A_19 : i32
    "tpu.region"() ({
      %run_scoped3A = tpu.sem_alloc : memref<!tpu.dma_semaphore, #tpu.memory_space<semaphore_mem>>
      %dma_start3A = tpu.memref_slice %arg3[%add3A_20] : memref<65536xi32, #tpu.memory_space<hbm>> -> memref<512xi32, #tpu.memory_space<hbm>>
      %dma_start3A_52 = tpu.memref_slice %arg3[%add3A_20] : memref<65536xi32, #tpu.memory_space<hbm>> -> memref<512xi32, #tpu.memory_space<hbm>>
      tpu.enqueue_dma source(%dma_start3A_52 : memref<512xi32, #tpu.memory_space<hbm>>) target(%arg6 : memref<512xi32, #tpu.memory_space<vmem>>) target_semaphore(%run_scoped3A : memref<!tpu.dma_semaphore, #tpu.memory_space<semaphore_mem>>)
      %dma_wait3A = tpu.memref_slice %arg3[%add3A_20] : memref<65536xi32, #tpu.memory_space<hbm>> -> memref<512xi32, #tpu.memory_space<hbm>>
      %dma_wait3A_53 = tpu.memref_slice %arg3[%add3A_20] : memref<65536xi32, #tpu.memory_space<hbm>> -> memref<512xi32, #tpu.memory_space<hbm>>
      tpu.wait_dma2 semaphore(%run_scoped3A : memref<!tpu.dma_semaphore, #tpu.memory_space<semaphore_mem>>) src(%dma_wait3A_53 : memref<512xi32, #tpu.memory_space<hbm>>) dst(%arg6 : memref<512xi32, #tpu.memory_space<vmem>>)
      tpu.yield
    }) : () -> ()
    %mul3A_21 = arith.constant 32 : i32
    %mul3A_22 = arith.muli %add3A_20, %mul3A_21 : i32
    "tpu.region"() ({
      %run_scoped3A = tpu.sem_alloc : memref<!tpu.dma_semaphore, #tpu.memory_space<semaphore_mem>>
      %dma_start3A = tpu.memref_slice %arg2[%mul3A_22] : memref<2097152xf32, #tpu.memory_space<hbm>> -> memref<16384xf32, #tpu.memory_space<hbm>>
      %dma_start3A_52 = tpu.memref_slice %arg2[%mul3A_22] : memref<2097152xf32, #tpu.memory_space<hbm>> -> memref<16384xf32, #tpu.memory_space<hbm>>
      tpu.enqueue_dma source(%dma_start3A_52 : memref<16384xf32, #tpu.memory_space<hbm>>) target(%arg7 : memref<16384xf32, #tpu.memory_space<vmem>>) target_semaphore(%run_scoped3A : memref<!tpu.dma_semaphore, #tpu.memory_space<semaphore_mem>>)
      %dma_wait3A = tpu.memref_slice %arg2[%mul3A_22] : memref<2097152xf32, #tpu.memory_space<hbm>> -> memref<16384xf32, #tpu.memory_space<hbm>>
      %dma_wait3A_53 = tpu.memref_slice %arg2[%mul3A_22] : memref<2097152xf32, #tpu.memory_space<hbm>> -> memref<16384xf32, #tpu.memory_space<hbm>>
      tpu.wait_dma2 semaphore(%run_scoped3A : memref<!tpu.dma_semaphore, #tpu.memory_space<semaphore_mem>>) src(%dma_wait3A_53 : memref<16384xf32, #tpu.memory_space<hbm>>) dst(%arg7 : memref<16384xf32, #tpu.memory_space<vmem>>)
      tpu.yield
    }) : () -> ()
    %scan3A_23 = arith.constant 0 : i32
    %scan3A_24 = arith.constant 32 : i32
    %scan3A_25 = arith.addi %scan3A_23, %scan3A_24 : i32
    %scan3A_26 = arith.constant 1 : i32
    %scan3A_27 = scf.for %scan3A_52 = %scan3A_23 to %scan3A_25 step %scan3A_26 iter_args(%scan3A_53 = %scan3A_17) -> (vector<16xf32>)  : i32 {
      %mul3A_54 = arith.constant 16 : i32
      %mul3A_55 = arith.muli %scan3A_52, %mul3A_54 : i32
      %add3A_56 = vector.broadcast %mul3A_55 : i32 to vector<16xi32>
      %add3A_57 = arith.addi %add3A_56, %iota3A : vector<16xi32>
      %gather3A = tpu.vector_load_idx %arg6[%add3A_57] : memref<512xi32, #tpu.memory_space<vmem>>[vector<16xi32>], vector<16xi32>,
      %mul3A_58 = arith.constant 32 : i32
      %mul3A_59 = vector.broadcast %mul3A_58 : i32 to vector<16xi32>
      %mul3A_60 = arith.muli %add3A_57, %mul3A_59 : vector<16xi32>
      %mul3A_61 = arith.constant 32 : i32
      %mul3A_62 = vector.broadcast %mul3A_61 : i32 to vector<16xi32>
      %mul3A_63 = arith.muli %gather3A, %mul3A_62 : vector<16xi32>
      %broadcast_in_dim3A_64 = arith.constant 0.000000e+00 : f32
      %broadcast_in_dim3A_65 = vector.broadcast %broadcast_in_dim3A_64 : f32 to vector<16xf32>
      %broadcast_in_dim3A_66 = arith.constant 0.000000e+00 : f32
      %broadcast_in_dim3A_67 = vector.broadcast %broadcast_in_dim3A_66 : f32 to vector<16xf32>
      %broadcast_in_dim3A_68 = arith.constant 0.000000e+00 : f32
      %broadcast_in_dim3A_69 = vector.broadcast %broadcast_in_dim3A_68 : f32 to vector<16xf32>
      %broadcast_in_dim3A_70 = arith.constant 0.000000e+00 : f32
      %broadcast_in_dim3A_71 = vector.broadcast %broadcast_in_dim3A_70 : f32 to vector<16xf32>
      %broadcast_in_dim3A_72 = arith.constant 0.000000e+00 : f32
      %broadcast_in_dim3A_73 = vector.broadcast %broadcast_in_dim3A_72 : f32 to vector<16xf32>
      %broadcast_in_dim3A_74 = arith.constant 0.000000e+00 : f32
      %broadcast_in_dim3A_75 = vector.broadcast %broadcast_in_dim3A_74 : f32 to vector<16xf32>
      %broadcast_in_dim3A_76 = arith.constant 0.000000e+00 : f32
      %broadcast_in_dim3A_77 = vector.broadcast %broadcast_in_dim3A_76 : f32 to vector<16xf32>
      %broadcast_in_dim3A_78 = arith.constant 0.000000e+00 : f32
      %broadcast_in_dim3A_79 = vector.broadcast %broadcast_in_dim3A_78 : f32 to vector<16xf32>
      %add3A_80 = arith.constant 0 : i32
      %add3A_81 = vector.broadcast %add3A_80 : i32 to vector<16xi32>
      %add3A_82 = arith.addi %mul3A_60, %add3A_81 : vector<16xi32>
      %gather3A_83 = tpu.vector_load_idx %arg7[%add3A_82] : memref<16384xf32, #tpu.memory_space<vmem>>[vector<16xi32>], vector<16xf32>,
      %add3A_84 = arith.constant 0 : i32
      %add3A_85 = vector.broadcast %add3A_84 : i32 to vector<16xi32>
      %add3A_86 = arith.addi %mul3A_60, %add3A_85 : vector<16xi32>
      %add3A_87 = arith.constant 1 : i32
      %add3A_88 = vector.broadcast %add3A_87 : i32 to vector<16xi32>
      %add3A_89 = arith.addi %add3A_86, %add3A_88 : vector<16xi32>
      %gather3A_90 = tpu.vector_load_idx %arg7[%add3A_89] : memref<16384xf32, #tpu.memory_space<vmem>>[vector<16xi32>], vector<16xf32>,
      %add3A_91 = arith.constant 0 : i32
      %add3A_92 = vector.broadcast %add3A_91 : i32 to vector<16xi32>
      %add3A_93 = arith.addi %mul3A_60, %add3A_92 : vector<16xi32>
      %add3A_94 = arith.constant 2 : i32
      %add3A_95 = vector.broadcast %add3A_94 : i32 to vector<16xi32>
      %add3A_96 = arith.addi %add3A_93, %add3A_95 : vector<16xi32>
      %gather3A_97 = tpu.vector_load_idx %arg7[%add3A_96] : memref<16384xf32, #tpu.memory_space<vmem>>[vector<16xi32>], vector<16xf32>,
      %add3A_98 = arith.constant 0 : i32
      %add3A_99 = vector.broadcast %add3A_98 : i32 to vector<16xi32>
      %add3A_100 = arith.addi %mul3A_60, %add3A_99 : vector<16xi32>
      %add3A_101 = arith.constant 3 : i32
      %add3A_102 = vector.broadcast %add3A_101 : i32 to vector<16xi32>
      %add3A_103 = arith.addi %add3A_100, %add3A_102 : vector<16xi32>
      %gather3A_104 = tpu.vector_load_idx %arg7[%add3A_103] : memref<16384xf32, #tpu.memory_space<vmem>>[vector<16xi32>], vector<16xf32>,
      %add3A_105 = arith.constant 0 : i32
      %add3A_106 = vector.broadcast %add3A_105 : i32 to vector<16xi32>
      %add3A_107 = arith.addi %mul3A_63, %add3A_106 : vector<16xi32>
      %gather3A_108 = tpu.vector_load_idx %arg8[%add3A_107] : memref<32768xf32, #tpu.memory_space<vmem>>[vector<16xi32>], vector<16xf32>,
      %add3A_109 = arith.constant 0 : i32
      %add3A_110 = vector.broadcast %add3A_109 : i32 to vector<16xi32>
      %add3A_111 = arith.addi %mul3A_63, %add3A_110 : vector<16xi32>
      %add3A_112 = arith.constant 1 : i32
      %add3A_113 = vector.broadcast %add3A_112 : i32 to vector<16xi32>
      %add3A_114 = arith.addi %add3A_111, %add3A_113 : vector<16xi32>
      %gather3A_115 = tpu.vector_load_idx %arg8[%add3A_114] : memref<32768xf32, #tpu.memory_space<vmem>>[vector<16xi32>], vector<16xf32>,
      %add3A_116 = arith.constant 0 : i32
      %add3A_117 = vector.broadcast %add3A_116 : i32 to vector<16xi32>
      %add3A_118 = arith.addi %mul3A_63, %add3A_117 : vector<16xi32>
      %add3A_119 = arith.constant 2 : i32
      %add3A_120 = vector.broadcast %add3A_119 : i32 to vector<16xi32>
      %add3A_121 = arith.addi %add3A_118, %add3A_120 : vector<16xi32>
      %gather3A_122 = tpu.vector_load_idx %arg8[%add3A_121] : memref<32768xf32, #tpu.memory_space<vmem>>[vector<16xi32>], vector<16xf32>,
      %add3A_123 = arith.constant 0 : i32
      %add3A_124 = vector.broadcast %add3A_123 : i32 to vector<16xi32>
      %add3A_125 = arith.addi %mul3A_63, %add3A_124 : vector<16xi32>
      %add3A_126 = arith.constant 3 : i32
      %add3A_127 = vector.broadcast %add3A_126 : i32 to vector<16xi32>
      %add3A_128 = arith.addi %add3A_125, %add3A_127 : vector<16xi32>
      %gather3A_129 = tpu.vector_load_idx %arg8[%add3A_128] : memref<32768xf32, #tpu.memory_space<vmem>>[vector<16xi32>], vector<16xf32>,
      %mul3A_130 = arith.mulf %gather3A_83, %gather3A_108 : vector<16xf32>
      %add3A_131 = arith.addf %broadcast_in_dim3A_65, %mul3A_130 : vector<16xf32>
      %mul3A_132 = arith.mulf %gather3A_90, %gather3A_115 : vector<16xf32>
      %add3A_133 = arith.addf %broadcast_in_dim3A_67, %mul3A_132 : vector<16xf32>
      %mul3A_134 = arith.mulf %gather3A_97, %gather3A_122 : vector<16xf32>
      %add3A_135 = arith.addf %broadcast_in_dim3A_69, %mul3A_134 : vector<16xf32>
      %mul3A_136 = arith.mulf %gather3A_104, %gather3A_129 : vector<16xf32>
      %add3A_137 = arith.addf %broadcast_in_dim3A_71, %mul3A_136 : vector<16xf32>
      %mul3A_138 = arith.mulf %gather3A_83, %gather3A_83 : vector<16xf32>
      %add3A_139 = arith.addf %broadcast_in_dim3A_73, %mul3A_138 : vector<16xf32>
      %mul3A_140 = arith.mulf %gather3A_90, %gather3A_90 : vector<16xf32>
      %add3A_141 = arith.addf %broadcast_in_dim3A_75, %mul3A_140 : vector<16xf32>
      %mul3A_142 = arith.mulf %gather3A_97, %gather3A_97 : vector<16xf32>
      %add3A_143 = arith.addf %broadcast_in_dim3A_77, %mul3A_142 : vector<16xf32>
      %mul3A_144 = arith.mulf %gather3A_104, %gather3A_104 : vector<16xf32>
      %add3A_145 = arith.addf %broadcast_in_dim3A_79, %mul3A_144 : vector<16xf32>
      %add3A_146 = arith.constant 4 : i32
      %add3A_147 = vector.broadcast %add3A_146 : i32 to vector<16xi32>
      %add3A_148 = arith.addi %mul3A_60, %add3A_147 : vector<16xi32>
      %gather3A_149 = tpu.vector_load_idx %arg7[%add3A_148] : memref<16384xf32, #tpu.memory_space<vmem>>[vector<16xi32>], vector<16xf32>,
      %add3A_150 = arith.constant 4 : i32
      %add3A_151 = vector.broadcast %add3A_150 : i32 to vector<16xi32>
      %add3A_152 = arith.addi %mul3A_60, %add3A_151 : vector<16xi32>
      %add3A_153 = arith.constant 1 : i32
      %add3A_154 = vector.broadcast %add3A_153 : i32 to vector<16xi32>
      %add3A_155 = arith.addi %add3A_152, %add3A_154 : vector<16xi32>
      %gather3A_156 = tpu.vector_load_idx %arg7[%add3A_155] : memref<16384xf32, #tpu.memory_space<vmem>>[vector<16xi32>], vector<16xf32>,
      %add3A_157 = arith.constant 4 : i32
      %add3A_158 = vector.broadcast %add3A_157 : i32 to vector<16xi32>
      %add3A_159 = arith.addi %mul3A_60, %add3A_158 : vector<16xi32>
      %add3A_160 = arith.constant 2 : i32
      %add3A_161 = vector.broadcast %add3A_160 : i32 to vector<16xi32>
      %add3A_162 = arith.addi %add3A_159, %add3A_161 : vector<16xi32>
      %gather3A_163 = tpu.vector_load_idx %arg7[%add3A_162] : memref<16384xf32, #tpu.memory_space<vmem>>[vector<16xi32>], vector<16xf32>,
      %add3A_164 = arith.constant 4 : i32
      %add3A_165 = vector.broadcast %add3A_164 : i32 to vector<16xi32>
      %add3A_166 = arith.addi %mul3A_60, %add3A_165 : vector<16xi32>
      %add3A_167 = arith.constant 3 : i32
      %add3A_168 = vector.broadcast %add3A_167 : i32 to vector<16xi32>
      %add3A_169 = arith.addi %add3A_166, %add3A_168 : vector<16xi32>
      %gather3A_170 = tpu.vector_load_idx %arg7[%add3A_169] : memref<16384xf32, #tpu.memory_space<vmem>>[vector<16xi32>], vector<16xf32>,
      %add3A_171 = arith.constant 4 : i32
      %add3A_172 = vector.broadcast %add3A_171 : i32 to vector<16xi32>
      %add3A_173 = arith.addi %mul3A_63, %add3A_172 : vector<16xi32>
      %gather3A_174 = tpu.vector_load_idx %arg8[%add3A_173] : memref<32768xf32, #tpu.memory_space<vmem>>[vector<16xi32>], vector<16xf32>,
      %add3A_175 = arith.constant 4 : i32
      %add3A_176 = vector.broadcast %add3A_175 : i32 to vector<16xi32>
      %add3A_177 = arith.addi %mul3A_63, %add3A_176 : vector<16xi32>
      %add3A_178 = arith.constant 1 : i32
      %add3A_179 = vector.broadcast %add3A_178 : i32 to vector<16xi32>
      %add3A_180 = arith.addi %add3A_177, %add3A_179 : vector<16xi32>
      %gather3A_181 = tpu.vector_load_idx %arg8[%add3A_180] : memref<32768xf32, #tpu.memory_space<vmem>>[vector<16xi32>], vector<16xf32>,
      %add3A_182 = arith.constant 4 : i32
      %add3A_183 = vector.broadcast %add3A_182 : i32 to vector<16xi32>
      %add3A_184 = arith.addi %mul3A_63, %add3A_183 : vector<16xi32>
      %add3A_185 = arith.constant 2 : i32
      %add3A_186 = vector.broadcast %add3A_185 : i32 to vector<16xi32>
      %add3A_187 = arith.addi %add3A_184, %add3A_186 : vector<16xi32>
      %gather3A_188 = tpu.vector_load_idx %arg8[%add3A_187] : memref<32768xf32, #tpu.memory_space<vmem>>[vector<16xi32>], vector<16xf32>,
      %add3A_189 = arith.constant 4 : i32
      %add3A_190 = vector.broadcast %add3A_189 : i32 to vector<16xi32>
      %add3A_191 = arith.addi %mul3A_63, %add3A_190 : vector<16xi32>
      %add3A_192 = arith.constant 3 : i32
      %add3A_193 = vector.broadcast %add3A_192 : i32 to vector<16xi32>
      %add3A_194 = arith.addi %add3A_191, %add3A_193 : vector<16xi32>
      %gather3A_195 = tpu.vector_load_idx %arg8[%add3A_194] : memref<32768xf32, #tpu.memory_space<vmem>>[vector<16xi32>], vector<16xf32>,
      %mul3A_196 = arith.mulf %gather3A_149, %gather3A_174 : vector<16xf32>
      %add3A_197 = arith.addf %add3A_131, %mul3A_196 : vector<16xf32>
      %mul3A_198 = arith.mulf %gather3A_156, %gather3A_181 : vector<16xf32>
      %add3A_199 = arith.addf %add3A_133, %mul3A_198 : vector<16xf32>
      %mul3A_200 = arith.mulf %gather3A_163, %gather3A_188 : vector<16xf32>
      %add3A_201 = arith.addf %add3A_135, %mul3A_200 : vector<16xf32>
      %mul3A_202 = arith.mulf %gather3A_170, %gather3A_195 : vector<16xf32>
      %add3A_203 = arith.addf %add3A_137, %mul3A_202 : vector<16xf32>
      %mul3A_204 = arith.mulf %gather3A_149, %gather3A_149 : vector<16xf32>
      %add3A_205 = arith.addf %add3A_139, %mul3A_204 : vector<16xf32>
      %mul3A_206 = arith.mulf %gather3A_156, %gather3A_156 : vector<16xf32>
      %add3A_207 = arith.addf %add3A_141, %mul3A_206 : vector<16xf32>
      %mul3A_208 = arith.mulf %gather3A_163, %gather3A_163 : vector<16xf32>
      %add3A_209 = arith.addf %add3A_143, %mul3A_208 : vector<16xf32>
      %mul3A_210 = arith.mulf %gather3A_170, %gather3A_170 : vector<16xf32>
      %add3A_211 = arith.addf %add3A_145, %mul3A_210 : vector<16xf32>
      %add3A_212 = arith.constant 8 : i32
      %add3A_213 = vector.broadcast %add3A_212 : i32 to vector<16xi32>
      %add3A_214 = arith.addi %mul3A_60, %add3A_213 : vector<16xi32>
      %gather3A_215 = tpu.vector_load_idx %arg7[%add3A_214] : memref<16384xf32, #tpu.memory_space<vmem>>[vector<16xi32>], vector<16xf32>,
      %add3A_216 = arith.constant 8 : i32
      %add3A_217 = vector.broadcast %add3A_216 : i32 to vector<16xi32>
      %add3A_218 = arith.addi %mul3A_60, %add3A_217 : vector<16xi32>
      %add3A_219 = arith.constant 1 : i32
      %add3A_220 = vector.broadcast %add3A_219 : i32 to vector<16xi32>
      %add3A_221 = arith.addi %add3A_218, %add3A_220 : vector<16xi32>
      %gather3A_222 = tpu.vector_load_idx %arg7[%add3A_221] : memref<16384xf32, #tpu.memory_space<vmem>>[vector<16xi32>], vector<16xf32>,
      %add3A_223 = arith.constant 8 : i32
      %add3A_224 = vector.broadcast %add3A_223 : i32 to vector<16xi32>
      %add3A_225 = arith.addi %mul3A_60, %add3A_224 : vector<16xi32>
      %add3A_226 = arith.constant 2 : i32
      %add3A_227 = vector.broadcast %add3A_226 : i32 to vector<16xi32>
      %add3A_228 = arith.addi %add3A_225, %add3A_227 : vector<16xi32>
      %gather3A_229 = tpu.vector_load_idx %arg7[%add3A_228] : memref<16384xf32, #tpu.memory_space<vmem>>[vector<16xi32>], vector<16xf32>,
      %add3A_230 = arith.constant 8 : i32
      %add3A_231 = vector.broadcast %add3A_230 : i32 to vector<16xi32>
      %add3A_232 = arith.addi %mul3A_60, %add3A_231 : vector<16xi32>
      %add3A_233 = arith.constant 3 : i32
      %add3A_234 = vector.broadcast %add3A_233 : i32 to vector<16xi32>
      %add3A_235 = arith.addi %add3A_232, %add3A_234 : vector<16xi32>
      %gather3A_236 = tpu.vector_load_idx %arg7[%add3A_235] : memref<16384xf32, #tpu.memory_space<vmem>>[vector<16xi32>], vector<16xf32>,
      %add3A_237 = arith.constant 8 : i32
      %add3A_238 = vector.broadcast %add3A_237 : i32 to vector<16xi32>
      %add3A_239 = arith.addi %mul3A_63, %add3A_238 : vector<16xi32>
      %gather3A_240 = tpu.vector_load_idx %arg8[%add3A_239] : memref<32768xf32, #tpu.memory_space<vmem>>[vector<16xi32>], vector<16xf32>,
      %add3A_241 = arith.constant 8 : i32
      %add3A_242 = vector.broadcast %add3A_241 : i32 to vector<16xi32>
      %add3A_243 = arith.addi %mul3A_63, %add3A_242 : vector<16xi32>
      %add3A_244 = arith.constant 1 : i32
      %add3A_245 = vector.broadcast %add3A_244 : i32 to vector<16xi32>
      %add3A_246 = arith.addi %add3A_243, %add3A_245 : vector<16xi32>
      %gather3A_247 = tpu.vector_load_idx %arg8[%add3A_246] : memref<32768xf32, #tpu.memory_space<vmem>>[vector<16xi32>], vector<16xf32>,
      %add3A_248 = arith.constant 8 : i32
      %add3A_249 = vector.broadcast %add3A_248 : i32 to vector<16xi32>
      %add3A_250 = arith.addi %mul3A_63, %add3A_249 : vector<16xi32>
      %add3A_251 = arith.constant 2 : i32
      %add3A_252 = vector.broadcast %add3A_251 : i32 to vector<16xi32>
      %add3A_253 = arith.addi %add3A_250, %add3A_252 : vector<16xi32>
      %gather3A_254 = tpu.vector_load_idx %arg8[%add3A_253] : memref<32768xf32, #tpu.memory_space<vmem>>[vector<16xi32>], vector<16xf32>,
      %add3A_255 = arith.constant 8 : i32
      %add3A_256 = vector.broadcast %add3A_255 : i32 to vector<16xi32>
      %add3A_257 = arith.addi %mul3A_63, %add3A_256 : vector<16xi32>
      %add3A_258 = arith.constant 3 : i32
      %add3A_259 = vector.broadcast %add3A_258 : i32 to vector<16xi32>
      %add3A_260 = arith.addi %add3A_257, %add3A_259 : vector<16xi32>
      %gather3A_261 = tpu.vector_load_idx %arg8[%add3A_260] : memref<32768xf32, #tpu.memory_space<vmem>>[vector<16xi32>], vector<16xf32>,
      %mul3A_262 = arith.mulf %gather3A_215, %gather3A_240 : vector<16xf32>
      %add3A_263 = arith.addf %add3A_197, %mul3A_262 : vector<16xf32>
      %mul3A_264 = arith.mulf %gather3A_222, %gather3A_247 : vector<16xf32>
      %add3A_265 = arith.addf %add3A_199, %mul3A_264 : vector<16xf32>
      %mul3A_266 = arith.mulf %gather3A_229, %gather3A_254 : vector<16xf32>
      %add3A_267 = arith.addf %add3A_201, %mul3A_266 : vector<16xf32>
      %mul3A_268 = arith.mulf %gather3A_236, %gather3A_261 : vector<16xf32>
      %add3A_269 = arith.addf %add3A_203, %mul3A_268 : vector<16xf32>
      %mul3A_270 = arith.mulf %gather3A_215, %gather3A_215 : vector<16xf32>
      %add3A_271 = arith.addf %add3A_205, %mul3A_270 : vector<16xf32>
      %mul3A_272 = arith.mulf %gather3A_222, %gather3A_222 : vector<16xf32>
      %add3A_273 = arith.addf %add3A_207, %mul3A_272 : vector<16xf32>
      %mul3A_274 = arith.mulf %gather3A_229, %gather3A_229 : vector<16xf32>
      %add3A_275 = arith.addf %add3A_209, %mul3A_274 : vector<16xf32>
      %mul3A_276 = arith.mulf %gather3A_236, %gather3A_236 : vector<16xf32>
      %add3A_277 = arith.addf %add3A_211, %mul3A_276 : vector<16xf32>
      %add3A_278 = arith.constant 12 : i32
      %add3A_279 = vector.broadcast %add3A_278 : i32 to vector<16xi32>
      %add3A_280 = arith.addi %mul3A_60, %add3A_279 : vector<16xi32>
      %gather3A_281 = tpu.vector_load_idx %arg7[%add3A_280] : memref<16384xf32, #tpu.memory_space<vmem>>[vector<16xi32>], vector<16xf32>,
      %add3A_282 = arith.constant 12 : i32
      %add3A_283 = vector.broadcast %add3A_282 : i32 to vector<16xi32>
      %add3A_284 = arith.addi %mul3A_60, %add3A_283 : vector<16xi32>
      %add3A_285 = arith.constant 1 : i32
      %add3A_286 = vector.broadcast %add3A_285 : i32 to vector<16xi32>
      %add3A_287 = arith.addi %add3A_284, %add3A_286 : vector<16xi32>
      %gather3A_288 = tpu.vector_load_idx %arg7[%add3A_287] : memref<16384xf32, #tpu.memory_space<vmem>>[vector<16xi32>], vector<16xf32>,
      %add3A_289 = arith.constant 12 : i32
      %add3A_290 = vector.broadcast %add3A_289 : i32 to vector<16xi32>
      %add3A_291 = arith.addi %mul3A_60, %add3A_290 : vector<16xi32>
      %add3A_292 = arith.constant 2 : i32
      %add3A_293 = vector.broadcast %add3A_292 : i32 to vector<16xi32>
      %add3A_294 = arith.addi %add3A_291, %add3A_293 : vector<16xi32>
      %gather3A_295 = tpu.vector_load_idx %arg7[%add3A_294] : memref<16384xf32, #tpu.memory_space<vmem>>[vector<16xi32>], vector<16xf32>,
      %add3A_296 = arith.constant 12 : i32
      %add3A_297 = vector.broadcast %add3A_296 : i32 to vector<16xi32>
      %add3A_298 = arith.addi %mul3A_60, %add3A_297 : vector<16xi32>
      %add3A_299 = arith.constant 3 : i32
      %add3A_300 = vector.broadcast %add3A_299 : i32 to vector<16xi32>
      %add3A_301 = arith.addi %add3A_298, %add3A_300 : vector<16xi32>
      %gather3A_302 = tpu.vector_load_idx %arg7[%add3A_301] : memref<16384xf32, #tpu.memory_space<vmem>>[vector<16xi32>], vector<16xf32>,
      %add3A_303 = arith.constant 12 : i32
      %add3A_304 = vector.broadcast %add3A_303 : i32 to vector<16xi32>
      %add3A_305 = arith.addi %mul3A_63, %add3A_304 : vector<16xi32>
      %gather3A_306 = tpu.vector_load_idx %arg8[%add3A_305] : memref<32768xf32, #tpu.memory_space<vmem>>[vector<16xi32>], vector<16xf32>,
      %add3A_307 = arith.constant 12 : i32
      %add3A_308 = vector.broadcast %add3A_307 : i32 to vector<16xi32>
      %add3A_309 = arith.addi %mul3A_63, %add3A_308 : vector<16xi32>
      %add3A_310 = arith.constant 1 : i32
      %add3A_311 = vector.broadcast %add3A_310 : i32 to vector<16xi32>
      %add3A_312 = arith.addi %add3A_309, %add3A_311 : vector<16xi32>
      %gather3A_313 = tpu.vector_load_idx %arg8[%add3A_312] : memref<32768xf32, #tpu.memory_space<vmem>>[vector<16xi32>], vector<16xf32>,
      %add3A_314 = arith.constant 12 : i32
      %add3A_315 = vector.broadcast %add3A_314 : i32 to vector<16xi32>
      %add3A_316 = arith.addi %mul3A_63, %add3A_315 : vector<16xi32>
      %add3A_317 = arith.constant 2 : i32
      %add3A_318 = vector.broadcast %add3A_317 : i32 to vector<16xi32>
      %add3A_319 = arith.addi %add3A_316, %add3A_318 : vector<16xi32>
      %gather3A_320 = tpu.vector_load_idx %arg8[%add3A_319] : memref<32768xf32, #tpu.memory_space<vmem>>[vector<16xi32>], vector<16xf32>,
      %add3A_321 = arith.constant 12 : i32
      %add3A_322 = vector.broadcast %add3A_321 : i32 to vector<16xi32>
      %add3A_323 = arith.addi %mul3A_63, %add3A_322 : vector<16xi32>
      %add3A_324 = arith.constant 3 : i32
      %add3A_325 = vector.broadcast %add3A_324 : i32 to vector<16xi32>
      %add3A_326 = arith.addi %add3A_323, %add3A_325 : vector<16xi32>
      %gather3A_327 = tpu.vector_load_idx %arg8[%add3A_326] : memref<32768xf32, #tpu.memory_space<vmem>>[vector<16xi32>], vector<16xf32>,
      %mul3A_328 = arith.mulf %gather3A_281, %gather3A_306 : vector<16xf32>
      %add3A_329 = arith.addf %add3A_263, %mul3A_328 : vector<16xf32>
      %mul3A_330 = arith.mulf %gather3A_288, %gather3A_313 : vector<16xf32>
      %add3A_331 = arith.addf %add3A_265, %mul3A_330 : vector<16xf32>
      %mul3A_332 = arith.mulf %gather3A_295, %gather3A_320 : vector<16xf32>
      %add3A_333 = arith.addf %add3A_267, %mul3A_332 : vector<16xf32>
      %mul3A_334 = arith.mulf %gather3A_302, %gather3A_327 : vector<16xf32>
      %add3A_335 = arith.addf %add3A_269, %mul3A_334 : vector<16xf32>
      %mul3A_336 = arith.mulf %gather3A_281, %gather3A_281 : vector<16xf32>
      %add3A_337 = arith.addf %add3A_271, %mul3A_336 : vector<16xf32>
      %mul3A_338 = arith.mulf %gather3A_288, %gather3A_288 : vector<16xf32>
      %add3A_339 = arith.addf %add3A_273, %mul3A_338 : vector<16xf32>
      %mul3A_340 = arith.mulf %gather3A_295, %gather3A_295 : vector<16xf32>
      %add3A_341 = arith.addf %add3A_275, %mul3A_340 : vector<16xf32>
      %mul3A_342 = arith.mulf %gather3A_302, %gather3A_302 : vector<16xf32>
      %add3A_343 = arith.addf %add3A_277, %mul3A_342 : vector<16xf32>
      %add3A_344 = arith.constant 16 : i32
      %add3A_345 = vector.broadcast %add3A_344 : i32 to vector<16xi32>
      %add3A_346 = arith.addi %mul3A_60, %add3A_345 : vector<16xi32>
      %gather3A_347 = tpu.vector_load_idx %arg7[%add3A_346] : memref<16384xf32, #tpu.memory_space<vmem>>[vector<16xi32>], vector<16xf32>,
      %add3A_348 = arith.constant 16 : i32
      %add3A_349 = vector.broadcast %add3A_348 : i32 to vector<16xi32>
      %add3A_350 = arith.addi %mul3A_60, %add3A_349 : vector<16xi32>
      %add3A_351 = arith.constant 1 : i32
      %add3A_352 = vector.broadcast %add3A_351 : i32 to vector<16xi32>
      %add3A_353 = arith.addi %add3A_350, %add3A_352 : vector<16xi32>
      %gather3A_354 = tpu.vector_load_idx %arg7[%add3A_353] : memref<16384xf32, #tpu.memory_space<vmem>>[vector<16xi32>], vector<16xf32>,
      %add3A_355 = arith.constant 16 : i32
      %add3A_356 = vector.broadcast %add3A_355 : i32 to vector<16xi32>
      %add3A_357 = arith.addi %mul3A_60, %add3A_356 : vector<16xi32>
      %add3A_358 = arith.constant 2 : i32
      %add3A_359 = vector.broadcast %add3A_358 : i32 to vector<16xi32>
      %add3A_360 = arith.addi %add3A_357, %add3A_359 : vector<16xi32>
      %gather3A_361 = tpu.vector_load_idx %arg7[%add3A_360] : memref<16384xf32, #tpu.memory_space<vmem>>[vector<16xi32>], vector<16xf32>,
      %add3A_362 = arith.constant 16 : i32
      %add3A_363 = vector.broadcast %add3A_362 : i32 to vector<16xi32>
      %add3A_364 = arith.addi %mul3A_60, %add3A_363 : vector<16xi32>
      %add3A_365 = arith.constant 3 : i32
      %add3A_366 = vector.broadcast %add3A_365 : i32 to vector<16xi32>
      %add3A_367 = arith.addi %add3A_364, %add3A_366 : vector<16xi32>
      %gather3A_368 = tpu.vector_load_idx %arg7[%add3A_367] : memref<16384xf32, #tpu.memory_space<vmem>>[vector<16xi32>], vector<16xf32>,
      %add3A_369 = arith.constant 16 : i32
      %add3A_370 = vector.broadcast %add3A_369 : i32 to vector<16xi32>
      %add3A_371 = arith.addi %mul3A_63, %add3A_370 : vector<16xi32>
      %gather3A_372 = tpu.vector_load_idx %arg8[%add3A_371] : memref<32768xf32, #tpu.memory_space<vmem>>[vector<16xi32>], vector<16xf32>,
      %add3A_373 = arith.constant 16 : i32
      %add3A_374 = vector.broadcast %add3A_373 : i32 to vector<16xi32>
      %add3A_375 = arith.addi %mul3A_63, %add3A_374 : vector<16xi32>
      %add3A_376 = arith.constant 1 : i32
      %add3A_377 = vector.broadcast %add3A_376 : i32 to vector<16xi32>
      %add3A_378 = arith.addi %add3A_375, %add3A_377 : vector<16xi32>
      %gather3A_379 = tpu.vector_load_idx %arg8[%add3A_378] : memref<32768xf32, #tpu.memory_space<vmem>>[vector<16xi32>], vector<16xf32>,
      %add3A_380 = arith.constant 16 : i32
      %add3A_381 = vector.broadcast %add3A_380 : i32 to vector<16xi32>
      %add3A_382 = arith.addi %mul3A_63, %add3A_381 : vector<16xi32>
      %add3A_383 = arith.constant 2 : i32
      %add3A_384 = vector.broadcast %add3A_383 : i32 to vector<16xi32>
      %add3A_385 = arith.addi %add3A_382, %add3A_384 : vector<16xi32>
      %gather3A_386 = tpu.vector_load_idx %arg8[%add3A_385] : memref<32768xf32, #tpu.memory_space<vmem>>[vector<16xi32>], vector<16xf32>,
      %add3A_387 = arith.constant 16 : i32
      %add3A_388 = vector.broadcast %add3A_387 : i32 to vector<16xi32>
      %add3A_389 = arith.addi %mul3A_63, %add3A_388 : vector<16xi32>
      %add3A_390 = arith.constant 3 : i32
      %add3A_391 = vector.broadcast %add3A_390 : i32 to vector<16xi32>
      %add3A_392 = arith.addi %add3A_389, %add3A_391 : vector<16xi32>
      %gather3A_393 = tpu.vector_load_idx %arg8[%add3A_392] : memref<32768xf32, #tpu.memory_space<vmem>>[vector<16xi32>], vector<16xf32>,
      %mul3A_394 = arith.mulf %gather3A_347, %gather3A_372 : vector<16xf32>
      %add3A_395 = arith.addf %add3A_329, %mul3A_394 : vector<16xf32>
      %mul3A_396 = arith.mulf %gather3A_354, %gather3A_379 : vector<16xf32>
      %add3A_397 = arith.addf %add3A_331, %mul3A_396 : vector<16xf32>
      %mul3A_398 = arith.mulf %gather3A_361, %gather3A_386 : vector<16xf32>
      %add3A_399 = arith.addf %add3A_333, %mul3A_398 : vector<16xf32>
      %mul3A_400 = arith.mulf %gather3A_368, %gather3A_393 : vector<16xf32>
      %add3A_401 = arith.addf %add3A_335, %mul3A_400 : vector<16xf32>
      %mul3A_402 = arith.mulf %gather3A_347, %gather3A_347 : vector<16xf32>
      %add3A_403 = arith.addf %add3A_337, %mul3A_402 : vector<16xf32>
      %mul3A_404 = arith.mulf %gather3A_354, %gather3A_354 : vector<16xf32>
      %add3A_405 = arith.addf %add3A_339, %mul3A_404 : vector<16xf32>
      %mul3A_406 = arith.mulf %gather3A_361, %gather3A_361 : vector<16xf32>
      %add3A_407 = arith.addf %add3A_341, %mul3A_406 : vector<16xf32>
      %mul3A_408 = arith.mulf %gather3A_368, %gather3A_368 : vector<16xf32>
      %add3A_409 = arith.addf %add3A_343, %mul3A_408 : vector<16xf32>
      %add3A_410 = arith.constant 20 : i32
      %add3A_411 = vector.broadcast %add3A_410 : i32 to vector<16xi32>
      %add3A_412 = arith.addi %mul3A_60, %add3A_411 : vector<16xi32>
      %gather3A_413 = tpu.vector_load_idx %arg7[%add3A_412] : memref<16384xf32, #tpu.memory_space<vmem>>[vector<16xi32>], vector<16xf32>,
      %add3A_414 = arith.constant 20 : i32
      %add3A_415 = vector.broadcast %add3A_414 : i32 to vector<16xi32>
      %add3A_416 = arith.addi %mul3A_60, %add3A_415 : vector<16xi32>
      %add3A_417 = arith.constant 1 : i32
      %add3A_418 = vector.broadcast %add3A_417 : i32 to vector<16xi32>
      %add3A_419 = arith.addi %add3A_416, %add3A_418 : vector<16xi32>
      %gather3A_420 = tpu.vector_load_idx %arg7[%add3A_419] : memref<16384xf32, #tpu.memory_space<vmem>>[vector<16xi32>], vector<16xf32>,
      %add3A_421 = arith.constant 20 : i32
      %add3A_422 = vector.broadcast %add3A_421 : i32 to vector<16xi32>
      %add3A_423 = arith.addi %mul3A_60, %add3A_422 : vector<16xi32>
      %add3A_424 = arith.constant 2 : i32
      %add3A_425 = vector.broadcast %add3A_424 : i32 to vector<16xi32>
      %add3A_426 = arith.addi %add3A_423, %add3A_425 : vector<16xi32>
      %gather3A_427 = tpu.vector_load_idx %arg7[%add3A_426] : memref<16384xf32, #tpu.memory_space<vmem>>[vector<16xi32>], vector<16xf32>,
      %add3A_428 = arith.constant 20 : i32
      %add3A_429 = vector.broadcast %add3A_428 : i32 to vector<16xi32>
      %add3A_430 = arith.addi %mul3A_60, %add3A_429 : vector<16xi32>
      %add3A_431 = arith.constant 3 : i32
      %add3A_432 = vector.broadcast %add3A_431 : i32 to vector<16xi32>
      %add3A_433 = arith.addi %add3A_430, %add3A_432 : vector<16xi32>
      %gather3A_434 = tpu.vector_load_idx %arg7[%add3A_433] : memref<16384xf32, #tpu.memory_space<vmem>>[vector<16xi32>], vector<16xf32>,
      %add3A_435 = arith.constant 20 : i32
      %add3A_436 = vector.broadcast %add3A_435 : i32 to vector<16xi32>
      %add3A_437 = arith.addi %mul3A_63, %add3A_436 : vector<16xi32>
      %gather3A_438 = tpu.vector_load_idx %arg8[%add3A_437] : memref<32768xf32, #tpu.memory_space<vmem>>[vector<16xi32>], vector<16xf32>,
      %add3A_439 = arith.constant 20 : i32
      %add3A_440 = vector.broadcast %add3A_439 : i32 to vector<16xi32>
      %add3A_441 = arith.addi %mul3A_63, %add3A_440 : vector<16xi32>
      %add3A_442 = arith.constant 1 : i32
      %add3A_443 = vector.broadcast %add3A_442 : i32 to vector<16xi32>
      %add3A_444 = arith.addi %add3A_441, %add3A_443 : vector<16xi32>
      %gather3A_445 = tpu.vector_load_idx %arg8[%add3A_444] : memref<32768xf32, #tpu.memory_space<vmem>>[vector<16xi32>], vector<16xf32>,
      %add3A_446 = arith.constant 20 : i32
      %add3A_447 = vector.broadcast %add3A_446 : i32 to vector<16xi32>
      %add3A_448 = arith.addi %mul3A_63, %add3A_447 : vector<16xi32>
      %add3A_449 = arith.constant 2 : i32
      %add3A_450 = vector.broadcast %add3A_449 : i32 to vector<16xi32>
      %add3A_451 = arith.addi %add3A_448, %add3A_450 : vector<16xi32>
      %gather3A_452 = tpu.vector_load_idx %arg8[%add3A_451] : memref<32768xf32, #tpu.memory_space<vmem>>[vector<16xi32>], vector<16xf32>,
      %add3A_453 = arith.constant 20 : i32
      %add3A_454 = vector.broadcast %add3A_453 : i32 to vector<16xi32>
      %add3A_455 = arith.addi %mul3A_63, %add3A_454 : vector<16xi32>
      %add3A_456 = arith.constant 3 : i32
      %add3A_457 = vector.broadcast %add3A_456 : i32 to vector<16xi32>
      %add3A_458 = arith.addi %add3A_455, %add3A_457 : vector<16xi32>
      %gather3A_459 = tpu.vector_load_idx %arg8[%add3A_458] : memref<32768xf32, #tpu.memory_space<vmem>>[vector<16xi32>], vector<16xf32>,
      %mul3A_460 = arith.mulf %gather3A_413, %gather3A_438 : vector<16xf32>
      %add3A_461 = arith.addf %add3A_395, %mul3A_460 : vector<16xf32>
      %mul3A_462 = arith.mulf %gather3A_420, %gather3A_445 : vector<16xf32>
      %add3A_463 = arith.addf %add3A_397, %mul3A_462 : vector<16xf32>
      %mul3A_464 = arith.mulf %gather3A_427, %gather3A_452 : vector<16xf32>
      %add3A_465 = arith.addf %add3A_399, %mul3A_464 : vector<16xf32>
      %mul3A_466 = arith.mulf %gather3A_434, %gather3A_459 : vector<16xf32>
      %add3A_467 = arith.addf %add3A_401, %mul3A_466 : vector<16xf32>
      %mul3A_468 = arith.mulf %gather3A_413, %gather3A_413 : vector<16xf32>
      %add3A_469 = arith.addf %add3A_403, %mul3A_468 : vector<16xf32>
      %mul3A_470 = arith.mulf %gather3A_420, %gather3A_420 : vector<16xf32>
      %add3A_471 = arith.addf %add3A_405, %mul3A_470 : vector<16xf32>
      %mul3A_472 = arith.mulf %gather3A_427, %gather3A_427 : vector<16xf32>
      %add3A_473 = arith.addf %add3A_407, %mul3A_472 : vector<16xf32>
      %mul3A_474 = arith.mulf %gather3A_434, %gather3A_434 : vector<16xf32>
      %add3A_475 = arith.addf %add3A_409, %mul3A_474 : vector<16xf32>
      %add3A_476 = arith.constant 24 : i32
      %add3A_477 = vector.broadcast %add3A_476 : i32 to vector<16xi32>
      %add3A_478 = arith.addi %mul3A_60, %add3A_477 : vector<16xi32>
      %gather3A_479 = tpu.vector_load_idx %arg7[%add3A_478] : memref<16384xf32, #tpu.memory_space<vmem>>[vector<16xi32>], vector<16xf32>,
      %add3A_480 = arith.constant 24 : i32
      %add3A_481 = vector.broadcast %add3A_480 : i32 to vector<16xi32>
      %add3A_482 = arith.addi %mul3A_60, %add3A_481 : vector<16xi32>
      %add3A_483 = arith.constant 1 : i32
      %add3A_484 = vector.broadcast %add3A_483 : i32 to vector<16xi32>
      %add3A_485 = arith.addi %add3A_482, %add3A_484 : vector<16xi32>
      %gather3A_486 = tpu.vector_load_idx %arg7[%add3A_485] : memref<16384xf32, #tpu.memory_space<vmem>>[vector<16xi32>], vector<16xf32>,
      %add3A_487 = arith.constant 24 : i32
      %add3A_488 = vector.broadcast %add3A_487 : i32 to vector<16xi32>
      %add3A_489 = arith.addi %mul3A_60, %add3A_488 : vector<16xi32>
      %add3A_490 = arith.constant 2 : i32
      %add3A_491 = vector.broadcast %add3A_490 : i32 to vector<16xi32>
      %add3A_492 = arith.addi %add3A_489, %add3A_491 : vector<16xi32>
      %gather3A_493 = tpu.vector_load_idx %arg7[%add3A_492] : memref<16384xf32, #tpu.memory_space<vmem>>[vector<16xi32>], vector<16xf32>,
      %add3A_494 = arith.constant 24 : i32
      %add3A_495 = vector.broadcast %add3A_494 : i32 to vector<16xi32>
      %add3A_496 = arith.addi %mul3A_60, %add3A_495 : vector<16xi32>
      %add3A_497 = arith.constant 3 : i32
      %add3A_498 = vector.broadcast %add3A_497 : i32 to vector<16xi32>
      %add3A_499 = arith.addi %add3A_496, %add3A_498 : vector<16xi32>
      %gather3A_500 = tpu.vector_load_idx %arg7[%add3A_499] : memref<16384xf32, #tpu.memory_space<vmem>>[vector<16xi32>], vector<16xf32>,
      %add3A_501 = arith.constant 24 : i32
      %add3A_502 = vector.broadcast %add3A_501 : i32 to vector<16xi32>
      %add3A_503 = arith.addi %mul3A_63, %add3A_502 : vector<16xi32>
      %gather3A_504 = tpu.vector_load_idx %arg8[%add3A_503] : memref<32768xf32, #tpu.memory_space<vmem>>[vector<16xi32>], vector<16xf32>,
      %add3A_505 = arith.constant 24 : i32
      %add3A_506 = vector.broadcast %add3A_505 : i32 to vector<16xi32>
      %add3A_507 = arith.addi %mul3A_63, %add3A_506 : vector<16xi32>
      %add3A_508 = arith.constant 1 : i32
      %add3A_509 = vector.broadcast %add3A_508 : i32 to vector<16xi32>
      %add3A_510 = arith.addi %add3A_507, %add3A_509 : vector<16xi32>
      %gather3A_511 = tpu.vector_load_idx %arg8[%add3A_510] : memref<32768xf32, #tpu.memory_space<vmem>>[vector<16xi32>], vector<16xf32>,
      %add3A_512 = arith.constant 24 : i32
      %add3A_513 = vector.broadcast %add3A_512 : i32 to vector<16xi32>
      %add3A_514 = arith.addi %mul3A_63, %add3A_513 : vector<16xi32>
      %add3A_515 = arith.constant 2 : i32
      %add3A_516 = vector.broadcast %add3A_515 : i32 to vector<16xi32>
      %add3A_517 = arith.addi %add3A_514, %add3A_516 : vector<16xi32>
      %gather3A_518 = tpu.vector_load_idx %arg8[%add3A_517] : memref<32768xf32, #tpu.memory_space<vmem>>[vector<16xi32>], vector<16xf32>,
      %add3A_519 = arith.constant 24 : i32
      %add3A_520 = vector.broadcast %add3A_519 : i32 to vector<16xi32>
      %add3A_521 = arith.addi %mul3A_63, %add3A_520 : vector<16xi32>
      %add3A_522 = arith.constant 3 : i32
      %add3A_523 = vector.broadcast %add3A_522 : i32 to vector<16xi32>
      %add3A_524 = arith.addi %add3A_521, %add3A_523 : vector<16xi32>
      %gather3A_525 = tpu.vector_load_idx %arg8[%add3A_524] : memref<32768xf32, #tpu.memory_space<vmem>>[vector<16xi32>], vector<16xf32>,
      %mul3A_526 = arith.mulf %gather3A_479, %gather3A_504 : vector<16xf32>
      %add3A_527 = arith.addf %add3A_461, %mul3A_526 : vector<16xf32>
      %mul3A_528 = arith.mulf %gather3A_486, %gather3A_511 : vector<16xf32>
      %add3A_529 = arith.addf %add3A_463, %mul3A_528 : vector<16xf32>
      %mul3A_530 = arith.mulf %gather3A_493, %gather3A_518 : vector<16xf32>
      %add3A_531 = arith.addf %add3A_465, %mul3A_530 : vector<16xf32>
      %mul3A_532 = arith.mulf %gather3A_500, %gather3A_525 : vector<16xf32>
      %add3A_533 = arith.addf %add3A_467, %mul3A_532 : vector<16xf32>
      %mul3A_534 = arith.mulf %gather3A_479, %gather3A_479 : vector<16xf32>
      %add3A_535 = arith.addf %add3A_469, %mul3A_534 : vector<16xf32>
      %mul3A_536 = arith.mulf %gather3A_486, %gather3A_486 : vector<16xf32>
      %add3A_537 = arith.addf %add3A_471, %mul3A_536 : vector<16xf32>
      %mul3A_538 = arith.mulf %gather3A_493, %gather3A_493 : vector<16xf32>
      %add3A_539 = arith.addf %add3A_473, %mul3A_538 : vector<16xf32>
      %mul3A_540 = arith.mulf %gather3A_500, %gather3A_500 : vector<16xf32>
      %add3A_541 = arith.addf %add3A_475, %mul3A_540 : vector<16xf32>
      %add3A_542 = arith.constant 28 : i32
      %add3A_543 = vector.broadcast %add3A_542 : i32 to vector<16xi32>
      %add3A_544 = arith.addi %mul3A_60, %add3A_543 : vector<16xi32>
      %gather3A_545 = tpu.vector_load_idx %arg7[%add3A_544] : memref<16384xf32, #tpu.memory_space<vmem>>[vector<16xi32>], vector<16xf32>,
      %add3A_546 = arith.constant 28 : i32
      %add3A_547 = vector.broadcast %add3A_546 : i32 to vector<16xi32>
      %add3A_548 = arith.addi %mul3A_60, %add3A_547 : vector<16xi32>
      %add3A_549 = arith.constant 1 : i32
      %add3A_550 = vector.broadcast %add3A_549 : i32 to vector<16xi32>
      %add3A_551 = arith.addi %add3A_548, %add3A_550 : vector<16xi32>
      %gather3A_552 = tpu.vector_load_idx %arg7[%add3A_551] : memref<16384xf32, #tpu.memory_space<vmem>>[vector<16xi32>], vector<16xf32>,
      %add3A_553 = arith.constant 28 : i32
      %add3A_554 = vector.broadcast %add3A_553 : i32 to vector<16xi32>
      %add3A_555 = arith.addi %mul3A_60, %add3A_554 : vector<16xi32>
      %add3A_556 = arith.constant 2 : i32
      %add3A_557 = vector.broadcast %add3A_556 : i32 to vector<16xi32>
      %add3A_558 = arith.addi %add3A_555, %add3A_557 : vector<16xi32>
      %gather3A_559 = tpu.vector_load_idx %arg7[%add3A_558] : memref<16384xf32, #tpu.memory_space<vmem>>[vector<16xi32>], vector<16xf32>,
      %add3A_560 = arith.constant 28 : i32
      %add3A_561 = vector.broadcast %add3A_560 : i32 to vector<16xi32>
      %add3A_562 = arith.addi %mul3A_60, %add3A_561 : vector<16xi32>
      %add3A_563 = arith.constant 3 : i32
      %add3A_564 = vector.broadcast %add3A_563 : i32 to vector<16xi32>
      %add3A_565 = arith.addi %add3A_562, %add3A_564 : vector<16xi32>
      %gather3A_566 = tpu.vector_load_idx %arg7[%add3A_565] : memref<16384xf32, #tpu.memory_space<vmem>>[vector<16xi32>], vector<16xf32>,
      %add3A_567 = arith.constant 28 : i32
      %add3A_568 = vector.broadcast %add3A_567 : i32 to vector<16xi32>
      %add3A_569 = arith.addi %mul3A_63, %add3A_568 : vector<16xi32>
      %gather3A_570 = tpu.vector_load_idx %arg8[%add3A_569] : memref<32768xf32, #tpu.memory_space<vmem>>[vector<16xi32>], vector<16xf32>,
      %add3A_571 = arith.constant 28 : i32
      %add3A_572 = vector.broadcast %add3A_571 : i32 to vector<16xi32>
      %add3A_573 = arith.addi %mul3A_63, %add3A_572 : vector<16xi32>
      %add3A_574 = arith.constant 1 : i32
      %add3A_575 = vector.broadcast %add3A_574 : i32 to vector<16xi32>
      %add3A_576 = arith.addi %add3A_573, %add3A_575 : vector<16xi32>
      %gather3A_577 = tpu.vector_load_idx %arg8[%add3A_576] : memref<32768xf32, #tpu.memory_space<vmem>>[vector<16xi32>], vector<16xf32>,
      %add3A_578 = arith.constant 28 : i32
      %add3A_579 = vector.broadcast %add3A_578 : i32 to vector<16xi32>
      %add3A_580 = arith.addi %mul3A_63, %add3A_579 : vector<16xi32>
      %add3A_581 = arith.constant 2 : i32
      %add3A_582 = vector.broadcast %add3A_581 : i32 to vector<16xi32>
      %add3A_583 = arith.addi %add3A_580, %add3A_582 : vector<16xi32>
      %gather3A_584 = tpu.vector_load_idx %arg8[%add3A_583] : memref<32768xf32, #tpu.memory_space<vmem>>[vector<16xi32>], vector<16xf32>,
      %add3A_585 = arith.constant 28 : i32
      %add3A_586 = vector.broadcast %add3A_585 : i32 to vector<16xi32>
      %add3A_587 = arith.addi %mul3A_63, %add3A_586 : vector<16xi32>
      %add3A_588 = arith.constant 3 : i32
      %add3A_589 = vector.broadcast %add3A_588 : i32 to vector<16xi32>
      %add3A_590 = arith.addi %add3A_587, %add3A_589 : vector<16xi32>
      %gather3A_591 = tpu.vector_load_idx %arg8[%add3A_590] : memref<32768xf32, #tpu.memory_space<vmem>>[vector<16xi32>], vector<16xf32>,
      %mul3A_592 = arith.mulf %gather3A_545, %gather3A_570 : vector<16xf32>
      %add3A_593 = arith.addf %add3A_527, %mul3A_592 : vector<16xf32>
      %mul3A_594 = arith.mulf %gather3A_552, %gather3A_577 : vector<16xf32>
      %add3A_595 = arith.addf %add3A_529, %mul3A_594 : vector<16xf32>
      %mul3A_596 = arith.mulf %gather3A_559, %gather3A_584 : vector<16xf32>
      %add3A_597 = arith.addf %add3A_531, %mul3A_596 : vector<16xf32>
      %mul3A_598 = arith.mulf %gather3A_566, %gather3A_591 : vector<16xf32>
      %add3A_599 = arith.addf %add3A_533, %mul3A_598 : vector<16xf32>
      %mul3A_600 = arith.mulf %gather3A_545, %gather3A_545 : vector<16xf32>
      %add3A_601 = arith.addf %add3A_535, %mul3A_600 : vector<16xf32>
      %mul3A_602 = arith.mulf %gather3A_552, %gather3A_552 : vector<16xf32>
      %add3A_603 = arith.addf %add3A_537, %mul3A_602 : vector<16xf32>
      %mul3A_604 = arith.mulf %gather3A_559, %gather3A_559 : vector<16xf32>
      %add3A_605 = arith.addf %add3A_539, %mul3A_604 : vector<16xf32>
      %mul3A_606 = arith.mulf %gather3A_566, %gather3A_566 : vector<16xf32>
      %add3A_607 = arith.addf %add3A_541, %mul3A_606 : vector<16xf32>
      %add3A_608 = arith.addf %add3A_593, %add3A_595 : vector<16xf32>
      %add3A_609 = arith.addf %add3A_597, %add3A_599 : vector<16xf32>
      %add3A_610 = arith.addf %add3A_608, %add3A_609 : vector<16xf32>
      %add3A_611 = arith.addf %add3A_601, %add3A_603 : vector<16xf32>
      %add3A_612 = arith.addf %add3A_605, %add3A_607 : vector<16xf32>
      %add3A_613 = arith.addf %add3A_611, %add3A_612 : vector<16xf32>
      %gather3A_614 = tpu.vector_load_idx %arg9[%gather3A] : memref<1024xf32, #tpu.memory_space<vmem>>[vector<16xi32>], vector<16xf32>,
      %max3A = arith.constant 1.000000e-24 : f32
      %max3A_615 = vector.broadcast %max3A : f32 to vector<16xf32>
      %max3A_616 = arith.maximumf %add3A_613, %max3A_615 : vector<16xf32>
      %max3A_617 = arith.constant 1.000000e-24 : f32
      %max3A_618 = vector.broadcast %max3A_617 : f32 to vector<16xf32>
      %max3A_619 = arith.maximumf %gather3A_614, %max3A_618 : vector<16xf32>
      %mul3A_620 = arith.mulf %max3A_616, %max3A_619 : vector<16xf32>
      %bitcast3A = vector.bitcast %mul3A_620 : vector<16xf32> to vector<16xi32>
      %broadcast_in_dim3A_621 = arith.constant 1597463007 : i32
      %broadcast_in_dim3A_622 = vector.broadcast %broadcast_in_dim3A_621 : i32 to vector<16xi32>
      %broadcast_in_dim3A_623 = arith.constant 1 : i32
      %broadcast_in_dim3A_624 = vector.broadcast %broadcast_in_dim3A_623 : i32 to vector<16xi32>
      %shift_right_arithmetic3A = arith.shrsi %bitcast3A, %broadcast_in_dim3A_624 : vector<16xi32>
      %sub3A = arith.subi %broadcast_in_dim3A_622, %shift_right_arithmetic3A : vector<16xi32>
      %bitcast3A_625 = vector.bitcast %sub3A : vector<16xi32> to vector<16xf32>
      %mul3A_626 = arith.constant 5.000000e-01 : f32
      %mul3A_627 = vector.broadcast %mul3A_626 : f32 to vector<16xf32>
      %mul3A_628 = arith.mulf %mul3A_627, %mul3A_620 : vector<16xf32>
      %mul3A_629 = arith.mulf %mul3A_628, %bitcast3A_625 : vector<16xf32>
      %mul3A_630 = arith.mulf %mul3A_629, %bitcast3A_625 : vector<16xf32>
      %sub3A_631 = arith.constant 1.500000e+00 : f32
      %sub3A_632 = vector.broadcast %sub3A_631 : f32 to vector<16xf32>
      %sub3A_633 = arith.subf %sub3A_632, %mul3A_630 : vector<16xf32>
      %mul3A_634 = arith.mulf %bitcast3A_625, %sub3A_633 : vector<16xf32>
      %mul3A_635 = arith.constant 5.000000e-01 : f32
      %mul3A_636 = vector.broadcast %mul3A_635 : f32 to vector<16xf32>
      %mul3A_637 = arith.mulf %mul3A_636, %mul3A_620 : vector<16xf32>
      %mul3A_638 = arith.mulf %mul3A_637, %mul3A_634 : vector<16xf32>
      %mul3A_639 = arith.mulf %mul3A_638, %mul3A_634 : vector<16xf32>
      %sub3A_640 = arith.constant 1.500000e+00 : f32
      %sub3A_641 = vector.broadcast %sub3A_640 : f32 to vector<16xf32>
      %sub3A_642 = arith.subf %sub3A_641, %mul3A_639 : vector<16xf32>
      %mul3A_643 = arith.mulf %mul3A_634, %sub3A_642 : vector<16xf32>
      %mul3A_644 = arith.constant 5.000000e-01 : f32
      %mul3A_645 = vector.broadcast %mul3A_644 : f32 to vector<16xf32>
      %mul3A_646 = arith.mulf %mul3A_645, %mul3A_620 : vector<16xf32>
      %mul3A_647 = arith.mulf %mul3A_646, %mul3A_643 : vector<16xf32>
      %mul3A_648 = arith.mulf %mul3A_647, %mul3A_643 : vector<16xf32>
      %sub3A_649 = arith.constant 1.500000e+00 : f32
      %sub3A_650 = vector.broadcast %sub3A_649 : f32 to vector<16xf32>
      %sub3A_651 = arith.subf %sub3A_650, %mul3A_648 : vector<16xf32>
      %mul3A_652 = arith.mulf %mul3A_643, %sub3A_651 : vector<16xf32>
      %mul3A_653 = arith.constant 5.000000e-01 : f32
      %mul3A_654 = vector.broadcast %mul3A_653 : f32 to vector<16xf32>
      %mul3A_655 = arith.mulf %mul3A_654, %mul3A_620 : vector<16xf32>
      %mul3A_656 = arith.mulf %mul3A_655, %mul3A_652 : vector<16xf32>
      %mul3A_657 = arith.mulf %mul3A_656, %mul3A_652 : vector<16xf32>
      %sub3A_658 = arith.constant 1.500000e+00 : f32
      %sub3A_659 = vector.broadcast %sub3A_658 : f32 to vector<16xf32>
      %sub3A_660 = arith.subf %sub3A_659, %mul3A_657 : vector<16xf32>
      %mul3A_661 = arith.mulf %mul3A_652, %sub3A_660 : vector<16xf32>
      %mul3A_662 = arith.mulf %add3A_610, %mul3A_661 : vector<16xf32>
      %add3A_663 = arith.addf %scan3A_53, %mul3A_662 : vector<16xf32>
      scf.yield %add3A_663 : vector<16xf32>
    }
    %scan3A_28 = arith.constant 32 : i32
    %add3A_29 = arith.constant 1024 : i32
    %add3A_30 = arith.addi %mul3A_2, %add3A_29 : i32
    "tpu.region"() ({
      %run_scoped3A = tpu.sem_alloc : memref<!tpu.dma_semaphore, #tpu.memory_space<semaphore_mem>>
      %dma_start3A = tpu.memref_slice %arg3[%add3A_30] : memref<65536xi32, #tpu.memory_space<hbm>> -> memref<512xi32, #tpu.memory_space<hbm>>
      %dma_start3A_52 = tpu.memref_slice %arg3[%add3A_30] : memref<65536xi32, #tpu.memory_space<hbm>> -> memref<512xi32, #tpu.memory_space<hbm>>
      tpu.enqueue_dma source(%dma_start3A_52 : memref<512xi32, #tpu.memory_space<hbm>>) target(%arg6 : memref<512xi32, #tpu.memory_space<vmem>>) target_semaphore(%run_scoped3A : memref<!tpu.dma_semaphore, #tpu.memory_space<semaphore_mem>>)
      %dma_wait3A = tpu.memref_slice %arg3[%add3A_30] : memref<65536xi32, #tpu.memory_space<hbm>> -> memref<512xi32, #tpu.memory_space<hbm>>
      %dma_wait3A_53 = tpu.memref_slice %arg3[%add3A_30] : memref<65536xi32, #tpu.memory_space<hbm>> -> memref<512xi32, #tpu.memory_space<hbm>>
      tpu.wait_dma2 semaphore(%run_scoped3A : memref<!tpu.dma_semaphore, #tpu.memory_space<semaphore_mem>>) src(%dma_wait3A_53 : memref<512xi32, #tpu.memory_space<hbm>>) dst(%arg6 : memref<512xi32, #tpu.memory_space<vmem>>)
      tpu.yield
    }) : () -> ()
    %mul3A_31 = arith.constant 32 : i32
    %mul3A_32 = arith.muli %add3A_30, %mul3A_31 : i32
    "tpu.region"() ({
      %run_scoped3A = tpu.sem_alloc : memref<!tpu.dma_semaphore, #tpu.memory_space<semaphore_mem>>
      %dma_start3A = tpu.memref_slice %arg2[%mul3A_32] : memref<2097152xf32, #tpu.memory_space<hbm>> -> memref<16384xf32, #tpu.memory_space<hbm>>
      %dma_start3A_52 = tpu.memref_slice %arg2[%mul3A_32] : memref<2097152xf32, #tpu.memory_space<hbm>> -> memref<16384xf32, #tpu.memory_space<hbm>>
      tpu.enqueue_dma source(%dma_start3A_52 : memref<16384xf32, #tpu.memory_space<hbm>>) target(%arg7 : memref<16384xf32, #tpu.memory_space<vmem>>) target_semaphore(%run_scoped3A : memref<!tpu.dma_semaphore, #tpu.memory_space<semaphore_mem>>)
      %dma_wait3A = tpu.memref_slice %arg2[%mul3A_32] : memref<2097152xf32, #tpu.memory_space<hbm>> -> memref<16384xf32, #tpu.memory_space<hbm>>
      %dma_wait3A_53 = tpu.memref_slice %arg2[%mul3A_32] : memref<2097152xf32, #tpu.memory_space<hbm>> -> memref<16384xf32, #tpu.memory_space<hbm>>
      tpu.wait_dma2 semaphore(%run_scoped3A : memref<!tpu.dma_semaphore, #tpu.memory_space<semaphore_mem>>) src(%dma_wait3A_53 : memref<16384xf32, #tpu.memory_space<hbm>>) dst(%arg7 : memref<16384xf32, #tpu.memory_space<vmem>>)
      tpu.yield
    }) : () -> ()
    %scan3A_33 = arith.constant 0 : i32
    %scan3A_34 = arith.constant 32 : i32
    %scan3A_35 = arith.addi %scan3A_33, %scan3A_34 : i32
    %scan3A_36 = arith.constant 1 : i32
    %scan3A_37 = scf.for %scan3A_52 = %scan3A_33 to %scan3A_35 step %scan3A_36 iter_args(%scan3A_53 = %scan3A_27) -> (vector<16xf32>)  : i32 {
      %mul3A_54 = arith.constant 16 : i32
      %mul3A_55 = arith.muli %scan3A_52, %mul3A_54 : i32
      %add3A_56 = vector.broadcast %mul3A_55 : i32 to vector<16xi32>
      %add3A_57 = arith.addi %add3A_56, %iota3A : vector<16xi32>
      %gather3A = tpu.vector_load_idx %arg6[%add3A_57] : memref<512xi32, #tpu.memory_space<vmem>>[vector<16xi32>], vector<16xi32>,
      %mul3A_58 = arith.constant 32 : i32
      %mul3A_59 = vector.broadcast %mul3A_58 : i32 to vector<16xi32>
      %mul3A_60 = arith.muli %add3A_57, %mul3A_59 : vector<16xi32>
      %mul3A_61 = arith.constant 32 : i32
      %mul3A_62 = vector.broadcast %mul3A_61 : i32 to vector<16xi32>
      %mul3A_63 = arith.muli %gather3A, %mul3A_62 : vector<16xi32>
      %broadcast_in_dim3A_64 = arith.constant 0.000000e+00 : f32
      %broadcast_in_dim3A_65 = vector.broadcast %broadcast_in_dim3A_64 : f32 to vector<16xf32>
      %broadcast_in_dim3A_66 = arith.constant 0.000000e+00 : f32
      %broadcast_in_dim3A_67 = vector.broadcast %broadcast_in_dim3A_66 : f32 to vector<16xf32>
      %broadcast_in_dim3A_68 = arith.constant 0.000000e+00 : f32
      %broadcast_in_dim3A_69 = vector.broadcast %broadcast_in_dim3A_68 : f32 to vector<16xf32>
      %broadcast_in_dim3A_70 = arith.constant 0.000000e+00 : f32
      %broadcast_in_dim3A_71 = vector.broadcast %broadcast_in_dim3A_70 : f32 to vector<16xf32>
      %broadcast_in_dim3A_72 = arith.constant 0.000000e+00 : f32
      %broadcast_in_dim3A_73 = vector.broadcast %broadcast_in_dim3A_72 : f32 to vector<16xf32>
      %broadcast_in_dim3A_74 = arith.constant 0.000000e+00 : f32
      %broadcast_in_dim3A_75 = vector.broadcast %broadcast_in_dim3A_74 : f32 to vector<16xf32>
      %broadcast_in_dim3A_76 = arith.constant 0.000000e+00 : f32
      %broadcast_in_dim3A_77 = vector.broadcast %broadcast_in_dim3A_76 : f32 to vector<16xf32>
      %broadcast_in_dim3A_78 = arith.constant 0.000000e+00 : f32
      %broadcast_in_dim3A_79 = vector.broadcast %broadcast_in_dim3A_78 : f32 to vector<16xf32>
      %add3A_80 = arith.constant 0 : i32
      %add3A_81 = vector.broadcast %add3A_80 : i32 to vector<16xi32>
      %add3A_82 = arith.addi %mul3A_60, %add3A_81 : vector<16xi32>
      %gather3A_83 = tpu.vector_load_idx %arg7[%add3A_82] : memref<16384xf32, #tpu.memory_space<vmem>>[vector<16xi32>], vector<16xf32>,
      %add3A_84 = arith.constant 0 : i32
      %add3A_85 = vector.broadcast %add3A_84 : i32 to vector<16xi32>
      %add3A_86 = arith.addi %mul3A_60, %add3A_85 : vector<16xi32>
      %add3A_87 = arith.constant 1 : i32
      %add3A_88 = vector.broadcast %add3A_87 : i32 to vector<16xi32>
      %add3A_89 = arith.addi %add3A_86, %add3A_88 : vector<16xi32>
      %gather3A_90 = tpu.vector_load_idx %arg7[%add3A_89] : memref<16384xf32, #tpu.memory_space<vmem>>[vector<16xi32>], vector<16xf32>,
      %add3A_91 = arith.constant 0 : i32
      %add3A_92 = vector.broadcast %add3A_91 : i32 to vector<16xi32>
      %add3A_93 = arith.addi %mul3A_60, %add3A_92 : vector<16xi32>
      %add3A_94 = arith.constant 2 : i32
      %add3A_95 = vector.broadcast %add3A_94 : i32 to vector<16xi32>
      %add3A_96 = arith.addi %add3A_93, %add3A_95 : vector<16xi32>
      %gather3A_97 = tpu.vector_load_idx %arg7[%add3A_96] : memref<16384xf32, #tpu.memory_space<vmem>>[vector<16xi32>], vector<16xf32>,
      %add3A_98 = arith.constant 0 : i32
      %add3A_99 = vector.broadcast %add3A_98 : i32 to vector<16xi32>
      %add3A_100 = arith.addi %mul3A_60, %add3A_99 : vector<16xi32>
      %add3A_101 = arith.constant 3 : i32
      %add3A_102 = vector.broadcast %add3A_101 : i32 to vector<16xi32>
      %add3A_103 = arith.addi %add3A_100, %add3A_102 : vector<16xi32>
      %gather3A_104 = tpu.vector_load_idx %arg7[%add3A_103] : memref<16384xf32, #tpu.memory_space<vmem>>[vector<16xi32>], vector<16xf32>,
      %add3A_105 = arith.constant 0 : i32
      %add3A_106 = vector.broadcast %add3A_105 : i32 to vector<16xi32>
      %add3A_107 = arith.addi %mul3A_63, %add3A_106 : vector<16xi32>
      %gather3A_108 = tpu.vector_load_idx %arg8[%add3A_107] : memref<32768xf32, #tpu.memory_space<vmem>>[vector<16xi32>], vector<16xf32>,
      %add3A_109 = arith.constant 0 : i32
      %add3A_110 = vector.broadcast %add3A_109 : i32 to vector<16xi32>
      %add3A_111 = arith.addi %mul3A_63, %add3A_110 : vector<16xi32>
      %add3A_112 = arith.constant 1 : i32
      %add3A_113 = vector.broadcast %add3A_112 : i32 to vector<16xi32>
      %add3A_114 = arith.addi %add3A_111, %add3A_113 : vector<16xi32>
      %gather3A_115 = tpu.vector_load_idx %arg8[%add3A_114] : memref<32768xf32, #tpu.memory_space<vmem>>[vector<16xi32>], vector<16xf32>,
      %add3A_116 = arith.constant 0 : i32
      %add3A_117 = vector.broadcast %add3A_116 : i32 to vector<16xi32>
      %add3A_118 = arith.addi %mul3A_63, %add3A_117 : vector<16xi32>
      %add3A_119 = arith.constant 2 : i32
      %add3A_120 = vector.broadcast %add3A_119 : i32 to vector<16xi32>
      %add3A_121 = arith.addi %add3A_118, %add3A_120 : vector<16xi32>
      %gather3A_122 = tpu.vector_load_idx %arg8[%add3A_121] : memref<32768xf32, #tpu.memory_space<vmem>>[vector<16xi32>], vector<16xf32>,
      %add3A_123 = arith.constant 0 : i32
      %add3A_124 = vector.broadcast %add3A_123 : i32 to vector<16xi32>
      %add3A_125 = arith.addi %mul3A_63, %add3A_124 : vector<16xi32>
      %add3A_126 = arith.constant 3 : i32
      %add3A_127 = vector.broadcast %add3A_126 : i32 to vector<16xi32>
      %add3A_128 = arith.addi %add3A_125, %add3A_127 : vector<16xi32>
      %gather3A_129 = tpu.vector_load_idx %arg8[%add3A_128] : memref<32768xf32, #tpu.memory_space<vmem>>[vector<16xi32>], vector<16xf32>,
      %mul3A_130 = arith.mulf %gather3A_83, %gather3A_108 : vector<16xf32>
      %add3A_131 = arith.addf %broadcast_in_dim3A_65, %mul3A_130 : vector<16xf32>
      %mul3A_132 = arith.mulf %gather3A_90, %gather3A_115 : vector<16xf32>
      %add3A_133 = arith.addf %broadcast_in_dim3A_67, %mul3A_132 : vector<16xf32>
      %mul3A_134 = arith.mulf %gather3A_97, %gather3A_122 : vector<16xf32>
      %add3A_135 = arith.addf %broadcast_in_dim3A_69, %mul3A_134 : vector<16xf32>
      %mul3A_136 = arith.mulf %gather3A_104, %gather3A_129 : vector<16xf32>
      %add3A_137 = arith.addf %broadcast_in_dim3A_71, %mul3A_136 : vector<16xf32>
      %mul3A_138 = arith.mulf %gather3A_83, %gather3A_83 : vector<16xf32>
      %add3A_139 = arith.addf %broadcast_in_dim3A_73, %mul3A_138 : vector<16xf32>
      %mul3A_140 = arith.mulf %gather3A_90, %gather3A_90 : vector<16xf32>
      %add3A_141 = arith.addf %broadcast_in_dim3A_75, %mul3A_140 : vector<16xf32>
      %mul3A_142 = arith.mulf %gather3A_97, %gather3A_97 : vector<16xf32>
      %add3A_143 = arith.addf %broadcast_in_dim3A_77, %mul3A_142 : vector<16xf32>
      %mul3A_144 = arith.mulf %gather3A_104, %gather3A_104 : vector<16xf32>
      %add3A_145 = arith.addf %broadcast_in_dim3A_79, %mul3A_144 : vector<16xf32>
      %add3A_146 = arith.constant 4 : i32
      %add3A_147 = vector.broadcast %add3A_146 : i32 to vector<16xi32>
      %add3A_148 = arith.addi %mul3A_60, %add3A_147 : vector<16xi32>
      %gather3A_149 = tpu.vector_load_idx %arg7[%add3A_148] : memref<16384xf32, #tpu.memory_space<vmem>>[vector<16xi32>], vector<16xf32>,
      %add3A_150 = arith.constant 4 : i32
      %add3A_151 = vector.broadcast %add3A_150 : i32 to vector<16xi32>
      %add3A_152 = arith.addi %mul3A_60, %add3A_151 : vector<16xi32>
      %add3A_153 = arith.constant 1 : i32
      %add3A_154 = vector.broadcast %add3A_153 : i32 to vector<16xi32>
      %add3A_155 = arith.addi %add3A_152, %add3A_154 : vector<16xi32>
      %gather3A_156 = tpu.vector_load_idx %arg7[%add3A_155] : memref<16384xf32, #tpu.memory_space<vmem>>[vector<16xi32>], vector<16xf32>,
      %add3A_157 = arith.constant 4 : i32
      %add3A_158 = vector.broadcast %add3A_157 : i32 to vector<16xi32>
      %add3A_159 = arith.addi %mul3A_60, %add3A_158 : vector<16xi32>
      %add3A_160 = arith.constant 2 : i32
      %add3A_161 = vector.broadcast %add3A_160 : i32 to vector<16xi32>
      %add3A_162 = arith.addi %add3A_159, %add3A_161 : vector<16xi32>
      %gather3A_163 = tpu.vector_load_idx %arg7[%add3A_162] : memref<16384xf32, #tpu.memory_space<vmem>>[vector<16xi32>], vector<16xf32>,
      %add3A_164 = arith.constant 4 : i32
      %add3A_165 = vector.broadcast %add3A_164 : i32 to vector<16xi32>
      %add3A_166 = arith.addi %mul3A_60, %add3A_165 : vector<16xi32>
      %add3A_167 = arith.constant 3 : i32
      %add3A_168 = vector.broadcast %add3A_167 : i32 to vector<16xi32>
      %add3A_169 = arith.addi %add3A_166, %add3A_168 : vector<16xi32>
      %gather3A_170 = tpu.vector_load_idx %arg7[%add3A_169] : memref<16384xf32, #tpu.memory_space<vmem>>[vector<16xi32>], vector<16xf32>,
      %add3A_171 = arith.constant 4 : i32
      %add3A_172 = vector.broadcast %add3A_171 : i32 to vector<16xi32>
      %add3A_173 = arith.addi %mul3A_63, %add3A_172 : vector<16xi32>
      %gather3A_174 = tpu.vector_load_idx %arg8[%add3A_173] : memref<32768xf32, #tpu.memory_space<vmem>>[vector<16xi32>], vector<16xf32>,
      %add3A_175 = arith.constant 4 : i32
      %add3A_176 = vector.broadcast %add3A_175 : i32 to vector<16xi32>
      %add3A_177 = arith.addi %mul3A_63, %add3A_176 : vector<16xi32>
      %add3A_178 = arith.constant 1 : i32
      %add3A_179 = vector.broadcast %add3A_178 : i32 to vector<16xi32>
      %add3A_180 = arith.addi %add3A_177, %add3A_179 : vector<16xi32>
      %gather3A_181 = tpu.vector_load_idx %arg8[%add3A_180] : memref<32768xf32, #tpu.memory_space<vmem>>[vector<16xi32>], vector<16xf32>,
      %add3A_182 = arith.constant 4 : i32
      %add3A_183 = vector.broadcast %add3A_182 : i32 to vector<16xi32>
      %add3A_184 = arith.addi %mul3A_63, %add3A_183 : vector<16xi32>
      %add3A_185 = arith.constant 2 : i32
      %add3A_186 = vector.broadcast %add3A_185 : i32 to vector<16xi32>
      %add3A_187 = arith.addi %add3A_184, %add3A_186 : vector<16xi32>
      %gather3A_188 = tpu.vector_load_idx %arg8[%add3A_187] : memref<32768xf32, #tpu.memory_space<vmem>>[vector<16xi32>], vector<16xf32>,
      %add3A_189 = arith.constant 4 : i32
      %add3A_190 = vector.broadcast %add3A_189 : i32 to vector<16xi32>
      %add3A_191 = arith.addi %mul3A_63, %add3A_190 : vector<16xi32>
      %add3A_192 = arith.constant 3 : i32
      %add3A_193 = vector.broadcast %add3A_192 : i32 to vector<16xi32>
      %add3A_194 = arith.addi %add3A_191, %add3A_193 : vector<16xi32>
      %gather3A_195 = tpu.vector_load_idx %arg8[%add3A_194] : memref<32768xf32, #tpu.memory_space<vmem>>[vector<16xi32>], vector<16xf32>,
      %mul3A_196 = arith.mulf %gather3A_149, %gather3A_174 : vector<16xf32>
      %add3A_197 = arith.addf %add3A_131, %mul3A_196 : vector<16xf32>
      %mul3A_198 = arith.mulf %gather3A_156, %gather3A_181 : vector<16xf32>
      %add3A_199 = arith.addf %add3A_133, %mul3A_198 : vector<16xf32>
      %mul3A_200 = arith.mulf %gather3A_163, %gather3A_188 : vector<16xf32>
      %add3A_201 = arith.addf %add3A_135, %mul3A_200 : vector<16xf32>
      %mul3A_202 = arith.mulf %gather3A_170, %gather3A_195 : vector<16xf32>
      %add3A_203 = arith.addf %add3A_137, %mul3A_202 : vector<16xf32>
      %mul3A_204 = arith.mulf %gather3A_149, %gather3A_149 : vector<16xf32>
      %add3A_205 = arith.addf %add3A_139, %mul3A_204 : vector<16xf32>
      %mul3A_206 = arith.mulf %gather3A_156, %gather3A_156 : vector<16xf32>
      %add3A_207 = arith.addf %add3A_141, %mul3A_206 : vector<16xf32>
      %mul3A_208 = arith.mulf %gather3A_163, %gather3A_163 : vector<16xf32>
      %add3A_209 = arith.addf %add3A_143, %mul3A_208 : vector<16xf32>
      %mul3A_210 = arith.mulf %gather3A_170, %gather3A_170 : vector<16xf32>
      %add3A_211 = arith.addf %add3A_145, %mul3A_210 : vector<16xf32>
      %add3A_212 = arith.constant 8 : i32
      %add3A_213 = vector.broadcast %add3A_212 : i32 to vector<16xi32>
      %add3A_214 = arith.addi %mul3A_60, %add3A_213 : vector<16xi32>
      %gather3A_215 = tpu.vector_load_idx %arg7[%add3A_214] : memref<16384xf32, #tpu.memory_space<vmem>>[vector<16xi32>], vector<16xf32>,
      %add3A_216 = arith.constant 8 : i32
      %add3A_217 = vector.broadcast %add3A_216 : i32 to vector<16xi32>
      %add3A_218 = arith.addi %mul3A_60, %add3A_217 : vector<16xi32>
      %add3A_219 = arith.constant 1 : i32
      %add3A_220 = vector.broadcast %add3A_219 : i32 to vector<16xi32>
      %add3A_221 = arith.addi %add3A_218, %add3A_220 : vector<16xi32>
      %gather3A_222 = tpu.vector_load_idx %arg7[%add3A_221] : memref<16384xf32, #tpu.memory_space<vmem>>[vector<16xi32>], vector<16xf32>,
      %add3A_223 = arith.constant 8 : i32
      %add3A_224 = vector.broadcast %add3A_223 : i32 to vector<16xi32>
      %add3A_225 = arith.addi %mul3A_60, %add3A_224 : vector<16xi32>
      %add3A_226 = arith.constant 2 : i32
      %add3A_227 = vector.broadcast %add3A_226 : i32 to vector<16xi32>
      %add3A_228 = arith.addi %add3A_225, %add3A_227 : vector<16xi32>
      %gather3A_229 = tpu.vector_load_idx %arg7[%add3A_228] : memref<16384xf32, #tpu.memory_space<vmem>>[vector<16xi32>], vector<16xf32>,
      %add3A_230 = arith.constant 8 : i32
      %add3A_231 = vector.broadcast %add3A_230 : i32 to vector<16xi32>
      %add3A_232 = arith.addi %mul3A_60, %add3A_231 : vector<16xi32>
      %add3A_233 = arith.constant 3 : i32
      %add3A_234 = vector.broadcast %add3A_233 : i32 to vector<16xi32>
      %add3A_235 = arith.addi %add3A_232, %add3A_234 : vector<16xi32>
      %gather3A_236 = tpu.vector_load_idx %arg7[%add3A_235] : memref<16384xf32, #tpu.memory_space<vmem>>[vector<16xi32>], vector<16xf32>,
      %add3A_237 = arith.constant 8 : i32
      %add3A_238 = vector.broadcast %add3A_237 : i32 to vector<16xi32>
      %add3A_239 = arith.addi %mul3A_63, %add3A_238 : vector<16xi32>
      %gather3A_240 = tpu.vector_load_idx %arg8[%add3A_239] : memref<32768xf32, #tpu.memory_space<vmem>>[vector<16xi32>], vector<16xf32>,
      %add3A_241 = arith.constant 8 : i32
      %add3A_242 = vector.broadcast %add3A_241 : i32 to vector<16xi32>
      %add3A_243 = arith.addi %mul3A_63, %add3A_242 : vector<16xi32>
      %add3A_244 = arith.constant 1 : i32
      %add3A_245 = vector.broadcast %add3A_244 : i32 to vector<16xi32>
      %add3A_246 = arith.addi %add3A_243, %add3A_245 : vector<16xi32>
      %gather3A_247 = tpu.vector_load_idx %arg8[%add3A_246] : memref<32768xf32, #tpu.memory_space<vmem>>[vector<16xi32>], vector<16xf32>,
      %add3A_248 = arith.constant 8 : i32
      %add3A_249 = vector.broadcast %add3A_248 : i32 to vector<16xi32>
      %add3A_250 = arith.addi %mul3A_63, %add3A_249 : vector<16xi32>
      %add3A_251 = arith.constant 2 : i32
      %add3A_252 = vector.broadcast %add3A_251 : i32 to vector<16xi32>
      %add3A_253 = arith.addi %add3A_250, %add3A_252 : vector<16xi32>
      %gather3A_254 = tpu.vector_load_idx %arg8[%add3A_253] : memref<32768xf32, #tpu.memory_space<vmem>>[vector<16xi32>], vector<16xf32>,
      %add3A_255 = arith.constant 8 : i32
      %add3A_256 = vector.broadcast %add3A_255 : i32 to vector<16xi32>
      %add3A_257 = arith.addi %mul3A_63, %add3A_256 : vector<16xi32>
      %add3A_258 = arith.constant 3 : i32
      %add3A_259 = vector.broadcast %add3A_258 : i32 to vector<16xi32>
      %add3A_260 = arith.addi %add3A_257, %add3A_259 : vector<16xi32>
      %gather3A_261 = tpu.vector_load_idx %arg8[%add3A_260] : memref<32768xf32, #tpu.memory_space<vmem>>[vector<16xi32>], vector<16xf32>,
      %mul3A_262 = arith.mulf %gather3A_215, %gather3A_240 : vector<16xf32>
      %add3A_263 = arith.addf %add3A_197, %mul3A_262 : vector<16xf32>
      %mul3A_264 = arith.mulf %gather3A_222, %gather3A_247 : vector<16xf32>
      %add3A_265 = arith.addf %add3A_199, %mul3A_264 : vector<16xf32>
      %mul3A_266 = arith.mulf %gather3A_229, %gather3A_254 : vector<16xf32>
      %add3A_267 = arith.addf %add3A_201, %mul3A_266 : vector<16xf32>
      %mul3A_268 = arith.mulf %gather3A_236, %gather3A_261 : vector<16xf32>
      %add3A_269 = arith.addf %add3A_203, %mul3A_268 : vector<16xf32>
      %mul3A_270 = arith.mulf %gather3A_215, %gather3A_215 : vector<16xf32>
      %add3A_271 = arith.addf %add3A_205, %mul3A_270 : vector<16xf32>
      %mul3A_272 = arith.mulf %gather3A_222, %gather3A_222 : vector<16xf32>
      %add3A_273 = arith.addf %add3A_207, %mul3A_272 : vector<16xf32>
      %mul3A_274 = arith.mulf %gather3A_229, %gather3A_229 : vector<16xf32>
      %add3A_275 = arith.addf %add3A_209, %mul3A_274 : vector<16xf32>
      %mul3A_276 = arith.mulf %gather3A_236, %gather3A_236 : vector<16xf32>
      %add3A_277 = arith.addf %add3A_211, %mul3A_276 : vector<16xf32>
      %add3A_278 = arith.constant 12 : i32
      %add3A_279 = vector.broadcast %add3A_278 : i32 to vector<16xi32>
      %add3A_280 = arith.addi %mul3A_60, %add3A_279 : vector<16xi32>
      %gather3A_281 = tpu.vector_load_idx %arg7[%add3A_280] : memref<16384xf32, #tpu.memory_space<vmem>>[vector<16xi32>], vector<16xf32>,
      %add3A_282 = arith.constant 12 : i32
      %add3A_283 = vector.broadcast %add3A_282 : i32 to vector<16xi32>
      %add3A_284 = arith.addi %mul3A_60, %add3A_283 : vector<16xi32>
      %add3A_285 = arith.constant 1 : i32
      %add3A_286 = vector.broadcast %add3A_285 : i32 to vector<16xi32>
      %add3A_287 = arith.addi %add3A_284, %add3A_286 : vector<16xi32>
      %gather3A_288 = tpu.vector_load_idx %arg7[%add3A_287] : memref<16384xf32, #tpu.memory_space<vmem>>[vector<16xi32>], vector<16xf32>,
      %add3A_289 = arith.constant 12 : i32
      %add3A_290 = vector.broadcast %add3A_289 : i32 to vector<16xi32>
      %add3A_291 = arith.addi %mul3A_60, %add3A_290 : vector<16xi32>
      %add3A_292 = arith.constant 2 : i32
      %add3A_293 = vector.broadcast %add3A_292 : i32 to vector<16xi32>
      %add3A_294 = arith.addi %add3A_291, %add3A_293 : vector<16xi32>
      %gather3A_295 = tpu.vector_load_idx %arg7[%add3A_294] : memref<16384xf32, #tpu.memory_space<vmem>>[vector<16xi32>], vector<16xf32>,
      %add3A_296 = arith.constant 12 : i32
      %add3A_297 = vector.broadcast %add3A_296 : i32 to vector<16xi32>
      %add3A_298 = arith.addi %mul3A_60, %add3A_297 : vector<16xi32>
      %add3A_299 = arith.constant 3 : i32
      %add3A_300 = vector.broadcast %add3A_299 : i32 to vector<16xi32>
      %add3A_301 = arith.addi %add3A_298, %add3A_300 : vector<16xi32>
      %gather3A_302 = tpu.vector_load_idx %arg7[%add3A_301] : memref<16384xf32, #tpu.memory_space<vmem>>[vector<16xi32>], vector<16xf32>,
      %add3A_303 = arith.constant 12 : i32
      %add3A_304 = vector.broadcast %add3A_303 : i32 to vector<16xi32>
      %add3A_305 = arith.addi %mul3A_63, %add3A_304 : vector<16xi32>
      %gather3A_306 = tpu.vector_load_idx %arg8[%add3A_305] : memref<32768xf32, #tpu.memory_space<vmem>>[vector<16xi32>], vector<16xf32>,
      %add3A_307 = arith.constant 12 : i32
      %add3A_308 = vector.broadcast %add3A_307 : i32 to vector<16xi32>
      %add3A_309 = arith.addi %mul3A_63, %add3A_308 : vector<16xi32>
      %add3A_310 = arith.constant 1 : i32
      %add3A_311 = vector.broadcast %add3A_310 : i32 to vector<16xi32>
      %add3A_312 = arith.addi %add3A_309, %add3A_311 : vector<16xi32>
      %gather3A_313 = tpu.vector_load_idx %arg8[%add3A_312] : memref<32768xf32, #tpu.memory_space<vmem>>[vector<16xi32>], vector<16xf32>,
      %add3A_314 = arith.constant 12 : i32
      %add3A_315 = vector.broadcast %add3A_314 : i32 to vector<16xi32>
      %add3A_316 = arith.addi %mul3A_63, %add3A_315 : vector<16xi32>
      %add3A_317 = arith.constant 2 : i32
      %add3A_318 = vector.broadcast %add3A_317 : i32 to vector<16xi32>
      %add3A_319 = arith.addi %add3A_316, %add3A_318 : vector<16xi32>
      %gather3A_320 = tpu.vector_load_idx %arg8[%add3A_319] : memref<32768xf32, #tpu.memory_space<vmem>>[vector<16xi32>], vector<16xf32>,
      %add3A_321 = arith.constant 12 : i32
      %add3A_322 = vector.broadcast %add3A_321 : i32 to vector<16xi32>
      %add3A_323 = arith.addi %mul3A_63, %add3A_322 : vector<16xi32>
      %add3A_324 = arith.constant 3 : i32
      %add3A_325 = vector.broadcast %add3A_324 : i32 to vector<16xi32>
      %add3A_326 = arith.addi %add3A_323, %add3A_325 : vector<16xi32>
      %gather3A_327 = tpu.vector_load_idx %arg8[%add3A_326] : memref<32768xf32, #tpu.memory_space<vmem>>[vector<16xi32>], vector<16xf32>,
      %mul3A_328 = arith.mulf %gather3A_281, %gather3A_306 : vector<16xf32>
      %add3A_329 = arith.addf %add3A_263, %mul3A_328 : vector<16xf32>
      %mul3A_330 = arith.mulf %gather3A_288, %gather3A_313 : vector<16xf32>
      %add3A_331 = arith.addf %add3A_265, %mul3A_330 : vector<16xf32>
      %mul3A_332 = arith.mulf %gather3A_295, %gather3A_320 : vector<16xf32>
      %add3A_333 = arith.addf %add3A_267, %mul3A_332 : vector<16xf32>
      %mul3A_334 = arith.mulf %gather3A_302, %gather3A_327 : vector<16xf32>
      %add3A_335 = arith.addf %add3A_269, %mul3A_334 : vector<16xf32>
      %mul3A_336 = arith.mulf %gather3A_281, %gather3A_281 : vector<16xf32>
      %add3A_337 = arith.addf %add3A_271, %mul3A_336 : vector<16xf32>
      %mul3A_338 = arith.mulf %gather3A_288, %gather3A_288 : vector<16xf32>
      %add3A_339 = arith.addf %add3A_273, %mul3A_338 : vector<16xf32>
      %mul3A_340 = arith.mulf %gather3A_295, %gather3A_295 : vector<16xf32>
      %add3A_341 = arith.addf %add3A_275, %mul3A_340 : vector<16xf32>
      %mul3A_342 = arith.mulf %gather3A_302, %gather3A_302 : vector<16xf32>
      %add3A_343 = arith.addf %add3A_277, %mul3A_342 : vector<16xf32>
      %add3A_344 = arith.constant 16 : i32
      %add3A_345 = vector.broadcast %add3A_344 : i32 to vector<16xi32>
      %add3A_346 = arith.addi %mul3A_60, %add3A_345 : vector<16xi32>
      %gather3A_347 = tpu.vector_load_idx %arg7[%add3A_346] : memref<16384xf32, #tpu.memory_space<vmem>>[vector<16xi32>], vector<16xf32>,
      %add3A_348 = arith.constant 16 : i32
      %add3A_349 = vector.broadcast %add3A_348 : i32 to vector<16xi32>
      %add3A_350 = arith.addi %mul3A_60, %add3A_349 : vector<16xi32>
      %add3A_351 = arith.constant 1 : i32
      %add3A_352 = vector.broadcast %add3A_351 : i32 to vector<16xi32>
      %add3A_353 = arith.addi %add3A_350, %add3A_352 : vector<16xi32>
      %gather3A_354 = tpu.vector_load_idx %arg7[%add3A_353] : memref<16384xf32, #tpu.memory_space<vmem>>[vector<16xi32>], vector<16xf32>,
      %add3A_355 = arith.constant 16 : i32
      %add3A_356 = vector.broadcast %add3A_355 : i32 to vector<16xi32>
      %add3A_357 = arith.addi %mul3A_60, %add3A_356 : vector<16xi32>
      %add3A_358 = arith.constant 2 : i32
      %add3A_359 = vector.broadcast %add3A_358 : i32 to vector<16xi32>
      %add3A_360 = arith.addi %add3A_357, %add3A_359 : vector<16xi32>
      %gather3A_361 = tpu.vector_load_idx %arg7[%add3A_360] : memref<16384xf32, #tpu.memory_space<vmem>>[vector<16xi32>], vector<16xf32>,
      %add3A_362 = arith.constant 16 : i32
      %add3A_363 = vector.broadcast %add3A_362 : i32 to vector<16xi32>
      %add3A_364 = arith.addi %mul3A_60, %add3A_363 : vector<16xi32>
      %add3A_365 = arith.constant 3 : i32
      %add3A_366 = vector.broadcast %add3A_365 : i32 to vector<16xi32>
      %add3A_367 = arith.addi %add3A_364, %add3A_366 : vector<16xi32>
      %gather3A_368 = tpu.vector_load_idx %arg7[%add3A_367] : memref<16384xf32, #tpu.memory_space<vmem>>[vector<16xi32>], vector<16xf32>,
      %add3A_369 = arith.constant 16 : i32
      %add3A_370 = vector.broadcast %add3A_369 : i32 to vector<16xi32>
      %add3A_371 = arith.addi %mul3A_63, %add3A_370 : vector<16xi32>
      %gather3A_372 = tpu.vector_load_idx %arg8[%add3A_371] : memref<32768xf32, #tpu.memory_space<vmem>>[vector<16xi32>], vector<16xf32>,
      %add3A_373 = arith.constant 16 : i32
      %add3A_374 = vector.broadcast %add3A_373 : i32 to vector<16xi32>
      %add3A_375 = arith.addi %mul3A_63, %add3A_374 : vector<16xi32>
      %add3A_376 = arith.constant 1 : i32
      %add3A_377 = vector.broadcast %add3A_376 : i32 to vector<16xi32>
      %add3A_378 = arith.addi %add3A_375, %add3A_377 : vector<16xi32>
      %gather3A_379 = tpu.vector_load_idx %arg8[%add3A_378] : memref<32768xf32, #tpu.memory_space<vmem>>[vector<16xi32>], vector<16xf32>,
      %add3A_380 = arith.constant 16 : i32
      %add3A_381 = vector.broadcast %add3A_380 : i32 to vector<16xi32>
      %add3A_382 = arith.addi %mul3A_63, %add3A_381 : vector<16xi32>
      %add3A_383 = arith.constant 2 : i32
      %add3A_384 = vector.broadcast %add3A_383 : i32 to vector<16xi32>
      %add3A_385 = arith.addi %add3A_382, %add3A_384 : vector<16xi32>
      %gather3A_386 = tpu.vector_load_idx %arg8[%add3A_385] : memref<32768xf32, #tpu.memory_space<vmem>>[vector<16xi32>], vector<16xf32>,
      %add3A_387 = arith.constant 16 : i32
      %add3A_388 = vector.broadcast %add3A_387 : i32 to vector<16xi32>
      %add3A_389 = arith.addi %mul3A_63, %add3A_388 : vector<16xi32>
      %add3A_390 = arith.constant 3 : i32
      %add3A_391 = vector.broadcast %add3A_390 : i32 to vector<16xi32>
      %add3A_392 = arith.addi %add3A_389, %add3A_391 : vector<16xi32>
      %gather3A_393 = tpu.vector_load_idx %arg8[%add3A_392] : memref<32768xf32, #tpu.memory_space<vmem>>[vector<16xi32>], vector<16xf32>,
      %mul3A_394 = arith.mulf %gather3A_347, %gather3A_372 : vector<16xf32>
      %add3A_395 = arith.addf %add3A_329, %mul3A_394 : vector<16xf32>
      %mul3A_396 = arith.mulf %gather3A_354, %gather3A_379 : vector<16xf32>
      %add3A_397 = arith.addf %add3A_331, %mul3A_396 : vector<16xf32>
      %mul3A_398 = arith.mulf %gather3A_361, %gather3A_386 : vector<16xf32>
      %add3A_399 = arith.addf %add3A_333, %mul3A_398 : vector<16xf32>
      %mul3A_400 = arith.mulf %gather3A_368, %gather3A_393 : vector<16xf32>
      %add3A_401 = arith.addf %add3A_335, %mul3A_400 : vector<16xf32>
      %mul3A_402 = arith.mulf %gather3A_347, %gather3A_347 : vector<16xf32>
      %add3A_403 = arith.addf %add3A_337, %mul3A_402 : vector<16xf32>
      %mul3A_404 = arith.mulf %gather3A_354, %gather3A_354 : vector<16xf32>
      %add3A_405 = arith.addf %add3A_339, %mul3A_404 : vector<16xf32>
      %mul3A_406 = arith.mulf %gather3A_361, %gather3A_361 : vector<16xf32>
      %add3A_407 = arith.addf %add3A_341, %mul3A_406 : vector<16xf32>
      %mul3A_408 = arith.mulf %gather3A_368, %gather3A_368 : vector<16xf32>
      %add3A_409 = arith.addf %add3A_343, %mul3A_408 : vector<16xf32>
      %add3A_410 = arith.constant 20 : i32
      %add3A_411 = vector.broadcast %add3A_410 : i32 to vector<16xi32>
      %add3A_412 = arith.addi %mul3A_60, %add3A_411 : vector<16xi32>
      %gather3A_413 = tpu.vector_load_idx %arg7[%add3A_412] : memref<16384xf32, #tpu.memory_space<vmem>>[vector<16xi32>], vector<16xf32>,
      %add3A_414 = arith.constant 20 : i32
      %add3A_415 = vector.broadcast %add3A_414 : i32 to vector<16xi32>
      %add3A_416 = arith.addi %mul3A_60, %add3A_415 : vector<16xi32>
      %add3A_417 = arith.constant 1 : i32
      %add3A_418 = vector.broadcast %add3A_417 : i32 to vector<16xi32>
      %add3A_419 = arith.addi %add3A_416, %add3A_418 : vector<16xi32>
      %gather3A_420 = tpu.vector_load_idx %arg7[%add3A_419] : memref<16384xf32, #tpu.memory_space<vmem>>[vector<16xi32>], vector<16xf32>,
      %add3A_421 = arith.constant 20 : i32
      %add3A_422 = vector.broadcast %add3A_421 : i32 to vector<16xi32>
      %add3A_423 = arith.addi %mul3A_60, %add3A_422 : vector<16xi32>
      %add3A_424 = arith.constant 2 : i32
      %add3A_425 = vector.broadcast %add3A_424 : i32 to vector<16xi32>
      %add3A_426 = arith.addi %add3A_423, %add3A_425 : vector<16xi32>
      %gather3A_427 = tpu.vector_load_idx %arg7[%add3A_426] : memref<16384xf32, #tpu.memory_space<vmem>>[vector<16xi32>], vector<16xf32>,
      %add3A_428 = arith.constant 20 : i32
      %add3A_429 = vector.broadcast %add3A_428 : i32 to vector<16xi32>
      %add3A_430 = arith.addi %mul3A_60, %add3A_429 : vector<16xi32>
      %add3A_431 = arith.constant 3 : i32
      %add3A_432 = vector.broadcast %add3A_431 : i32 to vector<16xi32>
      %add3A_433 = arith.addi %add3A_430, %add3A_432 : vector<16xi32>
      %gather3A_434 = tpu.vector_load_idx %arg7[%add3A_433] : memref<16384xf32, #tpu.memory_space<vmem>>[vector<16xi32>], vector<16xf32>,
      %add3A_435 = arith.constant 20 : i32
      %add3A_436 = vector.broadcast %add3A_435 : i32 to vector<16xi32>
      %add3A_437 = arith.addi %mul3A_63, %add3A_436 : vector<16xi32>
      %gather3A_438 = tpu.vector_load_idx %arg8[%add3A_437] : memref<32768xf32, #tpu.memory_space<vmem>>[vector<16xi32>], vector<16xf32>,
      %add3A_439 = arith.constant 20 : i32
      %add3A_440 = vector.broadcast %add3A_439 : i32 to vector<16xi32>
      %add3A_441 = arith.addi %mul3A_63, %add3A_440 : vector<16xi32>
      %add3A_442 = arith.constant 1 : i32
      %add3A_443 = vector.broadcast %add3A_442 : i32 to vector<16xi32>
      %add3A_444 = arith.addi %add3A_441, %add3A_443 : vector<16xi32>
      %gather3A_445 = tpu.vector_load_idx %arg8[%add3A_444] : memref<32768xf32, #tpu.memory_space<vmem>>[vector<16xi32>], vector<16xf32>,
      %add3A_446 = arith.constant 20 : i32
      %add3A_447 = vector.broadcast %add3A_446 : i32 to vector<16xi32>
      %add3A_448 = arith.addi %mul3A_63, %add3A_447 : vector<16xi32>
      %add3A_449 = arith.constant 2 : i32
      %add3A_450 = vector.broadcast %add3A_449 : i32 to vector<16xi32>
      %add3A_451 = arith.addi %add3A_448, %add3A_450 : vector<16xi32>
      %gather3A_452 = tpu.vector_load_idx %arg8[%add3A_451] : memref<32768xf32, #tpu.memory_space<vmem>>[vector<16xi32>], vector<16xf32>,
      %add3A_453 = arith.constant 20 : i32
      %add3A_454 = vector.broadcast %add3A_453 : i32 to vector<16xi32>
      %add3A_455 = arith.addi %mul3A_63, %add3A_454 : vector<16xi32>
      %add3A_456 = arith.constant 3 : i32
      %add3A_457 = vector.broadcast %add3A_456 : i32 to vector<16xi32>
      %add3A_458 = arith.addi %add3A_455, %add3A_457 : vector<16xi32>
      %gather3A_459 = tpu.vector_load_idx %arg8[%add3A_458] : memref<32768xf32, #tpu.memory_space<vmem>>[vector<16xi32>], vector<16xf32>,
      %mul3A_460 = arith.mulf %gather3A_413, %gather3A_438 : vector<16xf32>
      %add3A_461 = arith.addf %add3A_395, %mul3A_460 : vector<16xf32>
      %mul3A_462 = arith.mulf %gather3A_420, %gather3A_445 : vector<16xf32>
      %add3A_463 = arith.addf %add3A_397, %mul3A_462 : vector<16xf32>
      %mul3A_464 = arith.mulf %gather3A_427, %gather3A_452 : vector<16xf32>
      %add3A_465 = arith.addf %add3A_399, %mul3A_464 : vector<16xf32>
      %mul3A_466 = arith.mulf %gather3A_434, %gather3A_459 : vector<16xf32>
      %add3A_467 = arith.addf %add3A_401, %mul3A_466 : vector<16xf32>
      %mul3A_468 = arith.mulf %gather3A_413, %gather3A_413 : vector<16xf32>
      %add3A_469 = arith.addf %add3A_403, %mul3A_468 : vector<16xf32>
      %mul3A_470 = arith.mulf %gather3A_420, %gather3A_420 : vector<16xf32>
      %add3A_471 = arith.addf %add3A_405, %mul3A_470 : vector<16xf32>
      %mul3A_472 = arith.mulf %gather3A_427, %gather3A_427 : vector<16xf32>
      %add3A_473 = arith.addf %add3A_407, %mul3A_472 : vector<16xf32>
      %mul3A_474 = arith.mulf %gather3A_434, %gather3A_434 : vector<16xf32>
      %add3A_475 = arith.addf %add3A_409, %mul3A_474 : vector<16xf32>
      %add3A_476 = arith.constant 24 : i32
      %add3A_477 = vector.broadcast %add3A_476 : i32 to vector<16xi32>
      %add3A_478 = arith.addi %mul3A_60, %add3A_477 : vector<16xi32>
      %gather3A_479 = tpu.vector_load_idx %arg7[%add3A_478] : memref<16384xf32, #tpu.memory_space<vmem>>[vector<16xi32>], vector<16xf32>,
      %add3A_480 = arith.constant 24 : i32
      %add3A_481 = vector.broadcast %add3A_480 : i32 to vector<16xi32>
      %add3A_482 = arith.addi %mul3A_60, %add3A_481 : vector<16xi32>
      %add3A_483 = arith.constant 1 : i32
      %add3A_484 = vector.broadcast %add3A_483 : i32 to vector<16xi32>
      %add3A_485 = arith.addi %add3A_482, %add3A_484 : vector<16xi32>
      %gather3A_486 = tpu.vector_load_idx %arg7[%add3A_485] : memref<16384xf32, #tpu.memory_space<vmem>>[vector<16xi32>], vector<16xf32>,
      %add3A_487 = arith.constant 24 : i32
      %add3A_488 = vector.broadcast %add3A_487 : i32 to vector<16xi32>
      %add3A_489 = arith.addi %mul3A_60, %add3A_488 : vector<16xi32>
      %add3A_490 = arith.constant 2 : i32
      %add3A_491 = vector.broadcast %add3A_490 : i32 to vector<16xi32>
      %add3A_492 = arith.addi %add3A_489, %add3A_491 : vector<16xi32>
      %gather3A_493 = tpu.vector_load_idx %arg7[%add3A_492] : memref<16384xf32, #tpu.memory_space<vmem>>[vector<16xi32>], vector<16xf32>,
      %add3A_494 = arith.constant 24 : i32
      %add3A_495 = vector.broadcast %add3A_494 : i32 to vector<16xi32>
      %add3A_496 = arith.addi %mul3A_60, %add3A_495 : vector<16xi32>
      %add3A_497 = arith.constant 3 : i32
      %add3A_498 = vector.broadcast %add3A_497 : i32 to vector<16xi32>
      %add3A_499 = arith.addi %add3A_496, %add3A_498 : vector<16xi32>
      %gather3A_500 = tpu.vector_load_idx %arg7[%add3A_499] : memref<16384xf32, #tpu.memory_space<vmem>>[vector<16xi32>], vector<16xf32>,
      %add3A_501 = arith.constant 24 : i32
      %add3A_502 = vector.broadcast %add3A_501 : i32 to vector<16xi32>
      %add3A_503 = arith.addi %mul3A_63, %add3A_502 : vector<16xi32>
      %gather3A_504 = tpu.vector_load_idx %arg8[%add3A_503] : memref<32768xf32, #tpu.memory_space<vmem>>[vector<16xi32>], vector<16xf32>,
      %add3A_505 = arith.constant 24 : i32
      %add3A_506 = vector.broadcast %add3A_505 : i32 to vector<16xi32>
      %add3A_507 = arith.addi %mul3A_63, %add3A_506 : vector<16xi32>
      %add3A_508 = arith.constant 1 : i32
      %add3A_509 = vector.broadcast %add3A_508 : i32 to vector<16xi32>
      %add3A_510 = arith.addi %add3A_507, %add3A_509 : vector<16xi32>
      %gather3A_511 = tpu.vector_load_idx %arg8[%add3A_510] : memref<32768xf32, #tpu.memory_space<vmem>>[vector<16xi32>], vector<16xf32>,
      %add3A_512 = arith.constant 24 : i32
      %add3A_513 = vector.broadcast %add3A_512 : i32 to vector<16xi32>
      %add3A_514 = arith.addi %mul3A_63, %add3A_513 : vector<16xi32>
      %add3A_515 = arith.constant 2 : i32
      %add3A_516 = vector.broadcast %add3A_515 : i32 to vector<16xi32>
      %add3A_517 = arith.addi %add3A_514, %add3A_516 : vector<16xi32>
      %gather3A_518 = tpu.vector_load_idx %arg8[%add3A_517] : memref<32768xf32, #tpu.memory_space<vmem>>[vector<16xi32>], vector<16xf32>,
      %add3A_519 = arith.constant 24 : i32
      %add3A_520 = vector.broadcast %add3A_519 : i32 to vector<16xi32>
      %add3A_521 = arith.addi %mul3A_63, %add3A_520 : vector<16xi32>
      %add3A_522 = arith.constant 3 : i32
      %add3A_523 = vector.broadcast %add3A_522 : i32 to vector<16xi32>
      %add3A_524 = arith.addi %add3A_521, %add3A_523 : vector<16xi32>
      %gather3A_525 = tpu.vector_load_idx %arg8[%add3A_524] : memref<32768xf32, #tpu.memory_space<vmem>>[vector<16xi32>], vector<16xf32>,
      %mul3A_526 = arith.mulf %gather3A_479, %gather3A_504 : vector<16xf32>
      %add3A_527 = arith.addf %add3A_461, %mul3A_526 : vector<16xf32>
      %mul3A_528 = arith.mulf %gather3A_486, %gather3A_511 : vector<16xf32>
      %add3A_529 = arith.addf %add3A_463, %mul3A_528 : vector<16xf32>
      %mul3A_530 = arith.mulf %gather3A_493, %gather3A_518 : vector<16xf32>
      %add3A_531 = arith.addf %add3A_465, %mul3A_530 : vector<16xf32>
      %mul3A_532 = arith.mulf %gather3A_500, %gather3A_525 : vector<16xf32>
      %add3A_533 = arith.addf %add3A_467, %mul3A_532 : vector<16xf32>
      %mul3A_534 = arith.mulf %gather3A_479, %gather3A_479 : vector<16xf32>
      %add3A_535 = arith.addf %add3A_469, %mul3A_534 : vector<16xf32>
      %mul3A_536 = arith.mulf %gather3A_486, %gather3A_486 : vector<16xf32>
      %add3A_537 = arith.addf %add3A_471, %mul3A_536 : vector<16xf32>
      %mul3A_538 = arith.mulf %gather3A_493, %gather3A_493 : vector<16xf32>
      %add3A_539 = arith.addf %add3A_473, %mul3A_538 : vector<16xf32>
      %mul3A_540 = arith.mulf %gather3A_500, %gather3A_500 : vector<16xf32>
      %add3A_541 = arith.addf %add3A_475, %mul3A_540 : vector<16xf32>
      %add3A_542 = arith.constant 28 : i32
      %add3A_543 = vector.broadcast %add3A_542 : i32 to vector<16xi32>
      %add3A_544 = arith.addi %mul3A_60, %add3A_543 : vector<16xi32>
      %gather3A_545 = tpu.vector_load_idx %arg7[%add3A_544] : memref<16384xf32, #tpu.memory_space<vmem>>[vector<16xi32>], vector<16xf32>,
      %add3A_546 = arith.constant 28 : i32
      %add3A_547 = vector.broadcast %add3A_546 : i32 to vector<16xi32>
      %add3A_548 = arith.addi %mul3A_60, %add3A_547 : vector<16xi32>
      %add3A_549 = arith.constant 1 : i32
      %add3A_550 = vector.broadcast %add3A_549 : i32 to vector<16xi32>
      %add3A_551 = arith.addi %add3A_548, %add3A_550 : vector<16xi32>
      %gather3A_552 = tpu.vector_load_idx %arg7[%add3A_551] : memref<16384xf32, #tpu.memory_space<vmem>>[vector<16xi32>], vector<16xf32>,
      %add3A_553 = arith.constant 28 : i32
      %add3A_554 = vector.broadcast %add3A_553 : i32 to vector<16xi32>
      %add3A_555 = arith.addi %mul3A_60, %add3A_554 : vector<16xi32>
      %add3A_556 = arith.constant 2 : i32
      %add3A_557 = vector.broadcast %add3A_556 : i32 to vector<16xi32>
      %add3A_558 = arith.addi %add3A_555, %add3A_557 : vector<16xi32>
      %gather3A_559 = tpu.vector_load_idx %arg7[%add3A_558] : memref<16384xf32, #tpu.memory_space<vmem>>[vector<16xi32>], vector<16xf32>,
      %add3A_560 = arith.constant 28 : i32
      %add3A_561 = vector.broadcast %add3A_560 : i32 to vector<16xi32>
      %add3A_562 = arith.addi %mul3A_60, %add3A_561 : vector<16xi32>
      %add3A_563 = arith.constant 3 : i32
      %add3A_564 = vector.broadcast %add3A_563 : i32 to vector<16xi32>
      %add3A_565 = arith.addi %add3A_562, %add3A_564 : vector<16xi32>
      %gather3A_566 = tpu.vector_load_idx %arg7[%add3A_565] : memref<16384xf32, #tpu.memory_space<vmem>>[vector<16xi32>], vector<16xf32>,
      %add3A_567 = arith.constant 28 : i32
      %add3A_568 = vector.broadcast %add3A_567 : i32 to vector<16xi32>
      %add3A_569 = arith.addi %mul3A_63, %add3A_568 : vector<16xi32>
      %gather3A_570 = tpu.vector_load_idx %arg8[%add3A_569] : memref<32768xf32, #tpu.memory_space<vmem>>[vector<16xi32>], vector<16xf32>,
      %add3A_571 = arith.constant 28 : i32
      %add3A_572 = vector.broadcast %add3A_571 : i32 to vector<16xi32>
      %add3A_573 = arith.addi %mul3A_63, %add3A_572 : vector<16xi32>
      %add3A_574 = arith.constant 1 : i32
      %add3A_575 = vector.broadcast %add3A_574 : i32 to vector<16xi32>
      %add3A_576 = arith.addi %add3A_573, %add3A_575 : vector<16xi32>
      %gather3A_577 = tpu.vector_load_idx %arg8[%add3A_576] : memref<32768xf32, #tpu.memory_space<vmem>>[vector<16xi32>], vector<16xf32>,
      %add3A_578 = arith.constant 28 : i32
      %add3A_579 = vector.broadcast %add3A_578 : i32 to vector<16xi32>
      %add3A_580 = arith.addi %mul3A_63, %add3A_579 : vector<16xi32>
      %add3A_581 = arith.constant 2 : i32
      %add3A_582 = vector.broadcast %add3A_581 : i32 to vector<16xi32>
      %add3A_583 = arith.addi %add3A_580, %add3A_582 : vector<16xi32>
      %gather3A_584 = tpu.vector_load_idx %arg8[%add3A_583] : memref<32768xf32, #tpu.memory_space<vmem>>[vector<16xi32>], vector<16xf32>,
      %add3A_585 = arith.constant 28 : i32
      %add3A_586 = vector.broadcast %add3A_585 : i32 to vector<16xi32>
      %add3A_587 = arith.addi %mul3A_63, %add3A_586 : vector<16xi32>
      %add3A_588 = arith.constant 3 : i32
      %add3A_589 = vector.broadcast %add3A_588 : i32 to vector<16xi32>
      %add3A_590 = arith.addi %add3A_587, %add3A_589 : vector<16xi32>
      %gather3A_591 = tpu.vector_load_idx %arg8[%add3A_590] : memref<32768xf32, #tpu.memory_space<vmem>>[vector<16xi32>], vector<16xf32>,
      %mul3A_592 = arith.mulf %gather3A_545, %gather3A_570 : vector<16xf32>
      %add3A_593 = arith.addf %add3A_527, %mul3A_592 : vector<16xf32>
      %mul3A_594 = arith.mulf %gather3A_552, %gather3A_577 : vector<16xf32>
      %add3A_595 = arith.addf %add3A_529, %mul3A_594 : vector<16xf32>
      %mul3A_596 = arith.mulf %gather3A_559, %gather3A_584 : vector<16xf32>
      %add3A_597 = arith.addf %add3A_531, %mul3A_596 : vector<16xf32>
      %mul3A_598 = arith.mulf %gather3A_566, %gather3A_591 : vector<16xf32>
      %add3A_599 = arith.addf %add3A_533, %mul3A_598 : vector<16xf32>
      %mul3A_600 = arith.mulf %gather3A_545, %gather3A_545 : vector<16xf32>
      %add3A_601 = arith.addf %add3A_535, %mul3A_600 : vector<16xf32>
      %mul3A_602 = arith.mulf %gather3A_552, %gather3A_552 : vector<16xf32>
      %add3A_603 = arith.addf %add3A_537, %mul3A_602 : vector<16xf32>
      %mul3A_604 = arith.mulf %gather3A_559, %gather3A_559 : vector<16xf32>
      %add3A_605 = arith.addf %add3A_539, %mul3A_604 : vector<16xf32>
      %mul3A_606 = arith.mulf %gather3A_566, %gather3A_566 : vector<16xf32>
      %add3A_607 = arith.addf %add3A_541, %mul3A_606 : vector<16xf32>
      %add3A_608 = arith.addf %add3A_593, %add3A_595 : vector<16xf32>
      %add3A_609 = arith.addf %add3A_597, %add3A_599 : vector<16xf32>
      %add3A_610 = arith.addf %add3A_608, %add3A_609 : vector<16xf32>
      %add3A_611 = arith.addf %add3A_601, %add3A_603 : vector<16xf32>
      %add3A_612 = arith.addf %add3A_605, %add3A_607 : vector<16xf32>
      %add3A_613 = arith.addf %add3A_611, %add3A_612 : vector<16xf32>
      %gather3A_614 = tpu.vector_load_idx %arg9[%gather3A] : memref<1024xf32, #tpu.memory_space<vmem>>[vector<16xi32>], vector<16xf32>,
      %max3A = arith.constant 1.000000e-24 : f32
      %max3A_615 = vector.broadcast %max3A : f32 to vector<16xf32>
      %max3A_616 = arith.maximumf %add3A_613, %max3A_615 : vector<16xf32>
      %max3A_617 = arith.constant 1.000000e-24 : f32
      %max3A_618 = vector.broadcast %max3A_617 : f32 to vector<16xf32>
      %max3A_619 = arith.maximumf %gather3A_614, %max3A_618 : vector<16xf32>
      %mul3A_620 = arith.mulf %max3A_616, %max3A_619 : vector<16xf32>
      %bitcast3A = vector.bitcast %mul3A_620 : vector<16xf32> to vector<16xi32>
      %broadcast_in_dim3A_621 = arith.constant 1597463007 : i32
      %broadcast_in_dim3A_622 = vector.broadcast %broadcast_in_dim3A_621 : i32 to vector<16xi32>
      %broadcast_in_dim3A_623 = arith.constant 1 : i32
      %broadcast_in_dim3A_624 = vector.broadcast %broadcast_in_dim3A_623 : i32 to vector<16xi32>
      %shift_right_arithmetic3A = arith.shrsi %bitcast3A, %broadcast_in_dim3A_624 : vector<16xi32>
      %sub3A = arith.subi %broadcast_in_dim3A_622, %shift_right_arithmetic3A : vector<16xi32>
      %bitcast3A_625 = vector.bitcast %sub3A : vector<16xi32> to vector<16xf32>
      %mul3A_626 = arith.constant 5.000000e-01 : f32
      %mul3A_627 = vector.broadcast %mul3A_626 : f32 to vector<16xf32>
      %mul3A_628 = arith.mulf %mul3A_627, %mul3A_620 : vector<16xf32>
      %mul3A_629 = arith.mulf %mul3A_628, %bitcast3A_625 : vector<16xf32>
      %mul3A_630 = arith.mulf %mul3A_629, %bitcast3A_625 : vector<16xf32>
      %sub3A_631 = arith.constant 1.500000e+00 : f32
      %sub3A_632 = vector.broadcast %sub3A_631 : f32 to vector<16xf32>
      %sub3A_633 = arith.subf %sub3A_632, %mul3A_630 : vector<16xf32>
      %mul3A_634 = arith.mulf %bitcast3A_625, %sub3A_633 : vector<16xf32>
      %mul3A_635 = arith.constant 5.000000e-01 : f32
      %mul3A_636 = vector.broadcast %mul3A_635 : f32 to vector<16xf32>
      %mul3A_637 = arith.mulf %mul3A_636, %mul3A_620 : vector<16xf32>
      %mul3A_638 = arith.mulf %mul3A_637, %mul3A_634 : vector<16xf32>
      %mul3A_639 = arith.mulf %mul3A_638, %mul3A_634 : vector<16xf32>
      %sub3A_640 = arith.constant 1.500000e+00 : f32
      %sub3A_641 = vector.broadcast %sub3A_640 : f32 to vector<16xf32>
      %sub3A_642 = arith.subf %sub3A_641, %mul3A_639 : vector<16xf32>
      %mul3A_643 = arith.mulf %mul3A_634, %sub3A_642 : vector<16xf32>
      %mul3A_644 = arith.constant 5.000000e-01 : f32
      %mul3A_645 = vector.broadcast %mul3A_644 : f32 to vector<16xf32>
      %mul3A_646 = arith.mulf %mul3A_645, %mul3A_620 : vector<16xf32>
      %mul3A_647 = arith.mulf %mul3A_646, %mul3A_643 : vector<16xf32>
      %mul3A_648 = arith.mulf %mul3A_647, %mul3A_643 : vector<16xf32>
      %sub3A_649 = arith.constant 1.500000e+00 : f32
      %sub3A_650 = vector.broadcast %sub3A_649 : f32 to vector<16xf32>
      %sub3A_651 = arith.subf %sub3A_650, %mul3A_648 : vector<16xf32>
      %mul3A_652 = arith.mulf %mul3A_643, %sub3A_651 : vector<16xf32>
      %mul3A_653 = arith.constant 5.000000e-01 : f32
      %mul3A_654 = vector.broadcast %mul3A_653 : f32 to vector<16xf32>
      %mul3A_655 = arith.mulf %mul3A_654, %mul3A_620 : vector<16xf32>
      %mul3A_656 = arith.mulf %mul3A_655, %mul3A_652 : vector<16xf32>
      %mul3A_657 = arith.mulf %mul3A_656, %mul3A_652 : vector<16xf32>
      %sub3A_658 = arith.constant 1.500000e+00 : f32
      %sub3A_659 = vector.broadcast %sub3A_658 : f32 to vector<16xf32>
      %sub3A_660 = arith.subf %sub3A_659, %mul3A_657 : vector<16xf32>
      %mul3A_661 = arith.mulf %mul3A_652, %sub3A_660 : vector<16xf32>
      %mul3A_662 = arith.mulf %add3A_610, %mul3A_661 : vector<16xf32>
      %add3A_663 = arith.addf %scan3A_53, %mul3A_662 : vector<16xf32>
      scf.yield %add3A_663 : vector<16xf32>
    }
    %scan3A_38 = arith.constant 32 : i32
    %add3A_39 = arith.constant 1536 : i32
    %add3A_40 = arith.addi %mul3A_2, %add3A_39 : i32
    "tpu.region"() ({
      %run_scoped3A = tpu.sem_alloc : memref<!tpu.dma_semaphore, #tpu.memory_space<semaphore_mem>>
      %dma_start3A = tpu.memref_slice %arg3[%add3A_40] : memref<65536xi32, #tpu.memory_space<hbm>> -> memref<512xi32, #tpu.memory_space<hbm>>
      %dma_start3A_52 = tpu.memref_slice %arg3[%add3A_40] : memref<65536xi32, #tpu.memory_space<hbm>> -> memref<512xi32, #tpu.memory_space<hbm>>
      tpu.enqueue_dma source(%dma_start3A_52 : memref<512xi32, #tpu.memory_space<hbm>>) target(%arg6 : memref<512xi32, #tpu.memory_space<vmem>>) target_semaphore(%run_scoped3A : memref<!tpu.dma_semaphore, #tpu.memory_space<semaphore_mem>>)
      %dma_wait3A = tpu.memref_slice %arg3[%add3A_40] : memref<65536xi32, #tpu.memory_space<hbm>> -> memref<512xi32, #tpu.memory_space<hbm>>
      %dma_wait3A_53 = tpu.memref_slice %arg3[%add3A_40] : memref<65536xi32, #tpu.memory_space<hbm>> -> memref<512xi32, #tpu.memory_space<hbm>>
      tpu.wait_dma2 semaphore(%run_scoped3A : memref<!tpu.dma_semaphore, #tpu.memory_space<semaphore_mem>>) src(%dma_wait3A_53 : memref<512xi32, #tpu.memory_space<hbm>>) dst(%arg6 : memref<512xi32, #tpu.memory_space<vmem>>)
      tpu.yield
    }) : () -> ()
    %mul3A_41 = arith.constant 32 : i32
    %mul3A_42 = arith.muli %add3A_40, %mul3A_41 : i32
    "tpu.region"() ({
      %run_scoped3A = tpu.sem_alloc : memref<!tpu.dma_semaphore, #tpu.memory_space<semaphore_mem>>
      %dma_start3A = tpu.memref_slice %arg2[%mul3A_42] : memref<2097152xf32, #tpu.memory_space<hbm>> -> memref<16384xf32, #tpu.memory_space<hbm>>
      %dma_start3A_52 = tpu.memref_slice %arg2[%mul3A_42] : memref<2097152xf32, #tpu.memory_space<hbm>> -> memref<16384xf32, #tpu.memory_space<hbm>>
      tpu.enqueue_dma source(%dma_start3A_52 : memref<16384xf32, #tpu.memory_space<hbm>>) target(%arg7 : memref<16384xf32, #tpu.memory_space<vmem>>) target_semaphore(%run_scoped3A : memref<!tpu.dma_semaphore, #tpu.memory_space<semaphore_mem>>)
      %dma_wait3A = tpu.memref_slice %arg2[%mul3A_42] : memref<2097152xf32, #tpu.memory_space<hbm>> -> memref<16384xf32, #tpu.memory_space<hbm>>
      %dma_wait3A_53 = tpu.memref_slice %arg2[%mul3A_42] : memref<2097152xf32, #tpu.memory_space<hbm>> -> memref<16384xf32, #tpu.memory_space<hbm>>
      tpu.wait_dma2 semaphore(%run_scoped3A : memref<!tpu.dma_semaphore, #tpu.memory_space<semaphore_mem>>) src(%dma_wait3A_53 : memref<16384xf32, #tpu.memory_space<hbm>>) dst(%arg7 : memref<16384xf32, #tpu.memory_space<vmem>>)
      tpu.yield
    }) : () -> ()
    %scan3A_43 = arith.constant 0 : i32
    %scan3A_44 = arith.constant 32 : i32
    %scan3A_45 = arith.addi %scan3A_43, %scan3A_44 : i32
    %scan3A_46 = arith.constant 1 : i32
    %scan3A_47 = scf.for %scan3A_52 = %scan3A_43 to %scan3A_45 step %scan3A_46 iter_args(%scan3A_53 = %scan3A_37) -> (vector<16xf32>)  : i32 {
      %mul3A_54 = arith.constant 16 : i32
      %mul3A_55 = arith.muli %scan3A_52, %mul3A_54 : i32
      %add3A_56 = vector.broadcast %mul3A_55 : i32 to vector<16xi32>
      %add3A_57 = arith.addi %add3A_56, %iota3A : vector<16xi32>
      %gather3A = tpu.vector_load_idx %arg6[%add3A_57] : memref<512xi32, #tpu.memory_space<vmem>>[vector<16xi32>], vector<16xi32>,
      %mul3A_58 = arith.constant 32 : i32
      %mul3A_59 = vector.broadcast %mul3A_58 : i32 to vector<16xi32>
      %mul3A_60 = arith.muli %add3A_57, %mul3A_59 : vector<16xi32>
      %mul3A_61 = arith.constant 32 : i32
      %mul3A_62 = vector.broadcast %mul3A_61 : i32 to vector<16xi32>
      %mul3A_63 = arith.muli %gather3A, %mul3A_62 : vector<16xi32>
      %broadcast_in_dim3A_64 = arith.constant 0.000000e+00 : f32
      %broadcast_in_dim3A_65 = vector.broadcast %broadcast_in_dim3A_64 : f32 to vector<16xf32>
      %broadcast_in_dim3A_66 = arith.constant 0.000000e+00 : f32
      %broadcast_in_dim3A_67 = vector.broadcast %broadcast_in_dim3A_66 : f32 to vector<16xf32>
      %broadcast_in_dim3A_68 = arith.constant 0.000000e+00 : f32
      %broadcast_in_dim3A_69 = vector.broadcast %broadcast_in_dim3A_68 : f32 to vector<16xf32>
      %broadcast_in_dim3A_70 = arith.constant 0.000000e+00 : f32
      %broadcast_in_dim3A_71 = vector.broadcast %broadcast_in_dim3A_70 : f32 to vector<16xf32>
      %broadcast_in_dim3A_72 = arith.constant 0.000000e+00 : f32
      %broadcast_in_dim3A_73 = vector.broadcast %broadcast_in_dim3A_72 : f32 to vector<16xf32>
      %broadcast_in_dim3A_74 = arith.constant 0.000000e+00 : f32
      %broadcast_in_dim3A_75 = vector.broadcast %broadcast_in_dim3A_74 : f32 to vector<16xf32>
      %broadcast_in_dim3A_76 = arith.constant 0.000000e+00 : f32
      %broadcast_in_dim3A_77 = vector.broadcast %broadcast_in_dim3A_76 : f32 to vector<16xf32>
      %broadcast_in_dim3A_78 = arith.constant 0.000000e+00 : f32
      %broadcast_in_dim3A_79 = vector.broadcast %broadcast_in_dim3A_78 : f32 to vector<16xf32>
      %add3A_80 = arith.constant 0 : i32
      %add3A_81 = vector.broadcast %add3A_80 : i32 to vector<16xi32>
      %add3A_82 = arith.addi %mul3A_60, %add3A_81 : vector<16xi32>
      %gather3A_83 = tpu.vector_load_idx %arg7[%add3A_82] : memref<16384xf32, #tpu.memory_space<vmem>>[vector<16xi32>], vector<16xf32>,
      %add3A_84 = arith.constant 0 : i32
      %add3A_85 = vector.broadcast %add3A_84 : i32 to vector<16xi32>
      %add3A_86 = arith.addi %mul3A_60, %add3A_85 : vector<16xi32>
      %add3A_87 = arith.constant 1 : i32
      %add3A_88 = vector.broadcast %add3A_87 : i32 to vector<16xi32>
      %add3A_89 = arith.addi %add3A_86, %add3A_88 : vector<16xi32>
      %gather3A_90 = tpu.vector_load_idx %arg7[%add3A_89] : memref<16384xf32, #tpu.memory_space<vmem>>[vector<16xi32>], vector<16xf32>,
      %add3A_91 = arith.constant 0 : i32
      %add3A_92 = vector.broadcast %add3A_91 : i32 to vector<16xi32>
      %add3A_93 = arith.addi %mul3A_60, %add3A_92 : vector<16xi32>
      %add3A_94 = arith.constant 2 : i32
      %add3A_95 = vector.broadcast %add3A_94 : i32 to vector<16xi32>
      %add3A_96 = arith.addi %add3A_93, %add3A_95 : vector<16xi32>
      %gather3A_97 = tpu.vector_load_idx %arg7[%add3A_96] : memref<16384xf32, #tpu.memory_space<vmem>>[vector<16xi32>], vector<16xf32>,
      %add3A_98 = arith.constant 0 : i32
      %add3A_99 = vector.broadcast %add3A_98 : i32 to vector<16xi32>
      %add3A_100 = arith.addi %mul3A_60, %add3A_99 : vector<16xi32>
      %add3A_101 = arith.constant 3 : i32
      %add3A_102 = vector.broadcast %add3A_101 : i32 to vector<16xi32>
      %add3A_103 = arith.addi %add3A_100, %add3A_102 : vector<16xi32>
      %gather3A_104 = tpu.vector_load_idx %arg7[%add3A_103] : memref<16384xf32, #tpu.memory_space<vmem>>[vector<16xi32>], vector<16xf32>,
      %add3A_105 = arith.constant 0 : i32
      %add3A_106 = vector.broadcast %add3A_105 : i32 to vector<16xi32>
      %add3A_107 = arith.addi %mul3A_63, %add3A_106 : vector<16xi32>
      %gather3A_108 = tpu.vector_load_idx %arg8[%add3A_107] : memref<32768xf32, #tpu.memory_space<vmem>>[vector<16xi32>], vector<16xf32>,
      %add3A_109 = arith.constant 0 : i32
      %add3A_110 = vector.broadcast %add3A_109 : i32 to vector<16xi32>
      %add3A_111 = arith.addi %mul3A_63, %add3A_110 : vector<16xi32>
      %add3A_112 = arith.constant 1 : i32
      %add3A_113 = vector.broadcast %add3A_112 : i32 to vector<16xi32>
      %add3A_114 = arith.addi %add3A_111, %add3A_113 : vector<16xi32>
      %gather3A_115 = tpu.vector_load_idx %arg8[%add3A_114] : memref<32768xf32, #tpu.memory_space<vmem>>[vector<16xi32>], vector<16xf32>,
      %add3A_116 = arith.constant 0 : i32
      %add3A_117 = vector.broadcast %add3A_116 : i32 to vector<16xi32>
      %add3A_118 = arith.addi %mul3A_63, %add3A_117 : vector<16xi32>
      %add3A_119 = arith.constant 2 : i32
      %add3A_120 = vector.broadcast %add3A_119 : i32 to vector<16xi32>
      %add3A_121 = arith.addi %add3A_118, %add3A_120 : vector<16xi32>
      %gather3A_122 = tpu.vector_load_idx %arg8[%add3A_121] : memref<32768xf32, #tpu.memory_space<vmem>>[vector<16xi32>], vector<16xf32>,
      %add3A_123 = arith.constant 0 : i32
      %add3A_124 = vector.broadcast %add3A_123 : i32 to vector<16xi32>
      %add3A_125 = arith.addi %mul3A_63, %add3A_124 : vector<16xi32>
      %add3A_126 = arith.constant 3 : i32
      %add3A_127 = vector.broadcast %add3A_126 : i32 to vector<16xi32>
      %add3A_128 = arith.addi %add3A_125, %add3A_127 : vector<16xi32>
      %gather3A_129 = tpu.vector_load_idx %arg8[%add3A_128] : memref<32768xf32, #tpu.memory_space<vmem>>[vector<16xi32>], vector<16xf32>,
      %mul3A_130 = arith.mulf %gather3A_83, %gather3A_108 : vector<16xf32>
      %add3A_131 = arith.addf %broadcast_in_dim3A_65, %mul3A_130 : vector<16xf32>
      %mul3A_132 = arith.mulf %gather3A_90, %gather3A_115 : vector<16xf32>
      %add3A_133 = arith.addf %broadcast_in_dim3A_67, %mul3A_132 : vector<16xf32>
      %mul3A_134 = arith.mulf %gather3A_97, %gather3A_122 : vector<16xf32>
      %add3A_135 = arith.addf %broadcast_in_dim3A_69, %mul3A_134 : vector<16xf32>
      %mul3A_136 = arith.mulf %gather3A_104, %gather3A_129 : vector<16xf32>
      %add3A_137 = arith.addf %broadcast_in_dim3A_71, %mul3A_136 : vector<16xf32>
      %mul3A_138 = arith.mulf %gather3A_83, %gather3A_83 : vector<16xf32>
      %add3A_139 = arith.addf %broadcast_in_dim3A_73, %mul3A_138 : vector<16xf32>
      %mul3A_140 = arith.mulf %gather3A_90, %gather3A_90 : vector<16xf32>
      %add3A_141 = arith.addf %broadcast_in_dim3A_75, %mul3A_140 : vector<16xf32>
      %mul3A_142 = arith.mulf %gather3A_97, %gather3A_97 : vector<16xf32>
      %add3A_143 = arith.addf %broadcast_in_dim3A_77, %mul3A_142 : vector<16xf32>
      %mul3A_144 = arith.mulf %gather3A_104, %gather3A_104 : vector<16xf32>
      %add3A_145 = arith.addf %broadcast_in_dim3A_79, %mul3A_144 : vector<16xf32>
      %add3A_146 = arith.constant 4 : i32
      %add3A_147 = vector.broadcast %add3A_146 : i32 to vector<16xi32>
      %add3A_148 = arith.addi %mul3A_60, %add3A_147 : vector<16xi32>
      %gather3A_149 = tpu.vector_load_idx %arg7[%add3A_148] : memref<16384xf32, #tpu.memory_space<vmem>>[vector<16xi32>], vector<16xf32>,
      %add3A_150 = arith.constant 4 : i32
      %add3A_151 = vector.broadcast %add3A_150 : i32 to vector<16xi32>
      %add3A_152 = arith.addi %mul3A_60, %add3A_151 : vector<16xi32>
      %add3A_153 = arith.constant 1 : i32
      %add3A_154 = vector.broadcast %add3A_153 : i32 to vector<16xi32>
      %add3A_155 = arith.addi %add3A_152, %add3A_154 : vector<16xi32>
      %gather3A_156 = tpu.vector_load_idx %arg7[%add3A_155] : memref<16384xf32, #tpu.memory_space<vmem>>[vector<16xi32>], vector<16xf32>,
      %add3A_157 = arith.constant 4 : i32
      %add3A_158 = vector.broadcast %add3A_157 : i32 to vector<16xi32>
      %add3A_159 = arith.addi %mul3A_60, %add3A_158 : vector<16xi32>
      %add3A_160 = arith.constant 2 : i32
      %add3A_161 = vector.broadcast %add3A_160 : i32 to vector<16xi32>
      %add3A_162 = arith.addi %add3A_159, %add3A_161 : vector<16xi32>
      %gather3A_163 = tpu.vector_load_idx %arg7[%add3A_162] : memref<16384xf32, #tpu.memory_space<vmem>>[vector<16xi32>], vector<16xf32>,
      %add3A_164 = arith.constant 4 : i32
      %add3A_165 = vector.broadcast %add3A_164 : i32 to vector<16xi32>
      %add3A_166 = arith.addi %mul3A_60, %add3A_165 : vector<16xi32>
      %add3A_167 = arith.constant 3 : i32
      %add3A_168 = vector.broadcast %add3A_167 : i32 to vector<16xi32>
      %add3A_169 = arith.addi %add3A_166, %add3A_168 : vector<16xi32>
      %gather3A_170 = tpu.vector_load_idx %arg7[%add3A_169] : memref<16384xf32, #tpu.memory_space<vmem>>[vector<16xi32>], vector<16xf32>,
      %add3A_171 = arith.constant 4 : i32
      %add3A_172 = vector.broadcast %add3A_171 : i32 to vector<16xi32>
      %add3A_173 = arith.addi %mul3A_63, %add3A_172 : vector<16xi32>
      %gather3A_174 = tpu.vector_load_idx %arg8[%add3A_173] : memref<32768xf32, #tpu.memory_space<vmem>>[vector<16xi32>], vector<16xf32>,
      %add3A_175 = arith.constant 4 : i32
      %add3A_176 = vector.broadcast %add3A_175 : i32 to vector<16xi32>
      %add3A_177 = arith.addi %mul3A_63, %add3A_176 : vector<16xi32>
      %add3A_178 = arith.constant 1 : i32
      %add3A_179 = vector.broadcast %add3A_178 : i32 to vector<16xi32>
      %add3A_180 = arith.addi %add3A_177, %add3A_179 : vector<16xi32>
      %gather3A_181 = tpu.vector_load_idx %arg8[%add3A_180] : memref<32768xf32, #tpu.memory_space<vmem>>[vector<16xi32>], vector<16xf32>,
      %add3A_182 = arith.constant 4 : i32
      %add3A_183 = vector.broadcast %add3A_182 : i32 to vector<16xi32>
      %add3A_184 = arith.addi %mul3A_63, %add3A_183 : vector<16xi32>
      %add3A_185 = arith.constant 2 : i32
      %add3A_186 = vector.broadcast %add3A_185 : i32 to vector<16xi32>
      %add3A_187 = arith.addi %add3A_184, %add3A_186 : vector<16xi32>
      %gather3A_188 = tpu.vector_load_idx %arg8[%add3A_187] : memref<32768xf32, #tpu.memory_space<vmem>>[vector<16xi32>], vector<16xf32>,
      %add3A_189 = arith.constant 4 : i32
      %add3A_190 = vector.broadcast %add3A_189 : i32 to vector<16xi32>
      %add3A_191 = arith.addi %mul3A_63, %add3A_190 : vector<16xi32>
      %add3A_192 = arith.constant 3 : i32
      %add3A_193 = vector.broadcast %add3A_192 : i32 to vector<16xi32>
      %add3A_194 = arith.addi %add3A_191, %add3A_193 : vector<16xi32>
      %gather3A_195 = tpu.vector_load_idx %arg8[%add3A_194] : memref<32768xf32, #tpu.memory_space<vmem>>[vector<16xi32>], vector<16xf32>,
      %mul3A_196 = arith.mulf %gather3A_149, %gather3A_174 : vector<16xf32>
      %add3A_197 = arith.addf %add3A_131, %mul3A_196 : vector<16xf32>
      %mul3A_198 = arith.mulf %gather3A_156, %gather3A_181 : vector<16xf32>
      %add3A_199 = arith.addf %add3A_133, %mul3A_198 : vector<16xf32>
      %mul3A_200 = arith.mulf %gather3A_163, %gather3A_188 : vector<16xf32>
      %add3A_201 = arith.addf %add3A_135, %mul3A_200 : vector<16xf32>
      %mul3A_202 = arith.mulf %gather3A_170, %gather3A_195 : vector<16xf32>
      %add3A_203 = arith.addf %add3A_137, %mul3A_202 : vector<16xf32>
      %mul3A_204 = arith.mulf %gather3A_149, %gather3A_149 : vector<16xf32>
      %add3A_205 = arith.addf %add3A_139, %mul3A_204 : vector<16xf32>
      %mul3A_206 = arith.mulf %gather3A_156, %gather3A_156 : vector<16xf32>
      %add3A_207 = arith.addf %add3A_141, %mul3A_206 : vector<16xf32>
      %mul3A_208 = arith.mulf %gather3A_163, %gather3A_163 : vector<16xf32>
      %add3A_209 = arith.addf %add3A_143, %mul3A_208 : vector<16xf32>
      %mul3A_210 = arith.mulf %gather3A_170, %gather3A_170 : vector<16xf32>
      %add3A_211 = arith.addf %add3A_145, %mul3A_210 : vector<16xf32>
      %add3A_212 = arith.constant 8 : i32
      %add3A_213 = vector.broadcast %add3A_212 : i32 to vector<16xi32>
      %add3A_214 = arith.addi %mul3A_60, %add3A_213 : vector<16xi32>
      %gather3A_215 = tpu.vector_load_idx %arg7[%add3A_214] : memref<16384xf32, #tpu.memory_space<vmem>>[vector<16xi32>], vector<16xf32>,
      %add3A_216 = arith.constant 8 : i32
      %add3A_217 = vector.broadcast %add3A_216 : i32 to vector<16xi32>
      %add3A_218 = arith.addi %mul3A_60, %add3A_217 : vector<16xi32>
      %add3A_219 = arith.constant 1 : i32
      %add3A_220 = vector.broadcast %add3A_219 : i32 to vector<16xi32>
      %add3A_221 = arith.addi %add3A_218, %add3A_220 : vector<16xi32>
      %gather3A_222 = tpu.vector_load_idx %arg7[%add3A_221] : memref<16384xf32, #tpu.memory_space<vmem>>[vector<16xi32>], vector<16xf32>,
      %add3A_223 = arith.constant 8 : i32
      %add3A_224 = vector.broadcast %add3A_223 : i32 to vector<16xi32>
      %add3A_225 = arith.addi %mul3A_60, %add3A_224 : vector<16xi32>
      %add3A_226 = arith.constant 2 : i32
      %add3A_227 = vector.broadcast %add3A_226 : i32 to vector<16xi32>
      %add3A_228 = arith.addi %add3A_225, %add3A_227 : vector<16xi32>
      %gather3A_229 = tpu.vector_load_idx %arg7[%add3A_228] : memref<16384xf32, #tpu.memory_space<vmem>>[vector<16xi32>], vector<16xf32>,
      %add3A_230 = arith.constant 8 : i32
      %add3A_231 = vector.broadcast %add3A_230 : i32 to vector<16xi32>
      %add3A_232 = arith.addi %mul3A_60, %add3A_231 : vector<16xi32>
      %add3A_233 = arith.constant 3 : i32
      %add3A_234 = vector.broadcast %add3A_233 : i32 to vector<16xi32>
      %add3A_235 = arith.addi %add3A_232, %add3A_234 : vector<16xi32>
      %gather3A_236 = tpu.vector_load_idx %arg7[%add3A_235] : memref<16384xf32, #tpu.memory_space<vmem>>[vector<16xi32>], vector<16xf32>,
      %add3A_237 = arith.constant 8 : i32
      %add3A_238 = vector.broadcast %add3A_237 : i32 to vector<16xi32>
      %add3A_239 = arith.addi %mul3A_63, %add3A_238 : vector<16xi32>
      %gather3A_240 = tpu.vector_load_idx %arg8[%add3A_239] : memref<32768xf32, #tpu.memory_space<vmem>>[vector<16xi32>], vector<16xf32>,
      %add3A_241 = arith.constant 8 : i32
      %add3A_242 = vector.broadcast %add3A_241 : i32 to vector<16xi32>
      %add3A_243 = arith.addi %mul3A_63, %add3A_242 : vector<16xi32>
      %add3A_244 = arith.constant 1 : i32
      %add3A_245 = vector.broadcast %add3A_244 : i32 to vector<16xi32>
      %add3A_246 = arith.addi %add3A_243, %add3A_245 : vector<16xi32>
      %gather3A_247 = tpu.vector_load_idx %arg8[%add3A_246] : memref<32768xf32, #tpu.memory_space<vmem>>[vector<16xi32>], vector<16xf32>,
      %add3A_248 = arith.constant 8 : i32
      %add3A_249 = vector.broadcast %add3A_248 : i32 to vector<16xi32>
      %add3A_250 = arith.addi %mul3A_63, %add3A_249 : vector<16xi32>
      %add3A_251 = arith.constant 2 : i32
      %add3A_252 = vector.broadcast %add3A_251 : i32 to vector<16xi32>
      %add3A_253 = arith.addi %add3A_250, %add3A_252 : vector<16xi32>
      %gather3A_254 = tpu.vector_load_idx %arg8[%add3A_253] : memref<32768xf32, #tpu.memory_space<vmem>>[vector<16xi32>], vector<16xf32>,
      %add3A_255 = arith.constant 8 : i32
      %add3A_256 = vector.broadcast %add3A_255 : i32 to vector<16xi32>
      %add3A_257 = arith.addi %mul3A_63, %add3A_256 : vector<16xi32>
      %add3A_258 = arith.constant 3 : i32
      %add3A_259 = vector.broadcast %add3A_258 : i32 to vector<16xi32>
      %add3A_260 = arith.addi %add3A_257, %add3A_259 : vector<16xi32>
      %gather3A_261 = tpu.vector_load_idx %arg8[%add3A_260] : memref<32768xf32, #tpu.memory_space<vmem>>[vector<16xi32>], vector<16xf32>,
      %mul3A_262 = arith.mulf %gather3A_215, %gather3A_240 : vector<16xf32>
      %add3A_263 = arith.addf %add3A_197, %mul3A_262 : vector<16xf32>
      %mul3A_264 = arith.mulf %gather3A_222, %gather3A_247 : vector<16xf32>
      %add3A_265 = arith.addf %add3A_199, %mul3A_264 : vector<16xf32>
      %mul3A_266 = arith.mulf %gather3A_229, %gather3A_254 : vector<16xf32>
      %add3A_267 = arith.addf %add3A_201, %mul3A_266 : vector<16xf32>
      %mul3A_268 = arith.mulf %gather3A_236, %gather3A_261 : vector<16xf32>
      %add3A_269 = arith.addf %add3A_203, %mul3A_268 : vector<16xf32>
      %mul3A_270 = arith.mulf %gather3A_215, %gather3A_215 : vector<16xf32>
      %add3A_271 = arith.addf %add3A_205, %mul3A_270 : vector<16xf32>
      %mul3A_272 = arith.mulf %gather3A_222, %gather3A_222 : vector<16xf32>
      %add3A_273 = arith.addf %add3A_207, %mul3A_272 : vector<16xf32>
      %mul3A_274 = arith.mulf %gather3A_229, %gather3A_229 : vector<16xf32>
      %add3A_275 = arith.addf %add3A_209, %mul3A_274 : vector<16xf32>
      %mul3A_276 = arith.mulf %gather3A_236, %gather3A_236 : vector<16xf32>
      %add3A_277 = arith.addf %add3A_211, %mul3A_276 : vector<16xf32>
      %add3A_278 = arith.constant 12 : i32
      %add3A_279 = vector.broadcast %add3A_278 : i32 to vector<16xi32>
      %add3A_280 = arith.addi %mul3A_60, %add3A_279 : vector<16xi32>
      %gather3A_281 = tpu.vector_load_idx %arg7[%add3A_280] : memref<16384xf32, #tpu.memory_space<vmem>>[vector<16xi32>], vector<16xf32>,
      %add3A_282 = arith.constant 12 : i32
      %add3A_283 = vector.broadcast %add3A_282 : i32 to vector<16xi32>
      %add3A_284 = arith.addi %mul3A_60, %add3A_283 : vector<16xi32>
      %add3A_285 = arith.constant 1 : i32
      %add3A_286 = vector.broadcast %add3A_285 : i32 to vector<16xi32>
      %add3A_287 = arith.addi %add3A_284, %add3A_286 : vector<16xi32>
      %gather3A_288 = tpu.vector_load_idx %arg7[%add3A_287] : memref<16384xf32, #tpu.memory_space<vmem>>[vector<16xi32>], vector<16xf32>,
      %add3A_289 = arith.constant 12 : i32
      %add3A_290 = vector.broadcast %add3A_289 : i32 to vector<16xi32>
      %add3A_291 = arith.addi %mul3A_60, %add3A_290 : vector<16xi32>
      %add3A_292 = arith.constant 2 : i32
      %add3A_293 = vector.broadcast %add3A_292 : i32 to vector<16xi32>
      %add3A_294 = arith.addi %add3A_291, %add3A_293 : vector<16xi32>
      %gather3A_295 = tpu.vector_load_idx %arg7[%add3A_294] : memref<16384xf32, #tpu.memory_space<vmem>>[vector<16xi32>], vector<16xf32>,
      %add3A_296 = arith.constant 12 : i32
      %add3A_297 = vector.broadcast %add3A_296 : i32 to vector<16xi32>
      %add3A_298 = arith.addi %mul3A_60, %add3A_297 : vector<16xi32>
      %add3A_299 = arith.constant 3 : i32
      %add3A_300 = vector.broadcast %add3A_299 : i32 to vector<16xi32>
      %add3A_301 = arith.addi %add3A_298, %add3A_300 : vector<16xi32>
      %gather3A_302 = tpu.vector_load_idx %arg7[%add3A_301] : memref<16384xf32, #tpu.memory_space<vmem>>[vector<16xi32>], vector<16xf32>,
      %add3A_303 = arith.constant 12 : i32
      %add3A_304 = vector.broadcast %add3A_303 : i32 to vector<16xi32>
      %add3A_305 = arith.addi %mul3A_63, %add3A_304 : vector<16xi32>
      %gather3A_306 = tpu.vector_load_idx %arg8[%add3A_305] : memref<32768xf32, #tpu.memory_space<vmem>>[vector<16xi32>], vector<16xf32>,
      %add3A_307 = arith.constant 12 : i32
      %add3A_308 = vector.broadcast %add3A_307 : i32 to vector<16xi32>
      %add3A_309 = arith.addi %mul3A_63, %add3A_308 : vector<16xi32>
      %add3A_310 = arith.constant 1 : i32
      %add3A_311 = vector.broadcast %add3A_310 : i32 to vector<16xi32>
      %add3A_312 = arith.addi %add3A_309, %add3A_311 : vector<16xi32>
      %gather3A_313 = tpu.vector_load_idx %arg8[%add3A_312] : memref<32768xf32, #tpu.memory_space<vmem>>[vector<16xi32>], vector<16xf32>,
      %add3A_314 = arith.constant 12 : i32
      %add3A_315 = vector.broadcast %add3A_314 : i32 to vector<16xi32>
      %add3A_316 = arith.addi %mul3A_63, %add3A_315 : vector<16xi32>
      %add3A_317 = arith.constant 2 : i32
      %add3A_318 = vector.broadcast %add3A_317 : i32 to vector<16xi32>
      %add3A_319 = arith.addi %add3A_316, %add3A_318 : vector<16xi32>
      %gather3A_320 = tpu.vector_load_idx %arg8[%add3A_319] : memref<32768xf32, #tpu.memory_space<vmem>>[vector<16xi32>], vector<16xf32>,
      %add3A_321 = arith.constant 12 : i32
      %add3A_322 = vector.broadcast %add3A_321 : i32 to vector<16xi32>
      %add3A_323 = arith.addi %mul3A_63, %add3A_322 : vector<16xi32>
      %add3A_324 = arith.constant 3 : i32
      %add3A_325 = vector.broadcast %add3A_324 : i32 to vector<16xi32>
      %add3A_326 = arith.addi %add3A_323, %add3A_325 : vector<16xi32>
      %gather3A_327 = tpu.vector_load_idx %arg8[%add3A_326] : memref<32768xf32, #tpu.memory_space<vmem>>[vector<16xi32>], vector<16xf32>,
      %mul3A_328 = arith.mulf %gather3A_281, %gather3A_306 : vector<16xf32>
      %add3A_329 = arith.addf %add3A_263, %mul3A_328 : vector<16xf32>
      %mul3A_330 = arith.mulf %gather3A_288, %gather3A_313 : vector<16xf32>
      %add3A_331 = arith.addf %add3A_265, %mul3A_330 : vector<16xf32>
      %mul3A_332 = arith.mulf %gather3A_295, %gather3A_320 : vector<16xf32>
      %add3A_333 = arith.addf %add3A_267, %mul3A_332 : vector<16xf32>
      %mul3A_334 = arith.mulf %gather3A_302, %gather3A_327 : vector<16xf32>
      %add3A_335 = arith.addf %add3A_269, %mul3A_334 : vector<16xf32>
      %mul3A_336 = arith.mulf %gather3A_281, %gather3A_281 : vector<16xf32>
      %add3A_337 = arith.addf %add3A_271, %mul3A_336 : vector<16xf32>
      %mul3A_338 = arith.mulf %gather3A_288, %gather3A_288 : vector<16xf32>
      %add3A_339 = arith.addf %add3A_273, %mul3A_338 : vector<16xf32>
      %mul3A_340 = arith.mulf %gather3A_295, %gather3A_295 : vector<16xf32>
      %add3A_341 = arith.addf %add3A_275, %mul3A_340 : vector<16xf32>
      %mul3A_342 = arith.mulf %gather3A_302, %gather3A_302 : vector<16xf32>
      %add3A_343 = arith.addf %add3A_277, %mul3A_342 : vector<16xf32>
      %add3A_344 = arith.constant 16 : i32
      %add3A_345 = vector.broadcast %add3A_344 : i32 to vector<16xi32>
      %add3A_346 = arith.addi %mul3A_60, %add3A_345 : vector<16xi32>
      %gather3A_347 = tpu.vector_load_idx %arg7[%add3A_346] : memref<16384xf32, #tpu.memory_space<vmem>>[vector<16xi32>], vector<16xf32>,
      %add3A_348 = arith.constant 16 : i32
      %add3A_349 = vector.broadcast %add3A_348 : i32 to vector<16xi32>
      %add3A_350 = arith.addi %mul3A_60, %add3A_349 : vector<16xi32>
      %add3A_351 = arith.constant 1 : i32
      %add3A_352 = vector.broadcast %add3A_351 : i32 to vector<16xi32>
      %add3A_353 = arith.addi %add3A_350, %add3A_352 : vector<16xi32>
      %gather3A_354 = tpu.vector_load_idx %arg7[%add3A_353] : memref<16384xf32, #tpu.memory_space<vmem>>[vector<16xi32>], vector<16xf32>,
      %add3A_355 = arith.constant 16 : i32
      %add3A_356 = vector.broadcast %add3A_355 : i32 to vector<16xi32>
      %add3A_357 = arith.addi %mul3A_60, %add3A_356 : vector<16xi32>
      %add3A_358 = arith.constant 2 : i32
      %add3A_359 = vector.broadcast %add3A_358 : i32 to vector<16xi32>
      %add3A_360 = arith.addi %add3A_357, %add3A_359 : vector<16xi32>
      %gather3A_361 = tpu.vector_load_idx %arg7[%add3A_360] : memref<16384xf32, #tpu.memory_space<vmem>>[vector<16xi32>], vector<16xf32>,
      %add3A_362 = arith.constant 16 : i32
      %add3A_363 = vector.broadcast %add3A_362 : i32 to vector<16xi32>
      %add3A_364 = arith.addi %mul3A_60, %add3A_363 : vector<16xi32>
      %add3A_365 = arith.constant 3 : i32
      %add3A_366 = vector.broadcast %add3A_365 : i32 to vector<16xi32>
      %add3A_367 = arith.addi %add3A_364, %add3A_366 : vector<16xi32>
      %gather3A_368 = tpu.vector_load_idx %arg7[%add3A_367] : memref<16384xf32, #tpu.memory_space<vmem>>[vector<16xi32>], vector<16xf32>,
      %add3A_369 = arith.constant 16 : i32
      %add3A_370 = vector.broadcast %add3A_369 : i32 to vector<16xi32>
      %add3A_371 = arith.addi %mul3A_63, %add3A_370 : vector<16xi32>
      %gather3A_372 = tpu.vector_load_idx %arg8[%add3A_371] : memref<32768xf32, #tpu.memory_space<vmem>>[vector<16xi32>], vector<16xf32>,
      %add3A_373 = arith.constant 16 : i32
      %add3A_374 = vector.broadcast %add3A_373 : i32 to vector<16xi32>
      %add3A_375 = arith.addi %mul3A_63, %add3A_374 : vector<16xi32>
      %add3A_376 = arith.constant 1 : i32
      %add3A_377 = vector.broadcast %add3A_376 : i32 to vector<16xi32>
      %add3A_378 = arith.addi %add3A_375, %add3A_377 : vector<16xi32>
      %gather3A_379 = tpu.vector_load_idx %arg8[%add3A_378] : memref<32768xf32, #tpu.memory_space<vmem>>[vector<16xi32>], vector<16xf32>,
      %add3A_380 = arith.constant 16 : i32
      %add3A_381 = vector.broadcast %add3A_380 : i32 to vector<16xi32>
      %add3A_382 = arith.addi %mul3A_63, %add3A_381 : vector<16xi32>
      %add3A_383 = arith.constant 2 : i32
      %add3A_384 = vector.broadcast %add3A_383 : i32 to vector<16xi32>
      %add3A_385 = arith.addi %add3A_382, %add3A_384 : vector<16xi32>
      %gather3A_386 = tpu.vector_load_idx %arg8[%add3A_385] : memref<32768xf32, #tpu.memory_space<vmem>>[vector<16xi32>], vector<16xf32>,
      %add3A_387 = arith.constant 16 : i32
      %add3A_388 = vector.broadcast %add3A_387 : i32 to vector<16xi32>
      %add3A_389 = arith.addi %mul3A_63, %add3A_388 : vector<16xi32>
      %add3A_390 = arith.constant 3 : i32
      %add3A_391 = vector.broadcast %add3A_390 : i32 to vector<16xi32>
      %add3A_392 = arith.addi %add3A_389, %add3A_391 : vector<16xi32>
      %gather3A_393 = tpu.vector_load_idx %arg8[%add3A_392] : memref<32768xf32, #tpu.memory_space<vmem>>[vector<16xi32>], vector<16xf32>,
      %mul3A_394 = arith.mulf %gather3A_347, %gather3A_372 : vector<16xf32>
      %add3A_395 = arith.addf %add3A_329, %mul3A_394 : vector<16xf32>
      %mul3A_396 = arith.mulf %gather3A_354, %gather3A_379 : vector<16xf32>
      %add3A_397 = arith.addf %add3A_331, %mul3A_396 : vector<16xf32>
      %mul3A_398 = arith.mulf %gather3A_361, %gather3A_386 : vector<16xf32>
      %add3A_399 = arith.addf %add3A_333, %mul3A_398 : vector<16xf32>
      %mul3A_400 = arith.mulf %gather3A_368, %gather3A_393 : vector<16xf32>
      %add3A_401 = arith.addf %add3A_335, %mul3A_400 : vector<16xf32>
      %mul3A_402 = arith.mulf %gather3A_347, %gather3A_347 : vector<16xf32>
      %add3A_403 = arith.addf %add3A_337, %mul3A_402 : vector<16xf32>
      %mul3A_404 = arith.mulf %gather3A_354, %gather3A_354 : vector<16xf32>
      %add3A_405 = arith.addf %add3A_339, %mul3A_404 : vector<16xf32>
      %mul3A_406 = arith.mulf %gather3A_361, %gather3A_361 : vector<16xf32>
      %add3A_407 = arith.addf %add3A_341, %mul3A_406 : vector<16xf32>
      %mul3A_408 = arith.mulf %gather3A_368, %gather3A_368 : vector<16xf32>
      %add3A_409 = arith.addf %add3A_343, %mul3A_408 : vector<16xf32>
      %add3A_410 = arith.constant 20 : i32
      %add3A_411 = vector.broadcast %add3A_410 : i32 to vector<16xi32>
      %add3A_412 = arith.addi %mul3A_60, %add3A_411 : vector<16xi32>
      %gather3A_413 = tpu.vector_load_idx %arg7[%add3A_412] : memref<16384xf32, #tpu.memory_space<vmem>>[vector<16xi32>], vector<16xf32>,
      %add3A_414 = arith.constant 20 : i32
      %add3A_415 = vector.broadcast %add3A_414 : i32 to vector<16xi32>
      %add3A_416 = arith.addi %mul3A_60, %add3A_415 : vector<16xi32>
      %add3A_417 = arith.constant 1 : i32
      %add3A_418 = vector.broadcast %add3A_417 : i32 to vector<16xi32>
      %add3A_419 = arith.addi %add3A_416, %add3A_418 : vector<16xi32>
      %gather3A_420 = tpu.vector_load_idx %arg7[%add3A_419] : memref<16384xf32, #tpu.memory_space<vmem>>[vector<16xi32>], vector<16xf32>,
      %add3A_421 = arith.constant 20 : i32
      %add3A_422 = vector.broadcast %add3A_421 : i32 to vector<16xi32>
      %add3A_423 = arith.addi %mul3A_60, %add3A_422 : vector<16xi32>
      %add3A_424 = arith.constant 2 : i32
      %add3A_425 = vector.broadcast %add3A_424 : i32 to vector<16xi32>
      %add3A_426 = arith.addi %add3A_423, %add3A_425 : vector<16xi32>
      %gather3A_427 = tpu.vector_load_idx %arg7[%add3A_426] : memref<16384xf32, #tpu.memory_space<vmem>>[vector<16xi32>], vector<16xf32>,
      %add3A_428 = arith.constant 20 : i32
      %add3A_429 = vector.broadcast %add3A_428 : i32 to vector<16xi32>
      %add3A_430 = arith.addi %mul3A_60, %add3A_429 : vector<16xi32>
      %add3A_431 = arith.constant 3 : i32
      %add3A_432 = vector.broadcast %add3A_431 : i32 to vector<16xi32>
      %add3A_433 = arith.addi %add3A_430, %add3A_432 : vector<16xi32>
      %gather3A_434 = tpu.vector_load_idx %arg7[%add3A_433] : memref<16384xf32, #tpu.memory_space<vmem>>[vector<16xi32>], vector<16xf32>,
      %add3A_435 = arith.constant 20 : i32
      %add3A_436 = vector.broadcast %add3A_435 : i32 to vector<16xi32>
      %add3A_437 = arith.addi %mul3A_63, %add3A_436 : vector<16xi32>
      %gather3A_438 = tpu.vector_load_idx %arg8[%add3A_437] : memref<32768xf32, #tpu.memory_space<vmem>>[vector<16xi32>], vector<16xf32>,
      %add3A_439 = arith.constant 20 : i32
      %add3A_440 = vector.broadcast %add3A_439 : i32 to vector<16xi32>
      %add3A_441 = arith.addi %mul3A_63, %add3A_440 : vector<16xi32>
      %add3A_442 = arith.constant 1 : i32
      %add3A_443 = vector.broadcast %add3A_442 : i32 to vector<16xi32>
      %add3A_444 = arith.addi %add3A_441, %add3A_443 : vector<16xi32>
      %gather3A_445 = tpu.vector_load_idx %arg8[%add3A_444] : memref<32768xf32, #tpu.memory_space<vmem>>[vector<16xi32>], vector<16xf32>,
      %add3A_446 = arith.constant 20 : i32
      %add3A_447 = vector.broadcast %add3A_446 : i32 to vector<16xi32>
      %add3A_448 = arith.addi %mul3A_63, %add3A_447 : vector<16xi32>
      %add3A_449 = arith.constant 2 : i32
      %add3A_450 = vector.broadcast %add3A_449 : i32 to vector<16xi32>
      %add3A_451 = arith.addi %add3A_448, %add3A_450 : vector<16xi32>
      %gather3A_452 = tpu.vector_load_idx %arg8[%add3A_451] : memref<32768xf32, #tpu.memory_space<vmem>>[vector<16xi32>], vector<16xf32>,
      %add3A_453 = arith.constant 20 : i32
      %add3A_454 = vector.broadcast %add3A_453 : i32 to vector<16xi32>
      %add3A_455 = arith.addi %mul3A_63, %add3A_454 : vector<16xi32>
      %add3A_456 = arith.constant 3 : i32
      %add3A_457 = vector.broadcast %add3A_456 : i32 to vector<16xi32>
      %add3A_458 = arith.addi %add3A_455, %add3A_457 : vector<16xi32>
      %gather3A_459 = tpu.vector_load_idx %arg8[%add3A_458] : memref<32768xf32, #tpu.memory_space<vmem>>[vector<16xi32>], vector<16xf32>,
      %mul3A_460 = arith.mulf %gather3A_413, %gather3A_438 : vector<16xf32>
      %add3A_461 = arith.addf %add3A_395, %mul3A_460 : vector<16xf32>
      %mul3A_462 = arith.mulf %gather3A_420, %gather3A_445 : vector<16xf32>
      %add3A_463 = arith.addf %add3A_397, %mul3A_462 : vector<16xf32>
      %mul3A_464 = arith.mulf %gather3A_427, %gather3A_452 : vector<16xf32>
      %add3A_465 = arith.addf %add3A_399, %mul3A_464 : vector<16xf32>
      %mul3A_466 = arith.mulf %gather3A_434, %gather3A_459 : vector<16xf32>
      %add3A_467 = arith.addf %add3A_401, %mul3A_466 : vector<16xf32>
      %mul3A_468 = arith.mulf %gather3A_413, %gather3A_413 : vector<16xf32>
      %add3A_469 = arith.addf %add3A_403, %mul3A_468 : vector<16xf32>
      %mul3A_470 = arith.mulf %gather3A_420, %gather3A_420 : vector<16xf32>
      %add3A_471 = arith.addf %add3A_405, %mul3A_470 : vector<16xf32>
      %mul3A_472 = arith.mulf %gather3A_427, %gather3A_427 : vector<16xf32>
      %add3A_473 = arith.addf %add3A_407, %mul3A_472 : vector<16xf32>
      %mul3A_474 = arith.mulf %gather3A_434, %gather3A_434 : vector<16xf32>
      %add3A_475 = arith.addf %add3A_409, %mul3A_474 : vector<16xf32>
      %add3A_476 = arith.constant 24 : i32
      %add3A_477 = vector.broadcast %add3A_476 : i32 to vector<16xi32>
      %add3A_478 = arith.addi %mul3A_60, %add3A_477 : vector<16xi32>
      %gather3A_479 = tpu.vector_load_idx %arg7[%add3A_478] : memref<16384xf32, #tpu.memory_space<vmem>>[vector<16xi32>], vector<16xf32>,
      %add3A_480 = arith.constant 24 : i32
      %add3A_481 = vector.broadcast %add3A_480 : i32 to vector<16xi32>
      %add3A_482 = arith.addi %mul3A_60, %add3A_481 : vector<16xi32>
      %add3A_483 = arith.constant 1 : i32
      %add3A_484 = vector.broadcast %add3A_483 : i32 to vector<16xi32>
      %add3A_485 = arith.addi %add3A_482, %add3A_484 : vector<16xi32>
      %gather3A_486 = tpu.vector_load_idx %arg7[%add3A_485] : memref<16384xf32, #tpu.memory_space<vmem>>[vector<16xi32>], vector<16xf32>,
      %add3A_487 = arith.constant 24 : i32
      %add3A_488 = vector.broadcast %add3A_487 : i32 to vector<16xi32>
      %add3A_489 = arith.addi %mul3A_60, %add3A_488 : vector<16xi32>
      %add3A_490 = arith.constant 2 : i32
      %add3A_491 = vector.broadcast %add3A_490 : i32 to vector<16xi32>
      %add3A_492 = arith.addi %add3A_489, %add3A_491 : vector<16xi32>
      %gather3A_493 = tpu.vector_load_idx %arg7[%add3A_492] : memref<16384xf32, #tpu.memory_space<vmem>>[vector<16xi32>], vector<16xf32>,
      %add3A_494 = arith.constant 24 : i32
      %add3A_495 = vector.broadcast %add3A_494 : i32 to vector<16xi32>
      %add3A_496 = arith.addi %mul3A_60, %add3A_495 : vector<16xi32>
      %add3A_497 = arith.constant 3 : i32
      %add3A_498 = vector.broadcast %add3A_497 : i32 to vector<16xi32>
      %add3A_499 = arith.addi %add3A_496, %add3A_498 : vector<16xi32>
      %gather3A_500 = tpu.vector_load_idx %arg7[%add3A_499] : memref<16384xf32, #tpu.memory_space<vmem>>[vector<16xi32>], vector<16xf32>,
      %add3A_501 = arith.constant 24 : i32
      %add3A_502 = vector.broadcast %add3A_501 : i32 to vector<16xi32>
      %add3A_503 = arith.addi %mul3A_63, %add3A_502 : vector<16xi32>
      %gather3A_504 = tpu.vector_load_idx %arg8[%add3A_503] : memref<32768xf32, #tpu.memory_space<vmem>>[vector<16xi32>], vector<16xf32>,
      %add3A_505 = arith.constant 24 : i32
      %add3A_506 = vector.broadcast %add3A_505 : i32 to vector<16xi32>
      %add3A_507 = arith.addi %mul3A_63, %add3A_506 : vector<16xi32>
      %add3A_508 = arith.constant 1 : i32
      %add3A_509 = vector.broadcast %add3A_508 : i32 to vector<16xi32>
      %add3A_510 = arith.addi %add3A_507, %add3A_509 : vector<16xi32>
      %gather3A_511 = tpu.vector_load_idx %arg8[%add3A_510] : memref<32768xf32, #tpu.memory_space<vmem>>[vector<16xi32>], vector<16xf32>,
      %add3A_512 = arith.constant 24 : i32
      %add3A_513 = vector.broadcast %add3A_512 : i32 to vector<16xi32>
      %add3A_514 = arith.addi %mul3A_63, %add3A_513 : vector<16xi32>
      %add3A_515 = arith.constant 2 : i32
      %add3A_516 = vector.broadcast %add3A_515 : i32 to vector<16xi32>
      %add3A_517 = arith.addi %add3A_514, %add3A_516 : vector<16xi32>
      %gather3A_518 = tpu.vector_load_idx %arg8[%add3A_517] : memref<32768xf32, #tpu.memory_space<vmem>>[vector<16xi32>], vector<16xf32>,
      %add3A_519 = arith.constant 24 : i32
      %add3A_520 = vector.broadcast %add3A_519 : i32 to vector<16xi32>
      %add3A_521 = arith.addi %mul3A_63, %add3A_520 : vector<16xi32>
      %add3A_522 = arith.constant 3 : i32
      %add3A_523 = vector.broadcast %add3A_522 : i32 to vector<16xi32>
      %add3A_524 = arith.addi %add3A_521, %add3A_523 : vector<16xi32>
      %gather3A_525 = tpu.vector_load_idx %arg8[%add3A_524] : memref<32768xf32, #tpu.memory_space<vmem>>[vector<16xi32>], vector<16xf32>,
      %mul3A_526 = arith.mulf %gather3A_479, %gather3A_504 : vector<16xf32>
      %add3A_527 = arith.addf %add3A_461, %mul3A_526 : vector<16xf32>
      %mul3A_528 = arith.mulf %gather3A_486, %gather3A_511 : vector<16xf32>
      %add3A_529 = arith.addf %add3A_463, %mul3A_528 : vector<16xf32>
      %mul3A_530 = arith.mulf %gather3A_493, %gather3A_518 : vector<16xf32>
      %add3A_531 = arith.addf %add3A_465, %mul3A_530 : vector<16xf32>
      %mul3A_532 = arith.mulf %gather3A_500, %gather3A_525 : vector<16xf32>
      %add3A_533 = arith.addf %add3A_467, %mul3A_532 : vector<16xf32>
      %mul3A_534 = arith.mulf %gather3A_479, %gather3A_479 : vector<16xf32>
      %add3A_535 = arith.addf %add3A_469, %mul3A_534 : vector<16xf32>
      %mul3A_536 = arith.mulf %gather3A_486, %gather3A_486 : vector<16xf32>
      %add3A_537 = arith.addf %add3A_471, %mul3A_536 : vector<16xf32>
      %mul3A_538 = arith.mulf %gather3A_493, %gather3A_493 : vector<16xf32>
      %add3A_539 = arith.addf %add3A_473, %mul3A_538 : vector<16xf32>
      %mul3A_540 = arith.mulf %gather3A_500, %gather3A_500 : vector<16xf32>
      %add3A_541 = arith.addf %add3A_475, %mul3A_540 : vector<16xf32>
      %add3A_542 = arith.constant 28 : i32
      %add3A_543 = vector.broadcast %add3A_542 : i32 to vector<16xi32>
      %add3A_544 = arith.addi %mul3A_60, %add3A_543 : vector<16xi32>
      %gather3A_545 = tpu.vector_load_idx %arg7[%add3A_544] : memref<16384xf32, #tpu.memory_space<vmem>>[vector<16xi32>], vector<16xf32>,
      %add3A_546 = arith.constant 28 : i32
      %add3A_547 = vector.broadcast %add3A_546 : i32 to vector<16xi32>
      %add3A_548 = arith.addi %mul3A_60, %add3A_547 : vector<16xi32>
      %add3A_549 = arith.constant 1 : i32
      %add3A_550 = vector.broadcast %add3A_549 : i32 to vector<16xi32>
      %add3A_551 = arith.addi %add3A_548, %add3A_550 : vector<16xi32>
      %gather3A_552 = tpu.vector_load_idx %arg7[%add3A_551] : memref<16384xf32, #tpu.memory_space<vmem>>[vector<16xi32>], vector<16xf32>,
      %add3A_553 = arith.constant 28 : i32
      %add3A_554 = vector.broadcast %add3A_553 : i32 to vector<16xi32>
      %add3A_555 = arith.addi %mul3A_60, %add3A_554 : vector<16xi32>
      %add3A_556 = arith.constant 2 : i32
      %add3A_557 = vector.broadcast %add3A_556 : i32 to vector<16xi32>
      %add3A_558 = arith.addi %add3A_555, %add3A_557 : vector<16xi32>
      %gather3A_559 = tpu.vector_load_idx %arg7[%add3A_558] : memref<16384xf32, #tpu.memory_space<vmem>>[vector<16xi32>], vector<16xf32>,
      %add3A_560 = arith.constant 28 : i32
      %add3A_561 = vector.broadcast %add3A_560 : i32 to vector<16xi32>
      %add3A_562 = arith.addi %mul3A_60, %add3A_561 : vector<16xi32>
      %add3A_563 = arith.constant 3 : i32
      %add3A_564 = vector.broadcast %add3A_563 : i32 to vector<16xi32>
      %add3A_565 = arith.addi %add3A_562, %add3A_564 : vector<16xi32>
      %gather3A_566 = tpu.vector_load_idx %arg7[%add3A_565] : memref<16384xf32, #tpu.memory_space<vmem>>[vector<16xi32>], vector<16xf32>,
      %add3A_567 = arith.constant 28 : i32
      %add3A_568 = vector.broadcast %add3A_567 : i32 to vector<16xi32>
      %add3A_569 = arith.addi %mul3A_63, %add3A_568 : vector<16xi32>
      %gather3A_570 = tpu.vector_load_idx %arg8[%add3A_569] : memref<32768xf32, #tpu.memory_space<vmem>>[vector<16xi32>], vector<16xf32>,
      %add3A_571 = arith.constant 28 : i32
      %add3A_572 = vector.broadcast %add3A_571 : i32 to vector<16xi32>
      %add3A_573 = arith.addi %mul3A_63, %add3A_572 : vector<16xi32>
      %add3A_574 = arith.constant 1 : i32
      %add3A_575 = vector.broadcast %add3A_574 : i32 to vector<16xi32>
      %add3A_576 = arith.addi %add3A_573, %add3A_575 : vector<16xi32>
      %gather3A_577 = tpu.vector_load_idx %arg8[%add3A_576] : memref<32768xf32, #tpu.memory_space<vmem>>[vector<16xi32>], vector<16xf32>,
      %add3A_578 = arith.constant 28 : i32
      %add3A_579 = vector.broadcast %add3A_578 : i32 to vector<16xi32>
      %add3A_580 = arith.addi %mul3A_63, %add3A_579 : vector<16xi32>
      %add3A_581 = arith.constant 2 : i32
      %add3A_582 = vector.broadcast %add3A_581 : i32 to vector<16xi32>
      %add3A_583 = arith.addi %add3A_580, %add3A_582 : vector<16xi32>
      %gather3A_584 = tpu.vector_load_idx %arg8[%add3A_583] : memref<32768xf32, #tpu.memory_space<vmem>>[vector<16xi32>], vector<16xf32>,
      %add3A_585 = arith.constant 28 : i32
      %add3A_586 = vector.broadcast %add3A_585 : i32 to vector<16xi32>
      %add3A_587 = arith.addi %mul3A_63, %add3A_586 : vector<16xi32>
      %add3A_588 = arith.constant 3 : i32
      %add3A_589 = vector.broadcast %add3A_588 : i32 to vector<16xi32>
      %add3A_590 = arith.addi %add3A_587, %add3A_589 : vector<16xi32>
      %gather3A_591 = tpu.vector_load_idx %arg8[%add3A_590] : memref<32768xf32, #tpu.memory_space<vmem>>[vector<16xi32>], vector<16xf32>,
      %mul3A_592 = arith.mulf %gather3A_545, %gather3A_570 : vector<16xf32>
      %add3A_593 = arith.addf %add3A_527, %mul3A_592 : vector<16xf32>
      %mul3A_594 = arith.mulf %gather3A_552, %gather3A_577 : vector<16xf32>
      %add3A_595 = arith.addf %add3A_529, %mul3A_594 : vector<16xf32>
      %mul3A_596 = arith.mulf %gather3A_559, %gather3A_584 : vector<16xf32>
      %add3A_597 = arith.addf %add3A_531, %mul3A_596 : vector<16xf32>
      %mul3A_598 = arith.mulf %gather3A_566, %gather3A_591 : vector<16xf32>
      %add3A_599 = arith.addf %add3A_533, %mul3A_598 : vector<16xf32>
      %mul3A_600 = arith.mulf %gather3A_545, %gather3A_545 : vector<16xf32>
      %add3A_601 = arith.addf %add3A_535, %mul3A_600 : vector<16xf32>
      %mul3A_602 = arith.mulf %gather3A_552, %gather3A_552 : vector<16xf32>
      %add3A_603 = arith.addf %add3A_537, %mul3A_602 : vector<16xf32>
      %mul3A_604 = arith.mulf %gather3A_559, %gather3A_559 : vector<16xf32>
      %add3A_605 = arith.addf %add3A_539, %mul3A_604 : vector<16xf32>
      %mul3A_606 = arith.mulf %gather3A_566, %gather3A_566 : vector<16xf32>
      %add3A_607 = arith.addf %add3A_541, %mul3A_606 : vector<16xf32>
      %add3A_608 = arith.addf %add3A_593, %add3A_595 : vector<16xf32>
      %add3A_609 = arith.addf %add3A_597, %add3A_599 : vector<16xf32>
      %add3A_610 = arith.addf %add3A_608, %add3A_609 : vector<16xf32>
      %add3A_611 = arith.addf %add3A_601, %add3A_603 : vector<16xf32>
      %add3A_612 = arith.addf %add3A_605, %add3A_607 : vector<16xf32>
      %add3A_613 = arith.addf %add3A_611, %add3A_612 : vector<16xf32>
      %gather3A_614 = tpu.vector_load_idx %arg9[%gather3A] : memref<1024xf32, #tpu.memory_space<vmem>>[vector<16xi32>], vector<16xf32>,
      %max3A = arith.constant 1.000000e-24 : f32
      %max3A_615 = vector.broadcast %max3A : f32 to vector<16xf32>
      %max3A_616 = arith.maximumf %add3A_613, %max3A_615 : vector<16xf32>
      %max3A_617 = arith.constant 1.000000e-24 : f32
      %max3A_618 = vector.broadcast %max3A_617 : f32 to vector<16xf32>
      %max3A_619 = arith.maximumf %gather3A_614, %max3A_618 : vector<16xf32>
      %mul3A_620 = arith.mulf %max3A_616, %max3A_619 : vector<16xf32>
      %bitcast3A = vector.bitcast %mul3A_620 : vector<16xf32> to vector<16xi32>
      %broadcast_in_dim3A_621 = arith.constant 1597463007 : i32
      %broadcast_in_dim3A_622 = vector.broadcast %broadcast_in_dim3A_621 : i32 to vector<16xi32>
      %broadcast_in_dim3A_623 = arith.constant 1 : i32
      %broadcast_in_dim3A_624 = vector.broadcast %broadcast_in_dim3A_623 : i32 to vector<16xi32>
      %shift_right_arithmetic3A = arith.shrsi %bitcast3A, %broadcast_in_dim3A_624 : vector<16xi32>
      %sub3A = arith.subi %broadcast_in_dim3A_622, %shift_right_arithmetic3A : vector<16xi32>
      %bitcast3A_625 = vector.bitcast %sub3A : vector<16xi32> to vector<16xf32>
      %mul3A_626 = arith.constant 5.000000e-01 : f32
      %mul3A_627 = vector.broadcast %mul3A_626 : f32 to vector<16xf32>
      %mul3A_628 = arith.mulf %mul3A_627, %mul3A_620 : vector<16xf32>
      %mul3A_629 = arith.mulf %mul3A_628, %bitcast3A_625 : vector<16xf32>
      %mul3A_630 = arith.mulf %mul3A_629, %bitcast3A_625 : vector<16xf32>
      %sub3A_631 = arith.constant 1.500000e+00 : f32
      %sub3A_632 = vector.broadcast %sub3A_631 : f32 to vector<16xf32>
      %sub3A_633 = arith.subf %sub3A_632, %mul3A_630 : vector<16xf32>
      %mul3A_634 = arith.mulf %bitcast3A_625, %sub3A_633 : vector<16xf32>
      %mul3A_635 = arith.constant 5.000000e-01 : f32
      %mul3A_636 = vector.broadcast %mul3A_635 : f32 to vector<16xf32>
      %mul3A_637 = arith.mulf %mul3A_636, %mul3A_620 : vector<16xf32>
      %mul3A_638 = arith.mulf %mul3A_637, %mul3A_634 : vector<16xf32>
      %mul3A_639 = arith.mulf %mul3A_638, %mul3A_634 : vector<16xf32>
      %sub3A_640 = arith.constant 1.500000e+00 : f32
      %sub3A_641 = vector.broadcast %sub3A_640 : f32 to vector<16xf32>
      %sub3A_642 = arith.subf %sub3A_641, %mul3A_639 : vector<16xf32>
      %mul3A_643 = arith.mulf %mul3A_634, %sub3A_642 : vector<16xf32>
      %mul3A_644 = arith.constant 5.000000e-01 : f32
      %mul3A_645 = vector.broadcast %mul3A_644 : f32 to vector<16xf32>
      %mul3A_646 = arith.mulf %mul3A_645, %mul3A_620 : vector<16xf32>
      %mul3A_647 = arith.mulf %mul3A_646, %mul3A_643 : vector<16xf32>
      %mul3A_648 = arith.mulf %mul3A_647, %mul3A_643 : vector<16xf32>
      %sub3A_649 = arith.constant 1.500000e+00 : f32
      %sub3A_650 = vector.broadcast %sub3A_649 : f32 to vector<16xf32>
      %sub3A_651 = arith.subf %sub3A_650, %mul3A_648 : vector<16xf32>
      %mul3A_652 = arith.mulf %mul3A_643, %sub3A_651 : vector<16xf32>
      %mul3A_653 = arith.constant 5.000000e-01 : f32
      %mul3A_654 = vector.broadcast %mul3A_653 : f32 to vector<16xf32>
      %mul3A_655 = arith.mulf %mul3A_654, %mul3A_620 : vector<16xf32>
      %mul3A_656 = arith.mulf %mul3A_655, %mul3A_652 : vector<16xf32>
      %mul3A_657 = arith.mulf %mul3A_656, %mul3A_652 : vector<16xf32>
      %sub3A_658 = arith.constant 1.500000e+00 : f32
      %sub3A_659 = vector.broadcast %sub3A_658 : f32 to vector<16xf32>
      %sub3A_660 = arith.subf %sub3A_659, %mul3A_657 : vector<16xf32>
      %mul3A_661 = arith.mulf %mul3A_652, %sub3A_660 : vector<16xf32>
      %mul3A_662 = arith.mulf %add3A_610, %mul3A_661 : vector<16xf32>
      %add3A_663 = arith.addf %scan3A_53, %mul3A_662 : vector<16xf32>
      scf.yield %add3A_663 : vector<16xf32>
    }
    %scan3A_48 = arith.constant 32 : i32
    %swap3A = arith.constant 0 : index
    %swap3A_49 = tpu.vector_load %arg10[%swap3A] {strides = array<i32>} : memref<16xf32, #tpu.memory_space<vmem>>, vector<16xf32>,
    tpu.vector_store %arg10[%swap3A], %scan3A_47 {strides = array<i32>} : memref<16xf32, #tpu.memory_space<vmem>>, vector<16xf32>,
    %mul3A_50 = arith.constant 16 : i32
    %mul3A_51 = arith.muli %add3A, %mul3A_50 : i32
    "tpu.region"() ({
      %run_scoped3A = tpu.sem_alloc : memref<!tpu.dma_semaphore, #tpu.memory_space<semaphore_mem>>
      %dma_start3A = tpu.memref_slice %arg5[%mul3A_51] : memref<512xf32, #tpu.memory_space<hbm>> -> memref<16xf32, #tpu.memory_space<hbm>>
      %dma_start3A_52 = tpu.memref_slice %arg5[%mul3A_51] : memref<512xf32, #tpu.memory_space<hbm>> -> memref<16xf32, #tpu.memory_space<hbm>>
      tpu.enqueue_dma source(%arg10 : memref<16xf32, #tpu.memory_space<vmem>>) target(%dma_start3A_52 : memref<16xf32, #tpu.memory_space<hbm>>) target_semaphore(%run_scoped3A : memref<!tpu.dma_semaphore, #tpu.memory_space<semaphore_mem>>)
      %dma_wait3A = tpu.memref_slice %arg5[%mul3A_51] : memref<512xf32, #tpu.memory_space<hbm>> -> memref<16xf32, #tpu.memory_space<hbm>>
      %dma_wait3A_53 = tpu.memref_slice %arg5[%mul3A_51] : memref<512xf32, #tpu.memory_space<hbm>> -> memref<16xf32, #tpu.memory_space<hbm>>
      tpu.wait_dma2 semaphore(%run_scoped3A : memref<!tpu.dma_semaphore, #tpu.memory_space<semaphore_mem>>) src(%arg10 : memref<16xf32, #tpu.memory_space<vmem>>) dst(%dma_wait3A_53 : memref<16xf32, #tpu.memory_space<hbm>>)
      tpu.yield
    }) : () -> ()
    return
  }
}

module attributes {stable_mosaic.version = 14 : i64} {
  func.func @_vq_tile(%arg0: i32, %arg1: memref<2048x32xf32, #tpu.memory_space<vmem>>, %arg2: memref<1024x32xf32, #tpu.memory_space<vmem>>, %arg3: memref<2048x1024xf32, #tpu.memory_space<vmem>>, %arg4: memref<2048x32xf32, #tpu.memory_space<vmem>>, %arg5: memref<2048xi32, #tpu.memory_space<vmem>>) attributes {dimension_semantics = [#tpu.dimension_semantics<arbitrary>], iteration_bounds = array<i64: 32>, scalar_prefetch = 0 : i64, scratch_operands = 0 : i64, tpu.core_type = #tpu.core_type<tc>, window_params = [{transform_indices = @transform_0, window_bounds = array<i64: 2048, 32>}, {pipeline_mode = #tpu.pipeline_mode<synchronous>, transform_indices = @transform_1, window_bounds = array<i64: 1024, 32>}, {transform_indices = @transform_2, window_bounds = array<i64: 2048, 1024>}, {transform_indices = @transform_3, window_bounds = array<i64: 2048, 32>}, {transform_indices = @transform_4, window_bounds = array<i64: 2048>}]} {
    %get3A = arith.constant 0 : index
    %get3A_0 = arith.constant 0 : index
    %get3A_1 = vector.load %arg1[%get3A, %get3A_0] : memref<2048x32xf32, #tpu.memory_space<vmem>>, vector<2048x32xf32>
    %mul3A = arith.mulf %get3A_1, %get3A_1 : vector<2048x32xf32>
    %reduce_sum3A = arith.constant dense<0.000000e+00> : vector<2048xf32>
    %reduce_sum3A_2 = vector.multi_reduction <add>, %mul3A, %reduce_sum3A [1] : vector<2048x32xf32> to vector<2048xf32>
    %broadcast_in_dim3A = vector.shape_cast %reduce_sum3A_2 : vector<2048xf32> to vector<2048x1xf32>
    %sqrt3A = math.sqrt %broadcast_in_dim3A : vector<2048x1xf32>
    %max3A = arith.constant 9.99999996E-13 : f32
    %max3A_3 = vector.broadcast %max3A : f32 to vector<2048x1xf32>
    %max3A_4 = arith.maximumf %sqrt3A, %max3A_3 : vector<2048x1xf32>
    %div3A = vector.broadcast %max3A_4 : vector<2048x1xf32> to vector<2048x32xf32>
    %div3A_5 = arith.divf %get3A_1, %div3A : vector<2048x32xf32>
    %get3A_6 = arith.constant 0 : index
    %get3A_7 = arith.constant 0 : index
    %get3A_8 = vector.load %arg2[%get3A_6, %get3A_7] : memref<1024x32xf32, #tpu.memory_space<vmem>>, vector<1024x32xf32>
    %mul3A_9 = arith.mulf %get3A_8, %get3A_8 : vector<1024x32xf32>
    %reduce_sum3A_10 = arith.constant dense<0.000000e+00> : vector<1024xf32>
    %reduce_sum3A_11 = vector.multi_reduction <add>, %mul3A_9, %reduce_sum3A_10 [1] : vector<1024x32xf32> to vector<1024xf32>
    %broadcast_in_dim3A_12 = vector.shape_cast %reduce_sum3A_11 : vector<1024xf32> to vector<1024x1xf32>
    %sqrt3A_13 = math.sqrt %broadcast_in_dim3A_12 : vector<1024x1xf32>
    %max3A_14 = arith.constant 9.99999996E-13 : f32
    %max3A_15 = vector.broadcast %max3A_14 : f32 to vector<1024x1xf32>
    %max3A_16 = arith.maximumf %sqrt3A_13, %max3A_15 : vector<1024x1xf32>
    %div3A_17 = vector.broadcast %max3A_16 : vector<1024x1xf32> to vector<1024x32xf32>
    %div3A_18 = arith.divf %get3A_8, %div3A_17 : vector<1024x32xf32>
    %transpose3A = tpu.transpose %div3A_5, [1, 0] : vector<2048x32xf32> -> vector<32x2048xf32>
    %dot_general3A = arith.constant dense<0.000000e+00> : vector<1024x2048xf32>
    %dot_general3A_19 = tpu.matmul %div3A_18, %transpose3A, %dot_general3A {dimension_numbers = #tpu.dot_dimension_numbers<[1], [0], [0], [1], [0, 0, 1, 1], [], []>, transpose_lhs_hint = false} : vector<1024x32xf32>, vector<32x2048xf32>, vector<1024x2048xf32> -> vector<1024x2048xf32>
    %argmax3A = tpu.reduce_index %dot_general3A_19 {axis = 0 : i32, kind = #tpu.reduction_kind<arg_max>} : vector<1024x2048xf32> -> vector<2048xi32>
    %iota3A = tpu.iota {dimensions = array<i32: 1>} : vector<2048x1024xi32>
    %broadcast_in_dim3A_20 = vector.shape_cast %argmax3A : vector<2048xi32> to vector<2048x1xi32>
    %eq3A = vector.broadcast %broadcast_in_dim3A_20 : vector<2048x1xi32> to vector<2048x1024xi32>
    %eq3A_21 = arith.cmpi eq, %iota3A, %eq3A : vector<2048x1024xi32>
    %convert_element_type3A = arith.extui %eq3A_21 : vector<2048x1024xi1> to vector<2048x1024xi32>
    %convert_element_type3A_22 = arith.sitofp %convert_element_type3A : vector<2048x1024xi32> to vector<2048x1024xf32>
    %swap3A = arith.constant 0 : index
    %swap3A_23 = arith.constant 0 : index
    %swap3A_24 = vector.load %arg3[%swap3A, %swap3A_23] : memref<2048x1024xf32, #tpu.memory_space<vmem>>, vector<2048x1024xf32>
    tpu.vector_store %arg3[%swap3A, %swap3A_23], %convert_element_type3A_22 {strides = array<i32>} : memref<2048x1024xf32, #tpu.memory_space<vmem>>, vector<2048x1024xf32>,
    %dot_general3A_25 = arith.constant dense<0.000000e+00> : vector<2048x32xf32>
    %dot_general3A_26 = tpu.matmul %convert_element_type3A_22, %get3A_8, %dot_general3A_25 {dimension_numbers = #tpu.dot_dimension_numbers<[1], [0], [0], [1], [0, 0, 1, 1], [], []>, transpose_lhs_hint = false} : vector<2048x1024xf32>, vector<1024x32xf32>, vector<2048x32xf32> -> vector<2048x32xf32>
    %swap3A_27 = arith.constant 0 : index
    %swap3A_28 = arith.constant 0 : index
    %swap3A_29 = vector.load %arg4[%swap3A_27, %swap3A_28] : memref<2048x32xf32, #tpu.memory_space<vmem>>, vector<2048x32xf32>
    tpu.vector_store %arg4[%swap3A_27, %swap3A_28], %dot_general3A_26 {strides = array<i32>} : memref<2048x32xf32, #tpu.memory_space<vmem>>, vector<2048x32xf32>,
    %swap3A_30 = arith.constant 0 : index
    %swap3A_31 = vector.load %arg5[%swap3A_30] : memref<2048xi32, #tpu.memory_space<vmem>>, vector<2048xi32>
    tpu.vector_store %arg5[%swap3A_30], %argmax3A {strides = array<i32>} : memref<2048xi32, #tpu.memory_space<vmem>>, vector<2048xi32>,
    return
  }
  func.func @transform_0(%arg0: i32) -> (i32, i32) {
    %c0_i32 = arith.constant 0 : i32
    %c0_i32_0 = arith.constant 0 : i32
    return %arg0, %c0_i32 : i32, i32
  }
  func.func @transform_1(%arg0: i32) -> (i32, i32) {
    %c0_i32 = arith.constant 0 : i32
    %c0_i32_0 = arith.constant 0 : i32
    %c0_i32_1 = arith.constant 0 : i32
    return %c0_i32, %c0_i32_0 : i32, i32
  }
  func.func @transform_2(%arg0: i32) -> (i32, i32) {
    %c0_i32 = arith.constant 0 : i32
    %c0_i32_0 = arith.constant 0 : i32
    return %arg0, %c0_i32 : i32, i32
  }
  func.func @transform_3(%arg0: i32) -> (i32, i32) {
    %c0_i32 = arith.constant 0 : i32
    %c0_i32_0 = arith.constant 0 : i32
    return %arg0, %c0_i32 : i32, i32
  }
  func.func @transform_4(%arg0: i32) -> i32 {
    %c0_i32 = arith.constant 0 : i32
    return %arg0 : i32
  }
}

</mosaic_0001>

<sc_bundles>
// kernel: kernel.4.cloned.1.call-start
scs
__scs_entry_jumppad:
0x0: {  	(pc) =	sbr.rel $0x88, $3  }
0x1: {  	(tag) =	ssettag $0x0;
	lr =	simm.s32 $0x1  }
0x2: {  	[smem:$0x3F9E] =	sst lr;
	_ =	strace $0xD0000000  }
0x3: {  	_ = 	snop  }
0x4: {  	_ = 	snop  }
0x5: {  	_ = 	snop  }
0x6: {  	_ = 	snop  }
0x7: {  	_ = 	snop  }
__scs_overlays_trampoline_lowered:
0x8: {  	[smem:$0x3FAD] =	sst s0  }
0x9: {  	[smem:$0x3FAE] =	sst s1  }
0xa: {  	[smem:$0x3FAF] =	sst s2  }
0xb: {  	[smem:$0x3FB0] =	sst s3  }
0xc: {  	[smem:$0x3FB1] =	sst s4  }
0xd: {  	[smem:$0x3FB2] =	sst s5  }
0xe: {  	[smem:$0x3FB3] =	sst s6  }
0xf: {  	[smem:$0x3FB4] =	sst s7  }
0x10: {  	[smem:$0x3FB5] =	sst s8  }
0x11: {  	[smem:$0x3FB6] =	sst s9;
	s0 =	simm.s32 @!p0 $0x0  }
0x12: {  	s1 =	sld [smem:$0x3F9C];
	s0 =	simm.s32 @p0 $0x1  }
0x13: {  	[smem:$0x3FB7] =	sst s0;
	s0 =	simm.s32 @!p1 $0x0  }
0x14: {  	s2 =	sld [smem:$0x3F9B];
	s0 =	simm.s32 @p1 $0x1  }
0x15: {  	[smem:$0x3FB8] =	sst s0;
	s0 =	simm.s32 @!p2 $0x0  }
0x16: {  	s3 =	sld [smem:$0x3FDB];
	s0 =	simm.s32 @p2 $0x1  }
0x17: {  	s4 =	simm.s32 $0x1BF5;
	[smem:$0x3FBA] =	sst s0  }
0x18: {  	s0 =	sld [smem:$0x3F9D];
	_ =	swait.ge [sflag:s4], $0x0  }
0x19: {  	s7 =	sld [smem:$0x3F9E]  }
0x1a: {  	s8 =	sadd.s32 $0xFFFFE003, lr  }
0x1b: {  	s9 =	sadd.s32 $0xFFFFFEF7, lr;
	s5 =	simm.s32 $0xFFFFFFFF;
	p2 =	slt.u32 s8, $0xFFFFF086  }
0x1c: {  	p1 =	slt.u32 s9, $0xF7A;
	s5 =	simm.s32 @!p2 $0x0  }
0x1d: {  	s5 =	simm.s32 @p1 $0x1;
	p0 =	seq.s32 s7, s2  }
0x1e: {  	s7 =	smul.u32 @!p0 $0xF7A, s2;
	p2 =	seq.s32 @!p0 s5, $0x0  }
0x1f: {  	s9 =	smul.u32 $0xF7A, s1;
	s8 =	simm.s32 @!p0 $0x1BF5;
	p2 =	por !p2, p0  }
0x20: {  	[sflag:s8] =	ssyncset.s32 @!p0 $0xFFFFF086;
	s6 =	sadd.s32 @!p0 s3, s7;
	s7 =	simm.s32 @!p0 $0x108  }
0x21: {  	s3 =	sadd.s32 s3, s9;
	s6 =	sadd.s32 @!p0 $0x88, s6;
	s7 =	simm.s32 @p2 $0x1082  }
0x22: {  	[simem:s7], [sflag:s8] =	dma.local @!p0 [hbm:s6], $0xF7A  }
0x23: {  	s9 =	sor.u32 $0xD0000000, s2;
	s6 =	simm.s32 $0x108;
	_ =	swait.ge @!p0 [sflag:s8], $0x0  }
0x24: {  	s3 =	sadd.s32 $0x88, s3;
	s6 =	simm.s32 @!p1 $0x1082;
	[sflag:s4] =	ssyncset.s32 $0xFFFFF086  }
0x25: {  	[simem:s6], [sflag:s4] =	dma.local [hbm:s3], $0xF7A  }
0x26: {  	[smem:$0x3F9E] =	sst s1;
	(tag) =	ssettag s2;
	_ =	strace s9  }
0x27: {  	s1 =	sld [smem:$0x3FAE]  }
0x28: {  	s2 =	sld [smem:$0x3FAF]  }
0x29: {  	s4 =	sld [smem:$0x3FB1]  }
0x2a: {  	p0 =	seq.s32 s5, $0x0;
	s5 =	sld [smem:$0x3FB2]  }
0x2b: {  	s6 =	sld [smem:$0x3FB3]  }
0x2c: {  	s7 =	sld [smem:$0x3FB4]  }
0x2d: {  	s3 =	simm.s32 $0x108;
	s8 =	sld [smem:$0x3FB5]  }
0x2e: {  	s3 =	simm.s32 @!p0 $0x1082;
	s9 =	sld [smem:$0x3FB6]  }
0x2f: {  	lr =	sadd.s32 s0, s3;
	s0 =	sld [smem:$0x3FAD]  }
0x30: {  	s3 =	sld [smem:$0x3FB0]  }
0x31: {  	[smem:$0x3FB9] =	sst s10  }
0x32: {  	s10 =	sld [smem:$0x3FB7];
	_ =	sdelay $0x3  }
0x33: {  	p0 =	seq.s32 s10, $0x1;
	s10 =	sld [smem:$0x3FB9];
	_ =	sdelay $0x3  }
0x34: {  	[smem:$0x3FB9] =	sst s10  }
0x35: {  	s10 =	sld [smem:$0x3FB8];
	_ =	sdelay $0x3  }
0x36: {  	p1 =	seq.s32 s10, $0x1;
	s10 =	sld [smem:$0x3FB9];
	_ =	sdelay $0x3  }
0x37: {  	[smem:$0x3FB9] =	sst s10  }
0x38: {  	s10 =	sld [smem:$0x3FBA]  }
0x39: {  	_ = 	snop;
	(pc) =	sbr.ind lr, $3  }
0x3a: {  	_ = 	snop  }
0x3b: {  	_ = 	snop  }
0x3c: {  	p2 =	seq.s32 s10, $0x1;
	s10 =	sld [smem:$0x3FB9]  }
0x3d: {  	_ =	shalt  }
0x3e: {  	_ =	shalt  }
0x3f: {  	_ =	shalt  }
0x40: {  	_ =	shalt  }
0x41: {  	_ =	shalt  }
0x42: {  	_ =	shalt  }
0x43: {  	_ =	shalt  }
0x44: {  	_ =	shalt  }
0x45: {  	_ =	shalt  }
0x46: {  	_ =	shalt  }
0x47: {  	_ =	shalt  }
0x48: {  	_ =	shalt  }
0x49: {  	_ =	shalt  }
0x4a: {  	_ =	shalt  }
0x4b: {  	_ =	shalt  }
0x4c: {  	_ =	shalt  }
0x4d: {  	_ =	shalt  }
0x4e: {  	_ =	shalt  }
0x4f: {  	_ =	shalt  }
0x50: {  	_ =	shalt  }
0x51: {  	_ =	shalt  }
0x52: {  	_ =	shalt  }
0x53: {  	_ =	shalt  }
0x54: {  	_ =	shalt  }
0x55: {  	_ =	shalt  }
0x56: {  	_ =	shalt  }
0x57: {  	_ =	shalt  }
0x58: {  	_ =	shalt  }
0x59: {  	_ =	shalt  }
0x5a: {  	_ =	shalt  }
0x5b: {  	_ =	shalt  }
0x5c: {  	_ =	shalt  }
0x5d: {  	_ =	shalt  }
0x5e: {  	_ =	shalt  }
0x5f: {  	_ =	shalt  }
0x60: {  	_ =	shalt  }
0x61: {  	_ =	shalt  }
0x62: {  	_ =	shalt  }
0x63: {  	_ =	shalt  }
0x64: {  	_ =	shalt  }
0x65: {  	_ =	shalt  }
0x66: {  	_ =	shalt  }
0x67: {  	_ =	shalt  }
0x68: {  	_ =	shalt  }
0x69: {  	_ =	shalt  }
0x6a: {  	_ =	shalt  }
0x6b: {  	_ =	shalt  }
0x6c: {  	_ =	shalt  }
0x6d: {  	_ =	shalt  }
0x6e: {  	_ =	shalt  }
0x6f: {  	_ =	shalt  }
0x70: {  	_ =	shalt  }
0x71: {  	_ =	shalt  }
0x72: {  	_ =	shalt  }
0x73: {  	_ =	shalt  }
0x74: {  	_ =	shalt  }
0x75: {  	_ =	shalt  }
0x76: {  	_ =	shalt  }
0x77: {  	_ =	shalt  }
0x78: {  	_ =	shalt  }
0x79: {  	_ =	shalt  }
0x7a: {  	_ =	shalt  }
0x7b: {  	_ =	shalt  }
0x7c: {  	_ =	shalt  }
0x7d: {  	_ =	shalt  }
0x7e: {  	_ =	shalt  }
0x7f: {  	_ =	shalt  }
0x80: {  	_ =	shalt  }
0x81: {  	_ =	shalt  }
0x82: {  	_ =	shalt  }
0x83: {  	_ =	shalt  }
0x84: {  	_ =	shalt  }
0x85: {  	_ =	shalt  }
0x86: {  	_ =	shalt  }
0x87: {  	_ =	shalt  }
.Lfunc_end0:
.L_simem_size_0:
called_computation_lowered:
.L_overlay_start_0:
0x88: {  	s2 =	sld [smem:$0x3FD9]  }
0x89: {  	s3 =	sld [smem:$0x3FFE];
	_ =	sdelay $0x1  }
0x8a: {  	s1 =	srdreg.scid  }
0x8b: {  	s0 =	sand.u32 $0x1, s1  }
0x8c: {  	s17 =	sshll.u32 s0, $0xA;
	s2 =	sadd.s32 s3, s2  }
0x8d: {  	s2 =	sadd.s32 s2, s17  }
0x8e: {  	[smem:$0x3FC5] =	sst s2  }
0x8f: {  	_ = 	snop  }
0x90: {  	s2 =	sld [smem:$0x3FC8];
	(tm) =	ssettm $0x1  }
0x91: {  	s18 =	sld [smem:$0x3FFB];
	_ =	sdelay $0x3  }
0x92: {  	_ =	strace s18  }
0x93: {  	s3 =	sld [smem:$0x3FFC];
	_ =	sdelay $0x3  }
0x94: {  	_ =	strace s3  }
0x95: {  	s3 =	sld [smem:$0x3FFD];
	_ =	sdelay $0x3  }
0x96: {  	_ =	strace s3  }
0x97: {  	_ =	strace $0x8FFFFFFF  }
0x98: {  	s19 =	sld [smem:$0x3FDB];
	_ =	sdelay $0x1  }
0x99: {  	s4 =	simm.s32 $_scs_section_size  }
0x9a: {  	s5 =	simm.s32 $_size__tile_overlayer_lowered;
	s6 =	simm.s32 $_tile_overlayer_lowered  }
0x9b: {  	s22 =	simm.s32 $0x1BFF;
	s21 =	sshll.u32 s6, $0x1;
	s3 =	sadd.s32 s4, s19  }
0x9c: {  	s7 =	simm.s32 $0x0;
	s20 =	sshll.u32 s5, $0x1;
	s5 =	sadd.s32 s21, s3  }
0x9d: {  	[timem:s7], [sflag:s22] =	dma.local [hbm:s5], s20  }
0x9e: {  	_ =	swait.ge [sflag:s22], s20  }
0x9f: {  	s4 =	ssub.s32 $0x0, s20;
	[sflag:s22] =	ssyncset.done $0x0  }
0xa0: {  	[sflag:s22] =	ssyncadd.s32 s4;
	_ =	sdelay $0x1  }
0xa1: {  	s23 =	simm.s32 $0x1B8B  }
0xa2: {  	_ =	swait.ge [sflag:s23], $0x1  }
0xa3: {  	[sflag:s23] =	ssyncset.done $0x0  }
0xa4: {  	s25 =	simm.s32 $0x1B8E;
	s24 =	sld [smem:$0x3FFE];
	[sflag:s23] =	ssyncadd.s32 $0xFFFFFFFF  }
0xa5: {  	s26 =	simm.s32 $execute0_lowered;
	[smem:$0x3FD2] =	sst s25  }
0xa6: {  	s5 =	sshll.u32 s26, $0x1;
	_ =	strace $0x80000046;
	[dreg:$0x1] =	wrdreg $0xFFFFFFFF  }
0xa7: {  	s28 =	simm.s32 $_size_execute0_lowered;
	s3 =	sadd.s32 s3, s5;
	[dreg:$0x0] =	wrdreg $0x0  }
0xa8: {  	s5 =	sshll.u32 s28, $0x1;
	[dreg:$0x2] =	wrdreg s3  }
0xa9: {  	[dreg:$0x3] =	wrdreg s5  }
0xaa: {  	[dreg:$0x4] =	wrdreg $0xC0  }
0xab: {  	_ =	task [dreg:s7], $0x5FFFF  }
0xac: {  	[dreg:$0x1] =	wrdreg $0xFFFFFFFF  }
0xad: {  	[dreg:$0x0] =	wrdreg $0x60  }
0xae: {  	[dreg:$0x2] =	wrdreg s24  }
0xaf: {  	[dreg:$0x3] =	wrdreg s2  }
0xb0: {  	[dreg:$0x4] =	wrdreg $0x9  }
0xb1: {  	_ =	task.clear_ibuf [dreg:s7], $0x5FFFF;
	_ =	strace $0x90000046  }
0xb2: {  	s29 =	simm.s32 $0x9;
	_ =	strace $0x80000048  }
0xb3: {  	_ =	swait.ge [sflag:s29], $0x1  }
0xb4: {  	[sflag:s29] =	ssyncadd.s32 $0xFFFFFFFF  }
0xb5: {  	_ =	strace $0x90000048  }
0xb6: {  	_ =	sfence  }
0xb7: {  	s30 =	sld [smem:$0x0];
	_ =	sdelay $0x2  }
0xb8: {  	s31 =	sshll.u32 s1, $0xD;
	s1 =	sshrl.u32 s1, $0x2  }
0xb9: {  	s3 =	sand.u32 $0x4000, s31;
	s1 =	sadd.s32 s1, s30  }
0xba: {  	s0 =	sor.u32 s3, s0;
	s1 =	sshll.u32 s1, $0x11  }
0xbb: {  	s0 =	sor.u32 s1, s0  }
0xbc: {  	s0 =	sadd.s32 $0x8F2B, s0  }
0xbd: {  	[sflag:s0] =	ssyncadd.remote.s32 $0x1  }
0xbe: {  	_ =	sfence.sel $0xFFFF  }
0xbf: {  	[dreg:$0x0] =	wrdreg $0xFFFFFFFF;
	(pc) =	sbr.abs _section_cstart, $3  }
0xc0: {  	[dreg:$0x1] =	wrdreg $0xFFFFFFFF  }
0xc1: {  	_ =	task.clear_ibuf [dreg:s7], $0x2FFFF;
	_ =	strace $0x9FFFFFFF  }
0xc2: {  	(tm) =	ssettm $0x7FFFFFFF  }
0xc3: {  	_ =	shalt  }
tec
execute0_lowered:
.L_overlay_start_1:
0x0: {  	(tag) =	ssettag $0x1  }
0x1: {  	s4 =	rddreg [dreg:$0x0]  }
0x2: {  	s10 =	rddreg [dreg:$0x1]  }
0x3: {  	s0 =	rddreg [dreg:$0x2];
	s2 =	simm.s32 $0x0  }
0x4: {  	s3 =	srdreg.scid;
	s1 =	stileid.u32;
	s16 =	simm.s32 $0xC200  }
0x5: {  	s17 =	simm.s32 $0x200;
	s18 =	simm.s32 $0xC600;
	s19 =	simm.s32 $0x0  }
0x6: {  	[smem:$0x7FF] =	sst s2;
	s3 =	sand.u32 $0x1, s3;
	s5 =	sshll.u32 s1, $0x1  }
0x7: {  	s11 =	sadd.s32 $0x100400, s4;
	_ =	strace $0x80000047;
	s5 =	sor.u32 s3, s5  }
0x8: {  	s6 =	ssub.s32 $0x2, s3;
	s3 =	sadd.s32 $0x140400, s4;
	s7 =	sshll.u32 s5, $0x1  }
0x9: {  	s8 =	sshrl.u32 s6, $0x1;
	s25 =	sshll.u32 s5, $0xB;
	s26 =	sshll.u32 s5, $0x8  }
0xa: {  	s5 =	sshll.u32 s5, $0xD;
	s12 =	sadd.s32 s7, s4;
	s13 =	ssub.s32 s6, s8  }
0xb: {  	s28 =	sor.u32 $0x200, s25;
	s4 =	sadd.s32 s10, s26;
	s5 =	sadd.s32 s11, s5  }
0xc: {  	s9 =	sor.u32 $0x400, s25;
	s15 =	sor.u32 $0x600, s25;
	s29 =	sshrl.u32 s28, $0x3  }
0xd: {  	s7 =	sshll.u32 s28, $0x2;
	s14 =	sshrl.u32 s9, $0x3;
	s9 =	sshll.u32 s9, $0x2  }
0xe: {  	s30 =	sshrl.u32 s15, $0x3;
	s31 =	sshll.u32 s15, $0x2;
	s12 =	sadd.s32 $0x141400, s12  }
0xf: {  	s13 =	smax.u32 s13, $0x1;
	s15 =	simm.s32 $0x1;
	s6 =	sadd.s32 s10, s29  }
0x10: {  	s7 =	sadd.s32 s11, s7;
	s8 =	sadd.s32 s10, s14;
	s9 =	sadd.s32 s11, s9  }
0x11: {  	v59 =	vlaneseq.u32;
	s10 =	sadd.s32 s10, s30;
	s11 =	sadd.s32 s11, s31;
	s14 =	simm.s32 $0x4200  }
.LBB2_1:
0x12: {  	v1 =	vor.u32 s2, v59  }
0x13: {  	v2 =	vshll.u32 v1, $0x5  }
0x14: {  	[tilespmem:s14], [sflag:$0x1] =	stream.linear.gather [hbm4b:s3+s2], $0x8000, $0x38;
	v3 =	vor.u32 $0x2, v2;
	[tilespmem:$0xC680] =	vst v63  }
0x15: {  	_ =	swait.ge [sflag:s15], $0x8000;
	v4 =	vor.u32 $0x1, v2  }
0x16: {  	[sflag:s15] =	ssyncset.done $0x0;
	v5 =	vor.u32 $0x3, v2  }
0x17: {  	v6 =	vor.u32 $0x4, v2;
	[sflag:s15] =	ssyncadd.s32 $0xFFFF8000  }
0x18: {  	v8 =	vor.u32 $0x5, v2;
	v7 =	vld.idx.msk [tilespmem:v2+s14+$0x0], $0xffff  }
0x19: {  	v9 =	vor.u32 $0x6, v2;
	v3 =	vld.idx.msk [tilespmem:v3+s14+$0x0], $0xffff  }
0x1a: {  	v10 =	vor.u32 $0x7, v2;
	v4 =	vld.idx.msk [tilespmem:v4+s14+$0x0], $0xffff  }
0x1b: {  	v11 =	vor.u32 $0x8, v2;
	v5 =	vld.idx.msk [tilespmem:v5+s14+$0x0], $0xffff  }
0x1c: {  	v12 =	vor.u32 $0x9, v2;
	v6 =	vld.idx.msk [tilespmem:v6+s14+$0x0], $0xffff  }
0x1d: {  	v13 =	vor.u32 $0xA, v2;
	v8 =	vld.idx.msk [tilespmem:v8+s14+$0x0], $0xffff  }
0x1e: {  	v14 =	vor.u32 $0xB, v2;
	v9 =	vld.idx.msk [tilespmem:v9+s14+$0x0], $0xffff  }
0x1f: {  	v15 =	vor.u32 $0xC, v2;
	v10 =	vld.idx.msk [tilespmem:v10+s14+$0x0], $0xffff;
	v7 =	vmul.f32 v7, v7;
	v3 =	vmul.f32 v3, v3  }
0x20: {  	v16 =	vor.u32 $0xD, v2;
	v11 =	vld.idx.msk [tilespmem:v11+s14+$0x0], $0xffff;
	v4 =	vmul.f32 v4, v4;
	v5 =	vmul.f32 v5, v5  }
0x21: {  	v17 =	vor.u32 $0xE, v2;
	v43 =	vor.u32 $0xF, v2;
	v12 =	vld.idx.msk [tilespmem:v12+s14+$0x0], $0xffff;
	v6 =	vmul.f32 v6, v6  }
0x22: {  	v3 =	vadd.f32 v3, v7;
	v7 =	vld.idx.msk [tilespmem:v13+s14+$0x0], $0xffff;
	v4 =	vadd.f32 v5, v4;
	v5 =	vmul.f32 v8, v8  }
0x23: {  	v44 =	vor.u32 $0x11, v2;
	v14 =	vld.idx.msk [tilespmem:v14+s14+$0x0], $0xffff;
	v9 =	vmul.f32 v9, v9;
	v8 =	vor.u32 $0x10, v2  }
0x24: {  	v3 =	vadd.f32 v6, v3;
	v6 =	vld.idx.msk [tilespmem:v15+s14+$0x0], $0xffff;
	v4 =	vadd.f32 v5, v4;
	v5 =	vmul.f32 v10, v10  }
0x25: {  	v45 =	vor.u32 $0x12, v2;
	v47 =	vor.u32 $0x13, v2;
	v16 =	vld.idx.msk [tilespmem:v16+s14+$0x0], $0xffff;
	v11 =	vmul.f32 v11, v11  }
0x26: {  	v46 =	vld.idx.msk [tilespmem:v17+s14+$0x0], $0xffff;
	v3 =	vadd.f32 v9, v3;
	v4 =	vadd.f32 v5, v4;
	v5 =	vmul.f32 v12, v12  }
0x27: {  	v48 =	vor.u32 $0x14, v2;
	v49 =	vor.u32 $0x15, v2;
	v13 =	vld.idx.msk [tilespmem:v43+s14+$0x0], $0xffff;
	v7 =	vmul.f32 v7, v7  }
0x28: {  	v8 =	vld.idx.msk [tilespmem:v8+s14+$0x0], $0xffff;
	v3 =	vadd.f32 v11, v3;
	v4 =	vadd.f32 v5, v4;
	v5 =	vmul.f32 v14, v14  }
0x29: {  	v50 =	vor.u32 $0x16, v2;
	v51 =	vor.u32 $0x17, v2;
	v15 =	vld.idx.msk [tilespmem:v44+s14+$0x0], $0xffff;
	v6 =	vmul.f32 v6, v6  }
0x2a: {  	v3 =	vadd.f32 v7, v3;
	v7 =	vld.idx.msk [tilespmem:v45+s14+$0x0], $0xffff;
	v4 =	vadd.f32 v5, v4;
	v5 =	vmul.f32 v16, v16  }
0x2b: {  	v52 =	vor.u32 $0x18, v2;
	v53 =	vor.u32 $0x19, v2;
	v17 =	vld.idx.msk [tilespmem:v47+s14+$0x0], $0xffff;
	v9 =	vmul.f32 v46, v46  }
0x2c: {  	v3 =	vadd.f32 v6, v3;
	v6 =	vld.idx.msk [tilespmem:v48+s14+$0x0], $0xffff;
	v4 =	vadd.f32 v5, v4;
	v5 =	vmul.f32 v13, v13  }
0x2d: {  	v54 =	vor.u32 $0x1A, v2;
	v56 =	vor.u32 $0x1B, v2;
	v11 =	vld.idx.msk [tilespmem:v49+s14+$0x0], $0xffff;
	v8 =	vmul.f32 v8, v8  }
0x2e: {  	v55 =	vld.idx.msk [tilespmem:v50+s14+$0x0], $0xffff;
	v3 =	vadd.f32 v9, v3;
	v4 =	vadd.f32 v5, v4;
	v5 =	vmul.f32 v15, v15  }
0x2f: {  	v57 =	vor.u32 $0x1C, v2;
	v58 =	vor.u32 $0x1D, v2;
	v10 =	vld.idx.msk [tilespmem:v51+s14+$0x0], $0xffff;
	v7 =	vmul.f32 v7, v7  }
0x30: {  	v3 =	vadd.f32 v8, v3;
	v8 =	vld.idx.msk [tilespmem:v52+s14+$0x0], $0xffff;
	v4 =	vadd.f32 v5, v4;
	v5 =	vmul.f32 v17, v17  }
0x31: {  	v60 =	vor.u32 $0x1E, v2;
	v2 =	vor.u32 $0x1F, v2;
	v12 =	vld.idx.msk [tilespmem:v53+s14+$0x0], $0xffff;
	v6 =	vmul.f32 v6, v6  }
0x32: {  	v3 =	vadd.f32 v7, v3;
	v7 =	vld.idx.msk [tilespmem:v54+s14+$0x0], $0xffff;
	v4 =	vadd.f32 v5, v4;
	v5 =	vmul.f32 v11, v11  }
0x33: {  	v61 =	vld.idx.msk [tilespmem:v56+s14+$0x0], $0xffff;
	v9 =	vmul.f32 v55, v55  }
0x34: {  	v3 =	vadd.f32 v6, v3;
	v6 =	vld.idx.msk [tilespmem:v57+s14+$0x0], $0xffff;
	v4 =	vadd.f32 v5, v4;
	v5 =	vmul.f32 v10, v10  }
0x35: {  	v62 =	vld.idx.msk [tilespmem:v58+s14+$0x0], $0xffff;
	v8 =	vmul.f32 v8, v8  }
0x36: {  	v2 =	vld.idx.msk [tilespmem:v2+s14+$0x0], $0xffff;
	v3 =	vadd.f32 v9, v3;
	v4 =	vadd.f32 v5, v4;
	v5 =	vmul.f32 v12, v12  }
0x37: {  	v63 =	vld.idx.msk [tilespmem:v60+s14+$0x0], $0xffff;
	v7 =	vmul.f32 v7, v7  }
0x38: {  	v3 =	vadd.f32 v8, v3;
	v4 =	vadd.f32 v5, v4;
	v5 =	vmul.f32 v61, v61  }
0x39: {  	v6 =	vmul.f32 v6, v6  }
0x3a: {  	v3 =	vadd.f32 v7, v3;
	v4 =	vadd.f32 v5, v4;
	v5 =	vmul.f32 v62, v62  }
0x3b: {  	v8 =	vmul.f32 v2, v2  }
0x3c: {  	s20 =	simm.s32 $0x10;
	v7 =	vmul.f32 v63, v63;
	v6 =	vadd.f32 v6, v3;
	v4 =	vadd.f32 v5, v4  }
0x3d: {  	v3 =	vor.u32 s20, v59  }
0x3e: {  	v2 =	vshll.u32 v3, $0x5;
	v5 =	vadd.f32 v7, v6;
	v6 =	vadd.f32 v8, v4  }
0x3f: {  	s20 =	simm.s32 $0x20;
	v4 =	vor.u32 $0x2, v2  }
.LBB2_2:
0x40: {  	p0 =	sne.s32 s20, $0x3F0;
	v7 =	vor.u32 $0x1, v2;
	v5 =	vadd.f32 v6, v5  }
0x41: {  	v6 =	vor.u32 $0x3, v2  }
0x42: {  	v8 =	vor.u32 $0x4, v2;
	[tilespmem:v1+s16+$0x0] =	vst.idx.msk $0xffff, v5;
	v1 =	vmov v3  }
0x43: {  	v5 =	vor.u32 $0x5, v2;
	v3 =	vld.idx.msk [tilespmem:v2+s14+$0x0], $0xffff  }
0x44: {  	v9 =	vor.u32 $0x6, v2;
	v4 =	vld.idx.msk [tilespmem:v4+s14+$0x0], $0xffff  }
0x45: {  	v10 =	vor.u32 $0x7, v2;
	v7 =	vld.idx.msk [tilespmem:v7+s14+$0x0], $0xffff  }
0x46: {  	v11 =	vor.u32 $0x8, v2;
	v6 =	vld.idx.msk [tilespmem:v6+s14+$0x0], $0xffff  }
0x47: {  	v12 =	vor.u32 $0x9, v2;
	v8 =	vld.idx.msk [tilespmem:v8+s14+$0x0], $0xffff  }
0x48: {  	v13 =	vor.u32 $0xA, v2;
	v5 =	vld.idx.msk [tilespmem:v5+s14+$0x0], $0xffff  }
0x49: {  	v14 =	vor.u32 $0xB, v2;
	v9 =	vld.idx.msk [tilespmem:v9+s14+$0x0], $0xffff  }
0x4a: {  	v15 =	vor.u32 $0xC, v2;
	v10 =	vld.idx.msk [tilespmem:v10+s14+$0x0], $0xffff  }
0x4b: {  	v16 =	vor.u32 $0xD, v2;
	v3 =	vmul.f32 v3, v3;
	v4 =	vmul.f32 v4, v4;
	v11 =	vld.idx.msk [tilespmem:v11+s14+$0x0], $0xffff  }
0x4c: {  	v17 =	vor.u32 $0xE, v2;
	v7 =	vmul.f32 v7, v7;
	v6 =	vmul.f32 v6, v6;
	v12 =	vld.idx.msk [tilespmem:v12+s14+$0x0], $0xffff  }
0x4d: {  	v18 =	vor.u32 $0xF, v2;
	v19 =	vor.u32 $0x10, v2;
	v8 =	vmul.f32 v8, v8;
	v13 =	vld.idx.msk [tilespmem:v13+s14+$0x0], $0xffff  }
0x4e: {  	v3 =	vadd.f32 v4, v3;
	v4 =	vadd.f32 v6, v7;
	v5 =	vmul.f32 v5, v5;
	v6 =	vld.idx.msk [tilespmem:v14+s14+$0x0], $0xffff  }
0x4f: {  	v7 =	vmul.f32 v9, v9;
	v14 =	vor.u32 $0x11, v2;
	v9 =	vld.idx.msk [tilespmem:v15+s14+$0x0], $0xffff;
	v15 =	vor.u32 $0x12, v2  }
0x50: {  	v3 =	vadd.f32 v8, v3;
	v4 =	vadd.f32 v5, v4;
	v5 =	vmul.f32 v10, v10;
	v8 =	vld.idx.msk [tilespmem:v16+s14+$0x0], $0xffff  }
0x51: {  	v10 =	vmul.f32 v11, v11;
	v16 =	vor.u32 $0x13, v2;
	v11 =	vld.idx.msk [tilespmem:v17+s14+$0x0], $0xffff;
	v17 =	vor.u32 $0x14, v2  }
0x52: {  	v3 =	vadd.f32 v7, v3;
	v4 =	vadd.f32 v5, v4;
	v5 =	vmul.f32 v12, v12;
	v7 =	vld.idx.msk [tilespmem:v18+s14+$0x0], $0xffff  }
0x53: {  	v12 =	vmul.f32 v13, v13;
	v18 =	vor.u32 $0x15, v2;
	v13 =	vld.idx.msk [tilespmem:v19+s14+$0x0], $0xffff;
	v19 =	vor.u32 $0x16, v2  }
0x54: {  	v3 =	vadd.f32 v10, v3;
	v4 =	vadd.f32 v5, v4;
	v5 =	vmul.f32 v6, v6;
	v6 =	vld.idx.msk [tilespmem:v14+s14+$0x0], $0xffff  }
0x55: {  	v9 =	vmul.f32 v9, v9;
	v14 =	vor.u32 $0x17, v2;
	v10 =	vld.idx.msk [tilespmem:v15+s14+$0x0], $0xffff;
	v15 =	vor.u32 $0x18, v2  }
0x56: {  	v3 =	vadd.f32 v12, v3;
	v4 =	vadd.f32 v5, v4;
	v5 =	vmul.f32 v8, v8;
	v8 =	vld.idx.msk [tilespmem:v16+s14+$0x0], $0xffff  }
0x57: {  	v11 =	vmul.f32 v11, v11;
	v16 =	vor.u32 $0x19, v2;
	v12 =	vld.idx.msk [tilespmem:v17+s14+$0x0], $0xffff;
	v17 =	vor.u32 $0x1A, v2  }
0x58: {  	v3 =	vadd.f32 v9, v3;
	v4 =	vadd.f32 v5, v4;
	v5 =	vmul.f32 v7, v7;
	v7 =	vld.idx.msk [tilespmem:v18+s14+$0x0], $0xffff  }
0x59: {  	v9 =	vmul.f32 v13, v13;
	v18 =	vor.u32 $0x1B, v2;
	v13 =	vld.idx.msk [tilespmem:v19+s14+$0x0], $0xffff;
	v19 =	vor.u32 $0x1C, v2  }
0x5a: {  	v3 =	vadd.f32 v11, v3;
	v4 =	vadd.f32 v5, v4;
	v5 =	vmul.f32 v6, v6;
	v6 =	vld.idx.msk [tilespmem:v14+s14+$0x0], $0xffff  }
0x5b: {  	v10 =	vmul.f32 v10, v10;
	v14 =	vor.u32 $0x1D, v2;
	v11 =	vld.idx.msk [tilespmem:v15+s14+$0x0], $0xffff;
	v15 =	vor.u32 $0x1E, v2  }
0x5c: {  	v3 =	vadd.f32 v9, v3;
	v4 =	vadd.f32 v5, v4;
	v5 =	vmul.f32 v8, v8;
	v8 =	vld.idx.msk [tilespmem:v16+s14+$0x0], $0xffff  }
0x5d: {  	v2 =	vor.u32 $0x1F, v2;
	v9 =	vmul.f32 v12, v12;
	v12 =	vld.idx.msk [tilespmem:v17+s14+$0x0], $0xffff  }
0x5e: {  	v3 =	vadd.f32 v10, v3;
	v4 =	vadd.f32 v5, v4;
	v5 =	vmul.f32 v7, v7;
	v7 =	vld.idx.msk [tilespmem:v18+s14+$0x0], $0xffff  }
0x5f: {  	v10 =	vmul.f32 v13, v13;
	v13 =	vld.idx.msk [tilespmem:v19+s14+$0x0], $0xffff  }
0x60: {  	v3 =	vadd.f32 v9, v3;
	v4 =	vadd.f32 v5, v4;
	v5 =	vmul.f32 v6, v6;
	v6 =	vld.idx.msk [tilespmem:v14+s14+$0x0], $0xffff  }
0x61: {  	v9 =	vmul.f32 v11, v11;
	v11 =	vld.idx.msk [tilespmem:v15+s14+$0x0], $0xffff  }
0x62: {  	v3 =	vadd.f32 v10, v3;
	v4 =	vadd.f32 v5, v4;
	v5 =	vmul.f32 v8, v8;
	v2 =	vld.idx.msk [tilespmem:v2+s14+$0x0], $0xffff  }
0x63: {  	v8 =	vmul.f32 v12, v12  }
0x64: {  	v3 =	vadd.f32 v9, v3;
	v4 =	vadd.f32 v5, v4;
	v5 =	vmul.f32 v7, v7  }
0x65: {  	v7 =	vmul.f32 v13, v13  }
0x66: {  	v3 =	vadd.f32 v8, v3;
	v4 =	vadd.f32 v5, v4;
	v5 =	vmul.f32 v6, v6  }
.Ltmp0:
0x67: {  	v6 =	vmul.f32 v11, v11;
	(pc) =	sbr.rel @p0 .LBB2_2-.Ltmp0, $4  }
0x68: {  	v7 =	vadd.f32 v7, v3;
	v4 =	vadd.f32 v5, v4;
	v8 =	vmul.f32 v2, v2  }
0x69: {  	v3 =	vor.u32 s20, v59  }
0x6a: {  	v2 =	vshll.u32 v3, $0x5;
	v5 =	vadd.f32 v6, v7;
	v6 =	vadd.f32 v8, v4  }
0x6b: {  	s20 =	sadd.s32 $0x10, s20;
	v4 =	vor.u32 $0x2, v2  }
0x6c: {  	_ =	sdelay $0x1  }
0x6d: {  	v7 =	vor.u32 $0x1, v2;
	v5 =	vadd.f32 v6, v5  }
0x6e: {  	v6 =	vor.u32 $0x3, v2  }
0x6f: {  	v8 =	vor.u32 $0x4, v2;
	[tilespmem:v1+s16+$0x0] =	vst.idx.msk $0xffff, v5  }
0x70: {  	v5 =	vor.u32 $0x5, v2;
	v1 =	vld.idx.msk [tilespmem:v2+s14+$0x0], $0xffff  }
0x71: {  	v9 =	vor.u32 $0x6, v2;
	v4 =	vld.idx.msk [tilespmem:v4+s14+$0x0], $0xffff  }
0x72: {  	v10 =	vor.u32 $0x7, v2;
	v7 =	vld.idx.msk [tilespmem:v7+s14+$0x0], $0xffff  }
0x73: {  	v11 =	vor.u32 $0x8, v2;
	v6 =	vld.idx.msk [tilespmem:v6+s14+$0x0], $0xffff  }
0x74: {  	v12 =	vor.u32 $0x9, v2;
	v8 =	vld.idx.msk [tilespmem:v8+s14+$0x0], $0xffff  }
0x75: {  	v13 =	vor.u32 $0xA, v2;
	v5 =	vld.idx.msk [tilespmem:v5+s14+$0x0], $0xffff  }
0x76: {  	v14 =	vor.u32 $0xB, v2;
	v9 =	vld.idx.msk [tilespmem:v9+s14+$0x0], $0xffff  }
0x77: {  	v15 =	vor.u32 $0xC, v2;
	v10 =	vld.idx.msk [tilespmem:v10+s14+$0x0], $0xffff;
	v1 =	vmul.f32 v1, v1;
	v4 =	vmul.f32 v4, v4  }
0x78: {  	v16 =	vor.u32 $0xD, v2;
	v11 =	vld.idx.msk [tilespmem:v11+s14+$0x0], $0xffff;
	v7 =	vmul.f32 v7, v7;
	v6 =	vmul.f32 v6, v6  }
0x79: {  	v17 =	vor.u32 $0xE, v2;
	v18 =	vor.u32 $0xF, v2;
	v12 =	vld.idx.msk [tilespmem:v12+s14+$0x0], $0xffff;
	v8 =	vmul.f32 v8, v8  }
0x7a: {  	v13 =	vld.idx.msk [tilespmem:v13+s14+$0x0], $0xffff;
	v1 =	vadd.f32 v4, v1;
	v4 =	vadd.f32 v6, v7;
	v5 =	vmul.f32 v5, v5  }
0x7b: {  	v9 =	vmul.f32 v9, v9;
	v6 =	vor.u32 $0x10, v2;
	v7 =	vld.idx.msk [tilespmem:v14+s14+$0x0], $0xffff;
	v14 =	vor.u32 $0x11, v2  }
0x7c: {  	v15 =	vld.idx.msk [tilespmem:v15+s14+$0x0], $0xffff;
	v1 =	vadd.f32 v8, v1;
	v4 =	vadd.f32 v5, v4;
	v5 =	vmul.f32 v10, v10  }
0x7d: {  	v11 =	vmul.f32 v11, v11;
	v8 =	vor.u32 $0x12, v2;
	v10 =	vld.idx.msk [tilespmem:v16+s14+$0x0], $0xffff;
	v16 =	vor.u32 $0x13, v2  }
0x7e: {  	v17 =	vld.idx.msk [tilespmem:v17+s14+$0x0], $0xffff;
	v1 =	vadd.f32 v9, v1;
	v4 =	vadd.f32 v5, v4;
	v5 =	vmul.f32 v12, v12  }
0x7f: {  	v13 =	vmul.f32 v13, v13;
	v9 =	vor.u32 $0x14, v2;
	v12 =	vld.idx.msk [tilespmem:v18+s14+$0x0], $0xffff;
	v18 =	vor.u32 $0x15, v2  }
0x80: {  	v1 =	vadd.f32 v11, v1;
	v6 =	vld.idx.msk [tilespmem:v6+s14+$0x0], $0xffff;
	v4 =	vadd.f32 v5, v4;
	v5 =	vmul.f32 v7, v7  }
0x81: {  	v11 =	vld.idx.msk [tilespmem:v14+s14+$0x0], $0xffff;
	v14 =	vmul.f32 v15, v15;
	v15 =	vor.u32 $0x17, v2;
	v7 =	vor.u32 $0x16, v2  }
0x82: {  	v8 =	vld.idx.msk [tilespmem:v8+s14+$0x0], $0xffff;
	v1 =	vadd.f32 v13, v1;
	v4 =	vadd.f32 v5, v4;
	v5 =	vmul.f32 v10, v10  }
0x83: {  	v13 =	vld.idx.msk [tilespmem:v16+s14+$0x0], $0xffff;
	v16 =	vmul.f32 v17, v17;
	v17 =	vor.u32 $0x19, v2;
	v10 =	vor.u32 $0x18, v2  }
0x84: {  	v9 =	vld.idx.msk [tilespmem:v9+s14+$0x0], $0xffff;
	v1 =	vadd.f32 v14, v1;
	v4 =	vadd.f32 v5, v4;
	v5 =	vmul.f32 v12, v12  }
0x85: {  	v14 =	vld.idx.msk [tilespmem:v18+s14+$0x0], $0xffff;
	v18 =	vor.u32 $0x1B, v2;
	v12 =	vor.u32 $0x1A, v2;
	v6 =	vmul.f32 v6, v6  }
0x86: {  	v1 =	vadd.f32 v16, v1;
	v7 =	vld.idx.msk [tilespmem:v7+s14+$0x0], $0xffff;
	v4 =	vadd.f32 v5, v4;
	v5 =	vmul.f32 v11, v11  }
0x87: {  	v15 =	vld.idx.msk [tilespmem:v15+s14+$0x0], $0xffff;
	v8 =	vmul.f32 v8, v8;
	v16 =	vor.u32 $0x1D, v2;
	v11 =	vor.u32 $0x1C, v2  }
0x88: {  	v1 =	vadd.f32 v6, v1;
	v10 =	vld.idx.msk [tilespmem:v10+s14+$0x0], $0xffff;
	v4 =	vadd.f32 v5, v4;
	v5 =	vmul.f32 v13, v13  }
0x89: {  	v58 =	vor.u32 $0x1F, v2;
	v6 =	vor.u32 $0x1E, v2;
	v9 =	vmul.f32 v9, v9;
	v13 =	vld.idx.msk [tilespmem:v17+s14+$0x0], $0xffff  }
0x8a: {  	v1 =	vadd.f32 v8, v1;
	v12 =	vld.idx.msk [tilespmem:v12+s14+$0x0], $0xffff;
	v4 =	vadd.f32 v5, v4;
	v5 =	vmul.f32 v14, v14  }
0x8b: {  	v8 =	vld.idx.msk [tilespmem:v18+s14+$0x0], $0xffff;
	v7 =	vmul.f32 v7, v7  }
0x8c: {  	v1 =	vadd.f32 v9, v1;
	v11 =	vld.idx.msk [tilespmem:v11+s14+$0x0], $0xffff;
	v4 =	vadd.f32 v5, v4;
	v5 =	vmul.f32 v15, v15  }
0x8d: {  	v9 =	vld.idx.msk [tilespmem:v16+s14+$0x0], $0xffff;
	v10 =	vmul.f32 v10, v10  }
0x8e: {  	v2 =	vld.idx.msk [tilespmem:v58+s14+$0x0], $0xffff;
	v1 =	vadd.f32 v7, v1;
	v4 =	vadd.f32 v5, v4;
	v5 =	vmul.f32 v13, v13  }
0x8f: {  	v6 =	vld.idx.msk [tilespmem:v6+s14+$0x0], $0xffff;
	v7 =	vmul.f32 v12, v12  }
0x90: {  	v1 =	vadd.f32 v10, v1;
	v4 =	vadd.f32 v5, v4;
	v5 =	vmul.f32 v8, v8  }
0x91: {  	v8 =	vmul.f32 v11, v11  }
0x92: {  	v1 =	vadd.f32 v7, v1;
	v4 =	vadd.f32 v5, v4;
	v5 =	vmul.f32 v9, v9  }
0x93: {  	v2 =	vmul.f32 v2, v2  }
0x94: {  	v6 =	vmul.f32 v6, v6;
	v1 =	vadd.f32 v8, v1;
	v4 =	vadd.f32 v5, v4;
	_ =	sdelay $0x1  }
0x95: {  	v1 =	vadd.f32 v6, v1;
	v2 =	vadd.f32 v2, v4;
	_ =	sdelay $0x1  }
0x96: {  	v1 =	vadd.f32 v2, v1;
	_ =	sdelay $0x1  }
0x97: {  	s20 =	simm.s32 $0x0;
	[tilespmem:v3+s16+$0x0] =	vst.idx.msk $0xffff, v1  }
0x98: {  	[tilespmem:s20], [sflag:$0x1] =	stream.linear.gather [hbm4b:s4+s20], $0x200, $0x38;
	[tilespmem:$0xC680] =	vst v63  }
0x99: {  	_ =	swait.ge [sflag:s15], $0x200  }
0x9a: {  	[sflag:s15] =	ssyncset.done $0x0  }
0x9b: {  	v60 =	vor.u32 s20, v59;
	[sflag:s15] =	ssyncadd.s32 $0xFFFFFE00  }
0x9c: {  	v17 =	vshll.u32 v60, $0x5;
	[tilespmem:s17], [sflag:$0x1] =	stream.linear.gather [hbm4b:s5+s20], $0x4000, $0x38;
	[tilespmem:$0xC680] =	vst v63  }
0x9d: {  	v61 =	vor.u32 $0x1C, v17;
	_ =	swait.ge [sflag:s15], $0x4000  }
0x9e: {  	v3 =	vor.u32 $0x1D, v17;
	[sflag:s15] =	ssyncset.done $0x0  }
0x9f: {  	v4 =	vor.u32 $0x1E, v17;
	[sflag:s15] =	ssyncadd.s32 $0xFFFFC000  }
0xa0: {  	v62 =	vor.u32 $0x1F, v17;
	v18 =	vld.idx.msk [tilespmem:v60+s2+$0x0], $0xffff  }
0xa1: {  	v5 =	vor.u32 $0x18, v17;
	v16 =	vld.idx.msk [tilespmem:v17+s17+$0x0], $0xffff  }
0xa2: {  	v6 =	vor.u32 $0x19, v17;
	v14 =	vld.idx.msk [tilespmem:v61+s17+$0x0], $0xffff  }
0xa3: {  	v7 =	vor.u32 $0x14, v17;
	v11 =	vld.idx.msk [tilespmem:v3+s17+$0x0], $0xffff  }
0xa4: {  	v8 =	vor.u32 $0x10, v17;
	v12 =	vld.idx.msk [tilespmem:v4+s17+$0x0], $0xffff  }
0xa5: {  	v63 =	vor.u32 $0x11, v17;
	v53 =	vld.idx.msk [tilespmem:v62+s17+$0x0], $0xffff  }
0xa6: {  	v22 =	vor.u32 $0x8, v17;
	v15 =	vld.idx.msk [tilespmem:v5+s17+$0x0], $0xffff  }
0xa7: {  	v26 =	vor.u32 $0x9, v17;
	v13 =	vld.idx.msk [tilespmem:v6+s17+$0x0], $0xffff  }
0xa8: {  	v3 =	vor.u32 $0x15, v17;
	v9 =	vld.idx.msk [tilespmem:v7+s17+$0x0], $0xffff  }
0xa9: {  	v5 =	vor.u32 $0xC, v17;
	v10 =	vld.idx.msk [tilespmem:v8+s17+$0x0], $0xffff  }
0xaa: {  	v20 =	vor.u32 $0xD, v17;
	v7 =	vld.idx.msk [tilespmem:v63+s17+$0x0], $0xffff  }
0xab: {  	v55 =	vld.idx.msk [tilespmem:v22+s17+$0x0], $0xffff  }
0xac: {  	v52 =	vimm.f32 $0.0e+00;
	v19 =	vor.u32 $0x1, v17;
	v8 =	vld.idx.msk [tilespmem:v26+s17+$0x0], $0xffff  }
0xad: {  	v21 =	vor.u32 $0x2, v17;
	v25 =	vor.u32 $0x3, v17;
	v34 =	vor.u32 $0x1A, v17;
	v4 =	vld.idx.msk [tilespmem:v3+s17+$0x0], $0xffff  }
0xae: {  	v23 =	vor.u32 $0x4, v17;
	v37 =	vor.u32 $0x16, v17;
	v31 =	vor.u32 $0x1B, v17;
	v6 =	vld.idx.msk [tilespmem:v5+s17+$0x0], $0xffff  }
0xaf: {  	v24 =	vor.u32 $0x5, v17;
	v29 =	vor.u32 $0x12, v17;
	v38 =	vor.u32 $0x17, v17;
	s20 =	simm.s32 $0x10;
	v5 =	vld.idx.msk [tilespmem:v20+s17+$0x0], $0xffff  }
.LBB2_4:
0xb0: {  	_ =	sdelay $0x3  }
0xb1: {  	v20 =	vld.idx.msk [tilespmem:v19+s17+$0x0], $0xffff;
	v26 =	vor.u32 $0x6, v17  }
0xb2: {  	v21 =	vld.idx.msk [tilespmem:v21+s17+$0x0], $0xffff;
	v33 =	vor.u32 $0x7, v17  }
0xb3: {  	v27 =	vor.u32 $0xE, v17;
	v28 =	vor.u32 $0x13, v17;
	v22 =	vld.idx.msk [tilespmem:v25+s17+$0x0], $0xffff;
	v25 =	vor.u32 $0xA, v17  }
0xb4: {  	v36 =	vor.u32 $0xF, v17;
	v17 =	vor.u32 $0xB, v17;
	v30 =	vld.idx.msk [tilespmem:v23+s17+$0x0], $0xffff;
	v43 =	vmul.f32 v15, v15  }
0xb5: {  	v32 =	vld.idx.msk [tilespmem:v24+s17+$0x0], $0xffff;
	v45 =	vmul.f32 v11, v11;
	v48 =	vmul.f32 v13, v13  }
0xb6: {  	v40 =	vmul.f32 v16, v16;
	v42 =	vmul.f32 v14, v14;
	v23 =	vld.idx.msk [tilespmem:v26+s17+$0x0], $0xffff  }
0xb7: {  	[tilespmem:$0x1FFF0] =	vst v52;
	v46 =	vmul.f32 v9, v9;
	v49 =	vmul.f32 v10, v10;
	v24 =	vld.idx.msk [tilespmem:v33+s17+$0x0], $0xffff  }
0xb8: {  	[tilespmem:$0x1FFD0] =	vst v4;
	v19 =	vshll.u32 v18, $0x5;
	v50 =	vmul.f32 v4, v4;
	v52 =	vmul.f32 v6, v6;
	v33 =	vld.idx.msk [tilespmem:v25+s17+$0x0], $0xffff  }
0xb9: {  	v4 =	vmovc v53;
	v53 =	vmul.f32 v7, v7;
	v57 =	vmul.f32 v8, v8;
	v39 =	vor.u32 $0x1C, v19;
	v25 =	vld.idx.msk [tilespmem:v17+s17+$0x0], $0xffff  }
0xba: {  	v41 =	vor.u32 $0x1D, v19;
	v44 =	vor.u32 $0x1E, v19;
	v47 =	vor.u32 $0x18, v19;
	v35 =	vld.idx.msk [tilespmem:v27+s17+$0x0], $0xffff  }
0xbb: {  	v51 =	vor.u32 $0x19, v19;
	v54 =	vor.u32 $0x1A, v19;
	v17 =	vmul.f32 v55, v55;
	v27 =	vld.idx.msk [tilespmem:v36+s17+$0x0], $0xffff  }
0xbc: {  	[tilespmem:$0x1FFE0] =	vst v55;
	v55 =	vmul.f32 v5, v5;
	v56 =	vor.u32 $0x14, v19;
	v62 =	vmul.f32 v30, v30;
	v36 =	vld.idx.msk [tilespmem:v29+s17+$0x0], $0xffff  }
0xbd: {  	v26 =	vmul.f32 v20, v20;
	v58 =	vor.u32 $0x15, v19;
	v63 =	vmul.f32 v32, v32;
	v29 =	vld.idx.msk [tilespmem:v28+s17+$0x0], $0xffff  }
0xbe: {  	v59 =	vmul.f32 v21, v21;
	v60 =	vmul.f32 v22, v22;
	v40 =	vadd.f32 v62, v40  }
0xbf: {  	v61 =	vor.u32 $0x10, v19;
	v0 =	vor.u32 $0x11, v19;
	v62 =	vadd.f32 v63, v26;
	v26 =	vld.idx.msk [tilespmem:v37+s17+$0x0], $0xffff  }
0xc0: {  	v31 =	vld.idx.msk [tilespmem:v31+s17+$0x0], $0xffff;
	v3 =	vor.u32 $0x12, v19;
	v17 =	vadd.f32 v17, v40;
	v2 =	vmul.f32 v23, v23  }
0xc1: {  	v28 =	vld.idx.msk [tilespmem:v38+s17+$0x0], $0xffff;
	v62 =	vadd.f32 v57, v62;
	v1 =	vmul.f32 v24, v24;
	v63 =	vmul.f32 v33, v33  }
0xc2: {  	v40 =	vmul.f32 v35, v35;
	v17 =	vadd.f32 v52, v17;
	v52 =	vld.idx.msk [tilespmem:v18+s16+$0x0], $0xffff;
	v18 =	vmul.f32 v29, v29  }
0xc3: {  	v39 =	vld.idx.msk [tilespmem:v39+s14+$0x0], $0xffff;
	v2 =	vadd.f32 v2, v59;
	v1 =	vadd.f32 v1, v60;
	v60 =	vmul.f32 v25, v25  }
0xc4: {  	v57 =	vld.idx.msk [tilespmem:v34+s17+$0x0], $0xffff;
	v59 =	vlaneseq.u32;
	v17 =	vadd.f32 v49, v17;
	v49 =	vmul.f32 v26, v26  }
0xc5: {  	v38 =	vld.idx.msk [tilespmem:v41+s14+$0x0], $0xffff;
	v2 =	vadd.f32 v63, v2;
	v1 =	vadd.f32 v60, v1;
	v63 =	vmul.f32 v27, v27  }
0xc6: {  	v41 =	vld.idx.msk [tilespmem:v44+s14+$0x0], $0xffff;
	v60 =	vadd.f32 v55, v62;
	v62 =	vmul.f32 v36, v36;
	v17 =	vadd.f32 v46, v17  }
0xc7: {  	v46 =	vld.idx.msk [tilespmem:v54+s14+$0x0], $0xffff;
	v54 =	vor.u32 $0xC, v19;
	v2 =	vadd.f32 v40, v2;
	v1 =	vadd.f32 v63, v1  }
0xc8: {  	v37 =	vld.idx.msk [tilespmem:v47+s14+$0x0], $0xffff;
	v14 =	vmul.f32 v39, v14;
	v39 =	vor.u32 $0x3, v19;
	v63 =	vadd.f32 v53, v60  }
0xc9: {  	v44 =	vld.idx.msk [tilespmem:v51+s14+$0x0], $0xffff;
	v2 =	vadd.f32 v62, v2;
	v1 =	vadd.f32 v18, v1;
	v18 =	vmul.f32 v28, v28  }
0xca: {  	v47 =	vld.idx.msk [tilespmem:v56+s14+$0x0], $0xffff;
	v53 =	vmul.f32 v12, v12;
	v34 =	vadd.f32 v50, v63;
	v50 =	vmul.f32 v57, v57  }
0xcb: {  	v0 =	vld.idx.msk [tilespmem:v0+s14+$0x0], $0xffff;
	v2 =	vadd.f32 v49, v2;
	v1 =	vadd.f32 v18, v1;
	v18 =	vmul.f32 v31, v31  }
0xcc: {  	v3 =	vld.idx.msk [tilespmem:v3+s14+$0x0], $0xffff;
	v17 =	vadd.f32 v43, v17;
	v43 =	vor.u32 $0xE, v19;
	v34 =	vadd.f32 v48, v34  }
0xcd: {  	v55 =	vld.idx.msk [tilespmem:v19+s14+$0x0], $0xffff;
	v2 =	vadd.f32 v50, v2;
	v1 =	vadd.f32 v18, v1;
	v18 =	vmul.f32 v4, v4  }
0xce: {  	v38 =	vmul.f32 v38, v11;
	v17 =	vadd.f32 v42, v17;
	v48 =	vld.idx.msk [tilespmem:v61+s14+$0x0], $0xffff;
	v34 =	vadd.f32 v45, v34  }
0xcf: {  	v62 =	vor.u32 $0x4, v19;
	v40 =	vld.idx.msk [tilespmem:v54+s14+$0x0], $0xffff;
	v2 =	vadd.f32 v53, v2;
	v1 =	vadd.f32 v18, v1  }
0xd0: {  	v11 =	vmul.f32 v41, v12;
	v15 =	vmul.f32 v37, v15;
	v63 =	vor.u32 $0x5, v19;
	v39 =	vld.idx.msk [tilespmem:v39+s14+$0x0], $0xffff  }
0xd1: {  	v45 =	vld.idx.msk [tilespmem:v58+s14+$0x0], $0xffff;
	v50 =	vor.u32 $0x1, v19;
	v56 =	vadd.f32 v34, v17;
	v1 =	vadd.f32 v1, v2  }
0xd2: {  	v13 =	vmul.f32 v44, v13;
	v9 =	vmul.f32 v47, v9;
	v61 =	vor.u32 $0xA, v19;
	v43 =	vld.idx.msk [tilespmem:v43+s14+$0x0], $0xffff  }
0xd3: {  	v0 =	vmul.f32 v0, v7;
	v60 =	vmovc v4;
	v58 =	vor.u32 $0x9, v19;
	v4 =	vld [tilespmem:$0x1FFD0];
	v1 =	vadd.f32 v1, v56  }
0xd4: {  	v3 =	vmul.f32 v3, v36;
	v52 =	vmax.f32 v52, $1.000000020e-24;
	v42 =	vor.u32 $0xD, v19;
	v41 =	vld.idx.msk [tilespmem:v62+s14+$0x0], $0xffff  }
0xd5: {  	v49 =	vor.u32 $0x8, v19;
	v44 =	vmul.f32 v46, v57;
	v46 =	vld.idx.msk [tilespmem:v63+s14+$0x0], $0xffff;
	v1 =	vmax.f32 v1, $1.000000020e-24  }
0xd6: {  	v16 =	vmul.f32 v55, v16;
	v55 =	vor.u32 $0x2, v19;
	v50 =	vld.idx.msk [tilespmem:v50+s14+$0x0], $0xffff;
	v1 =	vmul.f32 v52, v1  }
0xd7: {  	v57 =	vor.u32 $0xF, v19;
	v54 =	vor.u32 $0x16, v19;
	v12 =	vld.idx.msk [tilespmem:v61+s14+$0x0], $0xffff;
	v61 =	vor.u32 $0x6, v19  }
0xd8: {  	v16 =	vadd.f32 $0.0e+00, v16;
	v2 =	vld.idx.msk [tilespmem:v58+s14+$0x0], $0xffff;
	v58 =	vshra.s32 v1, $0x1;
	v1 =	vmul.f32 $5.000000000e-01, v1  }
0xd9: {  	v63 =	vor.u32 $0x7, v19;
	v42 =	vld.idx.msk [tilespmem:v42+s14+$0x0], $0xffff;
	v10 =	vmul.f32 v48, v10;
	v37 =	vsub.s32 $0x5F3759DF, v58  }
0xda: {  	v18 =	vor.u32 s20, v59;
	v49 =	vld.idx.msk [tilespmem:v49+s14+$0x0], $0xffff;
	v6 =	vmul.f32 v40, v6;
	v62 =	vmul.f32 v37, v1  }
0xdb: {  	v53 =	vor.u32 $0x1B, v19;
	v4 =	vmul.f32 v45, v4;
	v45 =	vld.idx.msk [tilespmem:v55+s14+$0x0], $0xffff;
	v20 =	vmul.f32 v50, v20  }
0xdc: {  	v17 =	vshll.u32 v18, $0x5;
	v22 =	vmul.f32 v39, v22;
	v58 =	vld.idx.msk [tilespmem:v61+s14+$0x0], $0xffff;
	v7 =	vmul.f32 v37, v62  }
0xdd: {  	v56 =	vor.u32 $0xB, v19;
	v32 =	vmul.f32 v46, v32;
	v61 =	vld [tilespmem:$0x1FFE0];
	v20 =	vadd.f32 $0.0e+00, v20  }
0xde: {  	v34 =	vor.u32 $0x1C, v17;
	v35 =	vmul.f32 v43, v35;
	v7 =	vsub.f32 $1.500000000e+00, v7  }
0xdf: {  	v30 =	vmul.f32 v41, v30;
	v2 =	vmul.f32 v2, v8;
	v20 =	vadd.f32 v32, v20  }
0xe0: {  	v22 =	vadd.f32 $0.0e+00, v22;
	v5 =	vmul.f32 v42, v5;
	v7 =	vmul.f32 v37, v7  }
0xe1: {  	v16 =	vadd.f32 v30, v16;
	v21 =	vmul.f32 v45, v21;
	v62 =	vld.idx.msk [tilespmem:v63+s14+$0x0], $0xffff;
	v2 =	vadd.f32 v2, v20  }
0xe2: {  	v51 =	vld.idx.msk [tilespmem:v56+s14+$0x0], $0xffff;
	v40 =	vmul.f32 v49, v61;
	v49 =	vor.u32 $0x13, v19;
	v55 =	vmul.f32 v7, v1  }
0xe3: {  	v8 =	vor.u32 $0x1F, v19;
	v21 =	vadd.f32 $0.0e+00, v21;
	v23 =	vmul.f32 v58, v23  }
0xe4: {  	v56 =	vld.idx.msk [tilespmem:v57+s14+$0x0], $0xffff;
	v19 =	vor.u32 $0x17, v19;
	v2 =	vadd.f32 v5, v2;
	v57 =	vmul.f32 v55, v7  }
0xe5: {  	v12 =	vmul.f32 v12, v33;
	v21 =	vadd.f32 v23, v21;
	v16 =	vadd.f32 v40, v16  }
0xe6: {  	v24 =	vmul.f32 v62, v24;
	v0 =	vadd.f32 v0, v2;
	v30 =	vsub.f32 $1.500000000e+00, v57  }
0xe7: {  	v23 =	vmul.f32 v51, v25;
	v12 =	vadd.f32 v12, v21;
	v6 =	vadd.f32 v6, v16;
	v33 =	vld.idx.msk [tilespmem:v49+s14+$0x0], $0xffff  }
0xe8: {  	v25 =	vld.idx.msk [tilespmem:v54+s14+$0x0], $0xffff;
	v22 =	vadd.f32 v24, v22;
	v0 =	vadd.f32 v4, v0;
	v7 =	vmul.f32 v30, v7  }
0xe9: {  	v20 =	vmul.f32 v56, v27;
	v19 =	vld.idx.msk [tilespmem:v19+s14+$0x0], $0xffff;
	v5 =	vadd.f32 v35, v12;
	v6 =	vadd.f32 v10, v6  }
0xea: {  	v22 =	vadd.f32 v23, v22;
	v0 =	vadd.f32 v13, v0;
	v16 =	vmul.f32 v7, v1  }
0xeb: {  	v61 =	vor.u32 $0x10, v17;
	v21 =	vld.idx.msk [tilespmem:v53+s14+$0x0], $0xffff;
	v58 =	vadd.f32 v3, v5;
	v6 =	vadd.f32 v9, v6  }
0xec: {  	v20 =	vadd.f32 v20, v22;
	v12 =	vmul.f32 v33, v29;
	v10 =	vmul.f32 v16, v7  }
0xed: {  	v8 =	vld.idx.msk [tilespmem:v8+s14+$0x0], $0xffff;
	v3 =	vmul.f32 v25, v26;
	v0 =	vadd.f32 v38, v0;
	v6 =	vadd.f32 v15, v6  }
0xee: {  	v5 =	vadd.f32 v12, v20;
	v12 =	vmul.f32 v19, v28;
	v10 =	vsub.f32 $1.500000000e+00, v10  }
0xef: {  	v62 =	vor.u32 $0xC, v17;
	v2 =	vadd.f32 v3, v58;
	v6 =	vadd.f32 v14, v6  }
0xf0: {  	v4 =	vmul.f32 v21, v31;
	v3 =	vadd.f32 v12, v5;
	v5 =	vmul.f32 v10, v7  }
0xf1: {  	v18 =	vld.idx.msk [tilespmem:v18+s2+$0x0], $0xffff;
	v2 =	vadd.f32 v44, v2;
	v0 =	vadd.f32 v0, v6;
	v6 =	vor.u32 $0x1F, v17  }
0xf2: {  	v63 =	vld [tilespmem:$0x1FFF0];
	v3 =	vadd.f32 v4, v3;
	v7 =	vmul.f32 v8, v60;
	v1 =	vmul.f32 v5, v1  }
0xf3: {  	v14 =	vld.idx.msk [tilespmem:v34+s17+$0x0], $0xffff;
	v2 =	vadd.f32 v11, v2;
	v4 =	vor.u32 $0x1D, v17  }
0xf4: {  	v16 =	vld.idx.msk [tilespmem:v17+s17+$0x0], $0xffff;
	v8 =	vor.u32 $0x19, v17;
	v3 =	vadd.f32 v7, v3;
	v1 =	vmul.f32 v1, v5  }
0xf5: {  	v60 =	vor.u32 $0x14, v17;
	v10 =	vld.idx.msk [tilespmem:v61+s17+$0x0], $0xffff  }
0xf6: {  	v53 =	vld.idx.msk [tilespmem:v6+s17+$0x0], $0xffff;
	v2 =	vadd.f32 v3, v2;
	v3 =	vor.u32 $0x18, v17;
	v1 =	vsub.f32 $1.500000000e+00, v1  }
0xf7: {  	v6 =	vld.idx.msk [tilespmem:v62+s17+$0x0], $0xffff;
	v7 =	vor.u32 $0x1E, v17  }
0xf8: {  	v11 =	vld.idx.msk [tilespmem:v4+s17+$0x0], $0xffff;
	v4 =	vor.u32 $0x15, v17;
	v0 =	vadd.f32 v2, v0;
	v1 =	vmul.f32 v1, v5  }
0xf9: {  	v13 =	vld.idx.msk [tilespmem:v8+s17+$0x0], $0xffff;
	v8 =	vor.u32 $0x9, v17  }
0xfa: {  	v9 =	vld.idx.msk [tilespmem:v60+s17+$0x0], $0xffff;
	v5 =	vor.u32 $0x11, v17;
	v0 =	vmul.f32 v1, v0  }
0xfb: {  	v15 =	vld.idx.msk [tilespmem:v3+s17+$0x0], $0xffff;
	v3 =	vor.u32 $0xD, v17  }
0xfc: {  	p0 =	sne.s32 s20, $0x1F0;
	v12 =	vld.idx.msk [tilespmem:v7+s17+$0x0], $0xffff;
	v52 =	vadd.f32 v0, v63;
	v63 =	vor.u32 $0x8, v17  }
.Ltmp1:
0xfd: {  	v4 =	vld.idx.msk [tilespmem:v4+s17+$0x0], $0xffff;
	(pc) =	sbr.rel @p0 .LBB2_4-.Ltmp1, $4  }
0xfe: {  	v37 =	vor.u32 $0x16, v17;
	v8 =	vld.idx.msk [tilespmem:v8+s17+$0x0], $0xffff  }
0xff: {  	v24 =	vor.u32 $0x5, v17;
	v23 =	vor.u32 $0x4, v17;
	v25 =	vor.u32 $0x3, v17;
	v7 =	vld.idx.msk [tilespmem:v5+s17+$0x0], $0xffff  }
0x100: {  	v21 =	vor.u32 $0x2, v17;
	v31 =	vor.u32 $0x1B, v17;
	v38 =	vor.u32 $0x17, v17;
	v5 =	vld.idx.msk [tilespmem:v3+s17+$0x0], $0xffff  }
0x101: {  	s20 =	sadd.s32 $0x10, s20;
	v29 =	vor.u32 $0x12, v17;
	v19 =	vor.u32 $0x1, v17;
	v34 =	vor.u32 $0x1A, v17;
	v55 =	vld.idx.msk [tilespmem:v63+s17+$0x0], $0xffff  }
0x102: {  	_ =	sdelay $0x3  }
0x103: {  	v22 =	vld.idx.msk [tilespmem:v19+s17+$0x0], $0xffff;
	v0 =	vor.u32 $0x6, v17  }
0x104: {  	v1 =	vor.u32 $0x7, v17;
	v19 =	vld.idx.msk [tilespmem:v25+s17+$0x0], $0xffff;
	v2 =	vor.u32 $0xE, v17  }
0x105: {  	v3 =	vor.u32 $0xA, v17;
	v30 =	vld.idx.msk [tilespmem:v23+s17+$0x0], $0xffff;
	v23 =	vor.u32 $0x13, v17;
	v27 =	vmul.f32 v16, v16  }
0x106: {  	v25 =	vor.u32 $0xB, v17;
	v32 =	vld.idx.msk [tilespmem:v24+s17+$0x0], $0xffff;
	v35 =	vmul.f32 v14, v14;
	v36 =	vmul.f32 v15, v15  }
0x107: {  	v21 =	vld.idx.msk [tilespmem:v21+s17+$0x0], $0xffff;
	v20 =	vshll.u32 v18, $0x5;
	v39 =	vmul.f32 v11, v11;
	v40 =	vmul.f32 v9, v9  }
0x108: {  	v57 =	vor.u32 $0xF, v17;
	v41 =	vmul.f32 v13, v13;
	v42 =	vmul.f32 v10, v10;
	v28 =	vld.idx.msk [tilespmem:v0+s17+$0x0], $0xffff  }
0x109: {  	v61 =	vmul.f32 v6, v6;
	v56 =	vmul.f32 v4, v4;
	v43 =	vor.u32 $0x1D, v20;
	v17 =	vld.idx.msk [tilespmem:v1+s17+$0x0], $0xffff  }
0x10a: {  	v44 =	vor.u32 $0x1E, v20;
	v60 =	vmul.f32 v8, v8;
	v33 =	vld.idx.msk [tilespmem:v3+s17+$0x0], $0xffff;
	v46 =	vmul.f32 v30, v30  }
0x10b: {  	v47 =	vor.u32 $0x18, v20;
	v24 =	vmul.f32 v22, v22;
	v25 =	vld.idx.msk [tilespmem:v25+s17+$0x0], $0xffff;
	v48 =	vmul.f32 v32, v32  }
0x10c: {  	v51 =	vmul.f32 v5, v5;
	v3 =	vmul.f32 v55, v55;
	v2 =	vld.idx.msk [tilespmem:v2+s17+$0x0], $0xffff;
	v58 =	vadd.f32 v46, v27  }
0x10d: {  	v1 =	vor.u32 $0x1C, v20;
	v45 =	vmul.f32 v21, v21;
	v26 =	vld.idx.msk [tilespmem:v57+s17+$0x0], $0xffff;
	v24 =	vadd.f32 v48, v24  }
0x10e: {  	v50 =	vmul.f32 v19, v19;
	v57 =	vmul.f32 v7, v7;
	v43 =	vld.idx.msk [tilespmem:v43+s14+$0x0], $0xffff;
	v0 =	vadd.f32 v3, v58  }
0x10f: {  	v46 =	vadd.f32 v60, v24;
	v49 =	vmul.f32 v28, v28;
	v27 =	vmul.f32 v17, v17  }
0x110: {  	v34 =	vld.idx.msk [tilespmem:v34+s17+$0x0], $0xffff;
	v60 =	vor.u32 $0x19, v20;
	v62 =	vmul.f32 v33, v33;
	v3 =	vmul.f32 v25, v25  }
0x111: {  	v54 =	vmul.f32 v2, v2;
	v0 =	vadd.f32 v61, v0;
	v45 =	vadd.f32 v49, v45;
	v49 =	vld.idx.msk [tilespmem:v29+s17+$0x0], $0xffff  }
0x112: {  	v46 =	vadd.f32 v51, v46;
	v51 =	vor.u32 $0x10, v20;
	v29 =	vadd.f32 v27, v50;
	v27 =	vld.idx.msk [tilespmem:v23+s17+$0x0], $0xffff  }
0x113: {  	v43 =	vmul.f32 v43, v11;
	v11 =	vor.u32 $0x1, v20;
	v23 =	vld.idx.msk [tilespmem:v37+s17+$0x0], $0xffff;
	v0 =	vadd.f32 v42, v0  }
0x114: {  	v24 =	vld.idx.msk [tilespmem:v38+s17+$0x0], $0xffff;
	v61 =	vadd.f32 v57, v46;
	v3 =	vadd.f32 v3, v29;
	v29 =	vmul.f32 v26, v26  }
0x115: {  	v18 =	vld.idx.msk [tilespmem:v18+s16+$0x0], $0xffff;
	v50 =	vor.u32 $0x9, v20;
	v63 =	vadd.f32 v62, v45;
	v0 =	vadd.f32 v40, v0  }
0x116: {  	v46 =	vor.u32 $0x1A, v20;
	v38 =	vadd.f32 v56, v61;
	v3 =	vadd.f32 v29, v3;
	v29 =	vld.idx.msk [tilespmem:v31+s17+$0x0], $0xffff  }
0x117: {  	v44 =	vld.idx.msk [tilespmem:v44+s14+$0x0], $0xffff;
	v37 =	vadd.f32 v54, v63;
	v58 =	vmul.f32 v49, v49;
	v31 =	vmul.f32 v27, v27  }
0x118: {  	v1 =	vld.idx.msk [tilespmem:v1+s14+$0x0], $0xffff;
	v56 =	vmul.f32 v53, v53;
	v61 =	vor.u32 $0x12, v20;
	v62 =	vmul.f32 v23, v23  }
0x119: {  	v60 =	vld.idx.msk [tilespmem:v60+s14+$0x0], $0xffff;
	v37 =	vadd.f32 v58, v37;
	v3 =	vadd.f32 v31, v3;
	v31 =	vmul.f32 v24, v24  }
0x11a: {  	v42 =	vld.idx.msk [tilespmem:v20+s14+$0x0], $0xffff;
	v63 =	vmul.f32 v34, v34;
	v54 =	vmul.f32 v12, v12;
	v0 =	vadd.f32 v36, v0  }
0x11b: {  	v45 =	vld.idx.msk [tilespmem:v47+s14+$0x0], $0xffff;
	v37 =	vadd.f32 v62, v37;
	v3 =	vadd.f32 v31, v3;
	v48 =	vmul.f32 v29, v29  }
0x11c: {  	v38 =	vadd.f32 v41, v38;
	v41 =	vld.idx.msk [tilespmem:v51+s14+$0x0], $0xffff;
	v51 =	vor.u32 $0xA, v20;
	v0 =	vadd.f32 v35, v0  }
0x11d: {  	v11 =	vld.idx.msk [tilespmem:v11+s14+$0x0], $0xffff;
	v58 =	vor.u32 $0x11, v20;
	v37 =	vadd.f32 v63, v37;
	v3 =	vadd.f32 v48, v3  }
0x11e: {  	v46 =	vld.idx.msk [tilespmem:v46+s14+$0x0], $0xffff;
	v57 =	vadd.f32 v39, v38;
	v13 =	vmul.f32 v60, v13;
	v60 =	vor.u32 $0x3, v20  }
0x11f: {  	v47 =	vld.idx.msk [tilespmem:v61+s14+$0x0], $0xffff;
	v31 =	vor.u32 $0x15, v20;
	v37 =	vadd.f32 v54, v37;
	v3 =	vadd.f32 v56, v3  }
0x120: {  	v62 =	vor.u32 $0xC, v20;
	v0 =	vadd.f32 v57, v0;
	v57 =	vld.idx.msk [tilespmem:v50+s14+$0x0], $0xffff  }
0x121: {  	v14 =	vmul.f32 v1, v14;
	v1 =	vld.idx.msk [tilespmem:v51+s14+$0x0], $0xffff;
	v63 =	vor.u32 $0xD, v20;
	v3 =	vadd.f32 v3, v37  }
0x122: {  	v48 =	vor.u32 $0xE, v20;
	v38 =	vld.idx.msk [tilespmem:v58+s14+$0x0], $0xffff  }
0x123: {  	v51 =	vld.idx.msk [tilespmem:v60+s14+$0x0], $0xffff;
	v56 =	vor.u32 $0x2, v20;
	v0 =	vadd.f32 v3, v0  }
0x124: {  	v54 =	vor.u32 $0x5, v20;
	v31 =	vld.idx.msk [tilespmem:v31+s14+$0x0], $0xffff  }
0x125: {  	v18 =	vmax.f32 v18, $1.000000020e-24;
	v61 =	vor.u32 $0x6, v20;
	v36 =	vld.idx.msk [tilespmem:v62+s14+$0x0], $0xffff;
	v0 =	vmax.f32 v0, $1.000000020e-24  }
0x126: {  	v40 =	vor.u32 $0x14, v20;
	v35 =	vld.idx.msk [tilespmem:v63+s14+$0x0], $0xffff;
	v3 =	vor.u32 $0x8, v20;
	v0 =	vmul.f32 v18, v0  }
0x127: {  	v16 =	vmul.f32 v42, v16;
	v37 =	vld.idx.msk [tilespmem:v48+s14+$0x0], $0xffff;
	v7 =	vmul.f32 v38, v7;
	v18 =	vor.u32 $0x4, v20  }
0x128: {  	v38 =	vmul.f32 v47, v49;
	v49 =	vld.idx.msk [tilespmem:v56+s14+$0x0], $0xffff;
	v58 =	vshra.s32 v0, $0x1;
	v0 =	vmul.f32 $5.000000000e-01, v0  }
0x129: {  	v12 =	vmul.f32 v44, v12;
	v4 =	vmul.f32 v31, v4;
	v31 =	vld.idx.msk [tilespmem:v54+s14+$0x0], $0xffff;
	v42 =	vsub.s32 $0x5F3759DF, v58  }
0x12a: {  	v15 =	vmul.f32 v45, v15;
	v16 =	vadd.f32 $0.0e+00, v16;
	v54 =	vld.idx.msk [tilespmem:v61+s14+$0x0], $0xffff;
	v62 =	vmul.f32 v42, v0  }
0x12b: {  	v50 =	vor.u32 $0xB, v20;
	v11 =	vmul.f32 v11, v22;
	v22 =	vor.u32 $0x16, v20;
	v3 =	vld.idx.msk [tilespmem:v3+s14+$0x0], $0xffff  }
0x12c: {  	v10 =	vmul.f32 v41, v10;
	v48 =	vor.u32 $0x7, v20;
	v18 =	vld.idx.msk [tilespmem:v18+s14+$0x0], $0xffff;
	v63 =	vmul.f32 v42, v62  }
0x12d: {  	v34 =	vmul.f32 v46, v34;
	v11 =	vadd.f32 $0.0e+00, v11;
	v8 =	vmul.f32 v57, v8  }
0x12e: {  	v6 =	vmul.f32 v36, v6;
	v21 =	vmul.f32 v49, v21;
	v36 =	vsub.f32 $1.500000000e+00, v63  }
0x12f: {  	v19 =	vmul.f32 v51, v19;
	v56 =	vor.u32 $0xF, v20;
	v28 =	vmul.f32 v54, v28  }
0x130: {  	v21 =	vadd.f32 $0.0e+00, v21;
	v3 =	vmul.f32 v3, v55;
	v55 =	vmul.f32 v42, v36  }
0x131: {  	v57 =	vor.u32 $0x13, v20;
	v18 =	vmul.f32 v18, v30;
	v30 =	vmul.f32 v31, v32;
	v31 =	vld.idx.msk [tilespmem:v48+s14+$0x0], $0xffff  }
0x132: {  	v1 =	vmul.f32 v1, v33;
	v61 =	vor.u32 $0x17, v20;
	v21 =	vadd.f32 v28, v21  }
0x133: {  	v40 =	vld.idx.msk [tilespmem:v40+s14+$0x0], $0xffff;
	v19 =	vadd.f32 $0.0e+00, v19;
	v2 =	vmul.f32 v37, v2;
	v60 =	vmul.f32 v55, v0  }
0x134: {  	v58 =	vld.idx.msk [tilespmem:v50+s14+$0x0], $0xffff;
	v1 =	vadd.f32 v1, v21;
	v16 =	vadd.f32 v18, v16;
	v18 =	vor.u32 $0x1B, v20  }
0x135: {  	v36 =	vld.idx.msk [tilespmem:v56+s14+$0x0], $0xffff;
	v20 =	vor.u32 $0x1F, v20;
	v11 =	vadd.f32 v30, v11;
	v37 =	vmul.f32 v60, v55  }
0x136: {  	v22 =	vld.idx.msk [tilespmem:v22+s14+$0x0], $0xffff;
	v1 =	vadd.f32 v2, v1;
	v3 =	vadd.f32 v3, v16;
	v17 =	vmul.f32 v31, v17  }
0x137: {  	v5 =	vmul.f32 v35, v5;
	v8 =	vadd.f32 v8, v11;
	v31 =	vld.idx.msk [tilespmem:v57+s14+$0x0], $0xffff;
	v62 =	vsub.f32 $1.500000000e+00, v37  }
0x138: {  	v9 =	vmul.f32 v40, v9;
	v3 =	vadd.f32 v6, v3;
	v17 =	vadd.f32 v17, v19;
	v19 =	vld.idx.msk [tilespmem:v61+s14+$0x0], $0xffff  }
0x139: {  	s20 =	simm.s32 $0x0;
	v25 =	vmul.f32 v58, v25;
	v1 =	vadd.f32 v38, v1;
	v5 =	vadd.f32 v5, v8;
	v18 =	vld.idx.msk [tilespmem:v18+s14+$0x0], $0xffff  }
0x13a: {  	v11 =	vmul.f32 v36, v26;
	v20 =	vld.idx.msk [tilespmem:v20+s14+$0x0], $0xffff;
	[tilespmem:s20], [sflag:$0x1] =	stream.linear.gather [hbm4b:s6+s20], $0x200, $0x38;
	v16 =	vmul.f32 v62, v55;
	v3 =	vadd.f32 v10, v3  }
0x13b: {  	_ =	swait.ge [sflag:s15], $0x200;
	v5 =	vadd.f32 v7, v5;
	v7 =	vmul.f32 v22, v23;
	v10 =	vor.u32 s20, v59  }
0x13c: {  	v17 =	vadd.f32 v25, v17;
	[sflag:s15] =	ssyncset.done $0x0;
	v6 =	vmul.f32 v16, v0;
	v3 =	vadd.f32 v9, v3  }
0x13d: {  	v63 =	vmul.f32 v31, v27;
	[sflag:s15] =	ssyncadd.s32 $0xFFFFFE00;
	v4 =	vadd.f32 v4, v5;
	v1 =	vadd.f32 v7, v1  }
0x13e: {  	v8 =	vadd.f32 v11, v17;
	[tilespmem:s17], [sflag:$0x1] =	stream.linear.gather [hbm4b:s7+s20], $0x4000, $0x38;
	v17 =	vshll.u32 v10, $0x5;
	v6 =	vmul.f32 v6, v16;
	[tilespmem:$0xC680] =	vst v63  }
0x13f: {  	v5 =	vmul.f32 v18, v29;
	_ =	swait.ge [sflag:s15], $0x4000;
	v9 =	vor.u32 $0x1C, v17;
	v7 =	vor.u32 $0x1D, v17  }
0x140: {  	v3 =	vadd.f32 v15, v3;
	v2 =	vadd.f32 v63, v8;
	v8 =	vmul.f32 v19, v24;
	[sflag:s15] =	ssyncset.done $0x0  }
0x141: {  	v4 =	vadd.f32 v13, v4;
	v15 =	vmul.f32 v20, v53;
	v19 =	vor.u32 $0x15, v17;
	[sflag:s15] =	ssyncadd.s32 $0xFFFFC000  }
0x142: {  	v1 =	vadd.f32 v34, v1;
	v2 =	vadd.f32 v8, v2;
	v8 =	vor.u32 $0x1E, v17;
	v18 =	vld.idx.msk [tilespmem:v10+s2+$0x0], $0xffff  }
0x143: {  	v6 =	vsub.f32 $1.500000000e+00, v6;
	v3 =	vadd.f32 v14, v3;
	v14 =	vor.u32 $0x19, v17;
	v13 =	vld.idx.msk [tilespmem:v17+s17+$0x0], $0xffff  }
0x144: {  	v4 =	vadd.f32 v43, v4;
	v10 =	vor.u32 $0x1F, v17;
	v2 =	vadd.f32 v5, v2;
	v11 =	vld.idx.msk [tilespmem:v9+s17+$0x0], $0xffff  }
0x145: {  	v1 =	vadd.f32 v12, v1;
	v6 =	vmul.f32 v6, v16;
	v9 =	vor.u32 $0x14, v17;
	v5 =	vld.idx.msk [tilespmem:v7+s17+$0x0], $0xffff  }
0x146: {  	v16 =	vor.u32 $0x18, v17;
	v3 =	vadd.f32 v4, v3;
	v4 =	vld.idx.msk [tilespmem:v19+s17+$0x0], $0xffff;
	v7 =	vadd.f32 v15, v2  }
0x147: {  	v0 =	vmul.f32 v6, v0;
	v12 =	vld.idx.msk [tilespmem:v8+s17+$0x0], $0xffff;
	v8 =	vor.u32 $0x10, v17  }
0x148: {  	v15 =	vld.idx.msk [tilespmem:v14+s17+$0x0], $0xffff;
	v1 =	vadd.f32 v7, v1;
	v7 =	vor.u32 $0x11, v17  }
0x149: {  	v20 =	vor.u32 $0xC, v17;
	v0 =	vmul.f32 v0, v6;
	v53 =	vld.idx.msk [tilespmem:v10+s17+$0x0], $0xffff  }
0x14a: {  	v10 =	vld.idx.msk [tilespmem:v9+s17+$0x0], $0xffff;
	v9 =	vor.u32 $0x8, v17  }
0x14b: {  	v22 =	vor.u32 $0x9, v17;
	v16 =	vld.idx.msk [tilespmem:v16+s17+$0x0], $0xffff;
	v0 =	vsub.f32 $1.500000000e+00, v0  }
0x14c: {  	v1 =	vadd.f32 v1, v3;
	v3 =	vor.u32 $0xD, v17;
	v14 =	vld.idx.msk [tilespmem:v8+s17+$0x0], $0xffff  }
0x14d: {  	v0 =	vmul.f32 v0, v6;
	v8 =	vld.idx.msk [tilespmem:v7+s17+$0x0], $0xffff  }
0x14e: {  	v21 =	vor.u32 $0x2, v17;
	v25 =	vor.u32 $0x3, v17;
	v34 =	vor.u32 $0x1A, v17;
	v7 =	vld.idx.msk [tilespmem:v20+s17+$0x0], $0xffff  }
0x14f: {  	v23 =	vor.u32 $0x4, v17;
	v19 =	vor.u32 $0x1, v17;
	v0 =	vmul.f32 v0, v1;
	v54 =	vld.idx.msk [tilespmem:v9+s17+$0x0], $0xffff  }
0x150: {  	v37 =	vor.u32 $0x16, v17;
	v31 =	vor.u32 $0x1B, v17;
	v29 =	vor.u32 $0x12, v17;
	v9 =	vld.idx.msk [tilespmem:v22+s17+$0x0], $0xffff  }
0x151: {  	s20 =	simm.s32 $0x10;
	v38 =	vor.u32 $0x17, v17;
	v24 =	vor.u32 $0x5, v17;
	v52 =	vadd.f32 v0, v52;
	v6 =	vld.idx.msk [tilespmem:v3+s17+$0x0], $0xffff  }
.LBB2_6:
0x152: {  	_ =	sdelay $0x1  }
0x153: {  	v20 =	vld.idx.msk [tilespmem:v19+s17+$0x0], $0xffff;
	v0 =	vor.u32 $0x6, v17  }
0x154: {  	v21 =	vld.idx.msk [tilespmem:v21+s17+$0x0], $0xffff;
	v27 =	vor.u32 $0x7, v17  }
0x155: {  	v26 =	vor.u32 $0xE, v17;
	v22 =	vld.idx.msk [tilespmem:v25+s17+$0x0], $0xffff;
	v25 =	vor.u32 $0xA, v17  }
0x156: {  	v28 =	vor.u32 $0x13, v17;
	v36 =	vor.u32 $0xF, v17;
	v17 =	vor.u32 $0xB, v17;
	v30 =	vld.idx.msk [tilespmem:v23+s17+$0x0], $0xffff  }
0x157: {  	v32 =	vld.idx.msk [tilespmem:v24+s17+$0x0], $0xffff;
	v43 =	vmul.f32 v16, v16  }
0x158: {  	v45 =	vmul.f32 v5, v5;
	v47 =	vmul.f32 v15, v15;
	v23 =	vld.idx.msk [tilespmem:v0+s17+$0x0], $0xffff  }
0x159: {  	v40 =	vmul.f32 v13, v13;
	v42 =	vmul.f32 v11, v11;
	v24 =	vld.idx.msk [tilespmem:v27+s17+$0x0], $0xffff  }
0x15a: {  	v48 =	vmul.f32 v14, v14;
	v49 =	vmul.f32 v4, v4;
	v33 =	vld.idx.msk [tilespmem:v25+s17+$0x0], $0xffff  }
0x15b: {  	[tilespmem:$0x1FFC0] =	vst v52;
	v19 =	vshll.u32 v18, $0x5;
	v51 =	vmul.f32 v7, v7;
	v52 =	vmul.f32 v8, v8;
	v25 =	vld.idx.msk [tilespmem:v17+s17+$0x0], $0xffff  }
0x15c: {  	v57 =	vmul.f32 v9, v9;
	v39 =	vor.u32 $0x1C, v19;
	v41 =	vor.u32 $0x1D, v19;
	v35 =	vld.idx.msk [tilespmem:v26+s17+$0x0], $0xffff  }
0x15d: {  	v44 =	vor.u32 $0x1E, v19;
	v0 =	vmul.f32 v10, v10;
	v46 =	vor.u32 $0x18, v19;
	v27 =	vld.idx.msk [tilespmem:v36+s17+$0x0], $0xffff  }
0x15e: {  	[tilespmem:$0x1FFA0] =	vst v4;
	v4 =	vmovc v53;
	v50 =	vor.u32 $0x19, v19;
	v53 =	vor.u32 $0x1A, v19;
	v17 =	vmul.f32 v54, v54;
	v36 =	vld.idx.msk [tilespmem:v29+s17+$0x0], $0xffff  }
0x15f: {  	[tilespmem:$0x1FFB0] =	vst v54;
	v54 =	vmul.f32 v6, v6;
	v55 =	vor.u32 $0x14, v19;
	v26 =	vmul.f32 v30, v30;
	v29 =	vld.idx.msk [tilespmem:v28+s17+$0x0], $0xffff  }
0x160: {  	v56 =	vmul.f32 v20, v20;
	v58 =	vor.u32 $0x15, v19;
	v63 =	vor.u32 $0x11, v19;
	v28 =	vld.idx.msk [tilespmem:v38+s17+$0x0], $0xffff  }
0x161: {  	v59 =	vmul.f32 v21, v21;
	v60 =	vmul.f32 v22, v22;
	v40 =	vadd.f32 v26, v40;
	v26 =	vld.idx.msk [tilespmem:v37+s17+$0x0], $0xffff  }
0x162: {  	v61 =	vor.u32 $0x10, v19;
	v62 =	vmul.f32 v32, v32;
	v3 =	vor.u32 $0x12, v19;
	v39 =	vld.idx.msk [tilespmem:v39+s14+$0x0], $0xffff  }
0x163: {  	v17 =	vadd.f32 v17, v40;
	v2 =	vmul.f32 v23, v23;
	v1 =	vmul.f32 v24, v24;
	v38 =	vld.idx.msk [tilespmem:v41+s14+$0x0], $0xffff  }
0x164: {  	v56 =	vadd.f32 v62, v56;
	v62 =	vmul.f32 v33, v33;
	v37 =	vmul.f32 v25, v25;
	v41 =	vld.idx.msk [tilespmem:v50+s14+$0x0], $0xffff  }
0x165: {  	v40 =	vmul.f32 v35, v35;
	v50 =	vld.idx.msk [tilespmem:v63+s14+$0x0], $0xffff;
	v63 =	vor.u32 $0x5, v19;
	v17 =	vadd.f32 v51, v17  }
0x166: {  	v51 =	vld.idx.msk [tilespmem:v18+s16+$0x0], $0xffff;
	v18 =	vmul.f32 v29, v29;
	v2 =	vadd.f32 v2, v59;
	v1 =	vadd.f32 v1, v60  }
0x167: {  	v59 =	vlaneseq.u32;
	v60 =	vadd.f32 v57, v56;
	v56 =	vld.idx.msk [tilespmem:v34+s17+$0x0], $0xffff;
	v17 =	vadd.f32 v48, v17  }
0x168: {  	v57 =	vmul.f32 v27, v27;
	v2 =	vadd.f32 v62, v2;
	v1 =	vadd.f32 v37, v1  }
0x169: {  	v31 =	vld.idx.msk [tilespmem:v31+s17+$0x0], $0xffff;
	v60 =	vadd.f32 v54, v60;
	v62 =	vmul.f32 v36, v36;
	v0 =	vadd.f32 v0, v17  }
0x16a: {  	v11 =	vmul.f32 v39, v11;
	v15 =	vmul.f32 v41, v15;
	v2 =	vadd.f32 v40, v2;
	v40 =	vld.idx.msk [tilespmem:v44+s14+$0x0], $0xffff  }
0x16b: {  	v1 =	vadd.f32 v57, v1;
	v48 =	vadd.f32 v52, v60;
	v52 =	vmul.f32 v26, v26;
	v44 =	vld.idx.msk [tilespmem:v53+s14+$0x0], $0xffff  }
0x16c: {  	v3 =	vld.idx.msk [tilespmem:v3+s14+$0x0], $0xffff;
	v60 =	vmul.f32 v12, v12;
	v57 =	vmul.f32 v56, v56;
	v0 =	vadd.f32 v43, v0  }
0x16d: {  	v54 =	vld.idx.msk [tilespmem:v19+s14+$0x0], $0xffff;
	v2 =	vadd.f32 v62, v2;
	v1 =	vadd.f32 v18, v1;
	v18 =	vmul.f32 v28, v28  }
0x16e: {  	v37 =	vld.idx.msk [tilespmem:v46+s14+$0x0], $0xffff;
	v43 =	vor.u32 $0xE, v19;
	v17 =	vadd.f32 v49, v48;
	v62 =	vor.u32 $0xC, v19  }
0x16f: {  	v48 =	vld.idx.msk [tilespmem:v61+s14+$0x0], $0xffff;
	v2 =	vadd.f32 v52, v2;
	v1 =	vadd.f32 v18, v1;
	v18 =	vmul.f32 v31, v31  }
0x170: {  	v61 =	vor.u32 $0xA, v19;
	v17 =	vadd.f32 v47, v17;
	v47 =	vld.idx.msk [tilespmem:v55+s14+$0x0], $0xffff;
	v41 =	vmul.f32 v44, v56  }
0x171: {  	v44 =	vld.idx.msk [tilespmem:v63+s14+$0x0], $0xffff;
	v2 =	vadd.f32 v57, v2;
	v1 =	vadd.f32 v18, v1;
	v18 =	vmul.f32 v4, v4  }
0x172: {  	v0 =	vadd.f32 v42, v0;
	v42 =	vor.u32 $0xD, v19;
	v17 =	vadd.f32 v45, v17;
	v45 =	vld.idx.msk [tilespmem:v58+s14+$0x0], $0xffff  }
0x173: {  	v63 =	vor.u32 $0x7, v19;
	v43 =	vld.idx.msk [tilespmem:v43+s14+$0x0], $0xffff;
	v2 =	vadd.f32 v60, v2;
	v1 =	vadd.f32 v18, v1  }
0x174: {  	v38 =	vmul.f32 v38, v5;
	v13 =	vmul.f32 v54, v13;
	v57 =	vmovc v4;
	v58 =	vor.u32 $0x8, v19;
	v4 =	vld [tilespmem:$0x1FFA0]  }
0x175: {  	v54 =	vor.u32 $0x2, v19;
	v46 =	vld.idx.msk [tilespmem:v62+s14+$0x0], $0xffff;
	v0 =	vadd.f32 v17, v0;
	v1 =	vadd.f32 v1, v2  }
0x176: {  	v8 =	vmul.f32 v50, v8;
	v5 =	vmul.f32 v40, v12;
	v62 =	vor.u32 $0x4, v19;
	v12 =	vld.idx.msk [tilespmem:v61+s14+$0x0], $0xffff  }
0x177: {  	v3 =	vmul.f32 v3, v36;
	v60 =	vor.u32 $0x9, v19;
	v42 =	vld.idx.msk [tilespmem:v42+s14+$0x0], $0xffff;
	v0 =	vadd.f32 v1, v0  }
0x178: {  	v51 =	vmax.f32 v51, $1.000000020e-24;
	v16 =	vmul.f32 v37, v16;
	v61 =	vor.u32 $0x6, v19;
	v63 =	vld.idx.msk [tilespmem:v63+s14+$0x0], $0xffff  }
0x179: {  	v56 =	vor.u32 $0xB, v19;
	v13 =	vadd.f32 $0.0e+00, v13;
	v49 =	vld.idx.msk [tilespmem:v58+s14+$0x0], $0xffff;
	v0 =	vmax.f32 v0, $1.000000020e-24  }
0x17a: {  	v4 =	vmul.f32 v45, v4;
	v45 =	vld.idx.msk [tilespmem:v54+s14+$0x0], $0xffff;
	v1 =	vor.u32 $0x1, v19;
	v0 =	vmul.f32 v51, v0  }
0x17b: {  	v14 =	vmul.f32 v48, v14;
	v18 =	vor.u32 s20, v59;
	v58 =	vor.u32 $0x3, v19;
	v40 =	vld.idx.msk [tilespmem:v62+s14+$0x0], $0xffff  }
0x17c: {  	v10 =	vmul.f32 v47, v10;
	v2 =	vld.idx.msk [tilespmem:v60+s14+$0x0], $0xffff;
	v60 =	vshra.s32 v0, $0x1;
	v0 =	vmul.f32 $5.000000000e-01, v0  }
0x17d: {  	v32 =	vmul.f32 v44, v32;
	v35 =	vmul.f32 v43, v35;
	v61 =	vld.idx.msk [tilespmem:v61+s14+$0x0], $0xffff;
	v37 =	vsub.s32 $0x5F3759DF, v60  }
0x17e: {  	v17 =	vshll.u32 v18, $0x5;
	v7 =	vmul.f32 v46, v7;
	v62 =	vmul.f32 v37, v0  }
0x17f: {  	v54 =	vor.u32 $0x1B, v19;
	v12 =	vmul.f32 v12, v33;
	v6 =	vmul.f32 v42, v6;
	v1 =	vld.idx.msk [tilespmem:v1+s14+$0x0], $0xffff  }
0x180: {  	v51 =	vor.u32 $0x13, v19;
	v24 =	vmul.f32 v63, v24;
	v39 =	vld.idx.msk [tilespmem:v58+s14+$0x0], $0xffff;
	v47 =	vmul.f32 v37, v62  }
0x181: {  	v63 =	vor.u32 $0x8, v17;
	v58 =	vor.u32 $0xF, v19;
	v21 =	vmul.f32 v45, v21  }
0x182: {  	v30 =	vmul.f32 v40, v30;
	v23 =	vmul.f32 v61, v23;
	v62 =	vld [tilespmem:$0x1FFB0];
	v60 =	vsub.f32 $1.500000000e+00, v47  }
0x183: {  	v61 =	vor.u32 $0x10, v17;
	v2 =	vmul.f32 v2, v9;
	v21 =	vadd.f32 $0.0e+00, v21  }
0x184: {  	v53 =	vld.idx.msk [tilespmem:v56+s14+$0x0], $0xffff;
	v1 =	vmul.f32 v1, v20;
	v20 =	vor.u32 $0x16, v19;
	v36 =	vmul.f32 v37, v60  }
0x185: {  	v9 =	vor.u32 $0x1F, v19;
	v22 =	vmul.f32 v39, v22;
	v19 =	vor.u32 $0x17, v19  }
0x186: {  	v21 =	vadd.f32 v23, v21;
	v56 =	vld.idx.msk [tilespmem:v58+s14+$0x0], $0xffff;
	v1 =	vadd.f32 $0.0e+00, v1;
	v55 =	vmul.f32 v36, v0  }
0x187: {  	v13 =	vadd.f32 v30, v13;
	v22 =	vadd.f32 $0.0e+00, v22;
	v43 =	vmul.f32 v49, v62  }
0x188: {  	v33 =	vld.idx.msk [tilespmem:v51+s14+$0x0], $0xffff;
	v58 =	vadd.f32 v12, v21;
	v1 =	vadd.f32 v32, v1;
	v44 =	vmul.f32 v55, v36  }
0x189: {  	v23 =	vmul.f32 v53, v25;
	v22 =	vadd.f32 v24, v22;
	v20 =	vld.idx.msk [tilespmem:v20+s14+$0x0], $0xffff;
	v13 =	vadd.f32 v43, v13  }
0x18a: {  	v60 =	vor.u32 $0x14, v17;
	v19 =	vld.idx.msk [tilespmem:v19+s14+$0x0], $0xffff;
	v1 =	vadd.f32 v2, v1;
	v30 =	vsub.f32 $1.500000000e+00, v44  }
0x18b: {  	v12 =	vmul.f32 v56, v27;
	v22 =	vadd.f32 v23, v22;
	v2 =	vadd.f32 v35, v58  }
0x18c: {  	v21 =	vld.idx.msk [tilespmem:v54+s14+$0x0], $0xffff;
	v7 =	vadd.f32 v7, v13;
	v1 =	vadd.f32 v6, v1;
	v24 =	vmul.f32 v30, v36  }
0x18d: {  	v9 =	vld.idx.msk [tilespmem:v9+s14+$0x0], $0xffff;
	v12 =	vadd.f32 v12, v22;
	v6 =	vmul.f32 v33, v29;
	v2 =	vadd.f32 v3, v2  }
0x18e: {  	v7 =	vadd.f32 v14, v7;
	v1 =	vadd.f32 v8, v1;
	v13 =	vmul.f32 v24, v0  }
0x18f: {  	v3 =	vmul.f32 v20, v26;
	v6 =	vadd.f32 v6, v12;
	v8 =	vmul.f32 v19, v28  }
0x190: {  	v7 =	vadd.f32 v10, v7;
	v1 =	vadd.f32 v4, v1;
	v13 =	vmul.f32 v13, v24  }
0x191: {  	v4 =	vmul.f32 v21, v31;
	v2 =	vadd.f32 v3, v2;
	v3 =	vadd.f32 v8, v6  }
0x192: {  	v18 =	vld.idx.msk [tilespmem:v18+s2+$0x0], $0xffff;
	v8 =	vmul.f32 v9, v57;
	v9 =	vor.u32 $0x19, v17;
	v12 =	vsub.f32 $1.500000000e+00, v13  }
0x193: {  	v34 =	vor.u32 $0x1C, v17;
	v54 =	vld.idx.msk [tilespmem:v63+s17+$0x0], $0xffff;
	v2 =	vadd.f32 v41, v2  }
0x194: {  	v49 =	vld [tilespmem:$0x1FFC0];
	v7 =	vadd.f32 v16, v7;
	v3 =	vadd.f32 v4, v3;
	v6 =	vmul.f32 v12, v24  }
0x195: {  	v14 =	vld.idx.msk [tilespmem:v61+s17+$0x0], $0xffff;
	v1 =	vadd.f32 v15, v1;
	v4 =	vor.u32 $0x1D, v17;
	v2 =	vadd.f32 v5, v2  }
0x196: {  	v10 =	vld.idx.msk [tilespmem:v60+s17+$0x0], $0xffff;
	v3 =	vadd.f32 v8, v3;
	v8 =	vor.u32 $0x1E, v17;
	v0 =	vmul.f32 v6, v0  }
0x197: {  	v7 =	vadd.f32 v11, v7;
	v1 =	vadd.f32 v38, v1;
	v15 =	vld.idx.msk [tilespmem:v9+s17+$0x0], $0xffff;
	v9 =	vor.u32 $0x9, v17  }
0x198: {  	v11 =	vld.idx.msk [tilespmem:v34+s17+$0x0], $0xffff;
	v2 =	vadd.f32 v3, v2;
	v3 =	vor.u32 $0x18, v17;
	v0 =	vmul.f32 v0, v6  }
0x199: {  	v13 =	vld.idx.msk [tilespmem:v17+s17+$0x0], $0xffff;
	v1 =	vadd.f32 v1, v7;
	v7 =	vor.u32 $0x1F, v17  }
0x19a: {  	v62 =	vor.u32 $0xC, v17;
	v5 =	vld.idx.msk [tilespmem:v4+s17+$0x0], $0xffff;
	v0 =	vsub.f32 $1.500000000e+00, v0  }
0x19b: {  	v4 =	vor.u32 $0x15, v17;
	v12 =	vld.idx.msk [tilespmem:v8+s17+$0x0], $0xffff  }
0x19c: {  	v9 =	vld.idx.msk [tilespmem:v9+s17+$0x0], $0xffff;
	v0 =	vmul.f32 v0, v6;
	v6 =	vor.u32 $0x11, v17  }
0x19d: {  	p0 =	sne.s32 s20, $0x1F0;
	v16 =	vld.idx.msk [tilespmem:v3+s17+$0x0], $0xffff;
	v3 =	vor.u32 $0xD, v17  }
.Ltmp2:
0x19e: {  	v1 =	vadd.f32 v2, v1;
	v53 =	vld.idx.msk [tilespmem:v7+s17+$0x0], $0xffff;
	(pc) =	sbr.rel @p0 .LBB2_6-.Ltmp2, $4  }
0x19f: {  	v25 =	vor.u32 $0x3, v17;
	v37 =	vor.u32 $0x16, v17;
	v23 =	vor.u32 $0x4, v17;
	v7 =	vld.idx.msk [tilespmem:v62+s17+$0x0], $0xffff  }
0x1a0: {  	v29 =	vor.u32 $0x12, v17;
	v19 =	vor.u32 $0x1, v17;
	v4 =	vld.idx.msk [tilespmem:v4+s17+$0x0], $0xffff;
	v0 =	vmul.f32 v0, v1  }
0x1a1: {  	v21 =	vor.u32 $0x2, v17;
	v31 =	vor.u32 $0x1B, v17;
	v34 =	vor.u32 $0x1A, v17;
	v8 =	vld.idx.msk [tilespmem:v6+s17+$0x0], $0xffff  }
0x1a2: {  	s20 =	sadd.s32 $0x10, s20;
	v38 =	vor.u32 $0x17, v17;
	v24 =	vor.u32 $0x5, v17;
	v52 =	vadd.f32 v0, v49;
	v6 =	vld.idx.msk [tilespmem:v3+s17+$0x0], $0xffff  }
0x1a3: {  	_ =	sdelay $0x3  }
0x1a4: {  	v22 =	vld.idx.msk [tilespmem:v19+s17+$0x0], $0xffff;
	v0 =	vor.u32 $0x6, v17;
	v1 =	vor.u32 $0x7, v17  }
0x1a5: {  	v2 =	vor.u32 $0xE, v17;
	v3 =	vor.u32 $0xA, v17;
	v30 =	vld.idx.msk [tilespmem:v23+s17+$0x0], $0xffff;
	v27 =	vmul.f32 v13, v13  }
0x1a6: {  	v23 =	vor.u32 $0x13, v17;
	v32 =	vld.idx.msk [tilespmem:v24+s17+$0x0], $0xffff;
	v35 =	vmul.f32 v11, v11;
	v36 =	vmul.f32 v16, v16  }
0x1a7: {  	v19 =	vld.idx.msk [tilespmem:v25+s17+$0x0], $0xffff;
	v25 =	vor.u32 $0xB, v17;
	v39 =	vmul.f32 v5, v5;
	v40 =	vmul.f32 v10, v10  }
0x1a8: {  	v21 =	vld.idx.msk [tilespmem:v21+s17+$0x0], $0xffff;
	v20 =	vshll.u32 v18, $0x5;
	v41 =	vmul.f32 v15, v15;
	v42 =	vmul.f32 v14, v14  }
0x1a9: {  	v63 =	vor.u32 $0xF, v17;
	v56 =	vmul.f32 v9, v9;
	v57 =	vmul.f32 v7, v7;
	v28 =	vld.idx.msk [tilespmem:v0+s17+$0x0], $0xffff  }
0x1aa: {  	v43 =	vor.u32 $0x1D, v20;
	v62 =	vmul.f32 v4, v4;
	v51 =	vmul.f32 v6, v6;
	v17 =	vld.idx.msk [tilespmem:v1+s17+$0x0], $0xffff  }
0x1ab: {  	v47 =	vor.u32 $0x18, v20;
	v33 =	vld.idx.msk [tilespmem:v3+s17+$0x0], $0xffff;
	v24 =	vmul.f32 v22, v22;
	v48 =	vmul.f32 v32, v32  }
0x1ac: {  	v1 =	vor.u32 $0x1C, v20;
	v3 =	vmul.f32 v54, v54;
	v25 =	vld.idx.msk [tilespmem:v25+s17+$0x0], $0xffff;
	v46 =	vmul.f32 v30, v30  }
0x1ad: {  	v45 =	vmul.f32 v21, v21;
	v2 =	vld.idx.msk [tilespmem:v2+s17+$0x0], $0xffff;
	v50 =	vmul.f32 v19, v19;
	v24 =	vadd.f32 v48, v24  }
0x1ae: {  	v26 =	vld.idx.msk [tilespmem:v63+s17+$0x0], $0xffff;
	v63 =	vmul.f32 v8, v8;
	v55 =	vadd.f32 v46, v27;
	v49 =	vmul.f32 v28, v28  }
0x1af: {  	v48 =	vmul.f32 v53, v53;
	v46 =	vadd.f32 v56, v24;
	v27 =	vmul.f32 v17, v17  }
0x1b0: {  	v0 =	vadd.f32 v3, v55;
	v56 =	vor.u32 $0x19, v20;
	v45 =	vadd.f32 v49, v45;
	v49 =	vld.idx.msk [tilespmem:v29+s17+$0x0], $0xffff  }
0x1b1: {  	v3 =	vmul.f32 v25, v25;
	v46 =	vadd.f32 v51, v46;
	v29 =	vadd.f32 v27, v50;
	v27 =	vld.idx.msk [tilespmem:v23+s17+$0x0], $0xffff  }
0x1b2: {  	v58 =	vmul.f32 v33, v33;
	v61 =	vmul.f32 v2, v2;
	v0 =	vadd.f32 v57, v0;
	v23 =	vld.idx.msk [tilespmem:v37+s17+$0x0], $0xffff  }
0x1b3: {  	v24 =	vld.idx.msk [tilespmem:v38+s17+$0x0], $0xffff;
	v57 =	vadd.f32 v63, v46;
	v3 =	vadd.f32 v3, v29;
	v29 =	vmul.f32 v26, v26  }
0x1b4: {  	v34 =	vld.idx.msk [tilespmem:v34+s17+$0x0], $0xffff;
	v0 =	vadd.f32 v42, v0;
	v46 =	vor.u32 $0x1A, v20;
	v60 =	vadd.f32 v58, v45  }
0x1b5: {  	v38 =	vadd.f32 v62, v57;
	v62 =	vor.u32 $0x10, v20;
	v3 =	vadd.f32 v29, v3;
	v29 =	vld.idx.msk [tilespmem:v31+s17+$0x0], $0xffff  }
0x1b6: {  	v18 =	vld.idx.msk [tilespmem:v18+s16+$0x0], $0xffff;
	v37 =	vadd.f32 v61, v60;
	v55 =	vmul.f32 v49, v49;
	v31 =	vmul.f32 v27, v27  }
0x1b7: {  	v43 =	vld.idx.msk [tilespmem:v43+s14+$0x0], $0xffff;
	v63 =	vmul.f32 v12, v12;
	v0 =	vadd.f32 v40, v0;
	v58 =	vmul.f32 v23, v23  }
0x1b8: {  	v1 =	vld.idx.msk [tilespmem:v1+s14+$0x0], $0xffff;
	v37 =	vadd.f32 v55, v37;
	v3 =	vadd.f32 v31, v3;
	v31 =	vmul.f32 v24, v24  }
0x1b9: {  	v42 =	vld.idx.msk [tilespmem:v20+s14+$0x0], $0xffff;
	v57 =	vor.u32 $0x12, v20;
	v60 =	vmul.f32 v34, v34;
	v55 =	vor.u32 $0x11, v20  }
0x1ba: {  	v45 =	vld.idx.msk [tilespmem:v47+s14+$0x0], $0xffff;
	v37 =	vadd.f32 v58, v37;
	v3 =	vadd.f32 v31, v3;
	v61 =	vmul.f32 v29, v29  }
0x1bb: {  	v0 =	vadd.f32 v36, v0;
	v38 =	vadd.f32 v41, v38;
	v41 =	vld.idx.msk [tilespmem:v62+s14+$0x0], $0xffff;
	v62 =	vor.u32 $0x9, v20  }
0x1bc: {  	v56 =	vld.idx.msk [tilespmem:v56+s14+$0x0], $0xffff;
	v31 =	vor.u32 $0x15, v20;
	v37 =	vadd.f32 v60, v37;
	v3 =	vadd.f32 v61, v3  }
0x1bd: {  	v46 =	vld.idx.msk [tilespmem:v46+s14+$0x0], $0xffff;
	v0 =	vadd.f32 v35, v0;
	v51 =	vadd.f32 v39, v38;
	v58 =	vor.u32 $0xC, v20  }
0x1be: {  	v47 =	vld.idx.msk [tilespmem:v57+s14+$0x0], $0xffff;
	v60 =	vor.u32 $0xD, v20;
	v37 =	vadd.f32 v63, v37;
	v3 =	vadd.f32 v48, v3  }
0x1bf: {  	v44 =	vor.u32 $0x1E, v20;
	v61 =	vor.u32 $0xE, v20;
	v38 =	vld.idx.msk [tilespmem:v55+s14+$0x0], $0xffff  }
0x1c0: {  	v0 =	vadd.f32 v51, v0;
	v48 =	vor.u32 $0x1, v20;
	v55 =	vld.idx.msk [tilespmem:v62+s14+$0x0], $0xffff;
	v3 =	vadd.f32 v3, v37  }
0x1c1: {  	v18 =	vmax.f32 v18, $1.000000020e-24;
	v5 =	vmul.f32 v43, v5;
	v51 =	vor.u32 $0x2, v20;
	v31 =	vld.idx.msk [tilespmem:v31+s14+$0x0], $0xffff  }
0x1c2: {  	v50 =	vor.u32 $0x5, v20;
	v63 =	vor.u32 $0xA, v20;
	v36 =	vld.idx.msk [tilespmem:v58+s14+$0x0], $0xffff;
	v0 =	vadd.f32 v3, v0  }
0x1c3: {  	v40 =	vor.u32 $0x14, v20;
	v11 =	vmul.f32 v1, v11;
	v58 =	vor.u32 $0x6, v20;
	v35 =	vld.idx.msk [tilespmem:v60+s14+$0x0], $0xffff  }
0x1c4: {  	v13 =	vmul.f32 v42, v13;
	v16 =	vmul.f32 v45, v16;
	v37 =	vld.idx.msk [tilespmem:v61+s14+$0x0], $0xffff;
	v0 =	vmax.f32 v0, $1.000000020e-24  }
0x1c5: {  	v15 =	vmul.f32 v56, v15;
	v61 =	vld.idx.msk [tilespmem:v48+s14+$0x0], $0xffff;
	v0 =	vmul.f32 v18, v0;
	v18 =	vor.u32 $0x4, v20  }
0x1c6: {  	v57 =	vor.u32 $0x3, v20;
	v34 =	vmul.f32 v46, v34;
	v3 =	vor.u32 $0x8, v20;
	v48 =	vld.idx.msk [tilespmem:v51+s14+$0x0], $0xffff  }
0x1c7: {  	v13 =	vadd.f32 $0.0e+00, v13;
	v14 =	vmul.f32 v41, v14;
	v41 =	vmul.f32 v47, v49;
	v1 =	vld.idx.msk [tilespmem:v63+s14+$0x0], $0xffff  }
0x1c8: {  	v49 =	vor.u32 $0xB, v20;
	v51 =	vld.idx.msk [tilespmem:v58+s14+$0x0], $0xffff;
	v56 =	vshra.s32 v0, $0x1;
	v0 =	vmul.f32 $5.000000000e-01, v0  }
0x1c9: {  	v8 =	vmul.f32 v38, v8;
	v4 =	vmul.f32 v31, v4;
	v31 =	vld.idx.msk [tilespmem:v50+s14+$0x0], $0xffff;
	v42 =	vsub.s32 $0x5F3759DF, v56  }
0x1ca: {  	v63 =	vor.u32 $0x7, v20;
	v9 =	vmul.f32 v55, v9;
	v60 =	vmul.f32 v42, v0;
	v18 =	vld.idx.msk [tilespmem:v18+s14+$0x0], $0xffff  }
0x1cb: {  	v55 =	vor.u32 $0xF, v20;
	v7 =	vmul.f32 v36, v7;
	v3 =	vld.idx.msk [tilespmem:v3+s14+$0x0], $0xffff;
	v21 =	vmul.f32 v48, v21  }
0x1cc: {  	v50 =	vld.idx.msk [tilespmem:v57+s14+$0x0], $0xffff;
	v57 =	vor.u32 $0x16, v20;
	v2 =	vmul.f32 v37, v2;
	v62 =	vmul.f32 v42, v60  }
0x1cd: {  	v1 =	vmul.f32 v1, v33;
	v28 =	vmul.f32 v51, v28;
	v21 =	vadd.f32 $0.0e+00, v21  }
0x1ce: {  	v56 =	vor.u32 $0x13, v20;
	v22 =	vmul.f32 v61, v22;
	v38 =	vsub.f32 $1.500000000e+00, v62  }
0x1cf: {  	v21 =	vadd.f32 v28, v21;
	v18 =	vmul.f32 v18, v30;
	v30 =	vmul.f32 v31, v32;
	v31 =	vld.idx.msk [tilespmem:v63+s14+$0x0], $0xffff  }
0x1d0: {  	v44 =	vld.idx.msk [tilespmem:v44+s14+$0x0], $0xffff;
	v61 =	vor.u32 $0x17, v20;
	v3 =	vmul.f32 v3, v54;
	v54 =	vmul.f32 v42, v38  }
0x1d1: {  	v40 =	vld.idx.msk [tilespmem:v40+s14+$0x0], $0xffff;
	v19 =	vmul.f32 v50, v19;
	v22 =	vadd.f32 $0.0e+00, v22;
	v1 =	vadd.f32 v1, v21  }
0x1d2: {  	v58 =	vld.idx.msk [tilespmem:v49+s14+$0x0], $0xffff;
	v60 =	vmul.f32 v54, v0;
	v13 =	vadd.f32 v18, v13;
	v18 =	vor.u32 $0x1B, v20  }
0x1d3: {  	v19 =	vadd.f32 $0.0e+00, v19;
	v38 =	vld.idx.msk [tilespmem:v55+s14+$0x0], $0xffff;
	v20 =	vor.u32 $0x1F, v20;
	v22 =	vadd.f32 v30, v22  }
0x1d4: {  	v28 =	vld.idx.msk [tilespmem:v57+s14+$0x0], $0xffff;
	v1 =	vadd.f32 v2, v1;
	v37 =	vmul.f32 v60, v54;
	v17 =	vmul.f32 v31, v17  }
0x1d5: {  	v6 =	vmul.f32 v35, v6;
	v3 =	vadd.f32 v3, v13;
	v9 =	vadd.f32 v9, v22;
	v31 =	vld.idx.msk [tilespmem:v56+s14+$0x0], $0xffff  }
0x1d6: {  	v10 =	vmul.f32 v40, v10;
	v62 =	vsub.f32 $1.500000000e+00, v37;
	v17 =	vadd.f32 v17, v19;
	v19 =	vld.idx.msk [tilespmem:v61+s14+$0x0], $0xffff  }
0x1d7: {  	s20 =	simm.s32 $0x0;
	v25 =	vmul.f32 v58, v25;
	v3 =	vadd.f32 v7, v3;
	v6 =	vadd.f32 v6, v9;
	v18 =	vld.idx.msk [tilespmem:v18+s14+$0x0], $0xffff  }
0x1d8: {  	v1 =	vadd.f32 v41, v1;
	v21 =	vmul.f32 v38, v26;
	v20 =	vld.idx.msk [tilespmem:v20+s14+$0x0], $0xffff;
	[tilespmem:s20], [sflag:$0x1] =	stream.linear.gather [hbm4b:s8+s20], $0x200, $0x38;
	v13 =	vmul.f32 v62, v54  }
0x1d9: {  	v3 =	vadd.f32 v14, v3;
	_ =	swait.ge [sflag:s15], $0x200;
	v6 =	vadd.f32 v8, v6;
	v8 =	vmul.f32 v28, v23  }
0x1da: {  	v14 =	vor.u32 s20, v59;
	v17 =	vadd.f32 v25, v17;
	[sflag:s15] =	ssyncset.done $0x0;
	v7 =	vmul.f32 v13, v0  }
0x1db: {  	v63 =	vmul.f32 v31, v27;
	[sflag:s15] =	ssyncadd.s32 $0xFFFFFE00;
	v3 =	vadd.f32 v10, v3;
	v4 =	vadd.f32 v4, v6  }
0x1dc: {  	v1 =	vadd.f32 v8, v1;
	v9 =	vadd.f32 v21, v17;
	[tilespmem:s17], [sflag:$0x1] =	stream.linear.gather [hbm4b:s9+s20], $0x4000, $0x38;
	v17 =	vshll.u32 v14, $0x5;
	[tilespmem:$0xC680] =	vst v63  }
0x1dd: {  	v7 =	vmul.f32 v7, v13;
	_ =	swait.ge [sflag:s15], $0x4000;
	v10 =	vor.u32 $0x1C, v17;
	v8 =	vor.u32 $0x1D, v17  }
0x1de: {  	v4 =	vadd.f32 v15, v4;
	v15 =	vmul.f32 v20, v53;
	v20 =	vor.u32 $0x15, v17;
	[sflag:s15] =	ssyncset.done $0x0  }
0x1df: {  	v2 =	vadd.f32 v63, v9;
	v9 =	vmul.f32 v19, v24;
	v7 =	vsub.f32 $1.500000000e+00, v7;
	[sflag:s15] =	ssyncadd.s32 $0xFFFFC000  }
0x1e0: {  	v6 =	vmul.f32 v18, v29;
	v3 =	vadd.f32 v16, v3;
	v22 =	vor.u32 $0x8, v17;
	v18 =	vld.idx.msk [tilespmem:v14+s2+$0x0], $0xffff  }
0x1e1: {  	v2 =	vadd.f32 v9, v2;
	v9 =	vor.u32 $0x1E, v17;
	v7 =	vmul.f32 v7, v13;
	v13 =	vld.idx.msk [tilespmem:v17+s17+$0x0], $0xffff  }
0x1e2: {  	v19 =	vor.u32 $0x19, v17;
	v3 =	vadd.f32 v11, v3;
	v4 =	vadd.f32 v5, v4;
	v11 =	vld.idx.msk [tilespmem:v10+s17+$0x0], $0xffff  }
0x1e3: {  	v12 =	vmul.f32 v44, v12;
	v1 =	vadd.f32 v34, v1;
	v14 =	vor.u32 $0x1F, v17;
	v5 =	vld.idx.msk [tilespmem:v8+s17+$0x0], $0xffff  }
0x1e4: {  	v3 =	vadd.f32 v4, v3;
	v2 =	vadd.f32 v6, v2;
	v6 =	vor.u32 $0x18, v17;
	v4 =	vld.idx.msk [tilespmem:v20+s17+$0x0], $0xffff  }
0x1e5: {  	v10 =	vor.u32 $0x14, v17;
	v54 =	vld.idx.msk [tilespmem:v22+s17+$0x0], $0xffff;
	v0 =	vmul.f32 v7, v0  }
0x1e6: {  	v1 =	vadd.f32 v12, v1;
	v8 =	vadd.f32 v15, v2;
	v12 =	vld.idx.msk [tilespmem:v9+s17+$0x0], $0xffff;
	v9 =	vor.u32 $0x10, v17  }
0x1e7: {  	v20 =	vor.u32 $0x9, v17;
	v15 =	vld.idx.msk [tilespmem:v19+s17+$0x0], $0xffff;
	v0 =	vmul.f32 v0, v7  }
0x1e8: {  	v53 =	vld.idx.msk [tilespmem:v14+s17+$0x0], $0xffff;
	v1 =	vadd.f32 v8, v1;
	v8 =	vor.u32 $0x11, v17  }
0x1e9: {  	v0 =	vsub.f32 $1.500000000e+00, v0;
	v16 =	vld.idx.msk [tilespmem:v6+s17+$0x0], $0xffff;
	v6 =	vor.u32 $0xC, v17  }
0x1ea: {  	v10 =	vld.idx.msk [tilespmem:v10+s17+$0x0], $0xffff;
	v1 =	vadd.f32 v1, v3;
	v3 =	vor.u32 $0xD, v17  }
0x1eb: {  	v0 =	vmul.f32 v0, v7;
	v14 =	vld.idx.msk [tilespmem:v9+s17+$0x0], $0xffff  }
0x1ec: {  	v21 =	vor.u32 $0x2, v17;
	v25 =	vor.u32 $0x3, v17;
	v34 =	vor.u32 $0x1A, v17;
	v9 =	vld.idx.msk [tilespmem:v20+s17+$0x0], $0xffff  }
0x1ed: {  	v23 =	vor.u32 $0x4, v17;
	v19 =	vor.u32 $0x1, v17;
	v0 =	vmul.f32 v0, v1;
	v8 =	vld.idx.msk [tilespmem:v8+s17+$0x0], $0xffff  }
0x1ee: {  	v37 =	vor.u32 $0x16, v17;
	v31 =	vor.u32 $0x1B, v17;
	v29 =	vor.u32 $0x12, v17;
	v7 =	vld.idx.msk [tilespmem:v6+s17+$0x0], $0xffff  }
0x1ef: {  	s20 =	simm.s32 $0x10;
	v38 =	vor.u32 $0x17, v17;
	v24 =	vor.u32 $0x5, v17;
	v52 =	vadd.f32 v0, v52;
	v6 =	vld.idx.msk [tilespmem:v3+s17+$0x0], $0xffff  }
.LBB2_8:
0x1f0: {  	_ =	sdelay $0x1  }
0x1f1: {  	v20 =	vld.idx.msk [tilespmem:v19+s17+$0x0], $0xffff;
	v0 =	vor.u32 $0x6, v17  }
0x1f2: {  	v21 =	vld.idx.msk [tilespmem:v21+s17+$0x0], $0xffff;
	v27 =	vor.u32 $0x7, v17  }
0x1f3: {  	v26 =	vor.u32 $0xE, v17;
	v22 =	vld.idx.msk [tilespmem:v25+s17+$0x0], $0xffff;
	v25 =	vor.u32 $0xA, v17  }
0x1f4: {  	v28 =	vor.u32 $0x13, v17;
	v36 =	vor.u32 $0xF, v17;
	v17 =	vor.u32 $0xB, v17;
	v30 =	vld.idx.msk [tilespmem:v23+s17+$0x0], $0xffff  }
0x1f5: {  	v32 =	vld.idx.msk [tilespmem:v24+s17+$0x0], $0xffff;
	v43 =	vmul.f32 v16, v16  }
0x1f6: {  	v45 =	vmul.f32 v5, v5;
	v47 =	vmul.f32 v15, v15;
	v23 =	vld.idx.msk [tilespmem:v0+s17+$0x0], $0xffff  }
0x1f7: {  	v40 =	vmul.f32 v13, v13;
	v42 =	vmul.f32 v11, v11;
	v24 =	vld.idx.msk [tilespmem:v27+s17+$0x0], $0xffff  }
0x1f8: {  	v48 =	vmul.f32 v14, v14;
	v49 =	vmul.f32 v4, v4;
	v33 =	vld.idx.msk [tilespmem:v25+s17+$0x0], $0xffff  }
0x1f9: {  	[tilespmem:$0x1FF90] =	vst v52;
	v19 =	vshll.u32 v18, $0x5;
	v51 =	vmul.f32 v7, v7;
	v52 =	vmul.f32 v8, v8;
	v25 =	vld.idx.msk [tilespmem:v17+s17+$0x0], $0xffff  }
0x1fa: {  	v57 =	vmul.f32 v9, v9;
	v39 =	vor.u32 $0x1C, v19;
	v41 =	vor.u32 $0x1D, v19;
	v35 =	vld.idx.msk [tilespmem:v26+s17+$0x0], $0xffff  }
0x1fb: {  	v44 =	vor.u32 $0x1E, v19;
	v0 =	vmul.f32 v10, v10;
	v46 =	vor.u32 $0x18, v19;
	v27 =	vld.idx.msk [tilespmem:v36+s17+$0x0], $0xffff  }
0x1fc: {  	[tilespmem:$0x1FF70] =	vst v4;
	v4 =	vmovc v53;
	v50 =	vor.u32 $0x19, v19;
	v53 =	vor.u32 $0x1A, v19;
	v17 =	vmul.f32 v54, v54;
	v36 =	vld.idx.msk [tilespmem:v29+s17+$0x0], $0xffff  }
0x1fd: {  	[tilespmem:$0x1FF80] =	vst v54;
	v54 =	vmul.f32 v6, v6;
	v55 =	vor.u32 $0x14, v19;
	v26 =	vmul.f32 v30, v30;
	v29 =	vld.idx.msk [tilespmem:v28+s17+$0x0], $0xffff  }
0x1fe: {  	v56 =	vmul.f32 v20, v20;
	v58 =	vor.u32 $0x15, v19;
	v63 =	vor.u32 $0x11, v19;
	v28 =	vld.idx.msk [tilespmem:v38+s17+$0x0], $0xffff  }
0x1ff: {  	v59 =	vmul.f32 v21, v21;
	v60 =	vmul.f32 v22, v22;
	v40 =	vadd.f32 v26, v40;
	v26 =	vld.idx.msk [tilespmem:v37+s17+$0x0], $0xffff  }
0x200: {  	v61 =	vor.u32 $0x10, v19;
	v62 =	vmul.f32 v32, v32;
	v3 =	vor.u32 $0x12, v19;
	v39 =	vld.idx.msk [tilespmem:v39+s14+$0x0], $0xffff  }
0x201: {  	v17 =	vadd.f32 v17, v40;
	v2 =	vmul.f32 v23, v23;
	v1 =	vmul.f32 v24, v24;
	v38 =	vld.idx.msk [tilespmem:v41+s14+$0x0], $0xffff  }
0x202: {  	v56 =	vadd.f32 v62, v56;
	v62 =	vmul.f32 v33, v33;
	v37 =	vmul.f32 v25, v25;
	v41 =	vld.idx.msk [tilespmem:v50+s14+$0x0], $0xffff  }
0x203: {  	v40 =	vmul.f32 v35, v35;
	v50 =	vld.idx.msk [tilespmem:v63+s14+$0x0], $0xffff;
	v63 =	vor.u32 $0x5, v19;
	v17 =	vadd.f32 v51, v17  }
0x204: {  	v51 =	vld.idx.msk [tilespmem:v18+s16+$0x0], $0xffff;
	v18 =	vmul.f32 v29, v29;
	v2 =	vadd.f32 v2, v59;
	v1 =	vadd.f32 v1, v60  }
0x205: {  	v59 =	vlaneseq.u32;
	v60 =	vadd.f32 v57, v56;
	v56 =	vld.idx.msk [tilespmem:v34+s17+$0x0], $0xffff;
	v17 =	vadd.f32 v48, v17  }
0x206: {  	v57 =	vmul.f32 v27, v27;
	v2 =	vadd.f32 v62, v2;
	v1 =	vadd.f32 v37, v1  }
0x207: {  	v31 =	vld.idx.msk [tilespmem:v31+s17+$0x0], $0xffff;
	v60 =	vadd.f32 v54, v60;
	v62 =	vmul.f32 v36, v36;
	v0 =	vadd.f32 v0, v17  }
0x208: {  	v11 =	vmul.f32 v39, v11;
	v15 =	vmul.f32 v41, v15;
	v2 =	vadd.f32 v40, v2;
	v40 =	vld.idx.msk [tilespmem:v44+s14+$0x0], $0xffff  }
0x209: {  	v1 =	vadd.f32 v57, v1;
	v48 =	vadd.f32 v52, v60;
	v52 =	vmul.f32 v26, v26;
	v44 =	vld.idx.msk [tilespmem:v53+s14+$0x0], $0xffff  }
0x20a: {  	v3 =	vld.idx.msk [tilespmem:v3+s14+$0x0], $0xffff;
	v60 =	vmul.f32 v12, v12;
	v57 =	vmul.f32 v56, v56;
	v0 =	vadd.f32 v43, v0  }
0x20b: {  	v54 =	vld.idx.msk [tilespmem:v19+s14+$0x0], $0xffff;
	v2 =	vadd.f32 v62, v2;
	v1 =	vadd.f32 v18, v1;
	v18 =	vmul.f32 v28, v28  }
0x20c: {  	v37 =	vld.idx.msk [tilespmem:v46+s14+$0x0], $0xffff;
	v43 =	vor.u32 $0xE, v19;
	v17 =	vadd.f32 v49, v48;
	v62 =	vor.u32 $0xC, v19  }
0x20d: {  	v48 =	vld.idx.msk [tilespmem:v61+s14+$0x0], $0xffff;
	v2 =	vadd.f32 v52, v2;
	v1 =	vadd.f32 v18, v1;
	v18 =	vmul.f32 v31, v31  }
0x20e: {  	v61 =	vor.u32 $0xA, v19;
	v17 =	vadd.f32 v47, v17;
	v47 =	vld.idx.msk [tilespmem:v55+s14+$0x0], $0xffff;
	v41 =	vmul.f32 v44, v56  }
0x20f: {  	v44 =	vld.idx.msk [tilespmem:v63+s14+$0x0], $0xffff;
	v2 =	vadd.f32 v57, v2;
	v1 =	vadd.f32 v18, v1;
	v18 =	vmul.f32 v4, v4  }
0x210: {  	v0 =	vadd.f32 v42, v0;
	v42 =	vor.u32 $0xD, v19;
	v17 =	vadd.f32 v45, v17;
	v45 =	vld.idx.msk [tilespmem:v58+s14+$0x0], $0xffff  }
0x211: {  	v63 =	vor.u32 $0x7, v19;
	v43 =	vld.idx.msk [tilespmem:v43+s14+$0x0], $0xffff;
	v2 =	vadd.f32 v60, v2;
	v1 =	vadd.f32 v18, v1  }
0x212: {  	v38 =	vmul.f32 v38, v5;
	v13 =	vmul.f32 v54, v13;
	v57 =	vmovc v4;
	v58 =	vor.u32 $0x8, v19;
	v4 =	vld [tilespmem:$0x1FF70]  }
0x213: {  	v54 =	vor.u32 $0x2, v19;
	v46 =	vld.idx.msk [tilespmem:v62+s14+$0x0], $0xffff;
	v0 =	vadd.f32 v17, v0;
	v1 =	vadd.f32 v1, v2  }
0x214: {  	v8 =	vmul.f32 v50, v8;
	v5 =	vmul.f32 v40, v12;
	v62 =	vor.u32 $0x4, v19;
	v12 =	vld.idx.msk [tilespmem:v61+s14+$0x0], $0xffff  }
0x215: {  	v3 =	vmul.f32 v3, v36;
	v60 =	vor.u32 $0x9, v19;
	v42 =	vld.idx.msk [tilespmem:v42+s14+$0x0], $0xffff;
	v0 =	vadd.f32 v1, v0  }
0x216: {  	v51 =	vmax.f32 v51, $1.000000020e-24;
	v16 =	vmul.f32 v37, v16;
	v61 =	vor.u32 $0x6, v19;
	v63 =	vld.idx.msk [tilespmem:v63+s14+$0x0], $0xffff  }
0x217: {  	v56 =	vor.u32 $0xB, v19;
	v13 =	vadd.f32 $0.0e+00, v13;
	v49 =	vld.idx.msk [tilespmem:v58+s14+$0x0], $0xffff;
	v0 =	vmax.f32 v0, $1.000000020e-24  }
0x218: {  	v4 =	vmul.f32 v45, v4;
	v45 =	vld.idx.msk [tilespmem:v54+s14+$0x0], $0xffff;
	v1 =	vor.u32 $0x1, v19;
	v0 =	vmul.f32 v51, v0  }
0x219: {  	v14 =	vmul.f32 v48, v14;
	v18 =	vor.u32 s20, v59;
	v58 =	vor.u32 $0x3, v19;
	v40 =	vld.idx.msk [tilespmem:v62+s14+$0x0], $0xffff  }
0x21a: {  	v10 =	vmul.f32 v47, v10;
	v2 =	vld.idx.msk [tilespmem:v60+s14+$0x0], $0xffff;
	v60 =	vshra.s32 v0, $0x1;
	v0 =	vmul.f32 $5.000000000e-01, v0  }
0x21b: {  	v32 =	vmul.f32 v44, v32;
	v35 =	vmul.f32 v43, v35;
	v61 =	vld.idx.msk [tilespmem:v61+s14+$0x0], $0xffff;
	v37 =	vsub.s32 $0x5F3759DF, v60  }
0x21c: {  	v17 =	vshll.u32 v18, $0x5;
	v7 =	vmul.f32 v46, v7;
	v62 =	vmul.f32 v37, v0  }
0x21d: {  	v54 =	vor.u32 $0x1B, v19;
	v12 =	vmul.f32 v12, v33;
	v6 =	vmul.f32 v42, v6;
	v1 =	vld.idx.msk [tilespmem:v1+s14+$0x0], $0xffff  }
0x21e: {  	v51 =	vor.u32 $0x13, v19;
	v24 =	vmul.f32 v63, v24;
	v39 =	vld.idx.msk [tilespmem:v58+s14+$0x0], $0xffff;
	v47 =	vmul.f32 v37, v62  }
0x21f: {  	v63 =	vor.u32 $0x8, v17;
	v58 =	vor.u32 $0xF, v19;
	v21 =	vmul.f32 v45, v21  }
0x220: {  	v30 =	vmul.f32 v40, v30;
	v23 =	vmul.f32 v61, v23;
	v62 =	vld [tilespmem:$0x1FF80];
	v60 =	vsub.f32 $1.500000000e+00, v47  }
0x221: {  	v61 =	vor.u32 $0x10, v17;
	v2 =	vmul.f32 v2, v9;
	v21 =	vadd.f32 $0.0e+00, v21  }
0x222: {  	v53 =	vld.idx.msk [tilespmem:v56+s14+$0x0], $0xffff;
	v1 =	vmul.f32 v1, v20;
	v20 =	vor.u32 $0x16, v19;
	v36 =	vmul.f32 v37, v60  }
0x223: {  	v9 =	vor.u32 $0x1F, v19;
	v22 =	vmul.f32 v39, v22;
	v19 =	vor.u32 $0x17, v19  }
0x224: {  	v21 =	vadd.f32 v23, v21;
	v56 =	vld.idx.msk [tilespmem:v58+s14+$0x0], $0xffff;
	v1 =	vadd.f32 $0.0e+00, v1;
	v55 =	vmul.f32 v36, v0  }
0x225: {  	v13 =	vadd.f32 v30, v13;
	v22 =	vadd.f32 $0.0e+00, v22;
	v43 =	vmul.f32 v49, v62  }
0x226: {  	v33 =	vld.idx.msk [tilespmem:v51+s14+$0x0], $0xffff;
	v58 =	vadd.f32 v12, v21;
	v1 =	vadd.f32 v32, v1;
	v44 =	vmul.f32 v55, v36  }
0x227: {  	v23 =	vmul.f32 v53, v25;
	v22 =	vadd.f32 v24, v22;
	v20 =	vld.idx.msk [tilespmem:v20+s14+$0x0], $0xffff;
	v13 =	vadd.f32 v43, v13  }
0x228: {  	v60 =	vor.u32 $0x14, v17;
	v19 =	vld.idx.msk [tilespmem:v19+s14+$0x0], $0xffff;
	v1 =	vadd.f32 v2, v1;
	v30 =	vsub.f32 $1.500000000e+00, v44  }
0x229: {  	v12 =	vmul.f32 v56, v27;
	v22 =	vadd.f32 v23, v22;
	v2 =	vadd.f32 v35, v58  }
0x22a: {  	v21 =	vld.idx.msk [tilespmem:v54+s14+$0x0], $0xffff;
	v7 =	vadd.f32 v7, v13;
	v1 =	vadd.f32 v6, v1;
	v24 =	vmul.f32 v30, v36  }
0x22b: {  	v9 =	vld.idx.msk [tilespmem:v9+s14+$0x0], $0xffff;
	v12 =	vadd.f32 v12, v22;
	v6 =	vmul.f32 v33, v29;
	v2 =	vadd.f32 v3, v2  }
0x22c: {  	v7 =	vadd.f32 v14, v7;
	v1 =	vadd.f32 v8, v1;
	v13 =	vmul.f32 v24, v0  }
0x22d: {  	v3 =	vmul.f32 v20, v26;
	v6 =	vadd.f32 v6, v12;
	v8 =	vmul.f32 v19, v28  }
0x22e: {  	v7 =	vadd.f32 v10, v7;
	v1 =	vadd.f32 v4, v1;
	v13 =	vmul.f32 v13, v24  }
0x22f: {  	v4 =	vmul.f32 v21, v31;
	v2 =	vadd.f32 v3, v2;
	v3 =	vadd.f32 v8, v6  }
0x230: {  	v18 =	vld.idx.msk [tilespmem:v18+s2+$0x0], $0xffff;
	v8 =	vmul.f32 v9, v57;
	v9 =	vor.u32 $0x19, v17;
	v12 =	vsub.f32 $1.500000000e+00, v13  }
0x231: {  	v34 =	vor.u32 $0x1C, v17;
	v54 =	vld.idx.msk [tilespmem:v63+s17+$0x0], $0xffff;
	v2 =	vadd.f32 v41, v2  }
0x232: {  	v49 =	vld [tilespmem:$0x1FF90];
	v7 =	vadd.f32 v16, v7;
	v3 =	vadd.f32 v4, v3;
	v6 =	vmul.f32 v12, v24  }
0x233: {  	v14 =	vld.idx.msk [tilespmem:v61+s17+$0x0], $0xffff;
	v1 =	vadd.f32 v15, v1;
	v4 =	vor.u32 $0x1D, v17;
	v2 =	vadd.f32 v5, v2  }
0x234: {  	v10 =	vld.idx.msk [tilespmem:v60+s17+$0x0], $0xffff;
	v3 =	vadd.f32 v8, v3;
	v8 =	vor.u32 $0x1E, v17;
	v0 =	vmul.f32 v6, v0  }
0x235: {  	v7 =	vadd.f32 v11, v7;
	v1 =	vadd.f32 v38, v1;
	v15 =	vld.idx.msk [tilespmem:v9+s17+$0x0], $0xffff;
	v9 =	vor.u32 $0x9, v17  }
0x236: {  	v11 =	vld.idx.msk [tilespmem:v34+s17+$0x0], $0xffff;
	v2 =	vadd.f32 v3, v2;
	v3 =	vor.u32 $0x18, v17;
	v0 =	vmul.f32 v0, v6  }
0x237: {  	v13 =	vld.idx.msk [tilespmem:v17+s17+$0x0], $0xffff;
	v1 =	vadd.f32 v1, v7;
	v7 =	vor.u32 $0x1F, v17  }
0x238: {  	v62 =	vor.u32 $0xC, v17;
	v5 =	vld.idx.msk [tilespmem:v4+s17+$0x0], $0xffff;
	v0 =	vsub.f32 $1.500000000e+00, v0  }
0x239: {  	v4 =	vor.u32 $0x15, v17;
	v12 =	vld.idx.msk [tilespmem:v8+s17+$0x0], $0xffff  }
0x23a: {  	v9 =	vld.idx.msk [tilespmem:v9+s17+$0x0], $0xffff;
	v0 =	vmul.f32 v0, v6;
	v6 =	vor.u32 $0x11, v17  }
0x23b: {  	p0 =	sne.s32 s20, $0x1F0;
	v16 =	vld.idx.msk [tilespmem:v3+s17+$0x0], $0xffff;
	v3 =	vor.u32 $0xD, v17  }
.Ltmp3:
0x23c: {  	v1 =	vadd.f32 v2, v1;
	v53 =	vld.idx.msk [tilespmem:v7+s17+$0x0], $0xffff;
	(pc) =	sbr.rel @p0 .LBB2_8-.Ltmp3, $4  }
0x23d: {  	v25 =	vor.u32 $0x3, v17;
	v37 =	vor.u32 $0x16, v17;
	v23 =	vor.u32 $0x4, v17;
	v7 =	vld.idx.msk [tilespmem:v62+s17+$0x0], $0xffff  }
0x23e: {  	v29 =	vor.u32 $0x12, v17;
	v19 =	vor.u32 $0x1, v17;
	v4 =	vld.idx.msk [tilespmem:v4+s17+$0x0], $0xffff;
	v0 =	vmul.f32 v0, v1  }
0x23f: {  	v21 =	vor.u32 $0x2, v17;
	v31 =	vor.u32 $0x1B, v17;
	v34 =	vor.u32 $0x1A, v17;
	v8 =	vld.idx.msk [tilespmem:v6+s17+$0x0], $0xffff  }
0x240: {  	s20 =	sadd.s32 $0x10, s20;
	v38 =	vor.u32 $0x17, v17;
	v24 =	vor.u32 $0x5, v17;
	v52 =	vadd.f32 v0, v49;
	v6 =	vld.idx.msk [tilespmem:v3+s17+$0x0], $0xffff  }
0x241: {  	_ =	sdelay $0x3  }
0x242: {  	v22 =	vld.idx.msk [tilespmem:v19+s17+$0x0], $0xffff;
	v0 =	vor.u32 $0x6, v17  }
0x243: {  	v21 =	vld.idx.msk [tilespmem:v21+s17+$0x0], $0xffff;
	v1 =	vor.u32 $0x7, v17;
	v2 =	vor.u32 $0xE, v17  }
0x244: {  	v19 =	vld.idx.msk [tilespmem:v25+s17+$0x0], $0xffff;
	v3 =	vor.u32 $0xA, v17;
	v27 =	vmul.f32 v13, v13;
	v35 =	vmul.f32 v11, v11  }
0x245: {  	v30 =	vld.idx.msk [tilespmem:v23+s17+$0x0], $0xffff;
	v23 =	vor.u32 $0x13, v17;
	v36 =	vmul.f32 v16, v16;
	v39 =	vmul.f32 v5, v5  }
0x246: {  	v25 =	vor.u32 $0xB, v17;
	v32 =	vld.idx.msk [tilespmem:v24+s17+$0x0], $0xffff;
	v40 =	vmul.f32 v10, v10;
	v41 =	vmul.f32 v15, v15  }
0x247: {  	v20 =	vshll.u32 v18, $0x5;
	v42 =	vmul.f32 v14, v14;
	v58 =	vmul.f32 v9, v9;
	v28 =	vld.idx.msk [tilespmem:v0+s17+$0x0], $0xffff  }
0x248: {  	v60 =	vmul.f32 v7, v7;
	v55 =	vmul.f32 v4, v4;
	v0 =	vor.u32 $0xF, v17;
	v17 =	vld.idx.msk [tilespmem:v1+s17+$0x0], $0xffff  }
0x249: {  	v56 =	vmul.f32 v8, v8;
	v51 =	vmul.f32 v6, v6;
	v1 =	vor.u32 $0x1C, v20;
	v33 =	vld.idx.msk [tilespmem:v3+s17+$0x0], $0xffff  }
0x24a: {  	v43 =	vor.u32 $0x1D, v20;
	v3 =	vmul.f32 v54, v54;
	v24 =	vmul.f32 v22, v22;
	v2 =	vld.idx.msk [tilespmem:v2+s17+$0x0], $0xffff  }
0x24b: {  	v44 =	vor.u32 $0x1E, v20;
	v25 =	vld.idx.msk [tilespmem:v25+s17+$0x0], $0xffff;
	v45 =	vmul.f32 v21, v21;
	v48 =	vmul.f32 v32, v32  }
0x24c: {  	v34 =	vld.idx.msk [tilespmem:v34+s17+$0x0], $0xffff;
	v47 =	vor.u32 $0x18, v20;
	v46 =	vmul.f32 v30, v30;
	v50 =	vmul.f32 v19, v19  }
0x24d: {  	v24 =	vadd.f32 v48, v24;
	v48 =	vor.u32 $0x10, v20;
	v49 =	vmul.f32 v28, v28;
	v26 =	vld.idx.msk [tilespmem:v0+s17+$0x0], $0xffff  }
0x24e: {  	v0 =	vadd.f32 v46, v27;
	v27 =	vmul.f32 v17, v17;
	v61 =	vmul.f32 v33, v33;
	v1 =	vld.idx.msk [tilespmem:v1+s14+$0x0], $0xffff  }
0x24f: {  	v46 =	vadd.f32 v58, v24;
	v63 =	vmul.f32 v2, v2;
	v45 =	vadd.f32 v49, v45;
	v49 =	vld.idx.msk [tilespmem:v29+s17+$0x0], $0xffff  }
0x250: {  	v29 =	vadd.f32 v27, v50;
	v27 =	vld.idx.msk [tilespmem:v23+s17+$0x0], $0xffff;
	v0 =	vadd.f32 v3, v0;
	v3 =	vmul.f32 v25, v25  }
0x251: {  	v58 =	vor.u32 $0x19, v20;
	v23 =	vld.idx.msk [tilespmem:v37+s17+$0x0], $0xffff;
	v46 =	vadd.f32 v51, v46;
	v51 =	vmul.f32 v12, v12  }
0x252: {  	v24 =	vld.idx.msk [tilespmem:v38+s17+$0x0], $0xffff;
	v62 =	vadd.f32 v61, v45;
	v3 =	vadd.f32 v3, v29;
	v29 =	vmul.f32 v26, v26  }
0x253: {  	v0 =	vadd.f32 v60, v0;
	v60 =	vadd.f32 v56, v46;
	v11 =	vmul.f32 v1, v11  }
0x254: {  	v1 =	vor.u32 $0xA, v20;
	v37 =	vadd.f32 v63, v62;
	v3 =	vadd.f32 v29, v3;
	v29 =	vld.idx.msk [tilespmem:v31+s17+$0x0], $0xffff  }
0x255: {  	v0 =	vadd.f32 v42, v0;
	v57 =	vmul.f32 v49, v49;
	v31 =	vmul.f32 v27, v27  }
0x256: {  	v18 =	vld.idx.msk [tilespmem:v18+s16+$0x0], $0xffff;
	v38 =	vadd.f32 v55, v60;
	v62 =	vmul.f32 v34, v34;
	v61 =	vmul.f32 v23, v23  }
0x257: {  	v43 =	vld.idx.msk [tilespmem:v43+s14+$0x0], $0xffff;
	v37 =	vadd.f32 v57, v37;
	v3 =	vadd.f32 v31, v3;
	v31 =	vmul.f32 v24, v24  }
0x258: {  	v44 =	vld.idx.msk [tilespmem:v44+s14+$0x0], $0xffff;
	v55 =	vmul.f32 v53, v53;
	v60 =	vor.u32 $0x12, v20;
	v0 =	vadd.f32 v40, v0  }
0x259: {  	v45 =	vld.idx.msk [tilespmem:v47+s14+$0x0], $0xffff;
	v37 =	vadd.f32 v61, v37;
	v3 =	vadd.f32 v31, v3;
	v63 =	vmul.f32 v29, v29  }
0x25a: {  	v58 =	vld.idx.msk [tilespmem:v58+s14+$0x0], $0xffff;
	v38 =	vadd.f32 v41, v38;
	v57 =	vor.u32 $0x11, v20;
	v0 =	vadd.f32 v36, v0  }
0x25b: {  	v41 =	vld.idx.msk [tilespmem:v48+s14+$0x0], $0xffff;
	v48 =	vor.u32 $0x9, v20;
	v37 =	vadd.f32 v62, v37;
	v3 =	vadd.f32 v63, v3  }
0x25c: {  	v42 =	vld.idx.msk [tilespmem:v20+s14+$0x0], $0xffff;
	v56 =	vadd.f32 v39, v38;
	v31 =	vor.u32 $0x15, v20;
	v0 =	vadd.f32 v35, v0  }
0x25d: {  	v1 =	vld.idx.msk [tilespmem:v1+s14+$0x0], $0xffff;
	v61 =	vor.u32 $0xC, v20;
	v37 =	vadd.f32 v51, v37;
	v3 =	vadd.f32 v55, v3  }
0x25e: {  	v47 =	vld.idx.msk [tilespmem:v60+s14+$0x0], $0xffff;
	v62 =	vor.u32 $0xD, v20  }
0x25f: {  	v50 =	vor.u32 $0x1, v20;
	v0 =	vadd.f32 v56, v0;
	v38 =	vld.idx.msk [tilespmem:v57+s14+$0x0], $0xffff;
	v3 =	vadd.f32 v3, v37  }
0x260: {  	v63 =	vor.u32 $0xE, v20;
	v56 =	vld.idx.msk [tilespmem:v48+s14+$0x0], $0xffff  }
0x261: {  	v51 =	vor.u32 $0x5, v20;
	v31 =	vld.idx.msk [tilespmem:v31+s14+$0x0], $0xffff;
	v0 =	vadd.f32 v3, v0  }
0x262: {  	v18 =	vmax.f32 v18, $1.000000020e-24;
	v36 =	vld.idx.msk [tilespmem:v61+s14+$0x0], $0xffff;
	v55 =	vor.u32 $0x2, v20  }
0x263: {  	v5 =	vmul.f32 v43, v5;
	v35 =	vld.idx.msk [tilespmem:v62+s14+$0x0], $0xffff;
	v3 =	vor.u32 $0x8, v20;
	v0 =	vmax.f32 v0, $1.000000020e-24  }
0x264: {  	v15 =	vmul.f32 v58, v15;
	v58 =	vor.u32 $0x3, v20;
	v62 =	vld.idx.msk [tilespmem:v50+s14+$0x0], $0xffff;
	v0 =	vmul.f32 v18, v0  }
0x265: {  	v12 =	vmul.f32 v44, v12;
	v13 =	vmul.f32 v42, v13;
	v37 =	vld.idx.msk [tilespmem:v63+s14+$0x0], $0xffff;
	v18 =	vor.u32 $0x4, v20  }
0x266: {  	v4 =	vmul.f32 v31, v4;
	v31 =	vld.idx.msk [tilespmem:v51+s14+$0x0], $0xffff;
	v57 =	vshra.s32 v0, $0x1;
	v0 =	vmul.f32 $5.000000000e-01, v0  }
0x267: {  	v14 =	vmul.f32 v41, v14;
	v41 =	vmul.f32 v47, v49;
	v49 =	vld.idx.msk [tilespmem:v55+s14+$0x0], $0xffff;
	v42 =	vsub.s32 $0x5F3759DF, v57  }
0x268: {  	v46 =	vor.u32 $0x1A, v20;
	v60 =	vor.u32 $0x6, v20;
	v3 =	vld.idx.msk [tilespmem:v3+s14+$0x0], $0xffff;
	v61 =	vmul.f32 v42, v0  }
0x269: {  	v40 =	vor.u32 $0x14, v20;
	v16 =	vmul.f32 v45, v16;
	v13 =	vadd.f32 $0.0e+00, v13;
	v51 =	vld.idx.msk [tilespmem:v58+s14+$0x0], $0xffff  }
0x26a: {  	v48 =	vor.u32 $0x7, v20;
	v1 =	vmul.f32 v1, v33;
	v18 =	vld.idx.msk [tilespmem:v18+s14+$0x0], $0xffff;
	v63 =	vmul.f32 v42, v61  }
0x26b: {  	v50 =	vor.u32 $0xB, v20;
	v8 =	vmul.f32 v38, v8;
	v9 =	vmul.f32 v56, v9  }
0x26c: {  	v7 =	vmul.f32 v36, v7;
	v22 =	vmul.f32 v62, v22;
	v38 =	vsub.f32 $1.500000000e+00, v63  }
0x26d: {  	v56 =	vor.u32 $0xF, v20;
	v21 =	vmul.f32 v49, v21;
	v3 =	vmul.f32 v3, v54;
	v54 =	vld.idx.msk [tilespmem:v60+s14+$0x0], $0xffff  }
0x26e: {  	v58 =	vor.u32 $0x16, v20;
	v19 =	vmul.f32 v51, v19;
	v55 =	vmul.f32 v42, v38  }
0x26f: {  	v62 =	vor.u32 $0x17, v20;
	v18 =	vmul.f32 v18, v30;
	v30 =	vmul.f32 v31, v32;
	v31 =	vld.idx.msk [tilespmem:v48+s14+$0x0], $0xffff  }
0x270: {  	v46 =	vld.idx.msk [tilespmem:v46+s14+$0x0], $0xffff;
	v2 =	vmul.f32 v37, v2;
	v22 =	vadd.f32 $0.0e+00, v22;
	v57 =	vor.u32 $0x13, v20  }
0x271: {  	v40 =	vld.idx.msk [tilespmem:v40+s14+$0x0], $0xffff;
	v21 =	vadd.f32 $0.0e+00, v21;
	v19 =	vadd.f32 $0.0e+00, v19;
	v61 =	vmul.f32 v55, v0  }
0x272: {  	v60 =	vld.idx.msk [tilespmem:v50+s14+$0x0], $0xffff;
	v28 =	vmul.f32 v54, v28;
	v13 =	vadd.f32 v18, v13;
	v18 =	vor.u32 $0x1B, v20  }
0x273: {  	v38 =	vld.idx.msk [tilespmem:v56+s14+$0x0], $0xffff;
	v20 =	vor.u32 $0x1F, v20;
	v22 =	vadd.f32 v30, v22;
	v37 =	vmul.f32 v61, v55  }
0x274: {  	v21 =	vadd.f32 v28, v21;
	v28 =	vld.idx.msk [tilespmem:v58+s14+$0x0], $0xffff;
	v3 =	vadd.f32 v3, v13;
	v17 =	vmul.f32 v31, v17  }
0x275: {  	v6 =	vmul.f32 v35, v6;
	v9 =	vadd.f32 v9, v22;
	v31 =	vld.idx.msk [tilespmem:v57+s14+$0x0], $0xffff;
	v63 =	vsub.f32 $1.500000000e+00, v37  }
0x276: {  	v34 =	vmul.f32 v46, v34;
	v1 =	vadd.f32 v1, v21;
	v17 =	vadd.f32 v17, v19;
	v19 =	vld.idx.msk [tilespmem:v62+s14+$0x0], $0xffff  }
0x277: {  	v10 =	vmul.f32 v40, v10;
	v3 =	vadd.f32 v7, v3;
	v6 =	vadd.f32 v6, v9;
	v18 =	vld.idx.msk [tilespmem:v18+s14+$0x0], $0xffff  }
0x278: {  	s20 =	simm.s32 $0x0;
	v25 =	vmul.f32 v60, v25;
	v21 =	vmul.f32 v38, v26;
	v20 =	vld.idx.msk [tilespmem:v20+s14+$0x0], $0xffff;
	v1 =	vadd.f32 v2, v1  }
0x279: {  	[tilespmem:s20], [sflag:$0x1] =	stream.linear.gather [hbm4b:s10+s20], $0x200, $0x38;
	v13 =	vmul.f32 v63, v55;
	v3 =	vadd.f32 v14, v3;
	v6 =	vadd.f32 v8, v6;
	[tilespmem:$0xC680] =	vst v63  }
0x27a: {  	_ =	swait.ge [sflag:s15], $0x200;
	v14 =	vor.u32 s20, v59;
	v17 =	vadd.f32 v25, v17;
	v8 =	vmul.f32 v28, v23  }
0x27b: {  	[sflag:s15] =	ssyncset.done $0x0;
	v7 =	vmul.f32 v13, v0;
	v1 =	vadd.f32 v41, v1;
	v3 =	vadd.f32 v10, v3  }
0x27c: {  	v2 =	vmul.f32 v31, v27;
	[sflag:s15] =	ssyncadd.s32 $0xFFFFFE00;
	v4 =	vadd.f32 v4, v6;
	v9 =	vadd.f32 v21, v17  }
0x27d: {  	[tilespmem:s17], [sflag:$0x1] =	stream.linear.gather [hbm4b:s11+s20], $0x4000, $0x38;
	v17 =	vshll.u32 v14, $0x5;
	v7 =	vmul.f32 v7, v13;
	v6 =	vmul.f32 v18, v29;
	[tilespmem:$0xC680] =	vst v63  }
0x27e: {  	_ =	swait.ge [sflag:s15], $0x4000;
	v10 =	vor.u32 $0x1C, v17;
	v1 =	vadd.f32 v8, v1;
	v8 =	vor.u32 $0x1D, v17  }
0x27f: {  	v4 =	vadd.f32 v15, v4;
	v2 =	vadd.f32 v2, v9;
	v9 =	vmul.f32 v19, v24;
	[sflag:s15] =	ssyncset.done $0x0  }
0x280: {  	v15 =	vmul.f32 v20, v53;
	v20 =	vor.u32 $0x15, v17;
	v7 =	vsub.f32 $1.500000000e+00, v7;
	[sflag:s15] =	ssyncadd.s32 $0xFFFFC000  }
0x281: {  	v3 =	vadd.f32 v16, v3;
	v2 =	vadd.f32 v9, v2;
	v9 =	vor.u32 $0x1E, v17;
	v18 =	vld.idx.msk [tilespmem:v14+s2+$0x0], $0xffff  }
0x282: {  	v19 =	vor.u32 $0x19, v17;
	v1 =	vadd.f32 v34, v1;
	v7 =	vmul.f32 v7, v13;
	v13 =	vld.idx.msk [tilespmem:v17+s17+$0x0], $0xffff  }
0x283: {  	v3 =	vadd.f32 v11, v3;
	v4 =	vadd.f32 v5, v4;
	v14 =	vor.u32 $0x1F, v17;
	v11 =	vld.idx.msk [tilespmem:v10+s17+$0x0], $0xffff  }
0x284: {  	v2 =	vadd.f32 v6, v2;
	v6 =	vor.u32 $0x18, v17;
	v5 =	vld.idx.msk [tilespmem:v8+s17+$0x0], $0xffff  }
0x285: {  	v1 =	vadd.f32 v12, v1;
	v3 =	vadd.f32 v4, v3;
	v10 =	vor.u32 $0x14, v17;
	v4 =	vld.idx.msk [tilespmem:v20+s17+$0x0], $0xffff  }
0x286: {  	v0 =	vmul.f32 v7, v0;
	v8 =	vadd.f32 v15, v2;
	v12 =	vld.idx.msk [tilespmem:v9+s17+$0x0], $0xffff;
	v9 =	vor.u32 $0x10, v17  }
0x287: {  	v20 =	vor.u32 $0x9, v17;
	v15 =	vld.idx.msk [tilespmem:v19+s17+$0x0], $0xffff  }
0x288: {  	v0 =	vmul.f32 v0, v7;
	v53 =	vld.idx.msk [tilespmem:v14+s17+$0x0], $0xffff;
	v1 =	vadd.f32 v8, v1;
	v8 =	vor.u32 $0x11, v17  }
0x289: {  	v16 =	vld.idx.msk [tilespmem:v6+s17+$0x0], $0xffff;
	v6 =	vor.u32 $0xC, v17  }
0x28a: {  	v0 =	vsub.f32 $1.500000000e+00, v0;
	v10 =	vld.idx.msk [tilespmem:v10+s17+$0x0], $0xffff;
	v1 =	vadd.f32 v1, v3;
	v3 =	vor.u32 $0xD, v17  }
0x28b: {  	v21 =	vor.u32 $0x8, v17;
	v14 =	vld.idx.msk [tilespmem:v9+s17+$0x0], $0xffff  }
0x28c: {  	v0 =	vmul.f32 v0, v7;
	v9 =	vld.idx.msk [tilespmem:v20+s17+$0x0], $0xffff  }
0x28d: {  	v22 =	vor.u32 $0x2, v17;
	v25 =	vor.u32 $0x3, v17;
	v23 =	vor.u32 $0x4, v17;
	v8 =	vld.idx.msk [tilespmem:v8+s17+$0x0], $0xffff  }
0x28e: {  	v26 =	vor.u32 $0x16, v17;
	v31 =	vor.u32 $0x1B, v17;
	v0 =	vmul.f32 v0, v1;
	v7 =	vld.idx.msk [tilespmem:v6+s17+$0x0], $0xffff  }
0x28f: {  	v28 =	vor.u32 $0x12, v17;
	v37 =	vor.u32 $0x17, v17;
	v24 =	vor.u32 $0x5, v17;
	v6 =	vld.idx.msk [tilespmem:v3+s17+$0x0], $0xffff  }
0x290: {  	s20 =	simm.s32 $0x10;
	v34 =	vor.u32 $0x1A, v17;
	v19 =	vor.u32 $0x1, v17;
	v52 =	vadd.f32 v0, v52;
	v3 =	vld.idx.msk [tilespmem:v21+s17+$0x0], $0xffff  }
.LBB2_10:
0x291: {  	_ =	sdelay $0x3  }
0x292: {  	v20 =	vld.idx.msk [tilespmem:v19+s17+$0x0], $0xffff  }
0x293: {  	v0 =	vor.u32 $0x6, v17;
	v27 =	vor.u32 $0xE, v17;
	v21 =	vld.idx.msk [tilespmem:v22+s17+$0x0], $0xffff  }
0x294: {  	v29 =	vor.u32 $0x13, v17;
	v33 =	vor.u32 $0x7, v17;
	v36 =	vor.u32 $0xF, v17;
	v22 =	vld.idx.msk [tilespmem:v25+s17+$0x0], $0xffff  }
0x295: {  	v25 =	vor.u32 $0xA, v17;
	v30 =	vld.idx.msk [tilespmem:v23+s17+$0x0], $0xffff;
	v44 =	vmul.f32 v5, v5;
	v46 =	vmul.f32 v15, v15  }
0x296: {  	v17 =	vor.u32 $0xB, v17;
	v32 =	vld.idx.msk [tilespmem:v24+s17+$0x0], $0xffff;
	v39 =	vmul.f32 v13, v13;
	v41 =	vmul.f32 v11, v11  }
0x297: {  	v26 =	vld.idx.msk [tilespmem:v26+s17+$0x0], $0xffff;
	v42 =	vmul.f32 v16, v16;
	v47 =	vmul.f32 v14, v14  }
0x298: {  	v19 =	vshll.u32 v18, $0x5;
	v48 =	vmul.f32 v4, v4;
	v50 =	vmul.f32 v7, v7;
	v23 =	vld.idx.msk [tilespmem:v0+s17+$0x0], $0xffff  }
0x299: {  	v51 =	vmul.f32 v8, v8;
	v56 =	vmul.f32 v9, v9;
	v38 =	vor.u32 $0x1C, v19;
	v24 =	vld.idx.msk [tilespmem:v33+s17+$0x0], $0xffff  }
0x29a: {  	[tilespmem:$0x1FF50] =	vst v52;
	v40 =	vor.u32 $0x1D, v19;
	v43 =	vor.u32 $0x1E, v19;
	v0 =	vmul.f32 v10, v10;
	v33 =	vld.idx.msk [tilespmem:v25+s17+$0x0], $0xffff  }
0x29b: {  	[tilespmem:$0x1FF60] =	vst v3;
	v45 =	vor.u32 $0x18, v19;
	v49 =	vor.u32 $0x19, v19;
	v25 =	vld.idx.msk [tilespmem:v17+s17+$0x0], $0xffff;
	v17 =	vmul.f32 v3, v3  }
0x29c: {  	v52 =	vor.u32 $0x1A, v19;
	v3 =	vmovc v53;
	v53 =	vmul.f32 v6, v6;
	v35 =	vld.idx.msk [tilespmem:v27+s17+$0x0], $0xffff;
	v61 =	vmul.f32 v30, v30  }
0x29d: {  	v54 =	vor.u32 $0x14, v19;
	v55 =	vmul.f32 v20, v20;
	v57 =	vor.u32 $0x15, v19;
	v27 =	vld.idx.msk [tilespmem:v36+s17+$0x0], $0xffff  }
0x29e: {  	v58 =	vmul.f32 v21, v21;
	v59 =	vmul.f32 v22, v22;
	v36 =	vld.idx.msk [tilespmem:v28+s17+$0x0], $0xffff;
	v39 =	vadd.f32 v61, v39  }
0x29f: {  	v31 =	vld.idx.msk [tilespmem:v31+s17+$0x0], $0xffff;
	v60 =	vor.u32 $0x10, v19;
	v62 =	vmul.f32 v32, v32;
	v63 =	vor.u32 $0x11, v19  }
0x2a0: {  	v29 =	vld.idx.msk [tilespmem:v29+s17+$0x0], $0xffff;
	v1 =	vor.u32 $0x12, v19;
	v17 =	vadd.f32 v17, v39;
	v28 =	vmul.f32 v23, v23  }
0x2a1: {  	v55 =	vadd.f32 v62, v55;
	v2 =	vmul.f32 v24, v24;
	v61 =	vmul.f32 v33, v33;
	v38 =	vld.idx.msk [tilespmem:v38+s14+$0x0], $0xffff  }
0x2a2: {  	v62 =	vmul.f32 v25, v25;
	v39 =	vmul.f32 v35, v35;
	v40 =	vld.idx.msk [tilespmem:v40+s14+$0x0], $0xffff;
	v17 =	vadd.f32 v50, v17  }
0x2a3: {  	v43 =	vld.idx.msk [tilespmem:v43+s14+$0x0], $0xffff;
	v50 =	vmul.f32 v36, v36;
	v58 =	vadd.f32 v28, v58;
	v2 =	vadd.f32 v2, v59  }
0x2a4: {  	v28 =	vld.idx.msk [tilespmem:v37+s17+$0x0], $0xffff;
	v37 =	vadd.f32 v56, v55;
	v59 =	vlaneseq.u32;
	v17 =	vadd.f32 v47, v17  }
0x2a5: {  	v1 =	vld.idx.msk [tilespmem:v1+s14+$0x0], $0xffff;
	v56 =	vor.u32 $0xC, v19;
	v61 =	vadd.f32 v61, v58;
	v2 =	vadd.f32 v62, v2  }
0x2a6: {  	v55 =	vld.idx.msk [tilespmem:v34+s17+$0x0], $0xffff;
	v62 =	vmul.f32 v27, v27;
	v37 =	vadd.f32 v53, v37;
	v0 =	vadd.f32 v0, v17  }
0x2a7: {  	v53 =	vld.idx.msk [tilespmem:v18+s16+$0x0], $0xffff;
	v11 =	vmul.f32 v38, v11;
	v40 =	vmul.f32 v40, v5;
	v18 =	vadd.f32 v39, v61  }
0x2a8: {  	v58 =	vld.idx.msk [tilespmem:v19+s14+$0x0], $0xffff;
	v2 =	vadd.f32 v62, v2;
	v61 =	vmul.f32 v29, v29;
	v37 =	vadd.f32 v51, v37  }
0x2a9: {  	v62 =	vmul.f32 v26, v26;
	v39 =	vld.idx.msk [tilespmem:v45+s14+$0x0], $0xffff;
	v51 =	vmul.f32 v12, v12;
	v0 =	vadd.f32 v42, v0  }
0x2aa: {  	v45 =	vld.idx.msk [tilespmem:v49+s14+$0x0], $0xffff;
	v47 =	vmul.f32 v28, v28;
	v18 =	vadd.f32 v50, v18;
	v2 =	vadd.f32 v61, v2  }
0x2ab: {  	v49 =	vld.idx.msk [tilespmem:v60+s14+$0x0], $0xffff;
	v17 =	vadd.f32 v48, v37;
	v48 =	vmul.f32 v55, v55;
	v50 =	vmul.f32 v31, v31  }
0x2ac: {  	v37 =	vld.idx.msk [tilespmem:v56+s14+$0x0], $0xffff;
	v56 =	vor.u32 $0x6, v19;
	v18 =	vadd.f32 v62, v18;
	v2 =	vadd.f32 v47, v2  }
0x2ad: {  	v0 =	vadd.f32 v41, v0;
	v41 =	vor.u32 $0xD, v19;
	v17 =	vadd.f32 v46, v17;
	v46 =	vld.idx.msk [tilespmem:v52+s14+$0x0], $0xffff  }
0x2ae: {  	v52 =	vmul.f32 v3, v3;
	v47 =	vld.idx.msk [tilespmem:v54+s14+$0x0], $0xffff;
	v18 =	vadd.f32 v48, v18;
	v2 =	vadd.f32 v50, v2  }
0x2af: {  	v5 =	vmul.f32 v43, v12;
	v61 =	vmovc v3;
	v62 =	vor.u32 $0xE, v19;
	v3 =	vld [tilespmem:$0x1FF60];
	v17 =	vadd.f32 v44, v17  }
0x2b0: {  	v54 =	vor.u32 $0x4, v19;
	v44 =	vld.idx.msk [tilespmem:v57+s14+$0x0], $0xffff;
	v42 =	vadd.f32 v51, v18;
	v2 =	vadd.f32 v52, v2  }
0x2b1: {  	v1 =	vmul.f32 v1, v36;
	v60 =	vor.u32 $0x5, v19;
	v7 =	vmul.f32 v37, v7;
	v37 =	vld.idx.msk [tilespmem:v56+s14+$0x0], $0xffff  }
0x2b2: {  	v50 =	vor.u32 $0x8, v19;
	v51 =	vld.idx.msk [tilespmem:v63+s14+$0x0], $0xffff;
	v0 =	vadd.f32 v17, v0;
	v2 =	vadd.f32 v2, v42  }
0x2b3: {  	v13 =	vmul.f32 v58, v13;
	v53 =	vmax.f32 v53, $1.000000020e-24;
	v52 =	vor.u32 $0xA, v19;
	v41 =	vld.idx.msk [tilespmem:v41+s14+$0x0], $0xffff  }
0x2b4: {  	v16 =	vmul.f32 v39, v16;
	v63 =	vor.u32 $0x3, v19;
	v48 =	vld.idx.msk [tilespmem:v62+s14+$0x0], $0xffff;
	v0 =	vadd.f32 v2, v0  }
0x2b5: {  	v15 =	vmul.f32 v45, v15;
	v14 =	vmul.f32 v49, v14;
	v62 =	vor.u32 $0x2, v19;
	v43 =	vld.idx.msk [tilespmem:v54+s14+$0x0], $0xffff  }
0x2b6: {  	v45 =	vmul.f32 v46, v55;
	v46 =	vld.idx.msk [tilespmem:v60+s14+$0x0], $0xffff;
	v2 =	vor.u32 $0x1, v19;
	v0 =	vmax.f32 v0, $1.000000020e-24  }
0x2b7: {  	v18 =	vor.u32 s20, v59;
	v60 =	vor.u32 $0x7, v19;
	v50 =	vld.idx.msk [tilespmem:v50+s14+$0x0], $0xffff;
	v0 =	vmul.f32 v53, v0  }
0x2b8: {  	v13 =	vadd.f32 $0.0e+00, v13;
	v56 =	vor.u32 $0x13, v19;
	v17 =	vshll.u32 v18, $0x5;
	v12 =	vld.idx.msk [tilespmem:v52+s14+$0x0], $0xffff  }
0x2b9: {  	v10 =	vmul.f32 v47, v10;
	v38 =	vld.idx.msk [tilespmem:v63+s14+$0x0], $0xffff;
	v53 =	vshra.s32 v0, $0x1;
	v0 =	vmul.f32 $5.000000000e-01, v0  }
0x2ba: {  	v42 =	vor.u32 $0x9, v19;
	v4 =	vmul.f32 v44, v4;
	v44 =	vld.idx.msk [tilespmem:v62+s14+$0x0], $0xffff;
	v39 =	vsub.s32 $0x5F3759DF, v53  }
0x2bb: {  	v54 =	vor.u32 $0x1F, v19;
	v23 =	vmul.f32 v37, v23;
	v2 =	vld.idx.msk [tilespmem:v2+s14+$0x0], $0xffff;
	v58 =	vmul.f32 v39, v0  }
0x2bc: {  	v8 =	vmul.f32 v51, v8;
	v62 =	vor.u32 $0xB, v19;
	v55 =	vld.idx.msk [tilespmem:v60+s14+$0x0], $0xffff;
	v30 =	vmul.f32 v43, v30  }
0x2bd: {  	v63 =	vor.u32 $0xF, v19;
	v6 =	vmul.f32 v41, v6;
	v47 =	vmul.f32 v39, v58  }
0x2be: {  	v32 =	vmul.f32 v46, v32;
	v3 =	vmul.f32 v50, v3;
	v13 =	vadd.f32 v30, v13  }
0x2bf: {  	v42 =	vld.idx.msk [tilespmem:v42+s14+$0x0], $0xffff;
	v12 =	vmul.f32 v12, v33;
	v22 =	vmul.f32 v38, v22;
	v47 =	vsub.f32 $1.500000000e+00, v47  }
0x2c0: {  	v3 =	vadd.f32 v3, v13;
	v21 =	vmul.f32 v44, v21;
	v2 =	vmul.f32 v2, v20  }
0x2c1: {  	v57 =	vld.idx.msk [tilespmem:v62+s14+$0x0], $0xffff;
	v24 =	vmul.f32 v55, v24;
	v20 =	vor.u32 $0x16, v19;
	v36 =	vmul.f32 v39, v47  }
0x2c2: {  	v58 =	vor.u32 $0x1B, v19;
	v19 =	vor.u32 $0x17, v19;
	v2 =	vadd.f32 $0.0e+00, v2  }
0x2c3: {  	v62 =	vld.idx.msk [tilespmem:v63+s14+$0x0], $0xffff;
	v22 =	vadd.f32 $0.0e+00, v22;
	v21 =	vadd.f32 $0.0e+00, v21;
	v60 =	vmul.f32 v36, v0  }
0x2c4: {  	v9 =	vmul.f32 v42, v9;
	v3 =	vadd.f32 v7, v3;
	v2 =	vadd.f32 v32, v2  }
0x2c5: {  	v33 =	vld.idx.msk [tilespmem:v56+s14+$0x0], $0xffff;
	v22 =	vadd.f32 v24, v22;
	v21 =	vadd.f32 v23, v21;
	v63 =	vmul.f32 v60, v36  }
0x2c6: {  	v3 =	vadd.f32 v14, v3;
	v23 =	vmul.f32 v57, v25;
	v20 =	vld.idx.msk [tilespmem:v20+s14+$0x0], $0xffff;
	v2 =	vadd.f32 v9, v2  }
0x2c7: {  	v35 =	vmul.f32 v48, v35;
	v13 =	vld.idx.msk [tilespmem:v19+s14+$0x0], $0xffff;
	v9 =	vadd.f32 v12, v21;
	v30 =	vsub.f32 $1.500000000e+00, v63  }
0x2c8: {  	v3 =	vadd.f32 v10, v3;
	v22 =	vadd.f32 v23, v22;
	v12 =	vmul.f32 v62, v27  }
0x2c9: {  	v21 =	vld.idx.msk [tilespmem:v58+s14+$0x0], $0xffff;
	v2 =	vadd.f32 v6, v2;
	v6 =	vadd.f32 v35, v9;
	v19 =	vmul.f32 v30, v36  }
0x2ca: {  	v3 =	vadd.f32 v16, v3;
	v9 =	vmul.f32 v33, v29;
	v12 =	vadd.f32 v12, v22  }
0x2cb: {  	v23 =	vld.idx.msk [tilespmem:v54+s14+$0x0], $0xffff;
	v2 =	vadd.f32 v8, v2;
	v1 =	vadd.f32 v1, v6;
	v7 =	vmul.f32 v19, v0  }
0x2cc: {  	v6 =	vmul.f32 v20, v26;
	v8 =	vadd.f32 v9, v12;
	v9 =	vmul.f32 v13, v28  }
0x2cd: {  	v3 =	vadd.f32 v11, v3;
	v2 =	vadd.f32 v4, v2;
	v7 =	vmul.f32 v7, v19  }
0x2ce: {  	v4 =	vmul.f32 v21, v31;
	v1 =	vadd.f32 v6, v1;
	v6 =	vadd.f32 v9, v8  }
0x2cf: {  	v34 =	vor.u32 $0x1C, v17;
	v2 =	vadd.f32 v15, v2;
	v7 =	vsub.f32 $1.500000000e+00, v7  }
0x2d0: {  	v8 =	vmul.f32 v23, v61;
	v1 =	vadd.f32 v45, v1;
	v4 =	vadd.f32 v4, v6  }
0x2d1: {  	v9 =	vor.u32 $0x19, v17;
	v2 =	vadd.f32 v40, v2;
	v7 =	vmul.f32 v7, v19  }
0x2d2: {  	v18 =	vld.idx.msk [tilespmem:v18+s2+$0x0], $0xffff;
	v6 =	vor.u32 $0x1D, v17;
	v1 =	vadd.f32 v5, v1;
	v4 =	vadd.f32 v8, v4  }
0x2d3: {  	v48 =	vld [tilespmem:$0x1FF50];
	v8 =	vor.u32 $0x1E, v17;
	v0 =	vmul.f32 v7, v0  }
0x2d4: {  	v11 =	vld.idx.msk [tilespmem:v34+s17+$0x0], $0xffff;
	v2 =	vadd.f32 v2, v3;
	v3 =	vor.u32 $0x1F, v17;
	v1 =	vadd.f32 v4, v1  }
0x2d5: {  	v13 =	vld.idx.msk [tilespmem:v17+s17+$0x0], $0xffff;
	v4 =	vor.u32 $0x18, v17;
	v0 =	vmul.f32 v0, v7  }
0x2d6: {  	v15 =	vld.idx.msk [tilespmem:v9+s17+$0x0], $0xffff;
	v1 =	vadd.f32 v1, v2;
	v2 =	vor.u32 $0x14, v17  }
0x2d7: {  	v5 =	vld.idx.msk [tilespmem:v6+s17+$0x0], $0xffff;
	v6 =	vor.u32 $0x15, v17;
	v0 =	vsub.f32 $1.500000000e+00, v0  }
0x2d8: {  	v9 =	vor.u32 $0xD, v17;
	v12 =	vld.idx.msk [tilespmem:v8+s17+$0x0], $0xffff  }
0x2d9: {  	v20 =	vor.u32 $0x9, v17;
	v53 =	vld.idx.msk [tilespmem:v3+s17+$0x0], $0xffff;
	v0 =	vmul.f32 v0, v7  }
0x2da: {  	v3 =	vor.u32 $0x11, v17;
	v16 =	vld.idx.msk [tilespmem:v4+s17+$0x0], $0xffff  }
0x2db: {  	v10 =	vld.idx.msk [tilespmem:v2+s17+$0x0], $0xffff;
	v2 =	vor.u32 $0x8, v17;
	v0 =	vmul.f32 v0, v1  }
0x2dc: {  	v4 =	vld.idx.msk [tilespmem:v6+s17+$0x0], $0xffff;
	v1 =	vor.u32 $0x10, v17  }
0x2dd: {  	p0 =	sne.s32 s20, $0x1F0;
	v6 =	vld.idx.msk [tilespmem:v9+s17+$0x0], $0xffff;
	v52 =	vadd.f32 v0, v48;
	v0 =	vor.u32 $0xC, v17  }
.Ltmp4:
0x2de: {  	v9 =	vld.idx.msk [tilespmem:v20+s17+$0x0], $0xffff;
	(pc) =	sbr.rel @p0 .LBB2_10-.Ltmp4, $4  }
0x2df: {  	v37 =	vor.u32 $0x17, v17;
	v8 =	vld.idx.msk [tilespmem:v3+s17+$0x0], $0xffff  }
0x2e0: {  	v24 =	vor.u32 $0x5, v17;
	v25 =	vor.u32 $0x3, v17;
	v34 =	vor.u32 $0x1A, v17;
	v3 =	vld.idx.msk [tilespmem:v2+s17+$0x0], $0xffff  }
0x2e1: {  	v22 =	vor.u32 $0x2, v17;
	v26 =	vor.u32 $0x16, v17;
	v28 =	vor.u32 $0x12, v17;
	v14 =	vld.idx.msk [tilespmem:v1+s17+$0x0], $0xffff  }
0x2e2: {  	s20 =	sadd.s32 $0x10, s20;
	v23 =	vor.u32 $0x4, v17;
	v31 =	vor.u32 $0x1B, v17;
	v19 =	vor.u32 $0x1, v17;
	v7 =	vld.idx.msk [tilespmem:v0+s17+$0x0], $0xffff  }
0x2e3: {  	_ =	sdelay $0x3  }
0x2e4: {  	v21 =	vld.idx.msk [tilespmem:v19+s17+$0x0], $0xffff;
	v0 =	vor.u32 $0x6, v17  }
0x2e5: {  	v22 =	vld.idx.msk [tilespmem:v22+s17+$0x0], $0xffff;
	v1 =	vor.u32 $0x7, v17  }
0x2e6: {  	v20 =	vld.idx.msk [tilespmem:v25+s17+$0x0], $0xffff;
	v54 =	vor.u32 $0xA, v17  }
0x2e7: {  	v2 =	vor.u32 $0xE, v17;
	v29 =	vld.idx.msk [tilespmem:v23+s17+$0x0], $0xffff;
	v55 =	vor.u32 $0xB, v17;
	v35 =	vmul.f32 v13, v13  }
0x2e8: {  	v33 =	vor.u32 $0x13, v17;
	v30 =	vld.idx.msk [tilespmem:v24+s17+$0x0], $0xffff;
	v36 =	vmul.f32 v11, v11;
	v38 =	vmul.f32 v16, v16  }
0x2e9: {  	v56 =	vor.u32 $0xF, v17;
	v39 =	vmul.f32 v5, v5;
	v40 =	vmul.f32 v10, v10;
	v27 =	vld.idx.msk [tilespmem:v0+s17+$0x0], $0xffff  }
0x2ea: {  	v19 =	vshll.u32 v18, $0x5;
	v41 =	vmul.f32 v15, v15;
	v61 =	vmul.f32 v9, v9;
	v17 =	vld.idx.msk [tilespmem:v1+s17+$0x0], $0xffff  }
0x2eb: {  	v43 =	vor.u32 $0x1D, v19;
	v57 =	vmul.f32 v3, v3;
	v42 =	vmul.f32 v14, v14;
	v32 =	vld.idx.msk [tilespmem:v54+s17+$0x0], $0xffff  }
0x2ec: {  	v45 =	vor.u32 $0x1E, v19;
	v62 =	vmul.f32 v7, v7;
	v23 =	vld.idx.msk [tilespmem:v55+s17+$0x0], $0xffff;
	v47 =	vmul.f32 v29, v29  }
0x2ed: {  	v48 =	vor.u32 $0x18, v19;
	v44 =	vmul.f32 v21, v21;
	v2 =	vld.idx.msk [tilespmem:v2+s17+$0x0], $0xffff;
	v49 =	vmul.f32 v30, v30  }
0x2ee: {  	v1 =	vor.u32 $0x1C, v19;
	v46 =	vmul.f32 v22, v22;
	v24 =	vld.idx.msk [tilespmem:v56+s17+$0x0], $0xffff;
	v58 =	vadd.f32 v47, v35  }
0x2ef: {  	v34 =	vld.idx.msk [tilespmem:v34+s17+$0x0], $0xffff;
	v51 =	vmul.f32 v20, v20;
	v55 =	vmul.f32 v6, v6;
	v44 =	vadd.f32 v49, v44  }
0x2f0: {  	v47 =	vor.u32 $0x1A, v19;
	v0 =	vadd.f32 v57, v58;
	v50 =	vmul.f32 v27, v27  }
0x2f1: {  	v25 =	vld.idx.msk [tilespmem:v26+s17+$0x0], $0xffff;
	v44 =	vadd.f32 v61, v44;
	v58 =	vmul.f32 v4, v4;
	v60 =	vmul.f32 v17, v17  }
0x2f2: {  	v63 =	vmul.f32 v32, v32;
	v54 =	vmul.f32 v23, v23;
	v46 =	vadd.f32 v50, v46;
	v50 =	vld.idx.msk [tilespmem:v28+s17+$0x0], $0xffff  }
0x2f3: {  	v56 =	vmul.f32 v2, v2;
	v57 =	vmul.f32 v24, v24;
	v0 =	vadd.f32 v62, v0;
	v28 =	vld.idx.msk [tilespmem:v33+s17+$0x0], $0xffff  }
0x2f4: {  	v26 =	vld.idx.msk [tilespmem:v37+s17+$0x0], $0xffff;
	v44 =	vadd.f32 v55, v44;
	v55 =	vmul.f32 v34, v34;
	v35 =	vadd.f32 v60, v51  }
0x2f5: {  	v60 =	vmul.f32 v8, v8;
	v51 =	vor.u32 $0x12, v19;
	v46 =	vadd.f32 v63, v46  }
0x2f6: {  	v31 =	vld.idx.msk [tilespmem:v31+s17+$0x0], $0xffff;
	v0 =	vadd.f32 v42, v0;
	v33 =	vadd.f32 v54, v35;
	v35 =	vor.u32 $0x19, v19  }
0x2f7: {  	v18 =	vld.idx.msk [tilespmem:v18+s16+$0x0], $0xffff;
	v44 =	vadd.f32 v60, v44;
	v63 =	vmul.f32 v25, v25;
	v46 =	vadd.f32 v56, v46  }
0x2f8: {  	v43 =	vld.idx.msk [tilespmem:v43+s14+$0x0], $0xffff;
	v33 =	vadd.f32 v57, v33;
	v61 =	vmul.f32 v50, v50;
	v62 =	vmul.f32 v28, v28  }
0x2f9: {  	v45 =	vld.idx.msk [tilespmem:v45+s14+$0x0], $0xffff;
	v54 =	vmul.f32 v26, v26;
	v60 =	vmul.f32 v12, v12;
	v0 =	vadd.f32 v40, v0  }
0x2fa: {  	v48 =	vld.idx.msk [tilespmem:v48+s14+$0x0], $0xffff;
	v40 =	vor.u32 $0x14, v19;
	v46 =	vadd.f32 v61, v46;
	v33 =	vadd.f32 v62, v33  }
0x2fb: {  	v1 =	vld.idx.msk [tilespmem:v1+s14+$0x0], $0xffff;
	v37 =	vadd.f32 v58, v44;
	v56 =	vor.u32 $0x15, v19;
	v57 =	vmul.f32 v31, v31  }
0x2fc: {  	v47 =	vld.idx.msk [tilespmem:v47+s14+$0x0], $0xffff;
	v58 =	vor.u32 $0x10, v19;
	v46 =	vadd.f32 v63, v46;
	v33 =	vadd.f32 v54, v33  }
0x2fd: {  	v44 =	vld.idx.msk [tilespmem:v19+s14+$0x0], $0xffff;
	v0 =	vadd.f32 v38, v0;
	v37 =	vadd.f32 v41, v37;
	v61 =	vmul.f32 v53, v53  }
0x2fe: {  	v35 =	vld.idx.msk [tilespmem:v35+s14+$0x0], $0xffff;
	v63 =	vor.u32 $0x11, v19;
	v46 =	vadd.f32 v55, v46;
	v33 =	vadd.f32 v57, v33  }
0x2ff: {  	v0 =	vadd.f32 v36, v0;
	v62 =	vadd.f32 v39, v37;
	v40 =	vld.idx.msk [tilespmem:v40+s14+$0x0], $0xffff;
	v54 =	vor.u32 $0xC, v19  }
0x300: {  	v42 =	vld.idx.msk [tilespmem:v56+s14+$0x0], $0xffff;
	v56 =	vor.u32 $0xE, v19;
	v49 =	vadd.f32 v60, v46;
	v33 =	vadd.f32 v61, v33  }
0x301: {  	v41 =	vld.idx.msk [tilespmem:v58+s14+$0x0], $0xffff;
	v0 =	vadd.f32 v62, v0;
	v62 =	vor.u32 $0x1, v19  }
0x302: {  	v55 =	vor.u32 $0xD, v19;
	v46 =	vld.idx.msk [tilespmem:v51+s14+$0x0], $0xffff;
	v33 =	vadd.f32 v33, v49  }
0x303: {  	v58 =	vor.u32 $0x9, v19;
	v37 =	vld.idx.msk [tilespmem:v63+s14+$0x0], $0xffff  }
0x304: {  	v57 =	vor.u32 $0x8, v19;
	v38 =	vld.idx.msk [tilespmem:v54+s14+$0x0], $0xffff;
	v0 =	vadd.f32 v33, v0  }
0x305: {  	v18 =	vmax.f32 v18, $1.000000020e-24;
	v5 =	vmul.f32 v43, v5;
	v60 =	vor.u32 $0xA, v19;
	v39 =	vld.idx.msk [tilespmem:v56+s14+$0x0], $0xffff  }
0x306: {  	v16 =	vmul.f32 v48, v16;
	v54 =	vor.u32 $0x2, v19;
	v62 =	vld.idx.msk [tilespmem:v62+s14+$0x0], $0xffff;
	v0 =	vmax.f32 v0, $1.000000020e-24  }
0x307: {  	v12 =	vmul.f32 v45, v12;
	v61 =	vor.u32 $0x4, v19;
	v36 =	vld.idx.msk [tilespmem:v55+s14+$0x0], $0xffff;
	v0 =	vmul.f32 v18, v0  }
0x308: {  	v1 =	vmul.f32 v1, v11;
	v34 =	vmul.f32 v47, v34;
	v63 =	vor.u32 $0x5, v19;
	v55 =	vld.idx.msk [tilespmem:v58+s14+$0x0], $0xffff  }
0x309: {  	v58 =	vor.u32 $0x6, v19;
	v33 =	vld.idx.msk [tilespmem:v57+s14+$0x0], $0xffff;
	v56 =	vshra.s32 v0, $0x1;
	v0 =	vmul.f32 $5.000000000e-01, v0  }
0x30a: {  	v13 =	vmul.f32 v44, v13;
	v57 =	vor.u32 $0x3, v19;
	v11 =	vld.idx.msk [tilespmem:v60+s14+$0x0], $0xffff;
	v44 =	vsub.s32 $0x5F3759DF, v56  }
0x30b: {  	v43 =	vor.u32 $0x1B, v19;
	v15 =	vmul.f32 v35, v15;
	v48 =	vld.idx.msk [tilespmem:v54+s14+$0x0], $0xffff;
	v60 =	vmul.f32 v44, v0  }
0x30c: {  	v10 =	vmul.f32 v40, v10;
	v14 =	vmul.f32 v41, v14;
	v49 =	vor.u32 $0xB, v19;
	v18 =	vld.idx.msk [tilespmem:v61+s14+$0x0], $0xffff  }
0x30d: {  	v4 =	vmul.f32 v42, v4;
	v61 =	vld.idx.msk [tilespmem:v63+s14+$0x0], $0xffff;
	v63 =	vor.u32 $0x7, v19;
	v41 =	vmul.f32 v44, v60  }
0x30e: {  	v13 =	vadd.f32 $0.0e+00, v13;
	v42 =	vmul.f32 v46, v50;
	v54 =	vmul.f32 v55, v9;
	v55 =	vld.idx.msk [tilespmem:v58+s14+$0x0], $0xffff  }
0x30f: {  	v7 =	vmul.f32 v38, v7;
	v21 =	vmul.f32 v62, v21;
	v50 =	vld.idx.msk [tilespmem:v57+s14+$0x0], $0xffff;
	v41 =	vsub.f32 $1.500000000e+00, v41  }
0x310: {  	v40 =	vor.u32 $0x16, v19;
	v6 =	vmul.f32 v36, v6;
	v51 =	vmul.f32 v33, v3  }
0x311: {  	v62 =	vld.idx.msk [tilespmem:v49+s14+$0x0], $0xffff;
	v57 =	vor.u32 $0xF, v19;
	v11 =	vmul.f32 v11, v32;
	v56 =	vmul.f32 v44, v41  }
0x312: {  	v21 =	vadd.f32 $0.0e+00, v21;
	v22 =	vmul.f32 v48, v22;
	v18 =	vmul.f32 v18, v29;
	v60 =	vld.idx.msk [tilespmem:v63+s14+$0x0], $0xffff  }
0x313: {  	v58 =	vmul.f32 v61, v30;
	v61 =	vor.u32 $0x13, v19;
	v63 =	vmul.f32 v56, v0  }
0x314: {  	v27 =	vmul.f32 v55, v27;
	v22 =	vadd.f32 $0.0e+00, v22;
	v20 =	vmul.f32 v50, v20  }
0x315: {  	v13 =	vadd.f32 v18, v13;
	v41 =	vor.u32 $0x17, v19;
	v38 =	vmul.f32 v63, v56  }
0x316: {  	v23 =	vmul.f32 v62, v23;
	v35 =	vld.idx.msk [tilespmem:v57+s14+$0x0], $0xffff;
	v21 =	vadd.f32 v58, v21;
	v22 =	vadd.f32 v27, v22  }
0x317: {  	v20 =	vadd.f32 $0.0e+00, v20;
	v17 =	vmul.f32 v60, v17;
	v45 =	vsub.f32 $1.500000000e+00, v38  }
0x318: {  	v3 =	vadd.f32 v51, v13;
	v9 =	vadd.f32 v54, v21;
	v44 =	vld.idx.msk [tilespmem:v61+s14+$0x0], $0xffff;
	v19 =	vor.u32 $0x1F, v19  }
0x319: {  	v47 =	vld.idx.msk [tilespmem:v40+s14+$0x0], $0xffff;
	v11 =	vadd.f32 v11, v22;
	v17 =	vadd.f32 v17, v20;
	v46 =	vmul.f32 v45, v56  }
0x31a: {  	v2 =	vmul.f32 v39, v2;
	v3 =	vadd.f32 v7, v3;
	v6 =	vadd.f32 v6, v9;
	v18 =	vld.idx.msk [tilespmem:v41+s14+$0x0], $0xffff  }
0x31b: {  	v49 =	vld.idx.msk [tilespmem:v43+s14+$0x0], $0xffff;
	v48 =	vmul.f32 v35, v24;
	v17 =	vadd.f32 v23, v17;
	v50 =	vmul.f32 v46, v0  }
0x31c: {  	v8 =	vmul.f32 v37, v8;
	v2 =	vadd.f32 v2, v11;
	v3 =	vadd.f32 v14, v3  }
0x31d: {  	v51 =	vmul.f32 v44, v28;
	v55 =	vld.idx.msk [tilespmem:v19+s14+$0x0], $0xffff;
	v54 =	vadd.f32 v48, v17;
	v7 =	vmul.f32 v50, v46  }
0x31e: {  	v6 =	vadd.f32 v8, v6;
	v2 =	vadd.f32 v42, v2;
	v56 =	vmul.f32 v47, v25  }
0x31f: {  	v9 =	vadd.f32 v51, v54;
	v57 =	vmul.f32 v18, v26;
	v7 =	vsub.f32 $1.500000000e+00, v7  }
0x320: {  	v58 =	vmul.f32 v49, v31;
	v3 =	vadd.f32 v10, v3;
	v4 =	vadd.f32 v4, v6  }
0x321: {  	v2 =	vadd.f32 v56, v2;
	v60 =	vadd.f32 v57, v9;
	v7 =	vmul.f32 v7, v46  }
0x322: {  	v3 =	vadd.f32 v16, v3;
	v4 =	vadd.f32 v15, v4;
	v61 =	vmul.f32 v55, v53  }
0x323: {  	v2 =	vadd.f32 v34, v2;
	v6 =	vadd.f32 v58, v60;
	v0 =	vmul.f32 v7, v0  }
0x324: {  	v1 =	vadd.f32 v1, v3;
	v62 =	vadd.f32 v5, v4  }
0x325: {  	v2 =	vadd.f32 v12, v2;
	v63 =	vadd.f32 v61, v6;
	v0 =	vmul.f32 v0, v7  }
0x326: {  	v1 =	vadd.f32 v62, v1  }
0x327: {  	v2 =	vadd.f32 v63, v2;
	v0 =	vsub.f32 $1.500000000e+00, v0;
	_ =	sdelay $0x1  }
0x328: {  	v1 =	vadd.f32 v2, v1;
	v0 =	vmul.f32 v0, v7;
	_ =	sdelay $0x1  }
0x329: {  	v0 =	vmul.f32 v0, v1;
	_ =	sdelay $0x1  }
0x32a: {  	s19 =	sadd.s32 $0x1, s19;
	v0 =	vadd.f32 v0, v52  }
0x32b: {  	p0 =	sne.s32 s19, s13  }
.Ltmp5:
0x32c: {  	[tilespmem:$0xC600] =	vst v0;
	(pc) =	sbr.rel @p0 .LBB2_1-.Ltmp5, $4  }
0x32d: {  	[hbm4b:s12+s2] =	stream.linear.scatter [tilespmem:s18], [sflag:$0x1], $0x10, $0x38;
	[tilespmem:$0xC680] =	vst v63  }
0x32e: {  	_ =	swait.ge [sflag:s15], $0x10  }
0x32f: {  	[sflag:s15] =	ssyncset.done $0x0  }
0x330: {  	[sflag:s15] =	ssyncadd.s32 $0xFFFFFFF0  }
0x331: {  	_ =	sfence.sel $0x180000  }
0x332: {  	[bflag:$0x0] =	sbarrier.arrive $0xFFFF  }
0x333: {  	p0 =	sne.s32 s1, $0x0;
	_ =	strace $0x90000047  }
0x334: {  	s0 =	sadd.s32 @!p0 $0x100000, s0;
	[bflag:$0x2] =	sbarrier.arrive $0xFFFF  }
0x335: {  	[sflag:s0] =	ssyncadd.tile.s32 @!p0 $0x1;
	_ =	shalt  }
.Lfunc_end2:
_tile_overlayer_lowered:
.L_overlay_start_2:
0x336: {  	(tag) =	ssettag $0x2  }
0x337: {  	s0 =	rddreg [dreg:$0x0];
	s2 =	stileid.u32  }
0x338: {  	s1 =	rddreg [dreg:$0x1];
	p0 =	sne.s32 s2, $0x0  }
0x339: {  	s3 =	rddreg [dreg:$0x2];
	[bflag:$0x3] =	sbarrier.arrive $0xFFFF;
	s2 =	simm.s32 @!p0 $0x1C01  }
0x33a: {  	[timem:s3], [sflag:s2] =	dma.local @!p0 [hbm:s0], s1  }
0x33b: {  	s0 =	simm.s32 @!p0 $0x1  }
0x33c: {  	_ =	swait.ge @!p0 [sflag:s0], s1  }
0x33d: {  	s1 =	ssub.s32 @!p0 $0x0, s1;
	[sflag:s0] =	ssyncset.done @!p0 $0x0  }
0x33e: {  	[sflag:s0] =	ssyncadd.s32 @!p0 s1  }
0x33f: {  	[bflag:$0x3] =	sbarrier.arrive $0xFFFF  }
0x340: {  	_ =	shalt  }

</sc_bundles>
